<compile_context>
chip_gen: v7x
topology: tpu7x:2x2x1
jax: 0.10.2.dev20260603
libtpu: 0.0.44.dev20260713+nightly
codegen_flags: <defaults>
</compile_context>

<pallas_src>
import functools

import jax
import jax.numpy as jnp
from jax import lax
from jax.experimental import pallas as pl
from jax.experimental.pallas import tpu as pltpu
from jax.experimental.pallas import tpu_sc as plsc

_BLK = 16


@functools.lru_cache(maxsize=None)
def _build_gather(P, S2, NSEL, D):
    TOT = P * NSEL
    L = NSEL * _BLK
    NC, NS = 2, 16
    NW = NC * NS
    assert P == NW
    per_w = NSEL
    TPW = per_w * _BLK
    CHT = 128
    n_chunks = TPW // CHT
    ngrp = per_w // 16
    mesh = plsc.VectorSubcoreMesh(core_axis_name="c", subcore_axis_name="s")

    @functools.partial(
        pl.kernel,
        mesh=mesh,
        out_type=[
            jax.ShapeDtypeStruct((P, L, D), jnp.float32),
            jax.ShapeDtypeStruct((P, L, D), jnp.float32),
        ],
        scratch_types=[
            pltpu.VMEM((per_w,), jnp.int32),
            pltpu.VMEM((TPW,), jnp.int32),
            pltpu.VMEM((CHT, D), jnp.float32),
            pltpu.VMEM((CHT, D), jnp.float32),
            pltpu.VMEM((CHT, D), jnp.float32),
            pltpu.VMEM((CHT, D), jnp.float32),
            pltpu.VMEM((CHT, D), jnp.float32),
            pltpu.VMEM((CHT, D), jnp.float32),
            pltpu.SemaphoreType.DMA,
        ],
    )
    def gather(sidx, kf_tab, vf_tab, k_out, v_out,
               idxv, tix, kb0, vb0, kb1, vb1, kb2, vb2, sem):
        wid = lax.axis_index("c") * NS + lax.axis_index("s")
        base = wid * per_w
        pltpu.sync_copy(sidx.at[pl.ds(base, per_w)], idxv)
        for c in range(ngrp):
            bids = idxv[pl.ds(c * 16, 16)] * _BLK + wid * S2
            for t in range(_BLK):
                tix[pl.ds(t * NSEL + c * 16, 16)] = bids + t
        NB = 3
        kbs, vbs = (kb0, kb1, kb2), (vb0, vb1, vb2)
        copies = [None] * NB
        for g in range(n_chunks + NB - 1):
            if g < n_chunks:
                b = g % NB
                isl = tix.at[pl.ds(g * CHT, CHT)]
                ck = pltpu.async_copy(kf_tab.at[isl], kbs[b], sem)
                cv = pltpu.async_copy(vf_tab.at[isl], vbs[b], sem)
                copies[b] = (ck, cv)
            if g >= NB - 1:
                gp = g - (NB - 1)
                pb = gp % NB
                ckp, cvp = copies[pb]
                ckp.wait()
                cvp.wait()
                toff = gp * CHT
                pltpu.sync_copy(kbs[pb], k_out.at[wid, pl.ds(toff, CHT), :])
                pltpu.sync_copy(vbs[pb], v_out.at[wid, pl.ds(toff, CHT), :])

    return gather


def _attn_body(scale_ref, q_ref, k_ref, v_ref, o_ref):
    q = q_ref[0].astype(jnp.bfloat16)
    kf = k_ref[0].astype(jnp.bfloat16)
    logits = lax.dot_general(q, kf, (((1,), (1,)), ((), ())),
                             preferred_element_type=jnp.float32)
    logits = logits * scale_ref[0]
    m = jnp.max(logits, axis=-1, keepdims=True)
    e = jnp.exp(logits - m)
    den = jnp.sum(e, axis=-1, keepdims=True)
    o = lax.dot_general(e.astype(jnp.bfloat16), v_ref[0].astype(jnp.bfloat16),
                        (((1,), (0,)), ((), ())),
                        preferred_element_type=jnp.float32)
    o_ref[0] = o / den


@functools.lru_cache(maxsize=None)
def _build_attn(P, GS, L, D):
    return pl.pallas_call(
        _attn_body,
        grid=(P,),
        in_specs=[
            pl.BlockSpec(memory_space=pltpu.SMEM),
            pl.BlockSpec((1, GS, D), lambda i: (i, 0, 0)),
            pl.BlockSpec((1, L, D), lambda i: (i, 0, 0)),
            pl.BlockSpec((1, L, D), lambda i: (i, 0, 0)),
        ],
        out_specs=pl.BlockSpec((1, GS, D), lambda i: (i, 0, 0)),
        out_shape=jax.ShapeDtypeStruct((P, GS, D), jnp.float32),
    )


def kernel(query, key, value, sparse_indices, key_dequant_scale,
           value_dequant_scale, scale_value, sparse_block_size):
    B, N1, S1, D = query.shape
    _, N2, S2, _ = key.shape
    G = N1 // N2
    NSEL = sparse_indices.shape[-1]
    P = B * N2
    TOT = P * NSEL
    L = NSEL * _BLK
    GS = G * S1

    scale = jnp.asarray(scale_value, jnp.float32).reshape(1)
    NCH = 2
    BC = B // NCH
    PC = BC * N2
    outs = []
    for c in range(NCH):
        b0 = c * BC
        kf_tab = (key[b0:b0 + BC].astype(jnp.float32)
                  * key_dequant_scale[b0:b0 + BC][..., None]
                  ).reshape(PC * S2, D)
        vf_tab = (value[b0:b0 + BC].astype(jnp.float32)
                  * value_dequant_scale[b0:b0 + BC][..., None]
                  ).reshape(PC * S2, D)
        sidx = sparse_indices[b0:b0 + BC].reshape(PC * NSEL)
        k_sel, v_sel = _build_gather(PC, S2, NSEL, D)(sidx, kf_tab, vf_tab)
        q3 = query[b0:b0 + BC].reshape(PC, GS, D)
        outs.append(_build_attn(PC, GS, L, D)(scale, q3, k_sel, v_sel))
    out = jnp.concatenate(outs, axis=0)
    return out.reshape(B, N1, S1, D)

# --- scband reference (transcript-rebuilt; emitter-appended) ---
"""Pipeline reference for scband-sfaanetwork-88399016886454 (READ-ONLY COPY).

The authoritative reference and input builder live on the scoring server;
editing this copy changes nothing except your own understanding.
"""

import jax, jax.numpy as jnp
import numpy as np
import math


def setup_inputs(seed: int = 0) -> dict:
    key = jax.random.key(seed)
    B, N1, S1, D = 8, 32, 32, 128
    N2, S2 = 8, 4096
    BLK, NSEL = 16, 128
    ks = jax.random.split(key, 6)
    query = jax.random.normal(ks[0], (B, N1, S1, D), dtype=jnp.float32)
    k_q = jax.random.randint(ks[1], (B, N2, S2, D), -127, 128, dtype=jnp.int32).astype(jnp.int8)
    v_q = jax.random.randint(ks[2], (B, N2, S2, D), -127, 128, dtype=jnp.int32).astype(jnp.int8)
    key_dequant_scale = jax.random.uniform(ks[3], (B, N2, S2), dtype=jnp.float32, minval=0.005, maxval=0.02)
    value_dequant_scale = jax.random.uniform(ks[4], (B, N2, S2), dtype=jnp.float32, minval=0.005, maxval=0.02)
    sparse_indices = jax.random.randint(ks[5], (B, N2, NSEL), 0, S2 // BLK, dtype=jnp.int32)
    return {
        "query": query,
        "key": k_q,
        "value": v_q,
        "sparse_indices": sparse_indices,
        "key_dequant_scale": key_dequant_scale,
        "value_dequant_scale": value_dequant_scale,
        "scale_value": float(1.0 / math.sqrt(D)),
        "sparse_block_size": BLK,
    }


def reference(query, key, value, sparse_indices, key_dequant_scale, value_dequant_scale, scale_value, sparse_block_size):
    # Block-sparse flash attention with int8 antiquant KV cache (GQA layout BNSD).
    B, N1, S1, D = query.shape
    _, N2, S2, _ = key.shape
    G = N1 // N2
    NSEL = sparse_indices.shape[-1]
    BLK = 16
    # Expand selected block ids to token ids: [B, N2, NSEL*BLK]
    tok = (sparse_indices[..., None] * sparse_block_size
           + jnp.arange(BLK, dtype=jnp.int32)).reshape(B, N2, NSEL * BLK)
    L = tok.shape[-1]
    idx4 = jnp.broadcast_to(tok[..., None], (B, N2, L, D))
    # Gather quantized KV blocks, then dequantize with per-token scales (antiquant)
    k_sel = jnp.take_along_axis(key, idx4, axis=2).astype(jnp.float32)
    v_sel = jnp.take_along_axis(value, idx4, axis=2).astype(jnp.float32)
    ks_sel = jnp.take_along_axis(key_dequant_scale, tok, axis=2)
    vs_sel = jnp.take_along_axis(value_dequant_scale, tok, axis=2)
    k_f = k_sel * ks_sel[..., None]
    v_f = v_sel * vs_sel[..., None]
    # GQA: group N1 query heads onto N2 kv heads
    qg = query.reshape(B, N2, G, S1, D)
    logits = jnp.einsum('bngsd,bnld->bngsl', qg, k_f) * scale_value
    attn = jax.nn.softmax(logits, axis=-1)
    out = jnp.einsum('bngsl,bnld->bngsd', attn, v_f)
    return out.reshape(B, N1, S1, D)

if __name__ == "__main__":
    import jax
    _d = setup_inputs()
    print(jax.jit(kernel)(*tuple(_d.values())))

</pallas_src>

<mosaic_0001>
#map = affine_map<(d0, d1) -> (0)>
#map1 = affine_map<(d0, d1) -> (0, 0)>
#map2 = affine_map<(d0, d1) -> (0, 0, 0)>
module attributes {stable_mosaic.version = 14 : i64} {
  func.func @gather(%arg0: i32, %arg1: i32, %arg2: memref<4096xi32, #tpu.memory_space<hbm>>, %arg3: memref<131072x128xf32, #tpu.memory_space<hbm>>, %arg4: memref<131072x128xf32, #tpu.memory_space<hbm>>, %arg5: memref<32x2048x128xf32, #tpu.memory_space<hbm>>, %arg6: memref<32x2048x128xf32, #tpu.memory_space<hbm>>, %arg7: memref<128xi32, #tpu.memory_space<vmem>>, %arg8: memref<2048xi32, #tpu.memory_space<vmem>>, %arg9: memref<128x128xf32, #tpu.memory_space<vmem>>, %arg10: memref<128x128xf32, #tpu.memory_space<vmem>>, %arg11: memref<128x128xf32, #tpu.memory_space<vmem>>, %arg12: memref<128x128xf32, #tpu.memory_space<vmem>>, %arg13: memref<128x128xf32, #tpu.memory_space<vmem>>, %arg14: memref<128x128xf32, #tpu.memory_space<vmem>>, %arg15: memref<!tpu.dma_semaphore, #tpu.memory_space<semaphore_mem>>) attributes {dimension_semantics = [#tpu.dimension_semantics<core_parallel>, #tpu.dimension_semantics<subcore_parallel>], iteration_bounds = array<i64: 2, 16>, scalar_prefetch = 0 : i64, scratch_operands = 9 : i64, tpu.core_type = #tpu.core_type<sc_vector_subcore>, window_params = [{transform_indices = #map}, {transform_indices = #map1}, {transform_indices = #map1}, {transform_indices = #map2}, {transform_indices = #map2}]} {
    %mul3A = arith.constant 16 : i32
    %mul3A_0 = arith.muli %arg0, %mul3A : i32
    %add3A = arith.addi %mul3A_0, %arg1 : i32
    %mul3A_1 = arith.constant 128 : i32
    %mul3A_2 = arith.muli %add3A, %mul3A_1 : i32
    "tpu.region"() ({
      %run_scoped3A = tpu.sem_alloc : memref<!tpu.dma_semaphore, #tpu.memory_space<semaphore_mem>>
      %dma_start3A_1295 = tpu.memref_slice %arg2[%mul3A_2] : memref<4096xi32, #tpu.memory_space<hbm>> -> memref<128xi32, #tpu.memory_space<hbm>>
      %dma_start3A_1296 = tpu.memref_slice %arg2[%mul3A_2] : memref<4096xi32, #tpu.memory_space<hbm>> -> memref<128xi32, #tpu.memory_space<hbm>>
      tpu.enqueue_dma source(%dma_start3A_1296 : memref<128xi32, #tpu.memory_space<hbm>>) target(%arg7 : memref<128xi32, #tpu.memory_space<vmem>>) target_semaphore(%run_scoped3A : memref<!tpu.dma_semaphore, #tpu.memory_space<semaphore_mem>>)
      %dma_wait3A_1297 = tpu.memref_slice %arg2[%mul3A_2] : memref<4096xi32, #tpu.memory_space<hbm>> -> memref<128xi32, #tpu.memory_space<hbm>>
      %dma_wait3A_1298 = tpu.memref_slice %arg2[%mul3A_2] : memref<4096xi32, #tpu.memory_space<hbm>> -> memref<128xi32, #tpu.memory_space<hbm>>
      tpu.wait_dma2 semaphore(%run_scoped3A : memref<!tpu.dma_semaphore, #tpu.memory_space<semaphore_mem>>) src(%dma_wait3A_1298 : memref<128xi32, #tpu.memory_space<hbm>>) dst(%arg7 : memref<128xi32, #tpu.memory_space<vmem>>)
      tpu.yield
    }) : () -> ()
    %get3A = arith.constant 0 : index
    %get3A_3 = tpu.vector_load %arg7[%get3A] {strides = array<i32>} : memref<128xi32, #tpu.memory_space<vmem>>, vector<16xi32>,
    %get3A_4 = vector.shape_cast %get3A_3 : vector<16xi32> to vector<16xi32>
    %mul3A_5 = arith.constant 16 : i32
    %mul3A_6 = vector.broadcast %mul3A_5 : i32 to vector<16xi32>
    %mul3A_7 = arith.muli %get3A_4, %mul3A_6 : vector<16xi32>
    %mul3A_8 = arith.constant 4096 : i32
    %mul3A_9 = arith.muli %add3A, %mul3A_8 : i32
    %add3A_10 = vector.broadcast %mul3A_9 : i32 to vector<16xi32>
    %add3A_11 = arith.addi %mul3A_7, %add3A_10 : vector<16xi32>
    %add3A_12 = arith.constant 0 : i32
    %add3A_13 = vector.broadcast %add3A_12 : i32 to vector<16xi32>
    %add3A_14 = arith.addi %add3A_11, %add3A_13 : vector<16xi32>
    %swap3A = arith.constant 0 : index
    %swap3A_15 = tpu.vector_load %arg8[%swap3A] {strides = array<i32>} : memref<2048xi32, #tpu.memory_space<vmem>>, vector<16xi32>,
    %swap3A_16 = vector.shape_cast %swap3A_15 : vector<16xi32> to vector<16xi32>
    %swap3A_17 = vector.shape_cast %add3A_14 : vector<16xi32> to vector<16xi32>
    tpu.vector_store %arg8[%swap3A], %swap3A_17 {strides = array<i32>} : memref<2048xi32, #tpu.memory_space<vmem>>, vector<16xi32>,
    %add3A_18 = arith.constant 1 : i32
    %add3A_19 = vector.broadcast %add3A_18 : i32 to vector<16xi32>
    %add3A_20 = arith.addi %add3A_11, %add3A_19 : vector<16xi32>
    %swap3A_21 = arith.constant 128 : index
    %swap3A_22 = tpu.vector_load %arg8[%swap3A_21] {strides = array<i32>} : memref<2048xi32, #tpu.memory_space<vmem>>, vector<16xi32>,
    %swap3A_23 = vector.shape_cast %swap3A_22 : vector<16xi32> to vector<16xi32>
    %swap3A_24 = vector.shape_cast %add3A_20 : vector<16xi32> to vector<16xi32>
    tpu.vector_store %arg8[%swap3A_21], %swap3A_24 {strides = array<i32>} : memref<2048xi32, #tpu.memory_space<vmem>>, vector<16xi32>,
    %add3A_25 = arith.constant 2 : i32
    %add3A_26 = vector.broadcast %add3A_25 : i32 to vector<16xi32>
    %add3A_27 = arith.addi %add3A_11, %add3A_26 : vector<16xi32>
    %swap3A_28 = arith.constant 256 : index
    %swap3A_29 = tpu.vector_load %arg8[%swap3A_28] {strides = array<i32>} : memref<2048xi32, #tpu.memory_space<vmem>>, vector<16xi32>,
    %swap3A_30 = vector.shape_cast %swap3A_29 : vector<16xi32> to vector<16xi32>
    %swap3A_31 = vector.shape_cast %add3A_27 : vector<16xi32> to vector<16xi32>
    tpu.vector_store %arg8[%swap3A_28], %swap3A_31 {strides = array<i32>} : memref<2048xi32, #tpu.memory_space<vmem>>, vector<16xi32>,
    %add3A_32 = arith.constant 3 : i32
    %add3A_33 = vector.broadcast %add3A_32 : i32 to vector<16xi32>
    %add3A_34 = arith.addi %add3A_11, %add3A_33 : vector<16xi32>
    %swap3A_35 = arith.constant 384 : index
    %swap3A_36 = tpu.vector_load %arg8[%swap3A_35] {strides = array<i32>} : memref<2048xi32, #tpu.memory_space<vmem>>, vector<16xi32>,
    %swap3A_37 = vector.shape_cast %swap3A_36 : vector<16xi32> to vector<16xi32>
    %swap3A_38 = vector.shape_cast %add3A_34 : vector<16xi32> to vector<16xi32>
    tpu.vector_store %arg8[%swap3A_35], %swap3A_38 {strides = array<i32>} : memref<2048xi32, #tpu.memory_space<vmem>>, vector<16xi32>,
    %add3A_39 = arith.constant 4 : i32
    %add3A_40 = vector.broadcast %add3A_39 : i32 to vector<16xi32>
    %add3A_41 = arith.addi %add3A_11, %add3A_40 : vector<16xi32>
    %swap3A_42 = arith.constant 512 : index
    %swap3A_43 = tpu.vector_load %arg8[%swap3A_42] {strides = array<i32>} : memref<2048xi32, #tpu.memory_space<vmem>>, vector<16xi32>,
    %swap3A_44 = vector.shape_cast %swap3A_43 : vector<16xi32> to vector<16xi32>
    %swap3A_45 = vector.shape_cast %add3A_41 : vector<16xi32> to vector<16xi32>
    tpu.vector_store %arg8[%swap3A_42], %swap3A_45 {strides = array<i32>} : memref<2048xi32, #tpu.memory_space<vmem>>, vector<16xi32>,
    %add3A_46 = arith.constant 5 : i32
    %add3A_47 = vector.broadcast %add3A_46 : i32 to vector<16xi32>
    %add3A_48 = arith.addi %add3A_11, %add3A_47 : vector<16xi32>
    %swap3A_49 = arith.constant 640 : index
    %swap3A_50 = tpu.vector_load %arg8[%swap3A_49] {strides = array<i32>} : memref<2048xi32, #tpu.memory_space<vmem>>, vector<16xi32>,
    %swap3A_51 = vector.shape_cast %swap3A_50 : vector<16xi32> to vector<16xi32>
    %swap3A_52 = vector.shape_cast %add3A_48 : vector<16xi32> to vector<16xi32>
    tpu.vector_store %arg8[%swap3A_49], %swap3A_52 {strides = array<i32>} : memref<2048xi32, #tpu.memory_space<vmem>>, vector<16xi32>,
    %add3A_53 = arith.constant 6 : i32
    %add3A_54 = vector.broadcast %add3A_53 : i32 to vector<16xi32>
    %add3A_55 = arith.addi %add3A_11, %add3A_54 : vector<16xi32>
    %swap3A_56 = arith.constant 768 : index
    %swap3A_57 = tpu.vector_load %arg8[%swap3A_56] {strides = array<i32>} : memref<2048xi32, #tpu.memory_space<vmem>>, vector<16xi32>,
    %swap3A_58 = vector.shape_cast %swap3A_57 : vector<16xi32> to vector<16xi32>
    %swap3A_59 = vector.shape_cast %add3A_55 : vector<16xi32> to vector<16xi32>
    tpu.vector_store %arg8[%swap3A_56], %swap3A_59 {strides = array<i32>} : memref<2048xi32, #tpu.memory_space<vmem>>, vector<16xi32>,
    %add3A_60 = arith.constant 7 : i32
    %add3A_61 = vector.broadcast %add3A_60 : i32 to vector<16xi32>
    %add3A_62 = arith.addi %add3A_11, %add3A_61 : vector<16xi32>
    %swap3A_63 = arith.constant 896 : index
    %swap3A_64 = tpu.vector_load %arg8[%swap3A_63] {strides = array<i32>} : memref<2048xi32, #tpu.memory_space<vmem>>, vector<16xi32>,
    %swap3A_65 = vector.shape_cast %swap3A_64 : vector<16xi32> to vector<16xi32>
    %swap3A_66 = vector.shape_cast %add3A_62 : vector<16xi32> to vector<16xi32>
    tpu.vector_store %arg8[%swap3A_63], %swap3A_66 {strides = array<i32>} : memref<2048xi32, #tpu.memory_space<vmem>>, vector<16xi32>,
    %add3A_67 = arith.constant 8 : i32
    %add3A_68 = vector.broadcast %add3A_67 : i32 to vector<16xi32>
    %add3A_69 = arith.addi %add3A_11, %add3A_68 : vector<16xi32>
    %swap3A_70 = arith.constant 1024 : index
    %swap3A_71 = tpu.vector_load %arg8[%swap3A_70] {strides = array<i32>} : memref<2048xi32, #tpu.memory_space<vmem>>, vector<16xi32>,
    %swap3A_72 = vector.shape_cast %swap3A_71 : vector<16xi32> to vector<16xi32>
    %swap3A_73 = vector.shape_cast %add3A_69 : vector<16xi32> to vector<16xi32>
    tpu.vector_store %arg8[%swap3A_70], %swap3A_73 {strides = array<i32>} : memref<2048xi32, #tpu.memory_space<vmem>>, vector<16xi32>,
    %add3A_74 = arith.constant 9 : i32
    %add3A_75 = vector.broadcast %add3A_74 : i32 to vector<16xi32>
    %add3A_76 = arith.addi %add3A_11, %add3A_75 : vector<16xi32>
    %swap3A_77 = arith.constant 1152 : index
    %swap3A_78 = tpu.vector_load %arg8[%swap3A_77] {strides = array<i32>} : memref<2048xi32, #tpu.memory_space<vmem>>, vector<16xi32>,
    %swap3A_79 = vector.shape_cast %swap3A_78 : vector<16xi32> to vector<16xi32>
    %swap3A_80 = vector.shape_cast %add3A_76 : vector<16xi32> to vector<16xi32>
    tpu.vector_store %arg8[%swap3A_77], %swap3A_80 {strides = array<i32>} : memref<2048xi32, #tpu.memory_space<vmem>>, vector<16xi32>,
    %add3A_81 = arith.constant 10 : i32
    %add3A_82 = vector.broadcast %add3A_81 : i32 to vector<16xi32>
    %add3A_83 = arith.addi %add3A_11, %add3A_82 : vector<16xi32>
    %swap3A_84 = arith.constant 1280 : index
    %swap3A_85 = tpu.vector_load %arg8[%swap3A_84] {strides = array<i32>} : memref<2048xi32, #tpu.memory_space<vmem>>, vector<16xi32>,
    %swap3A_86 = vector.shape_cast %swap3A_85 : vector<16xi32> to vector<16xi32>
    %swap3A_87 = vector.shape_cast %add3A_83 : vector<16xi32> to vector<16xi32>
    tpu.vector_store %arg8[%swap3A_84], %swap3A_87 {strides = array<i32>} : memref<2048xi32, #tpu.memory_space<vmem>>, vector<16xi32>,
    %add3A_88 = arith.constant 11 : i32
    %add3A_89 = vector.broadcast %add3A_88 : i32 to vector<16xi32>
    %add3A_90 = arith.addi %add3A_11, %add3A_89 : vector<16xi32>
    %swap3A_91 = arith.constant 1408 : index
    %swap3A_92 = tpu.vector_load %arg8[%swap3A_91] {strides = array<i32>} : memref<2048xi32, #tpu.memory_space<vmem>>, vector<16xi32>,
    %swap3A_93 = vector.shape_cast %swap3A_92 : vector<16xi32> to vector<16xi32>
    %swap3A_94 = vector.shape_cast %add3A_90 : vector<16xi32> to vector<16xi32>
    tpu.vector_store %arg8[%swap3A_91], %swap3A_94 {strides = array<i32>} : memref<2048xi32, #tpu.memory_space<vmem>>, vector<16xi32>,
    %add3A_95 = arith.constant 12 : i32
    %add3A_96 = vector.broadcast %add3A_95 : i32 to vector<16xi32>
    %add3A_97 = arith.addi %add3A_11, %add3A_96 : vector<16xi32>
    %swap3A_98 = arith.constant 1536 : index
    %swap3A_99 = tpu.vector_load %arg8[%swap3A_98] {strides = array<i32>} : memref<2048xi32, #tpu.memory_space<vmem>>, vector<16xi32>,
    %swap3A_100 = vector.shape_cast %swap3A_99 : vector<16xi32> to vector<16xi32>
    %swap3A_101 = vector.shape_cast %add3A_97 : vector<16xi32> to vector<16xi32>
    tpu.vector_store %arg8[%swap3A_98], %swap3A_101 {strides = array<i32>} : memref<2048xi32, #tpu.memory_space<vmem>>, vector<16xi32>,
    %add3A_102 = arith.constant 13 : i32
    %add3A_103 = vector.broadcast %add3A_102 : i32 to vector<16xi32>
    %add3A_104 = arith.addi %add3A_11, %add3A_103 : vector<16xi32>
    %swap3A_105 = arith.constant 1664 : index
    %swap3A_106 = tpu.vector_load %arg8[%swap3A_105] {strides = array<i32>} : memref<2048xi32, #tpu.memory_space<vmem>>, vector<16xi32>,
    %swap3A_107 = vector.shape_cast %swap3A_106 : vector<16xi32> to vector<16xi32>
    %swap3A_108 = vector.shape_cast %add3A_104 : vector<16xi32> to vector<16xi32>
    tpu.vector_store %arg8[%swap3A_105], %swap3A_108 {strides = array<i32>} : memref<2048xi32, #tpu.memory_space<vmem>>, vector<16xi32>,
    %add3A_109 = arith.constant 14 : i32
    %add3A_110 = vector.broadcast %add3A_109 : i32 to vector<16xi32>
    %add3A_111 = arith.addi %add3A_11, %add3A_110 : vector<16xi32>
    %swap3A_112 = arith.constant 1792 : index
    %swap3A_113 = tpu.vector_load %arg8[%swap3A_112] {strides = array<i32>} : memref<2048xi32, #tpu.memory_space<vmem>>, vector<16xi32>,
    %swap3A_114 = vector.shape_cast %swap3A_113 : vector<16xi32> to vector<16xi32>
    %swap3A_115 = vector.shape_cast %add3A_111 : vector<16xi32> to vector<16xi32>
    tpu.vector_store %arg8[%swap3A_112], %swap3A_115 {strides = array<i32>} : memref<2048xi32, #tpu.memory_space<vmem>>, vector<16xi32>,
    %add3A_116 = arith.constant 15 : i32
    %add3A_117 = vector.broadcast %add3A_116 : i32 to vector<16xi32>
    %add3A_118 = arith.addi %add3A_11, %add3A_117 : vector<16xi32>
    %swap3A_119 = arith.constant 1920 : index
    %swap3A_120 = tpu.vector_load %arg8[%swap3A_119] {strides = array<i32>} : memref<2048xi32, #tpu.memory_space<vmem>>, vector<16xi32>,
    %swap3A_121 = vector.shape_cast %swap3A_120 : vector<16xi32> to vector<16xi32>
    %swap3A_122 = vector.shape_cast %add3A_118 : vector<16xi32> to vector<16xi32>
    tpu.vector_store %arg8[%swap3A_119], %swap3A_122 {strides = array<i32>} : memref<2048xi32, #tpu.memory_space<vmem>>, vector<16xi32>,
    %get3A_123 = arith.constant 16 : index
    %get3A_124 = tpu.vector_load %arg7[%get3A_123] {strides = array<i32>} : memref<128xi32, #tpu.memory_space<vmem>>, vector<16xi32>,
    %get3A_125 = vector.shape_cast %get3A_124 : vector<16xi32> to vector<16xi32>
    %mul3A_126 = arith.constant 16 : i32
    %mul3A_127 = vector.broadcast %mul3A_126 : i32 to vector<16xi32>
    %mul3A_128 = arith.muli %get3A_125, %mul3A_127 : vector<16xi32>
    %mul3A_129 = arith.constant 4096 : i32
    %mul3A_130 = arith.muli %add3A, %mul3A_129 : i32
    %add3A_131 = vector.broadcast %mul3A_130 : i32 to vector<16xi32>
    %add3A_132 = arith.addi %mul3A_128, %add3A_131 : vector<16xi32>
    %add3A_133 = arith.constant 0 : i32
    %add3A_134 = vector.broadcast %add3A_133 : i32 to vector<16xi32>
    %add3A_135 = arith.addi %add3A_132, %add3A_134 : vector<16xi32>
    %swap3A_136 = arith.constant 16 : index
    %swap3A_137 = tpu.vector_load %arg8[%swap3A_136] {strides = array<i32>} : memref<2048xi32, #tpu.memory_space<vmem>>, vector<16xi32>,
    %swap3A_138 = vector.shape_cast %swap3A_137 : vector<16xi32> to vector<16xi32>
    %swap3A_139 = vector.shape_cast %add3A_135 : vector<16xi32> to vector<16xi32>
    tpu.vector_store %arg8[%swap3A_136], %swap3A_139 {strides = array<i32>} : memref<2048xi32, #tpu.memory_space<vmem>>, vector<16xi32>,
    %add3A_140 = arith.constant 1 : i32
    %add3A_141 = vector.broadcast %add3A_140 : i32 to vector<16xi32>
    %add3A_142 = arith.addi %add3A_132, %add3A_141 : vector<16xi32>
    %swap3A_143 = arith.constant 144 : index
    %swap3A_144 = tpu.vector_load %arg8[%swap3A_143] {strides = array<i32>} : memref<2048xi32, #tpu.memory_space<vmem>>, vector<16xi32>,
    %swap3A_145 = vector.shape_cast %swap3A_144 : vector<16xi32> to vector<16xi32>
    %swap3A_146 = vector.shape_cast %add3A_142 : vector<16xi32> to vector<16xi32>
    tpu.vector_store %arg8[%swap3A_143], %swap3A_146 {strides = array<i32>} : memref<2048xi32, #tpu.memory_space<vmem>>, vector<16xi32>,
    %add3A_147 = arith.constant 2 : i32
    %add3A_148 = vector.broadcast %add3A_147 : i32 to vector<16xi32>
    %add3A_149 = arith.addi %add3A_132, %add3A_148 : vector<16xi32>
    %swap3A_150 = arith.constant 272 : index
    %swap3A_151 = tpu.vector_load %arg8[%swap3A_150] {strides = array<i32>} : memref<2048xi32, #tpu.memory_space<vmem>>, vector<16xi32>,
    %swap3A_152 = vector.shape_cast %swap3A_151 : vector<16xi32> to vector<16xi32>
    %swap3A_153 = vector.shape_cast %add3A_149 : vector<16xi32> to vector<16xi32>
    tpu.vector_store %arg8[%swap3A_150], %swap3A_153 {strides = array<i32>} : memref<2048xi32, #tpu.memory_space<vmem>>, vector<16xi32>,
    %add3A_154 = arith.constant 3 : i32
    %add3A_155 = vector.broadcast %add3A_154 : i32 to vector<16xi32>
    %add3A_156 = arith.addi %add3A_132, %add3A_155 : vector<16xi32>
    %swap3A_157 = arith.constant 400 : index
    %swap3A_158 = tpu.vector_load %arg8[%swap3A_157] {strides = array<i32>} : memref<2048xi32, #tpu.memory_space<vmem>>, vector<16xi32>,
    %swap3A_159 = vector.shape_cast %swap3A_158 : vector<16xi32> to vector<16xi32>
    %swap3A_160 = vector.shape_cast %add3A_156 : vector<16xi32> to vector<16xi32>
    tpu.vector_store %arg8[%swap3A_157], %swap3A_160 {strides = array<i32>} : memref<2048xi32, #tpu.memory_space<vmem>>, vector<16xi32>,
    %add3A_161 = arith.constant 4 : i32
    %add3A_162 = vector.broadcast %add3A_161 : i32 to vector<16xi32>
    %add3A_163 = arith.addi %add3A_132, %add3A_162 : vector<16xi32>
    %swap3A_164 = arith.constant 528 : index
    %swap3A_165 = tpu.vector_load %arg8[%swap3A_164] {strides = array<i32>} : memref<2048xi32, #tpu.memory_space<vmem>>, vector<16xi32>,
    %swap3A_166 = vector.shape_cast %swap3A_165 : vector<16xi32> to vector<16xi32>
    %swap3A_167 = vector.shape_cast %add3A_163 : vector<16xi32> to vector<16xi32>
    tpu.vector_store %arg8[%swap3A_164], %swap3A_167 {strides = array<i32>} : memref<2048xi32, #tpu.memory_space<vmem>>, vector<16xi32>,
    %add3A_168 = arith.constant 5 : i32
    %add3A_169 = vector.broadcast %add3A_168 : i32 to vector<16xi32>
    %add3A_170 = arith.addi %add3A_132, %add3A_169 : vector<16xi32>
    %swap3A_171 = arith.constant 656 : index
    %swap3A_172 = tpu.vector_load %arg8[%swap3A_171] {strides = array<i32>} : memref<2048xi32, #tpu.memory_space<vmem>>, vector<16xi32>,
    %swap3A_173 = vector.shape_cast %swap3A_172 : vector<16xi32> to vector<16xi32>
    %swap3A_174 = vector.shape_cast %add3A_170 : vector<16xi32> to vector<16xi32>
    tpu.vector_store %arg8[%swap3A_171], %swap3A_174 {strides = array<i32>} : memref<2048xi32, #tpu.memory_space<vmem>>, vector<16xi32>,
    %add3A_175 = arith.constant 6 : i32
    %add3A_176 = vector.broadcast %add3A_175 : i32 to vector<16xi32>
    %add3A_177 = arith.addi %add3A_132, %add3A_176 : vector<16xi32>
    %swap3A_178 = arith.constant 784 : index
    %swap3A_179 = tpu.vector_load %arg8[%swap3A_178] {strides = array<i32>} : memref<2048xi32, #tpu.memory_space<vmem>>, vector<16xi32>,
    %swap3A_180 = vector.shape_cast %swap3A_179 : vector<16xi32> to vector<16xi32>
    %swap3A_181 = vector.shape_cast %add3A_177 : vector<16xi32> to vector<16xi32>
    tpu.vector_store %arg8[%swap3A_178], %swap3A_181 {strides = array<i32>} : memref<2048xi32, #tpu.memory_space<vmem>>, vector<16xi32>,
    %add3A_182 = arith.constant 7 : i32
    %add3A_183 = vector.broadcast %add3A_182 : i32 to vector<16xi32>
    %add3A_184 = arith.addi %add3A_132, %add3A_183 : vector<16xi32>
    %swap3A_185 = arith.constant 912 : index
    %swap3A_186 = tpu.vector_load %arg8[%swap3A_185] {strides = array<i32>} : memref<2048xi32, #tpu.memory_space<vmem>>, vector<16xi32>,
    %swap3A_187 = vector.shape_cast %swap3A_186 : vector<16xi32> to vector<16xi32>
    %swap3A_188 = vector.shape_cast %add3A_184 : vector<16xi32> to vector<16xi32>
    tpu.vector_store %arg8[%swap3A_185], %swap3A_188 {strides = array<i32>} : memref<2048xi32, #tpu.memory_space<vmem>>, vector<16xi32>,
    %add3A_189 = arith.constant 8 : i32
    %add3A_190 = vector.broadcast %add3A_189 : i32 to vector<16xi32>
    %add3A_191 = arith.addi %add3A_132, %add3A_190 : vector<16xi32>
    %swap3A_192 = arith.constant 1040 : index
    %swap3A_193 = tpu.vector_load %arg8[%swap3A_192] {strides = array<i32>} : memref<2048xi32, #tpu.memory_space<vmem>>, vector<16xi32>,
    %swap3A_194 = vector.shape_cast %swap3A_193 : vector<16xi32> to vector<16xi32>
    %swap3A_195 = vector.shape_cast %add3A_191 : vector<16xi32> to vector<16xi32>
    tpu.vector_store %arg8[%swap3A_192], %swap3A_195 {strides = array<i32>} : memref<2048xi32, #tpu.memory_space<vmem>>, vector<16xi32>,
    %add3A_196 = arith.constant 9 : i32
    %add3A_197 = vector.broadcast %add3A_196 : i32 to vector<16xi32>
    %add3A_198 = arith.addi %add3A_132, %add3A_197 : vector<16xi32>
    %swap3A_199 = arith.constant 1168 : index
    %swap3A_200 = tpu.vector_load %arg8[%swap3A_199] {strides = array<i32>} : memref<2048xi32, #tpu.memory_space<vmem>>, vector<16xi32>,
    %swap3A_201 = vector.shape_cast %swap3A_200 : vector<16xi32> to vector<16xi32>
    %swap3A_202 = vector.shape_cast %add3A_198 : vector<16xi32> to vector<16xi32>
    tpu.vector_store %arg8[%swap3A_199], %swap3A_202 {strides = array<i32>} : memref<2048xi32, #tpu.memory_space<vmem>>, vector<16xi32>,
    %add3A_203 = arith.constant 10 : i32
    %add3A_204 = vector.broadcast %add3A_203 : i32 to vector<16xi32>
    %add3A_205 = arith.addi %add3A_132, %add3A_204 : vector<16xi32>
    %swap3A_206 = arith.constant 1296 : index
    %swap3A_207 = tpu.vector_load %arg8[%swap3A_206] {strides = array<i32>} : memref<2048xi32, #tpu.memory_space<vmem>>, vector<16xi32>,
    %swap3A_208 = vector.shape_cast %swap3A_207 : vector<16xi32> to vector<16xi32>
    %swap3A_209 = vector.shape_cast %add3A_205 : vector<16xi32> to vector<16xi32>
    tpu.vector_store %arg8[%swap3A_206], %swap3A_209 {strides = array<i32>} : memref<2048xi32, #tpu.memory_space<vmem>>, vector<16xi32>,
    %add3A_210 = arith.constant 11 : i32
    %add3A_211 = vector.broadcast %add3A_210 : i32 to vector<16xi32>
    %add3A_212 = arith.addi %add3A_132, %add3A_211 : vector<16xi32>
    %swap3A_213 = arith.constant 1424 : index
    %swap3A_214 = tpu.vector_load %arg8[%swap3A_213] {strides = array<i32>} : memref<2048xi32, #tpu.memory_space<vmem>>, vector<16xi32>,
    %swap3A_215 = vector.shape_cast %swap3A_214 : vector<16xi32> to vector<16xi32>
    %swap3A_216 = vector.shape_cast %add3A_212 : vector<16xi32> to vector<16xi32>
    tpu.vector_store %arg8[%swap3A_213], %swap3A_216 {strides = array<i32>} : memref<2048xi32, #tpu.memory_space<vmem>>, vector<16xi32>,
    %add3A_217 = arith.constant 12 : i32
    %add3A_218 = vector.broadcast %add3A_217 : i32 to vector<16xi32>
    %add3A_219 = arith.addi %add3A_132, %add3A_218 : vector<16xi32>
    %swap3A_220 = arith.constant 1552 : index
    %swap3A_221 = tpu.vector_load %arg8[%swap3A_220] {strides = array<i32>} : memref<2048xi32, #tpu.memory_space<vmem>>, vector<16xi32>,
    %swap3A_222 = vector.shape_cast %swap3A_221 : vector<16xi32> to vector<16xi32>
    %swap3A_223 = vector.shape_cast %add3A_219 : vector<16xi32> to vector<16xi32>
    tpu.vector_store %arg8[%swap3A_220], %swap3A_223 {strides = array<i32>} : memref<2048xi32, #tpu.memory_space<vmem>>, vector<16xi32>,
    %add3A_224 = arith.constant 13 : i32
    %add3A_225 = vector.broadcast %add3A_224 : i32 to vector<16xi32>
    %add3A_226 = arith.addi %add3A_132, %add3A_225 : vector<16xi32>
    %swap3A_227 = arith.constant 1680 : index
    %swap3A_228 = tpu.vector_load %arg8[%swap3A_227] {strides = array<i32>} : memref<2048xi32, #tpu.memory_space<vmem>>, vector<16xi32>,
    %swap3A_229 = vector.shape_cast %swap3A_228 : vector<16xi32> to vector<16xi32>
    %swap3A_230 = vector.shape_cast %add3A_226 : vector<16xi32> to vector<16xi32>
    tpu.vector_store %arg8[%swap3A_227], %swap3A_230 {strides = array<i32>} : memref<2048xi32, #tpu.memory_space<vmem>>, vector<16xi32>,
    %add3A_231 = arith.constant 14 : i32
    %add3A_232 = vector.broadcast %add3A_231 : i32 to vector<16xi32>
    %add3A_233 = arith.addi %add3A_132, %add3A_232 : vector<16xi32>
    %swap3A_234 = arith.constant 1808 : index
    %swap3A_235 = tpu.vector_load %arg8[%swap3A_234] {strides = array<i32>} : memref<2048xi32, #tpu.memory_space<vmem>>, vector<16xi32>,
    %swap3A_236 = vector.shape_cast %swap3A_235 : vector<16xi32> to vector<16xi32>
    %swap3A_237 = vector.shape_cast %add3A_233 : vector<16xi32> to vector<16xi32>
    tpu.vector_store %arg8[%swap3A_234], %swap3A_237 {strides = array<i32>} : memref<2048xi32, #tpu.memory_space<vmem>>, vector<16xi32>,
    %add3A_238 = arith.constant 15 : i32
    %add3A_239 = vector.broadcast %add3A_238 : i32 to vector<16xi32>
    %add3A_240 = arith.addi %add3A_132, %add3A_239 : vector<16xi32>
    %swap3A_241 = arith.constant 1936 : index
    %swap3A_242 = tpu.vector_load %arg8[%swap3A_241] {strides = array<i32>} : memref<2048xi32, #tpu.memory_space<vmem>>, vector<16xi32>,
    %swap3A_243 = vector.shape_cast %swap3A_242 : vector<16xi32> to vector<16xi32>
    %swap3A_244 = vector.shape_cast %add3A_240 : vector<16xi32> to vector<16xi32>
    tpu.vector_store %arg8[%swap3A_241], %swap3A_244 {strides = array<i32>} : memref<2048xi32, #tpu.memory_space<vmem>>, vector<16xi32>,
    %get3A_245 = arith.constant 32 : index
    %get3A_246 = tpu.vector_load %arg7[%get3A_245] {strides = array<i32>} : memref<128xi32, #tpu.memory_space<vmem>>, vector<16xi32>,
    %get3A_247 = vector.shape_cast %get3A_246 : vector<16xi32> to vector<16xi32>
    %mul3A_248 = arith.constant 16 : i32
    %mul3A_249 = vector.broadcast %mul3A_248 : i32 to vector<16xi32>
    %mul3A_250 = arith.muli %get3A_247, %mul3A_249 : vector<16xi32>
    %mul3A_251 = arith.constant 4096 : i32
    %mul3A_252 = arith.muli %add3A, %mul3A_251 : i32
    %add3A_253 = vector.broadcast %mul3A_252 : i32 to vector<16xi32>
    %add3A_254 = arith.addi %mul3A_250, %add3A_253 : vector<16xi32>
    %add3A_255 = arith.constant 0 : i32
    %add3A_256 = vector.broadcast %add3A_255 : i32 to vector<16xi32>
    %add3A_257 = arith.addi %add3A_254, %add3A_256 : vector<16xi32>
    %swap3A_258 = arith.constant 32 : index
    %swap3A_259 = tpu.vector_load %arg8[%swap3A_258] {strides = array<i32>} : memref<2048xi32, #tpu.memory_space<vmem>>, vector<16xi32>,
    %swap3A_260 = vector.shape_cast %swap3A_259 : vector<16xi32> to vector<16xi32>
    %swap3A_261 = vector.shape_cast %add3A_257 : vector<16xi32> to vector<16xi32>
    tpu.vector_store %arg8[%swap3A_258], %swap3A_261 {strides = array<i32>} : memref<2048xi32, #tpu.memory_space<vmem>>, vector<16xi32>,
    %add3A_262 = arith.constant 1 : i32
    %add3A_263 = vector.broadcast %add3A_262 : i32 to vector<16xi32>
    %add3A_264 = arith.addi %add3A_254, %add3A_263 : vector<16xi32>
    %swap3A_265 = arith.constant 160 : index
    %swap3A_266 = tpu.vector_load %arg8[%swap3A_265] {strides = array<i32>} : memref<2048xi32, #tpu.memory_space<vmem>>, vector<16xi32>,
    %swap3A_267 = vector.shape_cast %swap3A_266 : vector<16xi32> to vector<16xi32>
    %swap3A_268 = vector.shape_cast %add3A_264 : vector<16xi32> to vector<16xi32>
    tpu.vector_store %arg8[%swap3A_265], %swap3A_268 {strides = array<i32>} : memref<2048xi32, #tpu.memory_space<vmem>>, vector<16xi32>,
    %add3A_269 = arith.constant 2 : i32
    %add3A_270 = vector.broadcast %add3A_269 : i32 to vector<16xi32>
    %add3A_271 = arith.addi %add3A_254, %add3A_270 : vector<16xi32>
    %swap3A_272 = arith.constant 288 : index
    %swap3A_273 = tpu.vector_load %arg8[%swap3A_272] {strides = array<i32>} : memref<2048xi32, #tpu.memory_space<vmem>>, vector<16xi32>,
    %swap3A_274 = vector.shape_cast %swap3A_273 : vector<16xi32> to vector<16xi32>
    %swap3A_275 = vector.shape_cast %add3A_271 : vector<16xi32> to vector<16xi32>
    tpu.vector_store %arg8[%swap3A_272], %swap3A_275 {strides = array<i32>} : memref<2048xi32, #tpu.memory_space<vmem>>, vector<16xi32>,
    %add3A_276 = arith.constant 3 : i32
    %add3A_277 = vector.broadcast %add3A_276 : i32 to vector<16xi32>
    %add3A_278 = arith.addi %add3A_254, %add3A_277 : vector<16xi32>
    %swap3A_279 = arith.constant 416 : index
    %swap3A_280 = tpu.vector_load %arg8[%swap3A_279] {strides = array<i32>} : memref<2048xi32, #tpu.memory_space<vmem>>, vector<16xi32>,
    %swap3A_281 = vector.shape_cast %swap3A_280 : vector<16xi32> to vector<16xi32>
    %swap3A_282 = vector.shape_cast %add3A_278 : vector<16xi32> to vector<16xi32>
    tpu.vector_store %arg8[%swap3A_279], %swap3A_282 {strides = array<i32>} : memref<2048xi32, #tpu.memory_space<vmem>>, vector<16xi32>,
    %add3A_283 = arith.constant 4 : i32
    %add3A_284 = vector.broadcast %add3A_283 : i32 to vector<16xi32>
    %add3A_285 = arith.addi %add3A_254, %add3A_284 : vector<16xi32>
    %swap3A_286 = arith.constant 544 : index
    %swap3A_287 = tpu.vector_load %arg8[%swap3A_286] {strides = array<i32>} : memref<2048xi32, #tpu.memory_space<vmem>>, vector<16xi32>,
    %swap3A_288 = vector.shape_cast %swap3A_287 : vector<16xi32> to vector<16xi32>
    %swap3A_289 = vector.shape_cast %add3A_285 : vector<16xi32> to vector<16xi32>
    tpu.vector_store %arg8[%swap3A_286], %swap3A_289 {strides = array<i32>} : memref<2048xi32, #tpu.memory_space<vmem>>, vector<16xi32>,
    %add3A_290 = arith.constant 5 : i32
    %add3A_291 = vector.broadcast %add3A_290 : i32 to vector<16xi32>
    %add3A_292 = arith.addi %add3A_254, %add3A_291 : vector<16xi32>
    %swap3A_293 = arith.constant 672 : index
    %swap3A_294 = tpu.vector_load %arg8[%swap3A_293] {strides = array<i32>} : memref<2048xi32, #tpu.memory_space<vmem>>, vector<16xi32>,
    %swap3A_295 = vector.shape_cast %swap3A_294 : vector<16xi32> to vector<16xi32>
    %swap3A_296 = vector.shape_cast %add3A_292 : vector<16xi32> to vector<16xi32>
    tpu.vector_store %arg8[%swap3A_293], %swap3A_296 {strides = array<i32>} : memref<2048xi32, #tpu.memory_space<vmem>>, vector<16xi32>,
    %add3A_297 = arith.constant 6 : i32
    %add3A_298 = vector.broadcast %add3A_297 : i32 to vector<16xi32>
    %add3A_299 = arith.addi %add3A_254, %add3A_298 : vector<16xi32>
    %swap3A_300 = arith.constant 800 : index
    %swap3A_301 = tpu.vector_load %arg8[%swap3A_300] {strides = array<i32>} : memref<2048xi32, #tpu.memory_space<vmem>>, vector<16xi32>,
    %swap3A_302 = vector.shape_cast %swap3A_301 : vector<16xi32> to vector<16xi32>
    %swap3A_303 = vector.shape_cast %add3A_299 : vector<16xi32> to vector<16xi32>
    tpu.vector_store %arg8[%swap3A_300], %swap3A_303 {strides = array<i32>} : memref<2048xi32, #tpu.memory_space<vmem>>, vector<16xi32>,
    %add3A_304 = arith.constant 7 : i32
    %add3A_305 = vector.broadcast %add3A_304 : i32 to vector<16xi32>
    %add3A_306 = arith.addi %add3A_254, %add3A_305 : vector<16xi32>
    %swap3A_307 = arith.constant 928 : index
    %swap3A_308 = tpu.vector_load %arg8[%swap3A_307] {strides = array<i32>} : memref<2048xi32, #tpu.memory_space<vmem>>, vector<16xi32>,
    %swap3A_309 = vector.shape_cast %swap3A_308 : vector<16xi32> to vector<16xi32>
    %swap3A_310 = vector.shape_cast %add3A_306 : vector<16xi32> to vector<16xi32>
    tpu.vector_store %arg8[%swap3A_307], %swap3A_310 {strides = array<i32>} : memref<2048xi32, #tpu.memory_space<vmem>>, vector<16xi32>,
    %add3A_311 = arith.constant 8 : i32
    %add3A_312 = vector.broadcast %add3A_311 : i32 to vector<16xi32>
    %add3A_313 = arith.addi %add3A_254, %add3A_312 : vector<16xi32>
    %swap3A_314 = arith.constant 1056 : index
    %swap3A_315 = tpu.vector_load %arg8[%swap3A_314] {strides = array<i32>} : memref<2048xi32, #tpu.memory_space<vmem>>, vector<16xi32>,
    %swap3A_316 = vector.shape_cast %swap3A_315 : vector<16xi32> to vector<16xi32>
    %swap3A_317 = vector.shape_cast %add3A_313 : vector<16xi32> to vector<16xi32>
    tpu.vector_store %arg8[%swap3A_314], %swap3A_317 {strides = array<i32>} : memref<2048xi32, #tpu.memory_space<vmem>>, vector<16xi32>,
    %add3A_318 = arith.constant 9 : i32
    %add3A_319 = vector.broadcast %add3A_318 : i32 to vector<16xi32>
    %add3A_320 = arith.addi %add3A_254, %add3A_319 : vector<16xi32>
    %swap3A_321 = arith.constant 1184 : index
    %swap3A_322 = tpu.vector_load %arg8[%swap3A_321] {strides = array<i32>} : memref<2048xi32, #tpu.memory_space<vmem>>, vector<16xi32>,
    %swap3A_323 = vector.shape_cast %swap3A_322 : vector<16xi32> to vector<16xi32>
    %swap3A_324 = vector.shape_cast %add3A_320 : vector<16xi32> to vector<16xi32>
    tpu.vector_store %arg8[%swap3A_321], %swap3A_324 {strides = array<i32>} : memref<2048xi32, #tpu.memory_space<vmem>>, vector<16xi32>,
    %add3A_325 = arith.constant 10 : i32
    %add3A_326 = vector.broadcast %add3A_325 : i32 to vector<16xi32>
    %add3A_327 = arith.addi %add3A_254, %add3A_326 : vector<16xi32>
    %swap3A_328 = arith.constant 1312 : index
    %swap3A_329 = tpu.vector_load %arg8[%swap3A_328] {strides = array<i32>} : memref<2048xi32, #tpu.memory_space<vmem>>, vector<16xi32>,
    %swap3A_330 = vector.shape_cast %swap3A_329 : vector<16xi32> to vector<16xi32>
    %swap3A_331 = vector.shape_cast %add3A_327 : vector<16xi32> to vector<16xi32>
    tpu.vector_store %arg8[%swap3A_328], %swap3A_331 {strides = array<i32>} : memref<2048xi32, #tpu.memory_space<vmem>>, vector<16xi32>,
    %add3A_332 = arith.constant 11 : i32
    %add3A_333 = vector.broadcast %add3A_332 : i32 to vector<16xi32>
    %add3A_334 = arith.addi %add3A_254, %add3A_333 : vector<16xi32>
    %swap3A_335 = arith.constant 1440 : index
    %swap3A_336 = tpu.vector_load %arg8[%swap3A_335] {strides = array<i32>} : memref<2048xi32, #tpu.memory_space<vmem>>, vector<16xi32>,
    %swap3A_337 = vector.shape_cast %swap3A_336 : vector<16xi32> to vector<16xi32>
    %swap3A_338 = vector.shape_cast %add3A_334 : vector<16xi32> to vector<16xi32>
    tpu.vector_store %arg8[%swap3A_335], %swap3A_338 {strides = array<i32>} : memref<2048xi32, #tpu.memory_space<vmem>>, vector<16xi32>,
    %add3A_339 = arith.constant 12 : i32
    %add3A_340 = vector.broadcast %add3A_339 : i32 to vector<16xi32>
    %add3A_341 = arith.addi %add3A_254, %add3A_340 : vector<16xi32>
    %swap3A_342 = arith.constant 1568 : index
    %swap3A_343 = tpu.vector_load %arg8[%swap3A_342] {strides = array<i32>} : memref<2048xi32, #tpu.memory_space<vmem>>, vector<16xi32>,
    %swap3A_344 = vector.shape_cast %swap3A_343 : vector<16xi32> to vector<16xi32>
    %swap3A_345 = vector.shape_cast %add3A_341 : vector<16xi32> to vector<16xi32>
    tpu.vector_store %arg8[%swap3A_342], %swap3A_345 {strides = array<i32>} : memref<2048xi32, #tpu.memory_space<vmem>>, vector<16xi32>,
    %add3A_346 = arith.constant 13 : i32
    %add3A_347 = vector.broadcast %add3A_346 : i32 to vector<16xi32>
    %add3A_348 = arith.addi %add3A_254, %add3A_347 : vector<16xi32>
    %swap3A_349 = arith.constant 1696 : index
    %swap3A_350 = tpu.vector_load %arg8[%swap3A_349] {strides = array<i32>} : memref<2048xi32, #tpu.memory_space<vmem>>, vector<16xi32>,
    %swap3A_351 = vector.shape_cast %swap3A_350 : vector<16xi32> to vector<16xi32>
    %swap3A_352 = vector.shape_cast %add3A_348 : vector<16xi32> to vector<16xi32>
    tpu.vector_store %arg8[%swap3A_349], %swap3A_352 {strides = array<i32>} : memref<2048xi32, #tpu.memory_space<vmem>>, vector<16xi32>,
    %add3A_353 = arith.constant 14 : i32
    %add3A_354 = vector.broadcast %add3A_353 : i32 to vector<16xi32>
    %add3A_355 = arith.addi %add3A_254, %add3A_354 : vector<16xi32>
    %swap3A_356 = arith.constant 1824 : index
    %swap3A_357 = tpu.vector_load %arg8[%swap3A_356] {strides = array<i32>} : memref<2048xi32, #tpu.memory_space<vmem>>, vector<16xi32>,
    %swap3A_358 = vector.shape_cast %swap3A_357 : vector<16xi32> to vector<16xi32>
    %swap3A_359 = vector.shape_cast %add3A_355 : vector<16xi32> to vector<16xi32>
    tpu.vector_store %arg8[%swap3A_356], %swap3A_359 {strides = array<i32>} : memref<2048xi32, #tpu.memory_space<vmem>>, vector<16xi32>,
    %add3A_360 = arith.constant 15 : i32
    %add3A_361 = vector.broadcast %add3A_360 : i32 to vector<16xi32>
    %add3A_362 = arith.addi %add3A_254, %add3A_361 : vector<16xi32>
    %swap3A_363 = arith.constant 1952 : index
    %swap3A_364 = tpu.vector_load %arg8[%swap3A_363] {strides = array<i32>} : memref<2048xi32, #tpu.memory_space<vmem>>, vector<16xi32>,
    %swap3A_365 = vector.shape_cast %swap3A_364 : vector<16xi32> to vector<16xi32>
    %swap3A_366 = vector.shape_cast %add3A_362 : vector<16xi32> to vector<16xi32>
    tpu.vector_store %arg8[%swap3A_363], %swap3A_366 {strides = array<i32>} : memref<2048xi32, #tpu.memory_space<vmem>>, vector<16xi32>,
    %get3A_367 = arith.constant 48 : index
    %get3A_368 = tpu.vector_load %arg7[%get3A_367] {strides = array<i32>} : memref<128xi32, #tpu.memory_space<vmem>>, vector<16xi32>,
    %get3A_369 = vector.shape_cast %get3A_368 : vector<16xi32> to vector<16xi32>
    %mul3A_370 = arith.constant 16 : i32
    %mul3A_371 = vector.broadcast %mul3A_370 : i32 to vector<16xi32>
    %mul3A_372 = arith.muli %get3A_369, %mul3A_371 : vector<16xi32>
    %mul3A_373 = arith.constant 4096 : i32
    %mul3A_374 = arith.muli %add3A, %mul3A_373 : i32
    %add3A_375 = vector.broadcast %mul3A_374 : i32 to vector<16xi32>
    %add3A_376 = arith.addi %mul3A_372, %add3A_375 : vector<16xi32>
    %add3A_377 = arith.constant 0 : i32
    %add3A_378 = vector.broadcast %add3A_377 : i32 to vector<16xi32>
    %add3A_379 = arith.addi %add3A_376, %add3A_378 : vector<16xi32>
    %swap3A_380 = arith.constant 48 : index
    %swap3A_381 = tpu.vector_load %arg8[%swap3A_380] {strides = array<i32>} : memref<2048xi32, #tpu.memory_space<vmem>>, vector<16xi32>,
    %swap3A_382 = vector.shape_cast %swap3A_381 : vector<16xi32> to vector<16xi32>
    %swap3A_383 = vector.shape_cast %add3A_379 : vector<16xi32> to vector<16xi32>
    tpu.vector_store %arg8[%swap3A_380], %swap3A_383 {strides = array<i32>} : memref<2048xi32, #tpu.memory_space<vmem>>, vector<16xi32>,
    %add3A_384 = arith.constant 1 : i32
    %add3A_385 = vector.broadcast %add3A_384 : i32 to vector<16xi32>
    %add3A_386 = arith.addi %add3A_376, %add3A_385 : vector<16xi32>
    %swap3A_387 = arith.constant 176 : index
    %swap3A_388 = tpu.vector_load %arg8[%swap3A_387] {strides = array<i32>} : memref<2048xi32, #tpu.memory_space<vmem>>, vector<16xi32>,
    %swap3A_389 = vector.shape_cast %swap3A_388 : vector<16xi32> to vector<16xi32>
    %swap3A_390 = vector.shape_cast %add3A_386 : vector<16xi32> to vector<16xi32>
    tpu.vector_store %arg8[%swap3A_387], %swap3A_390 {strides = array<i32>} : memref<2048xi32, #tpu.memory_space<vmem>>, vector<16xi32>,
    %add3A_391 = arith.constant 2 : i32
    %add3A_392 = vector.broadcast %add3A_391 : i32 to vector<16xi32>
    %add3A_393 = arith.addi %add3A_376, %add3A_392 : vector<16xi32>
    %swap3A_394 = arith.constant 304 : index
    %swap3A_395 = tpu.vector_load %arg8[%swap3A_394] {strides = array<i32>} : memref<2048xi32, #tpu.memory_space<vmem>>, vector<16xi32>,
    %swap3A_396 = vector.shape_cast %swap3A_395 : vector<16xi32> to vector<16xi32>
    %swap3A_397 = vector.shape_cast %add3A_393 : vector<16xi32> to vector<16xi32>
    tpu.vector_store %arg8[%swap3A_394], %swap3A_397 {strides = array<i32>} : memref<2048xi32, #tpu.memory_space<vmem>>, vector<16xi32>,
    %add3A_398 = arith.constant 3 : i32
    %add3A_399 = vector.broadcast %add3A_398 : i32 to vector<16xi32>
    %add3A_400 = arith.addi %add3A_376, %add3A_399 : vector<16xi32>
    %swap3A_401 = arith.constant 432 : index
    %swap3A_402 = tpu.vector_load %arg8[%swap3A_401] {strides = array<i32>} : memref<2048xi32, #tpu.memory_space<vmem>>, vector<16xi32>,
    %swap3A_403 = vector.shape_cast %swap3A_402 : vector<16xi32> to vector<16xi32>
    %swap3A_404 = vector.shape_cast %add3A_400 : vector<16xi32> to vector<16xi32>
    tpu.vector_store %arg8[%swap3A_401], %swap3A_404 {strides = array<i32>} : memref<2048xi32, #tpu.memory_space<vmem>>, vector<16xi32>,
    %add3A_405 = arith.constant 4 : i32
    %add3A_406 = vector.broadcast %add3A_405 : i32 to vector<16xi32>
    %add3A_407 = arith.addi %add3A_376, %add3A_406 : vector<16xi32>
    %swap3A_408 = arith.constant 560 : index
    %swap3A_409 = tpu.vector_load %arg8[%swap3A_408] {strides = array<i32>} : memref<2048xi32, #tpu.memory_space<vmem>>, vector<16xi32>,
    %swap3A_410 = vector.shape_cast %swap3A_409 : vector<16xi32> to vector<16xi32>
    %swap3A_411 = vector.shape_cast %add3A_407 : vector<16xi32> to vector<16xi32>
    tpu.vector_store %arg8[%swap3A_408], %swap3A_411 {strides = array<i32>} : memref<2048xi32, #tpu.memory_space<vmem>>, vector<16xi32>,
    %add3A_412 = arith.constant 5 : i32
    %add3A_413 = vector.broadcast %add3A_412 : i32 to vector<16xi32>
    %add3A_414 = arith.addi %add3A_376, %add3A_413 : vector<16xi32>
    %swap3A_415 = arith.constant 688 : index
    %swap3A_416 = tpu.vector_load %arg8[%swap3A_415] {strides = array<i32>} : memref<2048xi32, #tpu.memory_space<vmem>>, vector<16xi32>,
    %swap3A_417 = vector.shape_cast %swap3A_416 : vector<16xi32> to vector<16xi32>
    %swap3A_418 = vector.shape_cast %add3A_414 : vector<16xi32> to vector<16xi32>
    tpu.vector_store %arg8[%swap3A_415], %swap3A_418 {strides = array<i32>} : memref<2048xi32, #tpu.memory_space<vmem>>, vector<16xi32>,
    %add3A_419 = arith.constant 6 : i32
    %add3A_420 = vector.broadcast %add3A_419 : i32 to vector<16xi32>
    %add3A_421 = arith.addi %add3A_376, %add3A_420 : vector<16xi32>
    %swap3A_422 = arith.constant 816 : index
    %swap3A_423 = tpu.vector_load %arg8[%swap3A_422] {strides = array<i32>} : memref<2048xi32, #tpu.memory_space<vmem>>, vector<16xi32>,
    %swap3A_424 = vector.shape_cast %swap3A_423 : vector<16xi32> to vector<16xi32>
    %swap3A_425 = vector.shape_cast %add3A_421 : vector<16xi32> to vector<16xi32>
    tpu.vector_store %arg8[%swap3A_422], %swap3A_425 {strides = array<i32>} : memref<2048xi32, #tpu.memory_space<vmem>>, vector<16xi32>,
    %add3A_426 = arith.constant 7 : i32
    %add3A_427 = vector.broadcast %add3A_426 : i32 to vector<16xi32>
    %add3A_428 = arith.addi %add3A_376, %add3A_427 : vector<16xi32>
    %swap3A_429 = arith.constant 944 : index
    %swap3A_430 = tpu.vector_load %arg8[%swap3A_429] {strides = array<i32>} : memref<2048xi32, #tpu.memory_space<vmem>>, vector<16xi32>,
    %swap3A_431 = vector.shape_cast %swap3A_430 : vector<16xi32> to vector<16xi32>
    %swap3A_432 = vector.shape_cast %add3A_428 : vector<16xi32> to vector<16xi32>
    tpu.vector_store %arg8[%swap3A_429], %swap3A_432 {strides = array<i32>} : memref<2048xi32, #tpu.memory_space<vmem>>, vector<16xi32>,
    %add3A_433 = arith.constant 8 : i32
    %add3A_434 = vector.broadcast %add3A_433 : i32 to vector<16xi32>
    %add3A_435 = arith.addi %add3A_376, %add3A_434 : vector<16xi32>
    %swap3A_436 = arith.constant 1072 : index
    %swap3A_437 = tpu.vector_load %arg8[%swap3A_436] {strides = array<i32>} : memref<2048xi32, #tpu.memory_space<vmem>>, vector<16xi32>,
    %swap3A_438 = vector.shape_cast %swap3A_437 : vector<16xi32> to vector<16xi32>
    %swap3A_439 = vector.shape_cast %add3A_435 : vector<16xi32> to vector<16xi32>
    tpu.vector_store %arg8[%swap3A_436], %swap3A_439 {strides = array<i32>} : memref<2048xi32, #tpu.memory_space<vmem>>, vector<16xi32>,
    %add3A_440 = arith.constant 9 : i32
    %add3A_441 = vector.broadcast %add3A_440 : i32 to vector<16xi32>
    %add3A_442 = arith.addi %add3A_376, %add3A_441 : vector<16xi32>
    %swap3A_443 = arith.constant 1200 : index
    %swap3A_444 = tpu.vector_load %arg8[%swap3A_443] {strides = array<i32>} : memref<2048xi32, #tpu.memory_space<vmem>>, vector<16xi32>,
    %swap3A_445 = vector.shape_cast %swap3A_444 : vector<16xi32> to vector<16xi32>
    %swap3A_446 = vector.shape_cast %add3A_442 : vector<16xi32> to vector<16xi32>
    tpu.vector_store %arg8[%swap3A_443], %swap3A_446 {strides = array<i32>} : memref<2048xi32, #tpu.memory_space<vmem>>, vector<16xi32>,
    %add3A_447 = arith.constant 10 : i32
    %add3A_448 = vector.broadcast %add3A_447 : i32 to vector<16xi32>
    %add3A_449 = arith.addi %add3A_376, %add3A_448 : vector<16xi32>
    %swap3A_450 = arith.constant 1328 : index
    %swap3A_451 = tpu.vector_load %arg8[%swap3A_450] {strides = array<i32>} : memref<2048xi32, #tpu.memory_space<vmem>>, vector<16xi32>,
    %swap3A_452 = vector.shape_cast %swap3A_451 : vector<16xi32> to vector<16xi32>
    %swap3A_453 = vector.shape_cast %add3A_449 : vector<16xi32> to vector<16xi32>
    tpu.vector_store %arg8[%swap3A_450], %swap3A_453 {strides = array<i32>} : memref<2048xi32, #tpu.memory_space<vmem>>, vector<16xi32>,
    %add3A_454 = arith.constant 11 : i32
    %add3A_455 = vector.broadcast %add3A_454 : i32 to vector<16xi32>
    %add3A_456 = arith.addi %add3A_376, %add3A_455 : vector<16xi32>
    %swap3A_457 = arith.constant 1456 : index
    %swap3A_458 = tpu.vector_load %arg8[%swap3A_457] {strides = array<i32>} : memref<2048xi32, #tpu.memory_space<vmem>>, vector<16xi32>,
    %swap3A_459 = vector.shape_cast %swap3A_458 : vector<16xi32> to vector<16xi32>
    %swap3A_460 = vector.shape_cast %add3A_456 : vector<16xi32> to vector<16xi32>
    tpu.vector_store %arg8[%swap3A_457], %swap3A_460 {strides = array<i32>} : memref<2048xi32, #tpu.memory_space<vmem>>, vector<16xi32>,
    %add3A_461 = arith.constant 12 : i32
    %add3A_462 = vector.broadcast %add3A_461 : i32 to vector<16xi32>
    %add3A_463 = arith.addi %add3A_376, %add3A_462 : vector<16xi32>
    %swap3A_464 = arith.constant 1584 : index
    %swap3A_465 = tpu.vector_load %arg8[%swap3A_464] {strides = array<i32>} : memref<2048xi32, #tpu.memory_space<vmem>>, vector<16xi32>,
    %swap3A_466 = vector.shape_cast %swap3A_465 : vector<16xi32> to vector<16xi32>
    %swap3A_467 = vector.shape_cast %add3A_463 : vector<16xi32> to vector<16xi32>
    tpu.vector_store %arg8[%swap3A_464], %swap3A_467 {strides = array<i32>} : memref<2048xi32, #tpu.memory_space<vmem>>, vector<16xi32>,
    %add3A_468 = arith.constant 13 : i32
    %add3A_469 = vector.broadcast %add3A_468 : i32 to vector<16xi32>
    %add3A_470 = arith.addi %add3A_376, %add3A_469 : vector<16xi32>
    %swap3A_471 = arith.constant 1712 : index
    %swap3A_472 = tpu.vector_load %arg8[%swap3A_471] {strides = array<i32>} : memref<2048xi32, #tpu.memory_space<vmem>>, vector<16xi32>,
    %swap3A_473 = vector.shape_cast %swap3A_472 : vector<16xi32> to vector<16xi32>
    %swap3A_474 = vector.shape_cast %add3A_470 : vector<16xi32> to vector<16xi32>
    tpu.vector_store %arg8[%swap3A_471], %swap3A_474 {strides = array<i32>} : memref<2048xi32, #tpu.memory_space<vmem>>, vector<16xi32>,
    %add3A_475 = arith.constant 14 : i32
    %add3A_476 = vector.broadcast %add3A_475 : i32 to vector<16xi32>
    %add3A_477 = arith.addi %add3A_376, %add3A_476 : vector<16xi32>
    %swap3A_478 = arith.constant 1840 : index
    %swap3A_479 = tpu.vector_load %arg8[%swap3A_478] {strides = array<i32>} : memref<2048xi32, #tpu.memory_space<vmem>>, vector<16xi32>,
    %swap3A_480 = vector.shape_cast %swap3A_479 : vector<16xi32> to vector<16xi32>
    %swap3A_481 = vector.shape_cast %add3A_477 : vector<16xi32> to vector<16xi32>
    tpu.vector_store %arg8[%swap3A_478], %swap3A_481 {strides = array<i32>} : memref<2048xi32, #tpu.memory_space<vmem>>, vector<16xi32>,
    %add3A_482 = arith.constant 15 : i32
    %add3A_483 = vector.broadcast %add3A_482 : i32 to vector<16xi32>
    %add3A_484 = arith.addi %add3A_376, %add3A_483 : vector<16xi32>
    %swap3A_485 = arith.constant 1968 : index
    %swap3A_486 = tpu.vector_load %arg8[%swap3A_485] {strides = array<i32>} : memref<2048xi32, #tpu.memory_space<vmem>>, vector<16xi32>,
    %swap3A_487 = vector.shape_cast %swap3A_486 : vector<16xi32> to vector<16xi32>
    %swap3A_488 = vector.shape_cast %add3A_484 : vector<16xi32> to vector<16xi32>
    tpu.vector_store %arg8[%swap3A_485], %swap3A_488 {strides = array<i32>} : memref<2048xi32, #tpu.memory_space<vmem>>, vector<16xi32>,
    %get3A_489 = arith.constant 64 : index
    %get3A_490 = tpu.vector_load %arg7[%get3A_489] {strides = array<i32>} : memref<128xi32, #tpu.memory_space<vmem>>, vector<16xi32>,
    %get3A_491 = vector.shape_cast %get3A_490 : vector<16xi32> to vector<16xi32>
    %mul3A_492 = arith.constant 16 : i32
    %mul3A_493 = vector.broadcast %mul3A_492 : i32 to vector<16xi32>
    %mul3A_494 = arith.muli %get3A_491, %mul3A_493 : vector<16xi32>
    %mul3A_495 = arith.constant 4096 : i32
    %mul3A_496 = arith.muli %add3A, %mul3A_495 : i32
    %add3A_497 = vector.broadcast %mul3A_496 : i32 to vector<16xi32>
    %add3A_498 = arith.addi %mul3A_494, %add3A_497 : vector<16xi32>
    %add3A_499 = arith.constant 0 : i32
    %add3A_500 = vector.broadcast %add3A_499 : i32 to vector<16xi32>
    %add3A_501 = arith.addi %add3A_498, %add3A_500 : vector<16xi32>
    %swap3A_502 = arith.constant 64 : index
    %swap3A_503 = tpu.vector_load %arg8[%swap3A_502] {strides = array<i32>} : memref<2048xi32, #tpu.memory_space<vmem>>, vector<16xi32>,
    %swap3A_504 = vector.shape_cast %swap3A_503 : vector<16xi32> to vector<16xi32>
    %swap3A_505 = vector.shape_cast %add3A_501 : vector<16xi32> to vector<16xi32>
    tpu.vector_store %arg8[%swap3A_502], %swap3A_505 {strides = array<i32>} : memref<2048xi32, #tpu.memory_space<vmem>>, vector<16xi32>,
    %add3A_506 = arith.constant 1 : i32
    %add3A_507 = vector.broadcast %add3A_506 : i32 to vector<16xi32>
    %add3A_508 = arith.addi %add3A_498, %add3A_507 : vector<16xi32>
    %swap3A_509 = arith.constant 192 : index
    %swap3A_510 = tpu.vector_load %arg8[%swap3A_509] {strides = array<i32>} : memref<2048xi32, #tpu.memory_space<vmem>>, vector<16xi32>,
    %swap3A_511 = vector.shape_cast %swap3A_510 : vector<16xi32> to vector<16xi32>
    %swap3A_512 = vector.shape_cast %add3A_508 : vector<16xi32> to vector<16xi32>
    tpu.vector_store %arg8[%swap3A_509], %swap3A_512 {strides = array<i32>} : memref<2048xi32, #tpu.memory_space<vmem>>, vector<16xi32>,
    %add3A_513 = arith.constant 2 : i32
    %add3A_514 = vector.broadcast %add3A_513 : i32 to vector<16xi32>
    %add3A_515 = arith.addi %add3A_498, %add3A_514 : vector<16xi32>
    %swap3A_516 = arith.constant 320 : index
    %swap3A_517 = tpu.vector_load %arg8[%swap3A_516] {strides = array<i32>} : memref<2048xi32, #tpu.memory_space<vmem>>, vector<16xi32>,
    %swap3A_518 = vector.shape_cast %swap3A_517 : vector<16xi32> to vector<16xi32>
    %swap3A_519 = vector.shape_cast %add3A_515 : vector<16xi32> to vector<16xi32>
    tpu.vector_store %arg8[%swap3A_516], %swap3A_519 {strides = array<i32>} : memref<2048xi32, #tpu.memory_space<vmem>>, vector<16xi32>,
    %add3A_520 = arith.constant 3 : i32
    %add3A_521 = vector.broadcast %add3A_520 : i32 to vector<16xi32>
    %add3A_522 = arith.addi %add3A_498, %add3A_521 : vector<16xi32>
    %swap3A_523 = arith.constant 448 : index
    %swap3A_524 = tpu.vector_load %arg8[%swap3A_523] {strides = array<i32>} : memref<2048xi32, #tpu.memory_space<vmem>>, vector<16xi32>,
    %swap3A_525 = vector.shape_cast %swap3A_524 : vector<16xi32> to vector<16xi32>
    %swap3A_526 = vector.shape_cast %add3A_522 : vector<16xi32> to vector<16xi32>
    tpu.vector_store %arg8[%swap3A_523], %swap3A_526 {strides = array<i32>} : memref<2048xi32, #tpu.memory_space<vmem>>, vector<16xi32>,
    %add3A_527 = arith.constant 4 : i32
    %add3A_528 = vector.broadcast %add3A_527 : i32 to vector<16xi32>
    %add3A_529 = arith.addi %add3A_498, %add3A_528 : vector<16xi32>
    %swap3A_530 = arith.constant 576 : index
    %swap3A_531 = tpu.vector_load %arg8[%swap3A_530] {strides = array<i32>} : memref<2048xi32, #tpu.memory_space<vmem>>, vector<16xi32>,
    %swap3A_532 = vector.shape_cast %swap3A_531 : vector<16xi32> to vector<16xi32>
    %swap3A_533 = vector.shape_cast %add3A_529 : vector<16xi32> to vector<16xi32>
    tpu.vector_store %arg8[%swap3A_530], %swap3A_533 {strides = array<i32>} : memref<2048xi32, #tpu.memory_space<vmem>>, vector<16xi32>,
    %add3A_534 = arith.constant 5 : i32
    %add3A_535 = vector.broadcast %add3A_534 : i32 to vector<16xi32>
    %add3A_536 = arith.addi %add3A_498, %add3A_535 : vector<16xi32>
    %swap3A_537 = arith.constant 704 : index
    %swap3A_538 = tpu.vector_load %arg8[%swap3A_537] {strides = array<i32>} : memref<2048xi32, #tpu.memory_space<vmem>>, vector<16xi32>,
    %swap3A_539 = vector.shape_cast %swap3A_538 : vector<16xi32> to vector<16xi32>
    %swap3A_540 = vector.shape_cast %add3A_536 : vector<16xi32> to vector<16xi32>
    tpu.vector_store %arg8[%swap3A_537], %swap3A_540 {strides = array<i32>} : memref<2048xi32, #tpu.memory_space<vmem>>, vector<16xi32>,
    %add3A_541 = arith.constant 6 : i32
    %add3A_542 = vector.broadcast %add3A_541 : i32 to vector<16xi32>
    %add3A_543 = arith.addi %add3A_498, %add3A_542 : vector<16xi32>
    %swap3A_544 = arith.constant 832 : index
    %swap3A_545 = tpu.vector_load %arg8[%swap3A_544] {strides = array<i32>} : memref<2048xi32, #tpu.memory_space<vmem>>, vector<16xi32>,
    %swap3A_546 = vector.shape_cast %swap3A_545 : vector<16xi32> to vector<16xi32>
    %swap3A_547 = vector.shape_cast %add3A_543 : vector<16xi32> to vector<16xi32>
    tpu.vector_store %arg8[%swap3A_544], %swap3A_547 {strides = array<i32>} : memref<2048xi32, #tpu.memory_space<vmem>>, vector<16xi32>,
    %add3A_548 = arith.constant 7 : i32
    %add3A_549 = vector.broadcast %add3A_548 : i32 to vector<16xi32>
    %add3A_550 = arith.addi %add3A_498, %add3A_549 : vector<16xi32>
    %swap3A_551 = arith.constant 960 : index
    %swap3A_552 = tpu.vector_load %arg8[%swap3A_551] {strides = array<i32>} : memref<2048xi32, #tpu.memory_space<vmem>>, vector<16xi32>,
    %swap3A_553 = vector.shape_cast %swap3A_552 : vector<16xi32> to vector<16xi32>
    %swap3A_554 = vector.shape_cast %add3A_550 : vector<16xi32> to vector<16xi32>
    tpu.vector_store %arg8[%swap3A_551], %swap3A_554 {strides = array<i32>} : memref<2048xi32, #tpu.memory_space<vmem>>, vector<16xi32>,
    %add3A_555 = arith.constant 8 : i32
    %add3A_556 = vector.broadcast %add3A_555 : i32 to vector<16xi32>
    %add3A_557 = arith.addi %add3A_498, %add3A_556 : vector<16xi32>
    %swap3A_558 = arith.constant 1088 : index
    %swap3A_559 = tpu.vector_load %arg8[%swap3A_558] {strides = array<i32>} : memref<2048xi32, #tpu.memory_space<vmem>>, vector<16xi32>,
    %swap3A_560 = vector.shape_cast %swap3A_559 : vector<16xi32> to vector<16xi32>
    %swap3A_561 = vector.shape_cast %add3A_557 : vector<16xi32> to vector<16xi32>
    tpu.vector_store %arg8[%swap3A_558], %swap3A_561 {strides = array<i32>} : memref<2048xi32, #tpu.memory_space<vmem>>, vector<16xi32>,
    %add3A_562 = arith.constant 9 : i32
    %add3A_563 = vector.broadcast %add3A_562 : i32 to vector<16xi32>
    %add3A_564 = arith.addi %add3A_498, %add3A_563 : vector<16xi32>
    %swap3A_565 = arith.constant 1216 : index
    %swap3A_566 = tpu.vector_load %arg8[%swap3A_565] {strides = array<i32>} : memref<2048xi32, #tpu.memory_space<vmem>>, vector<16xi32>,
    %swap3A_567 = vector.shape_cast %swap3A_566 : vector<16xi32> to vector<16xi32>
    %swap3A_568 = vector.shape_cast %add3A_564 : vector<16xi32> to vector<16xi32>
    tpu.vector_store %arg8[%swap3A_565], %swap3A_568 {strides = array<i32>} : memref<2048xi32, #tpu.memory_space<vmem>>, vector<16xi32>,
    %add3A_569 = arith.constant 10 : i32
    %add3A_570 = vector.broadcast %add3A_569 : i32 to vector<16xi32>
    %add3A_571 = arith.addi %add3A_498, %add3A_570 : vector<16xi32>
    %swap3A_572 = arith.constant 1344 : index
    %swap3A_573 = tpu.vector_load %arg8[%swap3A_572] {strides = array<i32>} : memref<2048xi32, #tpu.memory_space<vmem>>, vector<16xi32>,
    %swap3A_574 = vector.shape_cast %swap3A_573 : vector<16xi32> to vector<16xi32>
    %swap3A_575 = vector.shape_cast %add3A_571 : vector<16xi32> to vector<16xi32>
    tpu.vector_store %arg8[%swap3A_572], %swap3A_575 {strides = array<i32>} : memref<2048xi32, #tpu.memory_space<vmem>>, vector<16xi32>,
    %add3A_576 = arith.constant 11 : i32
    %add3A_577 = vector.broadcast %add3A_576 : i32 to vector<16xi32>
    %add3A_578 = arith.addi %add3A_498, %add3A_577 : vector<16xi32>
    %swap3A_579 = arith.constant 1472 : index
    %swap3A_580 = tpu.vector_load %arg8[%swap3A_579] {strides = array<i32>} : memref<2048xi32, #tpu.memory_space<vmem>>, vector<16xi32>,
    %swap3A_581 = vector.shape_cast %swap3A_580 : vector<16xi32> to vector<16xi32>
    %swap3A_582 = vector.shape_cast %add3A_578 : vector<16xi32> to vector<16xi32>
    tpu.vector_store %arg8[%swap3A_579], %swap3A_582 {strides = array<i32>} : memref<2048xi32, #tpu.memory_space<vmem>>, vector<16xi32>,
    %add3A_583 = arith.constant 12 : i32
    %add3A_584 = vector.broadcast %add3A_583 : i32 to vector<16xi32>
    %add3A_585 = arith.addi %add3A_498, %add3A_584 : vector<16xi32>
    %swap3A_586 = arith.constant 1600 : index
    %swap3A_587 = tpu.vector_load %arg8[%swap3A_586] {strides = array<i32>} : memref<2048xi32, #tpu.memory_space<vmem>>, vector<16xi32>,
    %swap3A_588 = vector.shape_cast %swap3A_587 : vector<16xi32> to vector<16xi32>
    %swap3A_589 = vector.shape_cast %add3A_585 : vector<16xi32> to vector<16xi32>
    tpu.vector_store %arg8[%swap3A_586], %swap3A_589 {strides = array<i32>} : memref<2048xi32, #tpu.memory_space<vmem>>, vector<16xi32>,
    %add3A_590 = arith.constant 13 : i32
    %add3A_591 = vector.broadcast %add3A_590 : i32 to vector<16xi32>
    %add3A_592 = arith.addi %add3A_498, %add3A_591 : vector<16xi32>
    %swap3A_593 = arith.constant 1728 : index
    %swap3A_594 = tpu.vector_load %arg8[%swap3A_593] {strides = array<i32>} : memref<2048xi32, #tpu.memory_space<vmem>>, vector<16xi32>,
    %swap3A_595 = vector.shape_cast %swap3A_594 : vector<16xi32> to vector<16xi32>
    %swap3A_596 = vector.shape_cast %add3A_592 : vector<16xi32> to vector<16xi32>
    tpu.vector_store %arg8[%swap3A_593], %swap3A_596 {strides = array<i32>} : memref<2048xi32, #tpu.memory_space<vmem>>, vector<16xi32>,
    %add3A_597 = arith.constant 14 : i32
    %add3A_598 = vector.broadcast %add3A_597 : i32 to vector<16xi32>
    %add3A_599 = arith.addi %add3A_498, %add3A_598 : vector<16xi32>
    %swap3A_600 = arith.constant 1856 : index
    %swap3A_601 = tpu.vector_load %arg8[%swap3A_600] {strides = array<i32>} : memref<2048xi32, #tpu.memory_space<vmem>>, vector<16xi32>,
    %swap3A_602 = vector.shape_cast %swap3A_601 : vector<16xi32> to vector<16xi32>
    %swap3A_603 = vector.shape_cast %add3A_599 : vector<16xi32> to vector<16xi32>
    tpu.vector_store %arg8[%swap3A_600], %swap3A_603 {strides = array<i32>} : memref<2048xi32, #tpu.memory_space<vmem>>, vector<16xi32>,
    %add3A_604 = arith.constant 15 : i32
    %add3A_605 = vector.broadcast %add3A_604 : i32 to vector<16xi32>
    %add3A_606 = arith.addi %add3A_498, %add3A_605 : vector<16xi32>
    %swap3A_607 = arith.constant 1984 : index
    %swap3A_608 = tpu.vector_load %arg8[%swap3A_607] {strides = array<i32>} : memref<2048xi32, #tpu.memory_space<vmem>>, vector<16xi32>,
    %swap3A_609 = vector.shape_cast %swap3A_608 : vector<16xi32> to vector<16xi32>
    %swap3A_610 = vector.shape_cast %add3A_606 : vector<16xi32> to vector<16xi32>
    tpu.vector_store %arg8[%swap3A_607], %swap3A_610 {strides = array<i32>} : memref<2048xi32, #tpu.memory_space<vmem>>, vector<16xi32>,
    %get3A_611 = arith.constant 80 : index
    %get3A_612 = tpu.vector_load %arg7[%get3A_611] {strides = array<i32>} : memref<128xi32, #tpu.memory_space<vmem>>, vector<16xi32>,
    %get3A_613 = vector.shape_cast %get3A_612 : vector<16xi32> to vector<16xi32>
    %mul3A_614 = arith.constant 16 : i32
    %mul3A_615 = vector.broadcast %mul3A_614 : i32 to vector<16xi32>
    %mul3A_616 = arith.muli %get3A_613, %mul3A_615 : vector<16xi32>
    %mul3A_617 = arith.constant 4096 : i32
    %mul3A_618 = arith.muli %add3A, %mul3A_617 : i32
    %add3A_619 = vector.broadcast %mul3A_618 : i32 to vector<16xi32>
    %add3A_620 = arith.addi %mul3A_616, %add3A_619 : vector<16xi32>
    %add3A_621 = arith.constant 0 : i32
    %add3A_622 = vector.broadcast %add3A_621 : i32 to vector<16xi32>
    %add3A_623 = arith.addi %add3A_620, %add3A_622 : vector<16xi32>
    %swap3A_624 = arith.constant 80 : index
    %swap3A_625 = tpu.vector_load %arg8[%swap3A_624] {strides = array<i32>} : memref<2048xi32, #tpu.memory_space<vmem>>, vector<16xi32>,
    %swap3A_626 = vector.shape_cast %swap3A_625 : vector<16xi32> to vector<16xi32>
    %swap3A_627 = vector.shape_cast %add3A_623 : vector<16xi32> to vector<16xi32>
    tpu.vector_store %arg8[%swap3A_624], %swap3A_627 {strides = array<i32>} : memref<2048xi32, #tpu.memory_space<vmem>>, vector<16xi32>,
    %add3A_628 = arith.constant 1 : i32
    %add3A_629 = vector.broadcast %add3A_628 : i32 to vector<16xi32>
    %add3A_630 = arith.addi %add3A_620, %add3A_629 : vector<16xi32>
    %swap3A_631 = arith.constant 208 : index
    %swap3A_632 = tpu.vector_load %arg8[%swap3A_631] {strides = array<i32>} : memref<2048xi32, #tpu.memory_space<vmem>>, vector<16xi32>,
    %swap3A_633 = vector.shape_cast %swap3A_632 : vector<16xi32> to vector<16xi32>
    %swap3A_634 = vector.shape_cast %add3A_630 : vector<16xi32> to vector<16xi32>
    tpu.vector_store %arg8[%swap3A_631], %swap3A_634 {strides = array<i32>} : memref<2048xi32, #tpu.memory_space<vmem>>, vector<16xi32>,
    %add3A_635 = arith.constant 2 : i32
    %add3A_636 = vector.broadcast %add3A_635 : i32 to vector<16xi32>
    %add3A_637 = arith.addi %add3A_620, %add3A_636 : vector<16xi32>
    %swap3A_638 = arith.constant 336 : index
    %swap3A_639 = tpu.vector_load %arg8[%swap3A_638] {strides = array<i32>} : memref<2048xi32, #tpu.memory_space<vmem>>, vector<16xi32>,
    %swap3A_640 = vector.shape_cast %swap3A_639 : vector<16xi32> to vector<16xi32>
    %swap3A_641 = vector.shape_cast %add3A_637 : vector<16xi32> to vector<16xi32>
    tpu.vector_store %arg8[%swap3A_638], %swap3A_641 {strides = array<i32>} : memref<2048xi32, #tpu.memory_space<vmem>>, vector<16xi32>,
    %add3A_642 = arith.constant 3 : i32
    %add3A_643 = vector.broadcast %add3A_642 : i32 to vector<16xi32>
    %add3A_644 = arith.addi %add3A_620, %add3A_643 : vector<16xi32>
    %swap3A_645 = arith.constant 464 : index
    %swap3A_646 = tpu.vector_load %arg8[%swap3A_645] {strides = array<i32>} : memref<2048xi32, #tpu.memory_space<vmem>>, vector<16xi32>,
    %swap3A_647 = vector.shape_cast %swap3A_646 : vector<16xi32> to vector<16xi32>
    %swap3A_648 = vector.shape_cast %add3A_644 : vector<16xi32> to vector<16xi32>
    tpu.vector_store %arg8[%swap3A_645], %swap3A_648 {strides = array<i32>} : memref<2048xi32, #tpu.memory_space<vmem>>, vector<16xi32>,
    %add3A_649 = arith.constant 4 : i32
    %add3A_650 = vector.broadcast %add3A_649 : i32 to vector<16xi32>
    %add3A_651 = arith.addi %add3A_620, %add3A_650 : vector<16xi32>
    %swap3A_652 = arith.constant 592 : index
    %swap3A_653 = tpu.vector_load %arg8[%swap3A_652] {strides = array<i32>} : memref<2048xi32, #tpu.memory_space<vmem>>, vector<16xi32>,
    %swap3A_654 = vector.shape_cast %swap3A_653 : vector<16xi32> to vector<16xi32>
    %swap3A_655 = vector.shape_cast %add3A_651 : vector<16xi32> to vector<16xi32>
    tpu.vector_store %arg8[%swap3A_652], %swap3A_655 {strides = array<i32>} : memref<2048xi32, #tpu.memory_space<vmem>>, vector<16xi32>,
    %add3A_656 = arith.constant 5 : i32
    %add3A_657 = vector.broadcast %add3A_656 : i32 to vector<16xi32>
    %add3A_658 = arith.addi %add3A_620, %add3A_657 : vector<16xi32>
    %swap3A_659 = arith.constant 720 : index
    %swap3A_660 = tpu.vector_load %arg8[%swap3A_659] {strides = array<i32>} : memref<2048xi32, #tpu.memory_space<vmem>>, vector<16xi32>,
    %swap3A_661 = vector.shape_cast %swap3A_660 : vector<16xi32> to vector<16xi32>
    %swap3A_662 = vector.shape_cast %add3A_658 : vector<16xi32> to vector<16xi32>
    tpu.vector_store %arg8[%swap3A_659], %swap3A_662 {strides = array<i32>} : memref<2048xi32, #tpu.memory_space<vmem>>, vector<16xi32>,
    %add3A_663 = arith.constant 6 : i32
    %add3A_664 = vector.broadcast %add3A_663 : i32 to vector<16xi32>
    %add3A_665 = arith.addi %add3A_620, %add3A_664 : vector<16xi32>
    %swap3A_666 = arith.constant 848 : index
    %swap3A_667 = tpu.vector_load %arg8[%swap3A_666] {strides = array<i32>} : memref<2048xi32, #tpu.memory_space<vmem>>, vector<16xi32>,
    %swap3A_668 = vector.shape_cast %swap3A_667 : vector<16xi32> to vector<16xi32>
    %swap3A_669 = vector.shape_cast %add3A_665 : vector<16xi32> to vector<16xi32>
    tpu.vector_store %arg8[%swap3A_666], %swap3A_669 {strides = array<i32>} : memref<2048xi32, #tpu.memory_space<vmem>>, vector<16xi32>,
    %add3A_670 = arith.constant 7 : i32
    %add3A_671 = vector.broadcast %add3A_670 : i32 to vector<16xi32>
    %add3A_672 = arith.addi %add3A_620, %add3A_671 : vector<16xi32>
    %swap3A_673 = arith.constant 976 : index
    %swap3A_674 = tpu.vector_load %arg8[%swap3A_673] {strides = array<i32>} : memref<2048xi32, #tpu.memory_space<vmem>>, vector<16xi32>,
    %swap3A_675 = vector.shape_cast %swap3A_674 : vector<16xi32> to vector<16xi32>
    %swap3A_676 = vector.shape_cast %add3A_672 : vector<16xi32> to vector<16xi32>
    tpu.vector_store %arg8[%swap3A_673], %swap3A_676 {strides = array<i32>} : memref<2048xi32, #tpu.memory_space<vmem>>, vector<16xi32>,
    %add3A_677 = arith.constant 8 : i32
    %add3A_678 = vector.broadcast %add3A_677 : i32 to vector<16xi32>
    %add3A_679 = arith.addi %add3A_620, %add3A_678 : vector<16xi32>
    %swap3A_680 = arith.constant 1104 : index
    %swap3A_681 = tpu.vector_load %arg8[%swap3A_680] {strides = array<i32>} : memref<2048xi32, #tpu.memory_space<vmem>>, vector<16xi32>,
    %swap3A_682 = vector.shape_cast %swap3A_681 : vector<16xi32> to vector<16xi32>
    %swap3A_683 = vector.shape_cast %add3A_679 : vector<16xi32> to vector<16xi32>
    tpu.vector_store %arg8[%swap3A_680], %swap3A_683 {strides = array<i32>} : memref<2048xi32, #tpu.memory_space<vmem>>, vector<16xi32>,
    %add3A_684 = arith.constant 9 : i32
    %add3A_685 = vector.broadcast %add3A_684 : i32 to vector<16xi32>
    %add3A_686 = arith.addi %add3A_620, %add3A_685 : vector<16xi32>
    %swap3A_687 = arith.constant 1232 : index
    %swap3A_688 = tpu.vector_load %arg8[%swap3A_687] {strides = array<i32>} : memref<2048xi32, #tpu.memory_space<vmem>>, vector<16xi32>,
    %swap3A_689 = vector.shape_cast %swap3A_688 : vector<16xi32> to vector<16xi32>
    %swap3A_690 = vector.shape_cast %add3A_686 : vector<16xi32> to vector<16xi32>
    tpu.vector_store %arg8[%swap3A_687], %swap3A_690 {strides = array<i32>} : memref<2048xi32, #tpu.memory_space<vmem>>, vector<16xi32>,
    %add3A_691 = arith.constant 10 : i32
    %add3A_692 = vector.broadcast %add3A_691 : i32 to vector<16xi32>
    %add3A_693 = arith.addi %add3A_620, %add3A_692 : vector<16xi32>
    %swap3A_694 = arith.constant 1360 : index
    %swap3A_695 = tpu.vector_load %arg8[%swap3A_694] {strides = array<i32>} : memref<2048xi32, #tpu.memory_space<vmem>>, vector<16xi32>,
    %swap3A_696 = vector.shape_cast %swap3A_695 : vector<16xi32> to vector<16xi32>
    %swap3A_697 = vector.shape_cast %add3A_693 : vector<16xi32> to vector<16xi32>
    tpu.vector_store %arg8[%swap3A_694], %swap3A_697 {strides = array<i32>} : memref<2048xi32, #tpu.memory_space<vmem>>, vector<16xi32>,
    %add3A_698 = arith.constant 11 : i32
    %add3A_699 = vector.broadcast %add3A_698 : i32 to vector<16xi32>
    %add3A_700 = arith.addi %add3A_620, %add3A_699 : vector<16xi32>
    %swap3A_701 = arith.constant 1488 : index
    %swap3A_702 = tpu.vector_load %arg8[%swap3A_701] {strides = array<i32>} : memref<2048xi32, #tpu.memory_space<vmem>>, vector<16xi32>,
    %swap3A_703 = vector.shape_cast %swap3A_702 : vector<16xi32> to vector<16xi32>
    %swap3A_704 = vector.shape_cast %add3A_700 : vector<16xi32> to vector<16xi32>
    tpu.vector_store %arg8[%swap3A_701], %swap3A_704 {strides = array<i32>} : memref<2048xi32, #tpu.memory_space<vmem>>, vector<16xi32>,
    %add3A_705 = arith.constant 12 : i32
    %add3A_706 = vector.broadcast %add3A_705 : i32 to vector<16xi32>
    %add3A_707 = arith.addi %add3A_620, %add3A_706 : vector<16xi32>
    %swap3A_708 = arith.constant 1616 : index
    %swap3A_709 = tpu.vector_load %arg8[%swap3A_708] {strides = array<i32>} : memref<2048xi32, #tpu.memory_space<vmem>>, vector<16xi32>,
    %swap3A_710 = vector.shape_cast %swap3A_709 : vector<16xi32> to vector<16xi32>
    %swap3A_711 = vector.shape_cast %add3A_707 : vector<16xi32> to vector<16xi32>
    tpu.vector_store %arg8[%swap3A_708], %swap3A_711 {strides = array<i32>} : memref<2048xi32, #tpu.memory_space<vmem>>, vector<16xi32>,
    %add3A_712 = arith.constant 13 : i32
    %add3A_713 = vector.broadcast %add3A_712 : i32 to vector<16xi32>
    %add3A_714 = arith.addi %add3A_620, %add3A_713 : vector<16xi32>
    %swap3A_715 = arith.constant 1744 : index
    %swap3A_716 = tpu.vector_load %arg8[%swap3A_715] {strides = array<i32>} : memref<2048xi32, #tpu.memory_space<vmem>>, vector<16xi32>,
    %swap3A_717 = vector.shape_cast %swap3A_716 : vector<16xi32> to vector<16xi32>
    %swap3A_718 = vector.shape_cast %add3A_714 : vector<16xi32> to vector<16xi32>
    tpu.vector_store %arg8[%swap3A_715], %swap3A_718 {strides = array<i32>} : memref<2048xi32, #tpu.memory_space<vmem>>, vector<16xi32>,
    %add3A_719 = arith.constant 14 : i32
    %add3A_720 = vector.broadcast %add3A_719 : i32 to vector<16xi32>
    %add3A_721 = arith.addi %add3A_620, %add3A_720 : vector<16xi32>
    %swap3A_722 = arith.constant 1872 : index
    %swap3A_723 = tpu.vector_load %arg8[%swap3A_722] {strides = array<i32>} : memref<2048xi32, #tpu.memory_space<vmem>>, vector<16xi32>,
    %swap3A_724 = vector.shape_cast %swap3A_723 : vector<16xi32> to vector<16xi32>
    %swap3A_725 = vector.shape_cast %add3A_721 : vector<16xi32> to vector<16xi32>
    tpu.vector_store %arg8[%swap3A_722], %swap3A_725 {strides = array<i32>} : memref<2048xi32, #tpu.memory_space<vmem>>, vector<16xi32>,
    %add3A_726 = arith.constant 15 : i32
    %add3A_727 = vector.broadcast %add3A_726 : i32 to vector<16xi32>
    %add3A_728 = arith.addi %add3A_620, %add3A_727 : vector<16xi32>
    %swap3A_729 = arith.constant 2000 : index
    %swap3A_730 = tpu.vector_load %arg8[%swap3A_729] {strides = array<i32>} : memref<2048xi32, #tpu.memory_space<vmem>>, vector<16xi32>,
    %swap3A_731 = vector.shape_cast %swap3A_730 : vector<16xi32> to vector<16xi32>
    %swap3A_732 = vector.shape_cast %add3A_728 : vector<16xi32> to vector<16xi32>
    tpu.vector_store %arg8[%swap3A_729], %swap3A_732 {strides = array<i32>} : memref<2048xi32, #tpu.memory_space<vmem>>, vector<16xi32>,
    %get3A_733 = arith.constant 96 : index
    %get3A_734 = tpu.vector_load %arg7[%get3A_733] {strides = array<i32>} : memref<128xi32, #tpu.memory_space<vmem>>, vector<16xi32>,
    %get3A_735 = vector.shape_cast %get3A_734 : vector<16xi32> to vector<16xi32>
    %mul3A_736 = arith.constant 16 : i32
    %mul3A_737 = vector.broadcast %mul3A_736 : i32 to vector<16xi32>
    %mul3A_738 = arith.muli %get3A_735, %mul3A_737 : vector<16xi32>
    %mul3A_739 = arith.constant 4096 : i32
    %mul3A_740 = arith.muli %add3A, %mul3A_739 : i32
    %add3A_741 = vector.broadcast %mul3A_740 : i32 to vector<16xi32>
    %add3A_742 = arith.addi %mul3A_738, %add3A_741 : vector<16xi32>
    %add3A_743 = arith.constant 0 : i32
    %add3A_744 = vector.broadcast %add3A_743 : i32 to vector<16xi32>
    %add3A_745 = arith.addi %add3A_742, %add3A_744 : vector<16xi32>
    %swap3A_746 = arith.constant 96 : index
    %swap3A_747 = tpu.vector_load %arg8[%swap3A_746] {strides = array<i32>} : memref<2048xi32, #tpu.memory_space<vmem>>, vector<16xi32>,
    %swap3A_748 = vector.shape_cast %swap3A_747 : vector<16xi32> to vector<16xi32>
    %swap3A_749 = vector.shape_cast %add3A_745 : vector<16xi32> to vector<16xi32>
    tpu.vector_store %arg8[%swap3A_746], %swap3A_749 {strides = array<i32>} : memref<2048xi32, #tpu.memory_space<vmem>>, vector<16xi32>,
    %add3A_750 = arith.constant 1 : i32
    %add3A_751 = vector.broadcast %add3A_750 : i32 to vector<16xi32>
    %add3A_752 = arith.addi %add3A_742, %add3A_751 : vector<16xi32>
    %swap3A_753 = arith.constant 224 : index
    %swap3A_754 = tpu.vector_load %arg8[%swap3A_753] {strides = array<i32>} : memref<2048xi32, #tpu.memory_space<vmem>>, vector<16xi32>,
    %swap3A_755 = vector.shape_cast %swap3A_754 : vector<16xi32> to vector<16xi32>
    %swap3A_756 = vector.shape_cast %add3A_752 : vector<16xi32> to vector<16xi32>
    tpu.vector_store %arg8[%swap3A_753], %swap3A_756 {strides = array<i32>} : memref<2048xi32, #tpu.memory_space<vmem>>, vector<16xi32>,
    %add3A_757 = arith.constant 2 : i32
    %add3A_758 = vector.broadcast %add3A_757 : i32 to vector<16xi32>
    %add3A_759 = arith.addi %add3A_742, %add3A_758 : vector<16xi32>
    %swap3A_760 = arith.constant 352 : index
    %swap3A_761 = tpu.vector_load %arg8[%swap3A_760] {strides = array<i32>} : memref<2048xi32, #tpu.memory_space<vmem>>, vector<16xi32>,
    %swap3A_762 = vector.shape_cast %swap3A_761 : vector<16xi32> to vector<16xi32>
    %swap3A_763 = vector.shape_cast %add3A_759 : vector<16xi32> to vector<16xi32>
    tpu.vector_store %arg8[%swap3A_760], %swap3A_763 {strides = array<i32>} : memref<2048xi32, #tpu.memory_space<vmem>>, vector<16xi32>,
    %add3A_764 = arith.constant 3 : i32
    %add3A_765 = vector.broadcast %add3A_764 : i32 to vector<16xi32>
    %add3A_766 = arith.addi %add3A_742, %add3A_765 : vector<16xi32>
    %swap3A_767 = arith.constant 480 : index
    %swap3A_768 = tpu.vector_load %arg8[%swap3A_767] {strides = array<i32>} : memref<2048xi32, #tpu.memory_space<vmem>>, vector<16xi32>,
    %swap3A_769 = vector.shape_cast %swap3A_768 : vector<16xi32> to vector<16xi32>
    %swap3A_770 = vector.shape_cast %add3A_766 : vector<16xi32> to vector<16xi32>
    tpu.vector_store %arg8[%swap3A_767], %swap3A_770 {strides = array<i32>} : memref<2048xi32, #tpu.memory_space<vmem>>, vector<16xi32>,
    %add3A_771 = arith.constant 4 : i32
    %add3A_772 = vector.broadcast %add3A_771 : i32 to vector<16xi32>
    %add3A_773 = arith.addi %add3A_742, %add3A_772 : vector<16xi32>
    %swap3A_774 = arith.constant 608 : index
    %swap3A_775 = tpu.vector_load %arg8[%swap3A_774] {strides = array<i32>} : memref<2048xi32, #tpu.memory_space<vmem>>, vector<16xi32>,
    %swap3A_776 = vector.shape_cast %swap3A_775 : vector<16xi32> to vector<16xi32>
    %swap3A_777 = vector.shape_cast %add3A_773 : vector<16xi32> to vector<16xi32>
    tpu.vector_store %arg8[%swap3A_774], %swap3A_777 {strides = array<i32>} : memref<2048xi32, #tpu.memory_space<vmem>>, vector<16xi32>,
    %add3A_778 = arith.constant 5 : i32
    %add3A_779 = vector.broadcast %add3A_778 : i32 to vector<16xi32>
    %add3A_780 = arith.addi %add3A_742, %add3A_779 : vector<16xi32>
    %swap3A_781 = arith.constant 736 : index
    %swap3A_782 = tpu.vector_load %arg8[%swap3A_781] {strides = array<i32>} : memref<2048xi32, #tpu.memory_space<vmem>>, vector<16xi32>,
    %swap3A_783 = vector.shape_cast %swap3A_782 : vector<16xi32> to vector<16xi32>
    %swap3A_784 = vector.shape_cast %add3A_780 : vector<16xi32> to vector<16xi32>
    tpu.vector_store %arg8[%swap3A_781], %swap3A_784 {strides = array<i32>} : memref<2048xi32, #tpu.memory_space<vmem>>, vector<16xi32>,
    %add3A_785 = arith.constant 6 : i32
    %add3A_786 = vector.broadcast %add3A_785 : i32 to vector<16xi32>
    %add3A_787 = arith.addi %add3A_742, %add3A_786 : vector<16xi32>
    %swap3A_788 = arith.constant 864 : index
    %swap3A_789 = tpu.vector_load %arg8[%swap3A_788] {strides = array<i32>} : memref<2048xi32, #tpu.memory_space<vmem>>, vector<16xi32>,
    %swap3A_790 = vector.shape_cast %swap3A_789 : vector<16xi32> to vector<16xi32>
    %swap3A_791 = vector.shape_cast %add3A_787 : vector<16xi32> to vector<16xi32>
    tpu.vector_store %arg8[%swap3A_788], %swap3A_791 {strides = array<i32>} : memref<2048xi32, #tpu.memory_space<vmem>>, vector<16xi32>,
    %add3A_792 = arith.constant 7 : i32
    %add3A_793 = vector.broadcast %add3A_792 : i32 to vector<16xi32>
    %add3A_794 = arith.addi %add3A_742, %add3A_793 : vector<16xi32>
    %swap3A_795 = arith.constant 992 : index
    %swap3A_796 = tpu.vector_load %arg8[%swap3A_795] {strides = array<i32>} : memref<2048xi32, #tpu.memory_space<vmem>>, vector<16xi32>,
    %swap3A_797 = vector.shape_cast %swap3A_796 : vector<16xi32> to vector<16xi32>
    %swap3A_798 = vector.shape_cast %add3A_794 : vector<16xi32> to vector<16xi32>
    tpu.vector_store %arg8[%swap3A_795], %swap3A_798 {strides = array<i32>} : memref<2048xi32, #tpu.memory_space<vmem>>, vector<16xi32>,
    %add3A_799 = arith.constant 8 : i32
    %add3A_800 = vector.broadcast %add3A_799 : i32 to vector<16xi32>
    %add3A_801 = arith.addi %add3A_742, %add3A_800 : vector<16xi32>
    %swap3A_802 = arith.constant 1120 : index
    %swap3A_803 = tpu.vector_load %arg8[%swap3A_802] {strides = array<i32>} : memref<2048xi32, #tpu.memory_space<vmem>>, vector<16xi32>,
    %swap3A_804 = vector.shape_cast %swap3A_803 : vector<16xi32> to vector<16xi32>
    %swap3A_805 = vector.shape_cast %add3A_801 : vector<16xi32> to vector<16xi32>
    tpu.vector_store %arg8[%swap3A_802], %swap3A_805 {strides = array<i32>} : memref<2048xi32, #tpu.memory_space<vmem>>, vector<16xi32>,
    %add3A_806 = arith.constant 9 : i32
    %add3A_807 = vector.broadcast %add3A_806 : i32 to vector<16xi32>
    %add3A_808 = arith.addi %add3A_742, %add3A_807 : vector<16xi32>
    %swap3A_809 = arith.constant 1248 : index
    %swap3A_810 = tpu.vector_load %arg8[%swap3A_809] {strides = array<i32>} : memref<2048xi32, #tpu.memory_space<vmem>>, vector<16xi32>,
    %swap3A_811 = vector.shape_cast %swap3A_810 : vector<16xi32> to vector<16xi32>
    %swap3A_812 = vector.shape_cast %add3A_808 : vector<16xi32> to vector<16xi32>
    tpu.vector_store %arg8[%swap3A_809], %swap3A_812 {strides = array<i32>} : memref<2048xi32, #tpu.memory_space<vmem>>, vector<16xi32>,
    %add3A_813 = arith.constant 10 : i32
    %add3A_814 = vector.broadcast %add3A_813 : i32 to vector<16xi32>
    %add3A_815 = arith.addi %add3A_742, %add3A_814 : vector<16xi32>
    %swap3A_816 = arith.constant 1376 : index
    %swap3A_817 = tpu.vector_load %arg8[%swap3A_816] {strides = array<i32>} : memref<2048xi32, #tpu.memory_space<vmem>>, vector<16xi32>,
    %swap3A_818 = vector.shape_cast %swap3A_817 : vector<16xi32> to vector<16xi32>
    %swap3A_819 = vector.shape_cast %add3A_815 : vector<16xi32> to vector<16xi32>
    tpu.vector_store %arg8[%swap3A_816], %swap3A_819 {strides = array<i32>} : memref<2048xi32, #tpu.memory_space<vmem>>, vector<16xi32>,
    %add3A_820 = arith.constant 11 : i32
    %add3A_821 = vector.broadcast %add3A_820 : i32 to vector<16xi32>
    %add3A_822 = arith.addi %add3A_742, %add3A_821 : vector<16xi32>
    %swap3A_823 = arith.constant 1504 : index
    %swap3A_824 = tpu.vector_load %arg8[%swap3A_823] {strides = array<i32>} : memref<2048xi32, #tpu.memory_space<vmem>>, vector<16xi32>,
    %swap3A_825 = vector.shape_cast %swap3A_824 : vector<16xi32> to vector<16xi32>
    %swap3A_826 = vector.shape_cast %add3A_822 : vector<16xi32> to vector<16xi32>
    tpu.vector_store %arg8[%swap3A_823], %swap3A_826 {strides = array<i32>} : memref<2048xi32, #tpu.memory_space<vmem>>, vector<16xi32>,
    %add3A_827 = arith.constant 12 : i32
    %add3A_828 = vector.broadcast %add3A_827 : i32 to vector<16xi32>
    %add3A_829 = arith.addi %add3A_742, %add3A_828 : vector<16xi32>
    %swap3A_830 = arith.constant 1632 : index
    %swap3A_831 = tpu.vector_load %arg8[%swap3A_830] {strides = array<i32>} : memref<2048xi32, #tpu.memory_space<vmem>>, vector<16xi32>,
    %swap3A_832 = vector.shape_cast %swap3A_831 : vector<16xi32> to vector<16xi32>
    %swap3A_833 = vector.shape_cast %add3A_829 : vector<16xi32> to vector<16xi32>
    tpu.vector_store %arg8[%swap3A_830], %swap3A_833 {strides = array<i32>} : memref<2048xi32, #tpu.memory_space<vmem>>, vector<16xi32>,
    %add3A_834 = arith.constant 13 : i32
    %add3A_835 = vector.broadcast %add3A_834 : i32 to vector<16xi32>
    %add3A_836 = arith.addi %add3A_742, %add3A_835 : vector<16xi32>
    %swap3A_837 = arith.constant 1760 : index
    %swap3A_838 = tpu.vector_load %arg8[%swap3A_837] {strides = array<i32>} : memref<2048xi32, #tpu.memory_space<vmem>>, vector<16xi32>,
    %swap3A_839 = vector.shape_cast %swap3A_838 : vector<16xi32> to vector<16xi32>
    %swap3A_840 = vector.shape_cast %add3A_836 : vector<16xi32> to vector<16xi32>
    tpu.vector_store %arg8[%swap3A_837], %swap3A_840 {strides = array<i32>} : memref<2048xi32, #tpu.memory_space<vmem>>, vector<16xi32>,
    %add3A_841 = arith.constant 14 : i32
    %add3A_842 = vector.broadcast %add3A_841 : i32 to vector<16xi32>
    %add3A_843 = arith.addi %add3A_742, %add3A_842 : vector<16xi32>
    %swap3A_844 = arith.constant 1888 : index
    %swap3A_845 = tpu.vector_load %arg8[%swap3A_844] {strides = array<i32>} : memref<2048xi32, #tpu.memory_space<vmem>>, vector<16xi32>,
    %swap3A_846 = vector.shape_cast %swap3A_845 : vector<16xi32> to vector<16xi32>
    %swap3A_847 = vector.shape_cast %add3A_843 : vector<16xi32> to vector<16xi32>
    tpu.vector_store %arg8[%swap3A_844], %swap3A_847 {strides = array<i32>} : memref<2048xi32, #tpu.memory_space<vmem>>, vector<16xi32>,
    %add3A_848 = arith.constant 15 : i32
    %add3A_849 = vector.broadcast %add3A_848 : i32 to vector<16xi32>
    %add3A_850 = arith.addi %add3A_742, %add3A_849 : vector<16xi32>
    %swap3A_851 = arith.constant 2016 : index
    %swap3A_852 = tpu.vector_load %arg8[%swap3A_851] {strides = array<i32>} : memref<2048xi32, #tpu.memory_space<vmem>>, vector<16xi32>,
    %swap3A_853 = vector.shape_cast %swap3A_852 : vector<16xi32> to vector<16xi32>
    %swap3A_854 = vector.shape_cast %add3A_850 : vector<16xi32> to vector<16xi32>
    tpu.vector_store %arg8[%swap3A_851], %swap3A_854 {strides = array<i32>} : memref<2048xi32, #tpu.memory_space<vmem>>, vector<16xi32>,
    %get3A_855 = arith.constant 112 : index
    %get3A_856 = tpu.vector_load %arg7[%get3A_855] {strides = array<i32>} : memref<128xi32, #tpu.memory_space<vmem>>, vector<16xi32>,
    %get3A_857 = vector.shape_cast %get3A_856 : vector<16xi32> to vector<16xi32>
    %mul3A_858 = arith.constant 16 : i32
    %mul3A_859 = vector.broadcast %mul3A_858 : i32 to vector<16xi32>
    %mul3A_860 = arith.muli %get3A_857, %mul3A_859 : vector<16xi32>
    %mul3A_861 = arith.constant 4096 : i32
    %mul3A_862 = arith.muli %add3A, %mul3A_861 : i32
    %add3A_863 = vector.broadcast %mul3A_862 : i32 to vector<16xi32>
    %add3A_864 = arith.addi %mul3A_860, %add3A_863 : vector<16xi32>
    %add3A_865 = arith.constant 0 : i32
    %add3A_866 = vector.broadcast %add3A_865 : i32 to vector<16xi32>
    %add3A_867 = arith.addi %add3A_864, %add3A_866 : vector<16xi32>
    %swap3A_868 = arith.constant 112 : index
    %swap3A_869 = tpu.vector_load %arg8[%swap3A_868] {strides = array<i32>} : memref<2048xi32, #tpu.memory_space<vmem>>, vector<16xi32>,
    %swap3A_870 = vector.shape_cast %swap3A_869 : vector<16xi32> to vector<16xi32>
    %swap3A_871 = vector.shape_cast %add3A_867 : vector<16xi32> to vector<16xi32>
    tpu.vector_store %arg8[%swap3A_868], %swap3A_871 {strides = array<i32>} : memref<2048xi32, #tpu.memory_space<vmem>>, vector<16xi32>,
    %add3A_872 = arith.constant 1 : i32
    %add3A_873 = vector.broadcast %add3A_872 : i32 to vector<16xi32>
    %add3A_874 = arith.addi %add3A_864, %add3A_873 : vector<16xi32>
    %swap3A_875 = arith.constant 240 : index
    %swap3A_876 = tpu.vector_load %arg8[%swap3A_875] {strides = array<i32>} : memref<2048xi32, #tpu.memory_space<vmem>>, vector<16xi32>,
    %swap3A_877 = vector.shape_cast %swap3A_876 : vector<16xi32> to vector<16xi32>
    %swap3A_878 = vector.shape_cast %add3A_874 : vector<16xi32> to vector<16xi32>
    tpu.vector_store %arg8[%swap3A_875], %swap3A_878 {strides = array<i32>} : memref<2048xi32, #tpu.memory_space<vmem>>, vector<16xi32>,
    %add3A_879 = arith.constant 2 : i32
    %add3A_880 = vector.broadcast %add3A_879 : i32 to vector<16xi32>
    %add3A_881 = arith.addi %add3A_864, %add3A_880 : vector<16xi32>
    %swap3A_882 = arith.constant 368 : index
    %swap3A_883 = tpu.vector_load %arg8[%swap3A_882] {strides = array<i32>} : memref<2048xi32, #tpu.memory_space<vmem>>, vector<16xi32>,
    %swap3A_884 = vector.shape_cast %swap3A_883 : vector<16xi32> to vector<16xi32>
    %swap3A_885 = vector.shape_cast %add3A_881 : vector<16xi32> to vector<16xi32>
    tpu.vector_store %arg8[%swap3A_882], %swap3A_885 {strides = array<i32>} : memref<2048xi32, #tpu.memory_space<vmem>>, vector<16xi32>,
    %add3A_886 = arith.constant 3 : i32
    %add3A_887 = vector.broadcast %add3A_886 : i32 to vector<16xi32>
    %add3A_888 = arith.addi %add3A_864, %add3A_887 : vector<16xi32>
    %swap3A_889 = arith.constant 496 : index
    %swap3A_890 = tpu.vector_load %arg8[%swap3A_889] {strides = array<i32>} : memref<2048xi32, #tpu.memory_space<vmem>>, vector<16xi32>,
    %swap3A_891 = vector.shape_cast %swap3A_890 : vector<16xi32> to vector<16xi32>
    %swap3A_892 = vector.shape_cast %add3A_888 : vector<16xi32> to vector<16xi32>
    tpu.vector_store %arg8[%swap3A_889], %swap3A_892 {strides = array<i32>} : memref<2048xi32, #tpu.memory_space<vmem>>, vector<16xi32>,
    %add3A_893 = arith.constant 4 : i32
    %add3A_894 = vector.broadcast %add3A_893 : i32 to vector<16xi32>
    %add3A_895 = arith.addi %add3A_864, %add3A_894 : vector<16xi32>
    %swap3A_896 = arith.constant 624 : index
    %swap3A_897 = tpu.vector_load %arg8[%swap3A_896] {strides = array<i32>} : memref<2048xi32, #tpu.memory_space<vmem>>, vector<16xi32>,
    %swap3A_898 = vector.shape_cast %swap3A_897 : vector<16xi32> to vector<16xi32>
    %swap3A_899 = vector.shape_cast %add3A_895 : vector<16xi32> to vector<16xi32>
    tpu.vector_store %arg8[%swap3A_896], %swap3A_899 {strides = array<i32>} : memref<2048xi32, #tpu.memory_space<vmem>>, vector<16xi32>,
    %add3A_900 = arith.constant 5 : i32
    %add3A_901 = vector.broadcast %add3A_900 : i32 to vector<16xi32>
    %add3A_902 = arith.addi %add3A_864, %add3A_901 : vector<16xi32>
    %swap3A_903 = arith.constant 752 : index
    %swap3A_904 = tpu.vector_load %arg8[%swap3A_903] {strides = array<i32>} : memref<2048xi32, #tpu.memory_space<vmem>>, vector<16xi32>,
    %swap3A_905 = vector.shape_cast %swap3A_904 : vector<16xi32> to vector<16xi32>
    %swap3A_906 = vector.shape_cast %add3A_902 : vector<16xi32> to vector<16xi32>
    tpu.vector_store %arg8[%swap3A_903], %swap3A_906 {strides = array<i32>} : memref<2048xi32, #tpu.memory_space<vmem>>, vector<16xi32>,
    %add3A_907 = arith.constant 6 : i32
    %add3A_908 = vector.broadcast %add3A_907 : i32 to vector<16xi32>
    %add3A_909 = arith.addi %add3A_864, %add3A_908 : vector<16xi32>
    %swap3A_910 = arith.constant 880 : index
    %swap3A_911 = tpu.vector_load %arg8[%swap3A_910] {strides = array<i32>} : memref<2048xi32, #tpu.memory_space<vmem>>, vector<16xi32>,
    %swap3A_912 = vector.shape_cast %swap3A_911 : vector<16xi32> to vector<16xi32>
    %swap3A_913 = vector.shape_cast %add3A_909 : vector<16xi32> to vector<16xi32>
    tpu.vector_store %arg8[%swap3A_910], %swap3A_913 {strides = array<i32>} : memref<2048xi32, #tpu.memory_space<vmem>>, vector<16xi32>,
    %add3A_914 = arith.constant 7 : i32
    %add3A_915 = vector.broadcast %add3A_914 : i32 to vector<16xi32>
    %add3A_916 = arith.addi %add3A_864, %add3A_915 : vector<16xi32>
    %swap3A_917 = arith.constant 1008 : index
    %swap3A_918 = tpu.vector_load %arg8[%swap3A_917] {strides = array<i32>} : memref<2048xi32, #tpu.memory_space<vmem>>, vector<16xi32>,
    %swap3A_919 = vector.shape_cast %swap3A_918 : vector<16xi32> to vector<16xi32>
    %swap3A_920 = vector.shape_cast %add3A_916 : vector<16xi32> to vector<16xi32>
    tpu.vector_store %arg8[%swap3A_917], %swap3A_920 {strides = array<i32>} : memref<2048xi32, #tpu.memory_space<vmem>>, vector<16xi32>,
    %add3A_921 = arith.constant 8 : i32
    %add3A_922 = vector.broadcast %add3A_921 : i32 to vector<16xi32>
    %add3A_923 = arith.addi %add3A_864, %add3A_922 : vector<16xi32>
    %swap3A_924 = arith.constant 1136 : index
    %swap3A_925 = tpu.vector_load %arg8[%swap3A_924] {strides = array<i32>} : memref<2048xi32, #tpu.memory_space<vmem>>, vector<16xi32>,
    %swap3A_926 = vector.shape_cast %swap3A_925 : vector<16xi32> to vector<16xi32>
    %swap3A_927 = vector.shape_cast %add3A_923 : vector<16xi32> to vector<16xi32>
    tpu.vector_store %arg8[%swap3A_924], %swap3A_927 {strides = array<i32>} : memref<2048xi32, #tpu.memory_space<vmem>>, vector<16xi32>,
    %add3A_928 = arith.constant 9 : i32
    %add3A_929 = vector.broadcast %add3A_928 : i32 to vector<16xi32>
    %add3A_930 = arith.addi %add3A_864, %add3A_929 : vector<16xi32>
    %swap3A_931 = arith.constant 1264 : index
    %swap3A_932 = tpu.vector_load %arg8[%swap3A_931] {strides = array<i32>} : memref<2048xi32, #tpu.memory_space<vmem>>, vector<16xi32>,
    %swap3A_933 = vector.shape_cast %swap3A_932 : vector<16xi32> to vector<16xi32>
    %swap3A_934 = vector.shape_cast %add3A_930 : vector<16xi32> to vector<16xi32>
    tpu.vector_store %arg8[%swap3A_931], %swap3A_934 {strides = array<i32>} : memref<2048xi32, #tpu.memory_space<vmem>>, vector<16xi32>,
    %add3A_935 = arith.constant 10 : i32
    %add3A_936 = vector.broadcast %add3A_935 : i32 to vector<16xi32>
    %add3A_937 = arith.addi %add3A_864, %add3A_936 : vector<16xi32>
    %swap3A_938 = arith.constant 1392 : index
    %swap3A_939 = tpu.vector_load %arg8[%swap3A_938] {strides = array<i32>} : memref<2048xi32, #tpu.memory_space<vmem>>, vector<16xi32>,
    %swap3A_940 = vector.shape_cast %swap3A_939 : vector<16xi32> to vector<16xi32>
    %swap3A_941 = vector.shape_cast %add3A_937 : vector<16xi32> to vector<16xi32>
    tpu.vector_store %arg8[%swap3A_938], %swap3A_941 {strides = array<i32>} : memref<2048xi32, #tpu.memory_space<vmem>>, vector<16xi32>,
    %add3A_942 = arith.constant 11 : i32
    %add3A_943 = vector.broadcast %add3A_942 : i32 to vector<16xi32>
    %add3A_944 = arith.addi %add3A_864, %add3A_943 : vector<16xi32>
    %swap3A_945 = arith.constant 1520 : index
    %swap3A_946 = tpu.vector_load %arg8[%swap3A_945] {strides = array<i32>} : memref<2048xi32, #tpu.memory_space<vmem>>, vector<16xi32>,
    %swap3A_947 = vector.shape_cast %swap3A_946 : vector<16xi32> to vector<16xi32>
    %swap3A_948 = vector.shape_cast %add3A_944 : vector<16xi32> to vector<16xi32>
    tpu.vector_store %arg8[%swap3A_945], %swap3A_948 {strides = array<i32>} : memref<2048xi32, #tpu.memory_space<vmem>>, vector<16xi32>,
    %add3A_949 = arith.constant 12 : i32
    %add3A_950 = vector.broadcast %add3A_949 : i32 to vector<16xi32>
    %add3A_951 = arith.addi %add3A_864, %add3A_950 : vector<16xi32>
    %swap3A_952 = arith.constant 1648 : index
    %swap3A_953 = tpu.vector_load %arg8[%swap3A_952] {strides = array<i32>} : memref<2048xi32, #tpu.memory_space<vmem>>, vector<16xi32>,
    %swap3A_954 = vector.shape_cast %swap3A_953 : vector<16xi32> to vector<16xi32>
    %swap3A_955 = vector.shape_cast %add3A_951 : vector<16xi32> to vector<16xi32>
    tpu.vector_store %arg8[%swap3A_952], %swap3A_955 {strides = array<i32>} : memref<2048xi32, #tpu.memory_space<vmem>>, vector<16xi32>,
    %add3A_956 = arith.constant 13 : i32
    %add3A_957 = vector.broadcast %add3A_956 : i32 to vector<16xi32>
    %add3A_958 = arith.addi %add3A_864, %add3A_957 : vector<16xi32>
    %swap3A_959 = arith.constant 1776 : index
    %swap3A_960 = tpu.vector_load %arg8[%swap3A_959] {strides = array<i32>} : memref<2048xi32, #tpu.memory_space<vmem>>, vector<16xi32>,
    %swap3A_961 = vector.shape_cast %swap3A_960 : vector<16xi32> to vector<16xi32>
    %swap3A_962 = vector.shape_cast %add3A_958 : vector<16xi32> to vector<16xi32>
    tpu.vector_store %arg8[%swap3A_959], %swap3A_962 {strides = array<i32>} : memref<2048xi32, #tpu.memory_space<vmem>>, vector<16xi32>,
    %add3A_963 = arith.constant 14 : i32
    %add3A_964 = vector.broadcast %add3A_963 : i32 to vector<16xi32>
    %add3A_965 = arith.addi %add3A_864, %add3A_964 : vector<16xi32>
    %swap3A_966 = arith.constant 1904 : index
    %swap3A_967 = tpu.vector_load %arg8[%swap3A_966] {strides = array<i32>} : memref<2048xi32, #tpu.memory_space<vmem>>, vector<16xi32>,
    %swap3A_968 = vector.shape_cast %swap3A_967 : vector<16xi32> to vector<16xi32>
    %swap3A_969 = vector.shape_cast %add3A_965 : vector<16xi32> to vector<16xi32>
    tpu.vector_store %arg8[%swap3A_966], %swap3A_969 {strides = array<i32>} : memref<2048xi32, #tpu.memory_space<vmem>>, vector<16xi32>,
    %add3A_970 = arith.constant 15 : i32
    %add3A_971 = vector.broadcast %add3A_970 : i32 to vector<16xi32>
    %add3A_972 = arith.addi %add3A_864, %add3A_971 : vector<16xi32>
    %swap3A_973 = arith.constant 2032 : index
    %swap3A_974 = tpu.vector_load %arg8[%swap3A_973] {strides = array<i32>} : memref<2048xi32, #tpu.memory_space<vmem>>, vector<16xi32>,
    %swap3A_975 = vector.shape_cast %swap3A_974 : vector<16xi32> to vector<16xi32>
    %swap3A_976 = vector.shape_cast %add3A_972 : vector<16xi32> to vector<16xi32>
    tpu.vector_store %arg8[%swap3A_973], %swap3A_976 {strides = array<i32>} : memref<2048xi32, #tpu.memory_space<vmem>>, vector<16xi32>,
    %dma_start3A = arith.constant 0 : i32
    %dma_start3A_977 = tpu.memref_slice %arg8[%dma_start3A] : memref<2048xi32, #tpu.memory_space<vmem>> -> memref<128xi32, #tpu.memory_space<vmem>>
    %dma_start3A_978 = arith.constant 0 : i32
    %dma_start3A_979 = arith.constant 0 : i32
    %dma_start3A_980 = tpu.memref_slice %arg3[%dma_start3A_978, %dma_start3A_979] : memref<131072x128xf32, #tpu.memory_space<hbm>> -> memref<131072x128xf32, #tpu.memory_space<hbm>>
    tpu.enqueue_indirect_dma source(%dma_start3A_980 : memref<131072x128xf32, #tpu.memory_space<hbm>>) target(%arg9 : memref<128x128xf32, #tpu.memory_space<vmem>>) offsets(%dma_start3A_977 : memref<128xi32, #tpu.memory_space<vmem>>) semaphore(%arg15 : memref<!tpu.dma_semaphore, #tpu.memory_space<semaphore_mem>>)
    %dma_start3A_981 = arith.constant 0 : i32
    %dma_start3A_982 = tpu.memref_slice %arg8[%dma_start3A_981] : memref<2048xi32, #tpu.memory_space<vmem>> -> memref<128xi32, #tpu.memory_space<vmem>>
    %dma_start3A_983 = arith.constant 0 : i32
    %dma_start3A_984 = arith.constant 0 : i32
    %dma_start3A_985 = tpu.memref_slice %arg4[%dma_start3A_983, %dma_start3A_984] : memref<131072x128xf32, #tpu.memory_space<hbm>> -> memref<131072x128xf32, #tpu.memory_space<hbm>>
    tpu.enqueue_indirect_dma source(%dma_start3A_985 : memref<131072x128xf32, #tpu.memory_space<hbm>>) target(%arg10 : memref<128x128xf32, #tpu.memory_space<vmem>>) offsets(%dma_start3A_982 : memref<128xi32, #tpu.memory_space<vmem>>) semaphore(%arg15 : memref<!tpu.dma_semaphore, #tpu.memory_space<semaphore_mem>>)
    %dma_start3A_986 = arith.constant 128 : i32
    %dma_start3A_987 = tpu.memref_slice %arg8[%dma_start3A_986] : memref<2048xi32, #tpu.memory_space<vmem>> -> memref<128xi32, #tpu.memory_space<vmem>>
    %dma_start3A_988 = arith.constant 0 : i32
    %dma_start3A_989 = arith.constant 0 : i32
    %dma_start3A_990 = tpu.memref_slice %arg3[%dma_start3A_988, %dma_start3A_989] : memref<131072x128xf32, #tpu.memory_space<hbm>> -> memref<131072x128xf32, #tpu.memory_space<hbm>>
    tpu.enqueue_indirect_dma source(%dma_start3A_990 : memref<131072x128xf32, #tpu.memory_space<hbm>>) target(%arg11 : memref<128x128xf32, #tpu.memory_space<vmem>>) offsets(%dma_start3A_987 : memref<128xi32, #tpu.memory_space<vmem>>) semaphore(%arg15 : memref<!tpu.dma_semaphore, #tpu.memory_space<semaphore_mem>>)
    %dma_start3A_991 = arith.constant 128 : i32
    %dma_start3A_992 = tpu.memref_slice %arg8[%dma_start3A_991] : memref<2048xi32, #tpu.memory_space<vmem>> -> memref<128xi32, #tpu.memory_space<vmem>>
    %dma_start3A_993 = arith.constant 0 : i32
    %dma_start3A_994 = arith.constant 0 : i32
    %dma_start3A_995 = tpu.memref_slice %arg4[%dma_start3A_993, %dma_start3A_994] : memref<131072x128xf32, #tpu.memory_space<hbm>> -> memref<131072x128xf32, #tpu.memory_space<hbm>>
    tpu.enqueue_indirect_dma source(%dma_start3A_995 : memref<131072x128xf32, #tpu.memory_space<hbm>>) target(%arg12 : memref<128x128xf32, #tpu.memory_space<vmem>>) offsets(%dma_start3A_992 : memref<128xi32, #tpu.memory_space<vmem>>) semaphore(%arg15 : memref<!tpu.dma_semaphore, #tpu.memory_space<semaphore_mem>>)
    %dma_start3A_996 = arith.constant 256 : i32
    %dma_start3A_997 = tpu.memref_slice %arg8[%dma_start3A_996] : memref<2048xi32, #tpu.memory_space<vmem>> -> memref<128xi32, #tpu.memory_space<vmem>>
    %dma_start3A_998 = arith.constant 0 : i32
    %dma_start3A_999 = arith.constant 0 : i32
    %dma_start3A_1000 = tpu.memref_slice %arg3[%dma_start3A_998, %dma_start3A_999] : memref<131072x128xf32, #tpu.memory_space<hbm>> -> memref<131072x128xf32, #tpu.memory_space<hbm>>
    tpu.enqueue_indirect_dma source(%dma_start3A_1000 : memref<131072x128xf32, #tpu.memory_space<hbm>>) target(%arg13 : memref<128x128xf32, #tpu.memory_space<vmem>>) offsets(%dma_start3A_997 : memref<128xi32, #tpu.memory_space<vmem>>) semaphore(%arg15 : memref<!tpu.dma_semaphore, #tpu.memory_space<semaphore_mem>>)
    %dma_start3A_1001 = arith.constant 256 : i32
    %dma_start3A_1002 = tpu.memref_slice %arg8[%dma_start3A_1001] : memref<2048xi32, #tpu.memory_space<vmem>> -> memref<128xi32, #tpu.memory_space<vmem>>
    %dma_start3A_1003 = arith.constant 0 : i32
    %dma_start3A_1004 = arith.constant 0 : i32
    %dma_start3A_1005 = tpu.memref_slice %arg4[%dma_start3A_1003, %dma_start3A_1004] : memref<131072x128xf32, #tpu.memory_space<hbm>> -> memref<131072x128xf32, #tpu.memory_space<hbm>>
    tpu.enqueue_indirect_dma source(%dma_start3A_1005 : memref<131072x128xf32, #tpu.memory_space<hbm>>) target(%arg14 : memref<128x128xf32, #tpu.memory_space<vmem>>) offsets(%dma_start3A_1002 : memref<128xi32, #tpu.memory_space<vmem>>) semaphore(%arg15 : memref<!tpu.dma_semaphore, #tpu.memory_space<semaphore_mem>>)
    %dma_wait3A = arith.constant 0 : i32
    %dma_wait3A_1006 = tpu.memref_slice %arg8[%dma_wait3A] : memref<2048xi32, #tpu.memory_space<vmem>> -> memref<128xi32, #tpu.memory_space<vmem>>
    %dma_wait3A_1007 = arith.constant 0 : i32
    %dma_wait3A_1008 = arith.constant 0 : i32
    %dma_wait3A_1009 = tpu.memref_slice %arg3[%dma_wait3A_1007, %dma_wait3A_1008] : memref<131072x128xf32, #tpu.memory_space<hbm>> -> memref<131072x128xf32, #tpu.memory_space<hbm>>
    tpu.wait_indirect_dma semaphore(%arg15 : memref<!tpu.dma_semaphore, #tpu.memory_space<semaphore_mem>>) src(%dma_wait3A_1009 : memref<131072x128xf32, #tpu.memory_space<hbm>>) dst(%arg9 : memref<128x128xf32, #tpu.memory_space<vmem>>)
    %dma_wait3A_1010 = arith.constant 0 : i32
    %dma_wait3A_1011 = tpu.memref_slice %arg8[%dma_wait3A_1010] : memref<2048xi32, #tpu.memory_space<vmem>> -> memref<128xi32, #tpu.memory_space<vmem>>
    %dma_wait3A_1012 = arith.constant 0 : i32
    %dma_wait3A_1013 = arith.constant 0 : i32
    %dma_wait3A_1014 = tpu.memref_slice %arg4[%dma_wait3A_1012, %dma_wait3A_1013] : memref<131072x128xf32, #tpu.memory_space<hbm>> -> memref<131072x128xf32, #tpu.memory_space<hbm>>
    tpu.wait_indirect_dma semaphore(%arg15 : memref<!tpu.dma_semaphore, #tpu.memory_space<semaphore_mem>>) src(%dma_wait3A_1014 : memref<131072x128xf32, #tpu.memory_space<hbm>>) dst(%arg10 : memref<128x128xf32, #tpu.memory_space<vmem>>)
    "tpu.region"() ({
      %run_scoped3A = tpu.sem_alloc : memref<!tpu.dma_semaphore, #tpu.memory_space<semaphore_mem>>
      %dma_start3A_1295 = arith.constant 0 : i32
      %dma_start3A_1296 = arith.constant 0 : i32
      %dma_start3A_1297 = tpu.memref_slice %arg5[%add3A, %dma_start3A_1295, %dma_start3A_1296] : memref<32x2048x128xf32, #tpu.memory_space<hbm>> -> memref<1x128x128xf32, #tpu.memory_space<hbm>>
      %dma_start3A_1298 = tpu.memref_squeeze %dma_start3A_1297 : memref<1x128x128xf32, #tpu.memory_space<hbm>> -> memref<128x128xf32, #tpu.memory_space<hbm>>
      %dma_start3A_1299 = arith.constant 0 : i32
      %dma_start3A_1300 = arith.constant 0 : i32
      %dma_start3A_1301 = tpu.memref_slice %arg5[%add3A, %dma_start3A_1299, %dma_start3A_1300] : memref<32x2048x128xf32, #tpu.memory_space<hbm>> -> memref<1x128x128xf32, #tpu.memory_space<hbm>>
      %dma_start3A_1302 = tpu.memref_squeeze %dma_start3A_1301 : memref<1x128x128xf32, #tpu.memory_space<hbm>> -> memref<128x128xf32, #tpu.memory_space<hbm>>
      tpu.enqueue_dma source(%arg9 : memref<128x128xf32, #tpu.memory_space<vmem>>) target(%dma_start3A_1302 : memref<128x128xf32, #tpu.memory_space<hbm>>) target_semaphore(%run_scoped3A : memref<!tpu.dma_semaphore, #tpu.memory_space<semaphore_mem>>)
      %dma_wait3A_1303 = arith.constant 0 : i32
      %dma_wait3A_1304 = arith.constant 0 : i32
      %dma_wait3A_1305 = tpu.memref_slice %arg5[%add3A, %dma_wait3A_1303, %dma_wait3A_1304] : memref<32x2048x128xf32, #tpu.memory_space<hbm>> -> memref<1x128x128xf32, #tpu.memory_space<hbm>>
      %dma_wait3A_1306 = tpu.memref_squeeze %dma_wait3A_1305 : memref<1x128x128xf32, #tpu.memory_space<hbm>> -> memref<128x128xf32, #tpu.memory_space<hbm>>
      %dma_wait3A_1307 = arith.constant 0 : i32
      %dma_wait3A_1308 = arith.constant 0 : i32
      %dma_wait3A_1309 = tpu.memref_slice %arg5[%add3A, %dma_wait3A_1307, %dma_wait3A_1308] : memref<32x2048x128xf32, #tpu.memory_space<hbm>> -> memref<1x128x128xf32, #tpu.memory_space<hbm>>
      %dma_wait3A_1310 = tpu.memref_squeeze %dma_wait3A_1309 : memref<1x128x128xf32, #tpu.memory_space<hbm>> -> memref<128x128xf32, #tpu.memory_space<hbm>>
      tpu.wait_dma2 semaphore(%run_scoped3A : memref<!tpu.dma_semaphore, #tpu.memory_space<semaphore_mem>>) src(%arg9 : memref<128x128xf32, #tpu.memory_space<vmem>>) dst(%dma_wait3A_1310 : memref<128x128xf32, #tpu.memory_space<hbm>>)
      tpu.yield
    }) : () -> ()
    "tpu.region"() ({
      %run_scoped3A = tpu.sem_alloc : memref<!tpu.dma_semaphore, #tpu.memory_space<semaphore_mem>>
      %dma_start3A_1295 = arith.constant 0 : i32
      %dma_start3A_1296 = arith.constant 0 : i32
      %dma_start3A_1297 = tpu.memref_slice %arg6[%add3A, %dma_start3A_1295, %dma_start3A_1296] : memref<32x2048x128xf32, #tpu.memory_space<hbm>> -> memref<1x128x128xf32, #tpu.memory_space<hbm>>
      %dma_start3A_1298 = tpu.memref_squeeze %dma_start3A_1297 : memref<1x128x128xf32, #tpu.memory_space<hbm>> -> memref<128x128xf32, #tpu.memory_space<hbm>>
      %dma_start3A_1299 = arith.constant 0 : i32
      %dma_start3A_1300 = arith.constant 0 : i32
      %dma_start3A_1301 = tpu.memref_slice %arg6[%add3A, %dma_start3A_1299, %dma_start3A_1300] : memref<32x2048x128xf32, #tpu.memory_space<hbm>> -> memref<1x128x128xf32, #tpu.memory_space<hbm>>
      %dma_start3A_1302 = tpu.memref_squeeze %dma_start3A_1301 : memref<1x128x128xf32, #tpu.memory_space<hbm>> -> memref<128x128xf32, #tpu.memory_space<hbm>>
      tpu.enqueue_dma source(%arg10 : memref<128x128xf32, #tpu.memory_space<vmem>>) target(%dma_start3A_1302 : memref<128x128xf32, #tpu.memory_space<hbm>>) target_semaphore(%run_scoped3A : memref<!tpu.dma_semaphore, #tpu.memory_space<semaphore_mem>>)
      %dma_wait3A_1303 = arith.constant 0 : i32
      %dma_wait3A_1304 = arith.constant 0 : i32
      %dma_wait3A_1305 = tpu.memref_slice %arg6[%add3A, %dma_wait3A_1303, %dma_wait3A_1304] : memref<32x2048x128xf32, #tpu.memory_space<hbm>> -> memref<1x128x128xf32, #tpu.memory_space<hbm>>
      %dma_wait3A_1306 = tpu.memref_squeeze %dma_wait3A_1305 : memref<1x128x128xf32, #tpu.memory_space<hbm>> -> memref<128x128xf32, #tpu.memory_space<hbm>>
      %dma_wait3A_1307 = arith.constant 0 : i32
      %dma_wait3A_1308 = arith.constant 0 : i32
      %dma_wait3A_1309 = tpu.memref_slice %arg6[%add3A, %dma_wait3A_1307, %dma_wait3A_1308] : memref<32x2048x128xf32, #tpu.memory_space<hbm>> -> memref<1x128x128xf32, #tpu.memory_space<hbm>>
      %dma_wait3A_1310 = tpu.memref_squeeze %dma_wait3A_1309 : memref<1x128x128xf32, #tpu.memory_space<hbm>> -> memref<128x128xf32, #tpu.memory_space<hbm>>
      tpu.wait_dma2 semaphore(%run_scoped3A : memref<!tpu.dma_semaphore, #tpu.memory_space<semaphore_mem>>) src(%arg10 : memref<128x128xf32, #tpu.memory_space<vmem>>) dst(%dma_wait3A_1310 : memref<128x128xf32, #tpu.memory_space<hbm>>)
      tpu.yield
    }) : () -> ()
    %dma_start3A_1015 = arith.constant 384 : i32
    %dma_start3A_1016 = tpu.memref_slice %arg8[%dma_start3A_1015] : memref<2048xi32, #tpu.memory_space<vmem>> -> memref<128xi32, #tpu.memory_space<vmem>>
    %dma_start3A_1017 = arith.constant 0 : i32
    %dma_start3A_1018 = arith.constant 0 : i32
    %dma_start3A_1019 = tpu.memref_slice %arg3[%dma_start3A_1017, %dma_start3A_1018] : memref<131072x128xf32, #tpu.memory_space<hbm>> -> memref<131072x128xf32, #tpu.memory_space<hbm>>
    tpu.enqueue_indirect_dma source(%dma_start3A_1019 : memref<131072x128xf32, #tpu.memory_space<hbm>>) target(%arg9 : memref<128x128xf32, #tpu.memory_space<vmem>>) offsets(%dma_start3A_1016 : memref<128xi32, #tpu.memory_space<vmem>>) semaphore(%arg15 : memref<!tpu.dma_semaphore, #tpu.memory_space<semaphore_mem>>)
    %dma_start3A_1020 = arith.constant 384 : i32
    %dma_start3A_1021 = tpu.memref_slice %arg8[%dma_start3A_1020] : memref<2048xi32, #tpu.memory_space<vmem>> -> memref<128xi32, #tpu.memory_space<vmem>>
    %dma_start3A_1022 = arith.constant 0 : i32
    %dma_start3A_1023 = arith.constant 0 : i32
    %dma_start3A_1024 = tpu.memref_slice %arg4[%dma_start3A_1022, %dma_start3A_1023] : memref<131072x128xf32, #tpu.memory_space<hbm>> -> memref<131072x128xf32, #tpu.memory_space<hbm>>
    tpu.enqueue_indirect_dma source(%dma_start3A_1024 : memref<131072x128xf32, #tpu.memory_space<hbm>>) target(%arg10 : memref<128x128xf32, #tpu.memory_space<vmem>>) offsets(%dma_start3A_1021 : memref<128xi32, #tpu.memory_space<vmem>>) semaphore(%arg15 : memref<!tpu.dma_semaphore, #tpu.memory_space<semaphore_mem>>)
    %dma_wait3A_1025 = arith.constant 128 : i32
    %dma_wait3A_1026 = tpu.memref_slice %arg8[%dma_wait3A_1025] : memref<2048xi32, #tpu.memory_space<vmem>> -> memref<128xi32, #tpu.memory_space<vmem>>
    %dma_wait3A_1027 = arith.constant 0 : i32
    %dma_wait3A_1028 = arith.constant 0 : i32
    %dma_wait3A_1029 = tpu.memref_slice %arg3[%dma_wait3A_1027, %dma_wait3A_1028] : memref<131072x128xf32, #tpu.memory_space<hbm>> -> memref<131072x128xf32, #tpu.memory_space<hbm>>
    tpu.wait_indirect_dma semaphore(%arg15 : memref<!tpu.dma_semaphore, #tpu.memory_space<semaphore_mem>>) src(%dma_wait3A_1029 : memref<131072x128xf32, #tpu.memory_space<hbm>>) dst(%arg11 : memref<128x128xf32, #tpu.memory_space<vmem>>)
    %dma_wait3A_1030 = arith.constant 128 : i32
    %dma_wait3A_1031 = tpu.memref_slice %arg8[%dma_wait3A_1030] : memref<2048xi32, #tpu.memory_space<vmem>> -> memref<128xi32, #tpu.memory_space<vmem>>
    %dma_wait3A_1032 = arith.constant 0 : i32
    %dma_wait3A_1033 = arith.constant 0 : i32
    %dma_wait3A_1034 = tpu.memref_slice %arg4[%dma_wait3A_1032, %dma_wait3A_1033] : memref<131072x128xf32, #tpu.memory_space<hbm>> -> memref<131072x128xf32, #tpu.memory_space<hbm>>
    tpu.wait_indirect_dma semaphore(%arg15 : memref<!tpu.dma_semaphore, #tpu.memory_space<semaphore_mem>>) src(%dma_wait3A_1034 : memref<131072x128xf32, #tpu.memory_space<hbm>>) dst(%arg12 : memref<128x128xf32, #tpu.memory_space<vmem>>)
    "tpu.region"() ({
      %run_scoped3A = tpu.sem_alloc : memref<!tpu.dma_semaphore, #tpu.memory_space<semaphore_mem>>
      %dma_start3A_1295 = arith.constant 128 : i32
      %dma_start3A_1296 = arith.constant 0 : i32
      %dma_start3A_1297 = tpu.memref_slice %arg5[%add3A, %dma_start3A_1295, %dma_start3A_1296] : memref<32x2048x128xf32, #tpu.memory_space<hbm>> -> memref<1x128x128xf32, #tpu.memory_space<hbm>>
      %dma_start3A_1298 = tpu.memref_squeeze %dma_start3A_1297 : memref<1x128x128xf32, #tpu.memory_space<hbm>> -> memref<128x128xf32, #tpu.memory_space<hbm>>
      %dma_start3A_1299 = arith.constant 128 : i32
      %dma_start3A_1300 = arith.constant 0 : i32
      %dma_start3A_1301 = tpu.memref_slice %arg5[%add3A, %dma_start3A_1299, %dma_start3A_1300] : memref<32x2048x128xf32, #tpu.memory_space<hbm>> -> memref<1x128x128xf32, #tpu.memory_space<hbm>>
      %dma_start3A_1302 = tpu.memref_squeeze %dma_start3A_1301 : memref<1x128x128xf32, #tpu.memory_space<hbm>> -> memref<128x128xf32, #tpu.memory_space<hbm>>
      tpu.enqueue_dma source(%arg11 : memref<128x128xf32, #tpu.memory_space<vmem>>) target(%dma_start3A_1302 : memref<128x128xf32, #tpu.memory_space<hbm>>) target_semaphore(%run_scoped3A : memref<!tpu.dma_semaphore, #tpu.memory_space<semaphore_mem>>)
      %dma_wait3A_1303 = arith.constant 128 : i32
      %dma_wait3A_1304 = arith.constant 0 : i32
      %dma_wait3A_1305 = tpu.memref_slice %arg5[%add3A, %dma_wait3A_1303, %dma_wait3A_1304] : memref<32x2048x128xf32, #tpu.memory_space<hbm>> -> memref<1x128x128xf32, #tpu.memory_space<hbm>>
      %dma_wait3A_1306 = tpu.memref_squeeze %dma_wait3A_1305 : memref<1x128x128xf32, #tpu.memory_space<hbm>> -> memref<128x128xf32, #tpu.memory_space<hbm>>
      %dma_wait3A_1307 = arith.constant 128 : i32
      %dma_wait3A_1308 = arith.constant 0 : i32
      %dma_wait3A_1309 = tpu.memref_slice %arg5[%add3A, %dma_wait3A_1307, %dma_wait3A_1308] : memref<32x2048x128xf32, #tpu.memory_space<hbm>> -> memref<1x128x128xf32, #tpu.memory_space<hbm>>
      %dma_wait3A_1310 = tpu.memref_squeeze %dma_wait3A_1309 : memref<1x128x128xf32, #tpu.memory_space<hbm>> -> memref<128x128xf32, #tpu.memory_space<hbm>>
      tpu.wait_dma2 semaphore(%run_scoped3A : memref<!tpu.dma_semaphore, #tpu.memory_space<semaphore_mem>>) src(%arg11 : memref<128x128xf32, #tpu.memory_space<vmem>>) dst(%dma_wait3A_1310 : memref<128x128xf32, #tpu.memory_space<hbm>>)
      tpu.yield
    }) : () -> ()
    "tpu.region"() ({
      %run_scoped3A = tpu.sem_alloc : memref<!tpu.dma_semaphore, #tpu.memory_space<semaphore_mem>>
      %dma_start3A_1295 = arith.constant 128 : i32
      %dma_start3A_1296 = arith.constant 0 : i32
      %dma_start3A_1297 = tpu.memref_slice %arg6[%add3A, %dma_start3A_1295, %dma_start3A_1296] : memref<32x2048x128xf32, #tpu.memory_space<hbm>> -> memref<1x128x128xf32, #tpu.memory_space<hbm>>
      %dma_start3A_1298 = tpu.memref_squeeze %dma_start3A_1297 : memref<1x128x128xf32, #tpu.memory_space<hbm>> -> memref<128x128xf32, #tpu.memory_space<hbm>>
      %dma_start3A_1299 = arith.constant 128 : i32
      %dma_start3A_1300 = arith.constant 0 : i32
      %dma_start3A_1301 = tpu.memref_slice %arg6[%add3A, %dma_start3A_1299, %dma_start3A_1300] : memref<32x2048x128xf32, #tpu.memory_space<hbm>> -> memref<1x128x128xf32, #tpu.memory_space<hbm>>
      %dma_start3A_1302 = tpu.memref_squeeze %dma_start3A_1301 : memref<1x128x128xf32, #tpu.memory_space<hbm>> -> memref<128x128xf32, #tpu.memory_space<hbm>>
      tpu.enqueue_dma source(%arg12 : memref<128x128xf32, #tpu.memory_space<vmem>>) target(%dma_start3A_1302 : memref<128x128xf32, #tpu.memory_space<hbm>>) target_semaphore(%run_scoped3A : memref<!tpu.dma_semaphore, #tpu.memory_space<semaphore_mem>>)
      %dma_wait3A_1303 = arith.constant 128 : i32
      %dma_wait3A_1304 = arith.constant 0 : i32
      %dma_wait3A_1305 = tpu.memref_slice %arg6[%add3A, %dma_wait3A_1303, %dma_wait3A_1304] : memref<32x2048x128xf32, #tpu.memory_space<hbm>> -> memref<1x128x128xf32, #tpu.memory_space<hbm>>
      %dma_wait3A_1306 = tpu.memref_squeeze %dma_wait3A_1305 : memref<1x128x128xf32, #tpu.memory_space<hbm>> -> memref<128x128xf32, #tpu.memory_space<hbm>>
      %dma_wait3A_1307 = arith.constant 128 : i32
      %dma_wait3A_1308 = arith.constant 0 : i32
      %dma_wait3A_1309 = tpu.memref_slice %arg6[%add3A, %dma_wait3A_1307, %dma_wait3A_1308] : memref<32x2048x128xf32, #tpu.memory_space<hbm>> -> memref<1x128x128xf32, #tpu.memory_space<hbm>>
      %dma_wait3A_1310 = tpu.memref_squeeze %dma_wait3A_1309 : memref<1x128x128xf32, #tpu.memory_space<hbm>> -> memref<128x128xf32, #tpu.memory_space<hbm>>
      tpu.wait_dma2 semaphore(%run_scoped3A : memref<!tpu.dma_semaphore, #tpu.memory_space<semaphore_mem>>) src(%arg12 : memref<128x128xf32, #tpu.memory_space<vmem>>) dst(%dma_wait3A_1310 : memref<128x128xf32, #tpu.memory_space<hbm>>)
      tpu.yield
    }) : () -> ()
    %dma_start3A_1035 = arith.constant 512 : i32
    %dma_start3A_1036 = tpu.memref_slice %arg8[%dma_start3A_1035] : memref<2048xi32, #tpu.memory_space<vmem>> -> memref<128xi32, #tpu.memory_space<vmem>>
    %dma_start3A_1037 = arith.constant 0 : i32
    %dma_start3A_1038 = arith.constant 0 : i32
    %dma_start3A_1039 = tpu.memref_slice %arg3[%dma_start3A_1037, %dma_start3A_1038] : memref<131072x128xf32, #tpu.memory_space<hbm>> -> memref<131072x128xf32, #tpu.memory_space<hbm>>
    tpu.enqueue_indirect_dma source(%dma_start3A_1039 : memref<131072x128xf32, #tpu.memory_space<hbm>>) target(%arg11 : memref<128x128xf32, #tpu.memory_space<vmem>>) offsets(%dma_start3A_1036 : memref<128xi32, #tpu.memory_space<vmem>>) semaphore(%arg15 : memref<!tpu.dma_semaphore, #tpu.memory_space<semaphore_mem>>)
    %dma_start3A_1040 = arith.constant 512 : i32
    %dma_start3A_1041 = tpu.memref_slice %arg8[%dma_start3A_1040] : memref<2048xi32, #tpu.memory_space<vmem>> -> memref<128xi32, #tpu.memory_space<vmem>>
    %dma_start3A_1042 = arith.constant 0 : i32
    %dma_start3A_1043 = arith.constant 0 : i32
    %dma_start3A_1044 = tpu.memref_slice %arg4[%dma_start3A_1042, %dma_start3A_1043] : memref<131072x128xf32, #tpu.memory_space<hbm>> -> memref<131072x128xf32, #tpu.memory_space<hbm>>
    tpu.enqueue_indirect_dma source(%dma_start3A_1044 : memref<131072x128xf32, #tpu.memory_space<hbm>>) target(%arg12 : memref<128x128xf32, #tpu.memory_space<vmem>>) offsets(%dma_start3A_1041 : memref<128xi32, #tpu.memory_space<vmem>>) semaphore(%arg15 : memref<!tpu.dma_semaphore, #tpu.memory_space<semaphore_mem>>)
    %dma_wait3A_1045 = arith.constant 256 : i32
    %dma_wait3A_1046 = tpu.memref_slice %arg8[%dma_wait3A_1045] : memref<2048xi32, #tpu.memory_space<vmem>> -> memref<128xi32, #tpu.memory_space<vmem>>
    %dma_wait3A_1047 = arith.constant 0 : i32
    %dma_wait3A_1048 = arith.constant 0 : i32
    %dma_wait3A_1049 = tpu.memref_slice %arg3[%dma_wait3A_1047, %dma_wait3A_1048] : memref<131072x128xf32, #tpu.memory_space<hbm>> -> memref<131072x128xf32, #tpu.memory_space<hbm>>
    tpu.wait_indirect_dma semaphore(%arg15 : memref<!tpu.dma_semaphore, #tpu.memory_space<semaphore_mem>>) src(%dma_wait3A_1049 : memref<131072x128xf32, #tpu.memory_space<hbm>>) dst(%arg13 : memref<128x128xf32, #tpu.memory_space<vmem>>)
    %dma_wait3A_1050 = arith.constant 256 : i32
    %dma_wait3A_1051 = tpu.memref_slice %arg8[%dma_wait3A_1050] : memref<2048xi32, #tpu.memory_space<vmem>> -> memref<128xi32, #tpu.memory_space<vmem>>
    %dma_wait3A_1052 = arith.constant 0 : i32
    %dma_wait3A_1053 = arith.constant 0 : i32
    %dma_wait3A_1054 = tpu.memref_slice %arg4[%dma_wait3A_1052, %dma_wait3A_1053] : memref<131072x128xf32, #tpu.memory_space<hbm>> -> memref<131072x128xf32, #tpu.memory_space<hbm>>
    tpu.wait_indirect_dma semaphore(%arg15 : memref<!tpu.dma_semaphore, #tpu.memory_space<semaphore_mem>>) src(%dma_wait3A_1054 : memref<131072x128xf32, #tpu.memory_space<hbm>>) dst(%arg14 : memref<128x128xf32, #tpu.memory_space<vmem>>)
    "tpu.region"() ({
      %run_scoped3A = tpu.sem_alloc : memref<!tpu.dma_semaphore, #tpu.memory_space<semaphore_mem>>
      %dma_start3A_1295 = arith.constant 256 : i32
      %dma_start3A_1296 = arith.constant 0 : i32
      %dma_start3A_1297 = tpu.memref_slice %arg5[%add3A, %dma_start3A_1295, %dma_start3A_1296] : memref<32x2048x128xf32, #tpu.memory_space<hbm>> -> memref<1x128x128xf32, #tpu.memory_space<hbm>>
      %dma_start3A_1298 = tpu.memref_squeeze %dma_start3A_1297 : memref<1x128x128xf32, #tpu.memory_space<hbm>> -> memref<128x128xf32, #tpu.memory_space<hbm>>
      %dma_start3A_1299 = arith.constant 256 : i32
      %dma_start3A_1300 = arith.constant 0 : i32
      %dma_start3A_1301 = tpu.memref_slice %arg5[%add3A, %dma_start3A_1299, %dma_start3A_1300] : memref<32x2048x128xf32, #tpu.memory_space<hbm>> -> memref<1x128x128xf32, #tpu.memory_space<hbm>>
      %dma_start3A_1302 = tpu.memref_squeeze %dma_start3A_1301 : memref<1x128x128xf32, #tpu.memory_space<hbm>> -> memref<128x128xf32, #tpu.memory_space<hbm>>
      tpu.enqueue_dma source(%arg13 : memref<128x128xf32, #tpu.memory_space<vmem>>) target(%dma_start3A_1302 : memref<128x128xf32, #tpu.memory_space<hbm>>) target_semaphore(%run_scoped3A : memref<!tpu.dma_semaphore, #tpu.memory_space<semaphore_mem>>)
      %dma_wait3A_1303 = arith.constant 256 : i32
      %dma_wait3A_1304 = arith.constant 0 : i32
      %dma_wait3A_1305 = tpu.memref_slice %arg5[%add3A, %dma_wait3A_1303, %dma_wait3A_1304] : memref<32x2048x128xf32, #tpu.memory_space<hbm>> -> memref<1x128x128xf32, #tpu.memory_space<hbm>>
      %dma_wait3A_1306 = tpu.memref_squeeze %dma_wait3A_1305 : memref<1x128x128xf32, #tpu.memory_space<hbm>> -> memref<128x128xf32, #tpu.memory_space<hbm>>
      %dma_wait3A_1307 = arith.constant 256 : i32
      %dma_wait3A_1308 = arith.constant 0 : i32
      %dma_wait3A_1309 = tpu.memref_slice %arg5[%add3A, %dma_wait3A_1307, %dma_wait3A_1308] : memref<32x2048x128xf32, #tpu.memory_space<hbm>> -> memref<1x128x128xf32, #tpu.memory_space<hbm>>
      %dma_wait3A_1310 = tpu.memref_squeeze %dma_wait3A_1309 : memref<1x128x128xf32, #tpu.memory_space<hbm>> -> memref<128x128xf32, #tpu.memory_space<hbm>>
      tpu.wait_dma2 semaphore(%run_scoped3A : memref<!tpu.dma_semaphore, #tpu.memory_space<semaphore_mem>>) src(%arg13 : memref<128x128xf32, #tpu.memory_space<vmem>>) dst(%dma_wait3A_1310 : memref<128x128xf32, #tpu.memory_space<hbm>>)
      tpu.yield
    }) : () -> ()
    "tpu.region"() ({
      %run_scoped3A = tpu.sem_alloc : memref<!tpu.dma_semaphore, #tpu.memory_space<semaphore_mem>>
      %dma_start3A_1295 = arith.constant 256 : i32
      %dma_start3A_1296 = arith.constant 0 : i32
      %dma_start3A_1297 = tpu.memref_slice %arg6[%add3A, %dma_start3A_1295, %dma_start3A_1296] : memref<32x2048x128xf32, #tpu.memory_space<hbm>> -> memref<1x128x128xf32, #tpu.memory_space<hbm>>
      %dma_start3A_1298 = tpu.memref_squeeze %dma_start3A_1297 : memref<1x128x128xf32, #tpu.memory_space<hbm>> -> memref<128x128xf32, #tpu.memory_space<hbm>>
      %dma_start3A_1299 = arith.constant 256 : i32
      %dma_start3A_1300 = arith.constant 0 : i32
      %dma_start3A_1301 = tpu.memref_slice %arg6[%add3A, %dma_start3A_1299, %dma_start3A_1300] : memref<32x2048x128xf32, #tpu.memory_space<hbm>> -> memref<1x128x128xf32, #tpu.memory_space<hbm>>
      %dma_start3A_1302 = tpu.memref_squeeze %dma_start3A_1301 : memref<1x128x128xf32, #tpu.memory_space<hbm>> -> memref<128x128xf32, #tpu.memory_space<hbm>>
      tpu.enqueue_dma source(%arg14 : memref<128x128xf32, #tpu.memory_space<vmem>>) target(%dma_start3A_1302 : memref<128x128xf32, #tpu.memory_space<hbm>>) target_semaphore(%run_scoped3A : memref<!tpu.dma_semaphore, #tpu.memory_space<semaphore_mem>>)
      %dma_wait3A_1303 = arith.constant 256 : i32
      %dma_wait3A_1304 = arith.constant 0 : i32
      %dma_wait3A_1305 = tpu.memref_slice %arg6[%add3A, %dma_wait3A_1303, %dma_wait3A_1304] : memref<32x2048x128xf32, #tpu.memory_space<hbm>> -> memref<1x128x128xf32, #tpu.memory_space<hbm>>
      %dma_wait3A_1306 = tpu.memref_squeeze %dma_wait3A_1305 : memref<1x128x128xf32, #tpu.memory_space<hbm>> -> memref<128x128xf32, #tpu.memory_space<hbm>>
      %dma_wait3A_1307 = arith.constant 256 : i32
      %dma_wait3A_1308 = arith.constant 0 : i32
      %dma_wait3A_1309 = tpu.memref_slice %arg6[%add3A, %dma_wait3A_1307, %dma_wait3A_1308] : memref<32x2048x128xf32, #tpu.memory_space<hbm>> -> memref<1x128x128xf32, #tpu.memory_space<hbm>>
      %dma_wait3A_1310 = tpu.memref_squeeze %dma_wait3A_1309 : memref<1x128x128xf32, #tpu.memory_space<hbm>> -> memref<128x128xf32, #tpu.memory_space<hbm>>
      tpu.wait_dma2 semaphore(%run_scoped3A : memref<!tpu.dma_semaphore, #tpu.memory_space<semaphore_mem>>) src(%arg14 : memref<128x128xf32, #tpu.memory_space<vmem>>) dst(%dma_wait3A_1310 : memref<128x128xf32, #tpu.memory_space<hbm>>)
      tpu.yield
    }) : () -> ()
    %dma_start3A_1055 = arith.constant 640 : i32
    %dma_start3A_1056 = tpu.memref_slice %arg8[%dma_start3A_1055] : memref<2048xi32, #tpu.memory_space<vmem>> -> memref<128xi32, #tpu.memory_space<vmem>>
    %dma_start3A_1057 = arith.constant 0 : i32
    %dma_start3A_1058 = arith.constant 0 : i32
    %dma_start3A_1059 = tpu.memref_slice %arg3[%dma_start3A_1057, %dma_start3A_1058] : memref<131072x128xf32, #tpu.memory_space<hbm>> -> memref<131072x128xf32, #tpu.memory_space<hbm>>
    tpu.enqueue_indirect_dma source(%dma_start3A_1059 : memref<131072x128xf32, #tpu.memory_space<hbm>>) target(%arg13 : memref<128x128xf32, #tpu.memory_space<vmem>>) offsets(%dma_start3A_1056 : memref<128xi32, #tpu.memory_space<vmem>>) semaphore(%arg15 : memref<!tpu.dma_semaphore, #tpu.memory_space<semaphore_mem>>)
    %dma_start3A_1060 = arith.constant 640 : i32
    %dma_start3A_1061 = tpu.memref_slice %arg8[%dma_start3A_1060] : memref<2048xi32, #tpu.memory_space<vmem>> -> memref<128xi32, #tpu.memory_space<vmem>>
    %dma_start3A_1062 = arith.constant 0 : i32
    %dma_start3A_1063 = arith.constant 0 : i32
    %dma_start3A_1064 = tpu.memref_slice %arg4[%dma_start3A_1062, %dma_start3A_1063] : memref<131072x128xf32, #tpu.memory_space<hbm>> -> memref<131072x128xf32, #tpu.memory_space<hbm>>
    tpu.enqueue_indirect_dma source(%dma_start3A_1064 : memref<131072x128xf32, #tpu.memory_space<hbm>>) target(%arg14 : memref<128x128xf32, #tpu.memory_space<vmem>>) offsets(%dma_start3A_1061 : memref<128xi32, #tpu.memory_space<vmem>>) semaphore(%arg15 : memref<!tpu.dma_semaphore, #tpu.memory_space<semaphore_mem>>)
    %dma_wait3A_1065 = arith.constant 384 : i32
    %dma_wait3A_1066 = tpu.memref_slice %arg8[%dma_wait3A_1065] : memref<2048xi32, #tpu.memory_space<vmem>> -> memref<128xi32, #tpu.memory_space<vmem>>
    %dma_wait3A_1067 = arith.constant 0 : i32
    %dma_wait3A_1068 = arith.constant 0 : i32
    %dma_wait3A_1069 = tpu.memref_slice %arg3[%dma_wait3A_1067, %dma_wait3A_1068] : memref<131072x128xf32, #tpu.memory_space<hbm>> -> memref<131072x128xf32, #tpu.memory_space<hbm>>
    tpu.wait_indirect_dma semaphore(%arg15 : memref<!tpu.dma_semaphore, #tpu.memory_space<semaphore_mem>>) src(%dma_wait3A_1069 : memref<131072x128xf32, #tpu.memory_space<hbm>>) dst(%arg9 : memref<128x128xf32, #tpu.memory_space<vmem>>)
    %dma_wait3A_1070 = arith.constant 384 : i32
    %dma_wait3A_1071 = tpu.memref_slice %arg8[%dma_wait3A_1070] : memref<2048xi32, #tpu.memory_space<vmem>> -> memref<128xi32, #tpu.memory_space<vmem>>
    %dma_wait3A_1072 = arith.constant 0 : i32
    %dma_wait3A_1073 = arith.constant 0 : i32
    %dma_wait3A_1074 = tpu.memref_slice %arg4[%dma_wait3A_1072, %dma_wait3A_1073] : memref<131072x128xf32, #tpu.memory_space<hbm>> -> memref<131072x128xf32, #tpu.memory_space<hbm>>
    tpu.wait_indirect_dma semaphore(%arg15 : memref<!tpu.dma_semaphore, #tpu.memory_space<semaphore_mem>>) src(%dma_wait3A_1074 : memref<131072x128xf32, #tpu.memory_space<hbm>>) dst(%arg10 : memref<128x128xf32, #tpu.memory_space<vmem>>)
    "tpu.region"() ({
      %run_scoped3A = tpu.sem_alloc : memref<!tpu.dma_semaphore, #tpu.memory_space<semaphore_mem>>
      %dma_start3A_1295 = arith.constant 384 : i32
      %dma_start3A_1296 = arith.constant 0 : i32
      %dma_start3A_1297 = tpu.memref_slice %arg5[%add3A, %dma_start3A_1295, %dma_start3A_1296] : memref<32x2048x128xf32, #tpu.memory_space<hbm>> -> memref<1x128x128xf32, #tpu.memory_space<hbm>>
      %dma_start3A_1298 = tpu.memref_squeeze %dma_start3A_1297 : memref<1x128x128xf32, #tpu.memory_space<hbm>> -> memref<128x128xf32, #tpu.memory_space<hbm>>
      %dma_start3A_1299 = arith.constant 384 : i32
      %dma_start3A_1300 = arith.constant 0 : i32
      %dma_start3A_1301 = tpu.memref_slice %arg5[%add3A, %dma_start3A_1299, %dma_start3A_1300] : memref<32x2048x128xf32, #tpu.memory_space<hbm>> -> memref<1x128x128xf32, #tpu.memory_space<hbm>>
      %dma_start3A_1302 = tpu.memref_squeeze %dma_start3A_1301 : memref<1x128x128xf32, #tpu.memory_space<hbm>> -> memref<128x128xf32, #tpu.memory_space<hbm>>
      tpu.enqueue_dma source(%arg9 : memref<128x128xf32, #tpu.memory_space<vmem>>) target(%dma_start3A_1302 : memref<128x128xf32, #tpu.memory_space<hbm>>) target_semaphore(%run_scoped3A : memref<!tpu.dma_semaphore, #tpu.memory_space<semaphore_mem>>)
      %dma_wait3A_1303 = arith.constant 384 : i32
      %dma_wait3A_1304 = arith.constant 0 : i32
      %dma_wait3A_1305 = tpu.memref_slice %arg5[%add3A, %dma_wait3A_1303, %dma_wait3A_1304] : memref<32x2048x128xf32, #tpu.memory_space<hbm>> -> memref<1x128x128xf32, #tpu.memory_space<hbm>>
      %dma_wait3A_1306 = tpu.memref_squeeze %dma_wait3A_1305 : memref<1x128x128xf32, #tpu.memory_space<hbm>> -> memref<128x128xf32, #tpu.memory_space<hbm>>
      %dma_wait3A_1307 = arith.constant 384 : i32
      %dma_wait3A_1308 = arith.constant 0 : i32
      %dma_wait3A_1309 = tpu.memref_slice %arg5[%add3A, %dma_wait3A_1307, %dma_wait3A_1308] : memref<32x2048x128xf32, #tpu.memory_space<hbm>> -> memref<1x128x128xf32, #tpu.memory_space<hbm>>
      %dma_wait3A_1310 = tpu.memref_squeeze %dma_wait3A_1309 : memref<1x128x128xf32, #tpu.memory_space<hbm>> -> memref<128x128xf32, #tpu.memory_space<hbm>>
      tpu.wait_dma2 semaphore(%run_scoped3A : memref<!tpu.dma_semaphore, #tpu.memory_space<semaphore_mem>>) src(%arg9 : memref<128x128xf32, #tpu.memory_space<vmem>>) dst(%dma_wait3A_1310 : memref<128x128xf32, #tpu.memory_space<hbm>>)
      tpu.yield
    }) : () -> ()
    "tpu.region"() ({
      %run_scoped3A = tpu.sem_alloc : memref<!tpu.dma_semaphore, #tpu.memory_space<semaphore_mem>>
      %dma_start3A_1295 = arith.constant 384 : i32
      %dma_start3A_1296 = arith.constant 0 : i32
      %dma_start3A_1297 = tpu.memref_slice %arg6[%add3A, %dma_start3A_1295, %dma_start3A_1296] : memref<32x2048x128xf32, #tpu.memory_space<hbm>> -> memref<1x128x128xf32, #tpu.memory_space<hbm>>
      %dma_start3A_1298 = tpu.memref_squeeze %dma_start3A_1297 : memref<1x128x128xf32, #tpu.memory_space<hbm>> -> memref<128x128xf32, #tpu.memory_space<hbm>>
      %dma_start3A_1299 = arith.constant 384 : i32
      %dma_start3A_1300 = arith.constant 0 : i32
      %dma_start3A_1301 = tpu.memref_slice %arg6[%add3A, %dma_start3A_1299, %dma_start3A_1300] : memref<32x2048x128xf32, #tpu.memory_space<hbm>> -> memref<1x128x128xf32, #tpu.memory_space<hbm>>
      %dma_start3A_1302 = tpu.memref_squeeze %dma_start3A_1301 : memref<1x128x128xf32, #tpu.memory_space<hbm>> -> memref<128x128xf32, #tpu.memory_space<hbm>>
      tpu.enqueue_dma source(%arg10 : memref<128x128xf32, #tpu.memory_space<vmem>>) target(%dma_start3A_1302 : memref<128x128xf32, #tpu.memory_space<hbm>>) target_semaphore(%run_scoped3A : memref<!tpu.dma_semaphore, #tpu.memory_space<semaphore_mem>>)
      %dma_wait3A_1303 = arith.constant 384 : i32
      %dma_wait3A_1304 = arith.constant 0 : i32
      %dma_wait3A_1305 = tpu.memref_slice %arg6[%add3A, %dma_wait3A_1303, %dma_wait3A_1304] : memref<32x2048x128xf32, #tpu.memory_space<hbm>> -> memref<1x128x128xf32, #tpu.memory_space<hbm>>
      %dma_wait3A_1306 = tpu.memref_squeeze %dma_wait3A_1305 : memref<1x128x128xf32, #tpu.memory_space<hbm>> -> memref<128x128xf32, #tpu.memory_space<hbm>>
      %dma_wait3A_1307 = arith.constant 384 : i32
      %dma_wait3A_1308 = arith.constant 0 : i32
      %dma_wait3A_1309 = tpu.memref_slice %arg6[%add3A, %dma_wait3A_1307, %dma_wait3A_1308] : memref<32x2048x128xf32, #tpu.memory_space<hbm>> -> memref<1x128x128xf32, #tpu.memory_space<hbm>>
      %dma_wait3A_1310 = tpu.memref_squeeze %dma_wait3A_1309 : memref<1x128x128xf32, #tpu.memory_space<hbm>> -> memref<128x128xf32, #tpu.memory_space<hbm>>
      tpu.wait_dma2 semaphore(%run_scoped3A : memref<!tpu.dma_semaphore, #tpu.memory_space<semaphore_mem>>) src(%arg10 : memref<128x128xf32, #tpu.memory_space<vmem>>) dst(%dma_wait3A_1310 : memref<128x128xf32, #tpu.memory_space<hbm>>)
      tpu.yield
    }) : () -> ()
    %dma_start3A_1075 = arith.constant 768 : i32
    %dma_start3A_1076 = tpu.memref_slice %arg8[%dma_start3A_1075] : memref<2048xi32, #tpu.memory_space<vmem>> -> memref<128xi32, #tpu.memory_space<vmem>>
    %dma_start3A_1077 = arith.constant 0 : i32
    %dma_start3A_1078 = arith.constant 0 : i32
    %dma_start3A_1079 = tpu.memref_slice %arg3[%dma_start3A_1077, %dma_start3A_1078] : memref<131072x128xf32, #tpu.memory_space<hbm>> -> memref<131072x128xf32, #tpu.memory_space<hbm>>
    tpu.enqueue_indirect_dma source(%dma_start3A_1079 : memref<131072x128xf32, #tpu.memory_space<hbm>>) target(%arg9 : memref<128x128xf32, #tpu.memory_space<vmem>>) offsets(%dma_start3A_1076 : memref<128xi32, #tpu.memory_space<vmem>>) semaphore(%arg15 : memref<!tpu.dma_semaphore, #tpu.memory_space<semaphore_mem>>)
    %dma_start3A_1080 = arith.constant 768 : i32
    %dma_start3A_1081 = tpu.memref_slice %arg8[%dma_start3A_1080] : memref<2048xi32, #tpu.memory_space<vmem>> -> memref<128xi32, #tpu.memory_space<vmem>>
    %dma_start3A_1082 = arith.constant 0 : i32
    %dma_start3A_1083 = arith.constant 0 : i32
    %dma_start3A_1084 = tpu.memref_slice %arg4[%dma_start3A_1082, %dma_start3A_1083] : memref<131072x128xf32, #tpu.memory_space<hbm>> -> memref<131072x128xf32, #tpu.memory_space<hbm>>
    tpu.enqueue_indirect_dma source(%dma_start3A_1084 : memref<131072x128xf32, #tpu.memory_space<hbm>>) target(%arg10 : memref<128x128xf32, #tpu.memory_space<vmem>>) offsets(%dma_start3A_1081 : memref<128xi32, #tpu.memory_space<vmem>>) semaphore(%arg15 : memref<!tpu.dma_semaphore, #tpu.memory_space<semaphore_mem>>)
    %dma_wait3A_1085 = arith.constant 512 : i32
    %dma_wait3A_1086 = tpu.memref_slice %arg8[%dma_wait3A_1085] : memref<2048xi32, #tpu.memory_space<vmem>> -> memref<128xi32, #tpu.memory_space<vmem>>
    %dma_wait3A_1087 = arith.constant 0 : i32
    %dma_wait3A_1088 = arith.constant 0 : i32
    %dma_wait3A_1089 = tpu.memref_slice %arg3[%dma_wait3A_1087, %dma_wait3A_1088] : memref<131072x128xf32, #tpu.memory_space<hbm>> -> memref<131072x128xf32, #tpu.memory_space<hbm>>
    tpu.wait_indirect_dma semaphore(%arg15 : memref<!tpu.dma_semaphore, #tpu.memory_space<semaphore_mem>>) src(%dma_wait3A_1089 : memref<131072x128xf32, #tpu.memory_space<hbm>>) dst(%arg11 : memref<128x128xf32, #tpu.memory_space<vmem>>)
    %dma_wait3A_1090 = arith.constant 512 : i32
    %dma_wait3A_1091 = tpu.memref_slice %arg8[%dma_wait3A_1090] : memref<2048xi32, #tpu.memory_space<vmem>> -> memref<128xi32, #tpu.memory_space<vmem>>
    %dma_wait3A_1092 = arith.constant 0 : i32
    %dma_wait3A_1093 = arith.constant 0 : i32
    %dma_wait3A_1094 = tpu.memref_slice %arg4[%dma_wait3A_1092, %dma_wait3A_1093] : memref<131072x128xf32, #tpu.memory_space<hbm>> -> memref<131072x128xf32, #tpu.memory_space<hbm>>
    tpu.wait_indirect_dma semaphore(%arg15 : memref<!tpu.dma_semaphore, #tpu.memory_space<semaphore_mem>>) src(%dma_wait3A_1094 : memref<131072x128xf32, #tpu.memory_space<hbm>>) dst(%arg12 : memref<128x128xf32, #tpu.memory_space<vmem>>)
    "tpu.region"() ({
      %run_scoped3A = tpu.sem_alloc : memref<!tpu.dma_semaphore, #tpu.memory_space<semaphore_mem>>
      %dma_start3A_1295 = arith.constant 512 : i32
      %dma_start3A_1296 = arith.constant 0 : i32
      %dma_start3A_1297 = tpu.memref_slice %arg5[%add3A, %dma_start3A_1295, %dma_start3A_1296] : memref<32x2048x128xf32, #tpu.memory_space<hbm>> -> memref<1x128x128xf32, #tpu.memory_space<hbm>>
      %dma_start3A_1298 = tpu.memref_squeeze %dma_start3A_1297 : memref<1x128x128xf32, #tpu.memory_space<hbm>> -> memref<128x128xf32, #tpu.memory_space<hbm>>
      %dma_start3A_1299 = arith.constant 512 : i32
      %dma_start3A_1300 = arith.constant 0 : i32
      %dma_start3A_1301 = tpu.memref_slice %arg5[%add3A, %dma_start3A_1299, %dma_start3A_1300] : memref<32x2048x128xf32, #tpu.memory_space<hbm>> -> memref<1x128x128xf32, #tpu.memory_space<hbm>>
      %dma_start3A_1302 = tpu.memref_squeeze %dma_start3A_1301 : memref<1x128x128xf32, #tpu.memory_space<hbm>> -> memref<128x128xf32, #tpu.memory_space<hbm>>
      tpu.enqueue_dma source(%arg11 : memref<128x128xf32, #tpu.memory_space<vmem>>) target(%dma_start3A_1302 : memref<128x128xf32, #tpu.memory_space<hbm>>) target_semaphore(%run_scoped3A : memref<!tpu.dma_semaphore, #tpu.memory_space<semaphore_mem>>)
      %dma_wait3A_1303 = arith.constant 512 : i32
      %dma_wait3A_1304 = arith.constant 0 : i32
      %dma_wait3A_1305 = tpu.memref_slice %arg5[%add3A, %dma_wait3A_1303, %dma_wait3A_1304] : memref<32x2048x128xf32, #tpu.memory_space<hbm>> -> memref<1x128x128xf32, #tpu.memory_space<hbm>>
      %dma_wait3A_1306 = tpu.memref_squeeze %dma_wait3A_1305 : memref<1x128x128xf32, #tpu.memory_space<hbm>> -> memref<128x128xf32, #tpu.memory_space<hbm>>
      %dma_wait3A_1307 = arith.constant 512 : i32
      %dma_wait3A_1308 = arith.constant 0 : i32
      %dma_wait3A_1309 = tpu.memref_slice %arg5[%add3A, %dma_wait3A_1307, %dma_wait3A_1308] : memref<32x2048x128xf32, #tpu.memory_space<hbm>> -> memref<1x128x128xf32, #tpu.memory_space<hbm>>
      %dma_wait3A_1310 = tpu.memref_squeeze %dma_wait3A_1309 : memref<1x128x128xf32, #tpu.memory_space<hbm>> -> memref<128x128xf32, #tpu.memory_space<hbm>>
      tpu.wait_dma2 semaphore(%run_scoped3A : memref<!tpu.dma_semaphore, #tpu.memory_space<semaphore_mem>>) src(%arg11 : memref<128x128xf32, #tpu.memory_space<vmem>>) dst(%dma_wait3A_1310 : memref<128x128xf32, #tpu.memory_space<hbm>>)
      tpu.yield
    }) : () -> ()
    "tpu.region"() ({
      %run_scoped3A = tpu.sem_alloc : memref<!tpu.dma_semaphore, #tpu.memory_space<semaphore_mem>>
      %dma_start3A_1295 = arith.constant 512 : i32
      %dma_start3A_1296 = arith.constant 0 : i32
      %dma_start3A_1297 = tpu.memref_slice %arg6[%add3A, %dma_start3A_1295, %dma_start3A_1296] : memref<32x2048x128xf32, #tpu.memory_space<hbm>> -> memref<1x128x128xf32, #tpu.memory_space<hbm>>
      %dma_start3A_1298 = tpu.memref_squeeze %dma_start3A_1297 : memref<1x128x128xf32, #tpu.memory_space<hbm>> -> memref<128x128xf32, #tpu.memory_space<hbm>>
      %dma_start3A_1299 = arith.constant 512 : i32
      %dma_start3A_1300 = arith.constant 0 : i32
      %dma_start3A_1301 = tpu.memref_slice %arg6[%add3A, %dma_start3A_1299, %dma_start3A_1300] : memref<32x2048x128xf32, #tpu.memory_space<hbm>> -> memref<1x128x128xf32, #tpu.memory_space<hbm>>
      %dma_start3A_1302 = tpu.memref_squeeze %dma_start3A_1301 : memref<1x128x128xf32, #tpu.memory_space<hbm>> -> memref<128x128xf32, #tpu.memory_space<hbm>>
      tpu.enqueue_dma source(%arg12 : memref<128x128xf32, #tpu.memory_space<vmem>>) target(%dma_start3A_1302 : memref<128x128xf32, #tpu.memory_space<hbm>>) target_semaphore(%run_scoped3A : memref<!tpu.dma_semaphore, #tpu.memory_space<semaphore_mem>>)
      %dma_wait3A_1303 = arith.constant 512 : i32
      %dma_wait3A_1304 = arith.constant 0 : i32
      %dma_wait3A_1305 = tpu.memref_slice %arg6[%add3A, %dma_wait3A_1303, %dma_wait3A_1304] : memref<32x2048x128xf32, #tpu.memory_space<hbm>> -> memref<1x128x128xf32, #tpu.memory_space<hbm>>
      %dma_wait3A_1306 = tpu.memref_squeeze %dma_wait3A_1305 : memref<1x128x128xf32, #tpu.memory_space<hbm>> -> memref<128x128xf32, #tpu.memory_space<hbm>>
      %dma_wait3A_1307 = arith.constant 512 : i32
      %dma_wait3A_1308 = arith.constant 0 : i32
      %dma_wait3A_1309 = tpu.memref_slice %arg6[%add3A, %dma_wait3A_1307, %dma_wait3A_1308] : memref<32x2048x128xf32, #tpu.memory_space<hbm>> -> memref<1x128x128xf32, #tpu.memory_space<hbm>>
      %dma_wait3A_1310 = tpu.memref_squeeze %dma_wait3A_1309 : memref<1x128x128xf32, #tpu.memory_space<hbm>> -> memref<128x128xf32, #tpu.memory_space<hbm>>
      tpu.wait_dma2 semaphore(%run_scoped3A : memref<!tpu.dma_semaphore, #tpu.memory_space<semaphore_mem>>) src(%arg12 : memref<128x128xf32, #tpu.memory_space<vmem>>) dst(%dma_wait3A_1310 : memref<128x128xf32, #tpu.memory_space<hbm>>)
      tpu.yield
    }) : () -> ()
    %dma_start3A_1095 = arith.constant 896 : i32
    %dma_start3A_1096 = tpu.memref_slice %arg8[%dma_start3A_1095] : memref<2048xi32, #tpu.memory_space<vmem>> -> memref<128xi32, #tpu.memory_space<vmem>>
    %dma_start3A_1097 = arith.constant 0 : i32
    %dma_start3A_1098 = arith.constant 0 : i32
    %dma_start3A_1099 = tpu.memref_slice %arg3[%dma_start3A_1097, %dma_start3A_1098] : memref<131072x128xf32, #tpu.memory_space<hbm>> -> memref<131072x128xf32, #tpu.memory_space<hbm>>
    tpu.enqueue_indirect_dma source(%dma_start3A_1099 : memref<131072x128xf32, #tpu.memory_space<hbm>>) target(%arg11 : memref<128x128xf32, #tpu.memory_space<vmem>>) offsets(%dma_start3A_1096 : memref<128xi32, #tpu.memory_space<vmem>>) semaphore(%arg15 : memref<!tpu.dma_semaphore, #tpu.memory_space<semaphore_mem>>)
    %dma_start3A_1100 = arith.constant 896 : i32
    %dma_start3A_1101 = tpu.memref_slice %arg8[%dma_start3A_1100] : memref<2048xi32, #tpu.memory_space<vmem>> -> memref<128xi32, #tpu.memory_space<vmem>>
    %dma_start3A_1102 = arith.constant 0 : i32
    %dma_start3A_1103 = arith.constant 0 : i32
    %dma_start3A_1104 = tpu.memref_slice %arg4[%dma_start3A_1102, %dma_start3A_1103] : memref<131072x128xf32, #tpu.memory_space<hbm>> -> memref<131072x128xf32, #tpu.memory_space<hbm>>
    tpu.enqueue_indirect_dma source(%dma_start3A_1104 : memref<131072x128xf32, #tpu.memory_space<hbm>>) target(%arg12 : memref<128x128xf32, #tpu.memory_space<vmem>>) offsets(%dma_start3A_1101 : memref<128xi32, #tpu.memory_space<vmem>>) semaphore(%arg15 : memref<!tpu.dma_semaphore, #tpu.memory_space<semaphore_mem>>)
    %dma_wait3A_1105 = arith.constant 640 : i32
    %dma_wait3A_1106 = tpu.memref_slice %arg8[%dma_wait3A_1105] : memref<2048xi32, #tpu.memory_space<vmem>> -> memref<128xi32, #tpu.memory_space<vmem>>
    %dma_wait3A_1107 = arith.constant 0 : i32
    %dma_wait3A_1108 = arith.constant 0 : i32
    %dma_wait3A_1109 = tpu.memref_slice %arg3[%dma_wait3A_1107, %dma_wait3A_1108] : memref<131072x128xf32, #tpu.memory_space<hbm>> -> memref<131072x128xf32, #tpu.memory_space<hbm>>
    tpu.wait_indirect_dma semaphore(%arg15 : memref<!tpu.dma_semaphore, #tpu.memory_space<semaphore_mem>>) src(%dma_wait3A_1109 : memref<131072x128xf32, #tpu.memory_space<hbm>>) dst(%arg13 : memref<128x128xf32, #tpu.memory_space<vmem>>)
    %dma_wait3A_1110 = arith.constant 640 : i32
    %dma_wait3A_1111 = tpu.memref_slice %arg8[%dma_wait3A_1110] : memref<2048xi32, #tpu.memory_space<vmem>> -> memref<128xi32, #tpu.memory_space<vmem>>
    %dma_wait3A_1112 = arith.constant 0 : i32
    %dma_wait3A_1113 = arith.constant 0 : i32
    %dma_wait3A_1114 = tpu.memref_slice %arg4[%dma_wait3A_1112, %dma_wait3A_1113] : memref<131072x128xf32, #tpu.memory_space<hbm>> -> memref<131072x128xf32, #tpu.memory_space<hbm>>
    tpu.wait_indirect_dma semaphore(%arg15 : memref<!tpu.dma_semaphore, #tpu.memory_space<semaphore_mem>>) src(%dma_wait3A_1114 : memref<131072x128xf32, #tpu.memory_space<hbm>>) dst(%arg14 : memref<128x128xf32, #tpu.memory_space<vmem>>)
    "tpu.region"() ({
      %run_scoped3A = tpu.sem_alloc : memref<!tpu.dma_semaphore, #tpu.memory_space<semaphore_mem>>
      %dma_start3A_1295 = arith.constant 640 : i32
      %dma_start3A_1296 = arith.constant 0 : i32
      %dma_start3A_1297 = tpu.memref_slice %arg5[%add3A, %dma_start3A_1295, %dma_start3A_1296] : memref<32x2048x128xf32, #tpu.memory_space<hbm>> -> memref<1x128x128xf32, #tpu.memory_space<hbm>>
      %dma_start3A_1298 = tpu.memref_squeeze %dma_start3A_1297 : memref<1x128x128xf32, #tpu.memory_space<hbm>> -> memref<128x128xf32, #tpu.memory_space<hbm>>
      %dma_start3A_1299 = arith.constant 640 : i32
      %dma_start3A_1300 = arith.constant 0 : i32
      %dma_start3A_1301 = tpu.memref_slice %arg5[%add3A, %dma_start3A_1299, %dma_start3A_1300] : memref<32x2048x128xf32, #tpu.memory_space<hbm>> -> memref<1x128x128xf32, #tpu.memory_space<hbm>>
      %dma_start3A_1302 = tpu.memref_squeeze %dma_start3A_1301 : memref<1x128x128xf32, #tpu.memory_space<hbm>> -> memref<128x128xf32, #tpu.memory_space<hbm>>
      tpu.enqueue_dma source(%arg13 : memref<128x128xf32, #tpu.memory_space<vmem>>) target(%dma_start3A_1302 : memref<128x128xf32, #tpu.memory_space<hbm>>) target_semaphore(%run_scoped3A : memref<!tpu.dma_semaphore, #tpu.memory_space<semaphore_mem>>)
      %dma_wait3A_1303 = arith.constant 640 : i32
      %dma_wait3A_1304 = arith.constant 0 : i32
      %dma_wait3A_1305 = tpu.memref_slice %arg5[%add3A, %dma_wait3A_1303, %dma_wait3A_1304] : memref<32x2048x128xf32, #tpu.memory_space<hbm>> -> memref<1x128x128xf32, #tpu.memory_space<hbm>>
      %dma_wait3A_1306 = tpu.memref_squeeze %dma_wait3A_1305 : memref<1x128x128xf32, #tpu.memory_space<hbm>> -> memref<128x128xf32, #tpu.memory_space<hbm>>
      %dma_wait3A_1307 = arith.constant 640 : i32
      %dma_wait3A_1308 = arith.constant 0 : i32
      %dma_wait3A_1309 = tpu.memref_slice %arg5[%add3A, %dma_wait3A_1307, %dma_wait3A_1308] : memref<32x2048x128xf32, #tpu.memory_space<hbm>> -> memref<1x128x128xf32, #tpu.memory_space<hbm>>
      %dma_wait3A_1310 = tpu.memref_squeeze %dma_wait3A_1309 : memref<1x128x128xf32, #tpu.memory_space<hbm>> -> memref<128x128xf32, #tpu.memory_space<hbm>>
      tpu.wait_dma2 semaphore(%run_scoped3A : memref<!tpu.dma_semaphore, #tpu.memory_space<semaphore_mem>>) src(%arg13 : memref<128x128xf32, #tpu.memory_space<vmem>>) dst(%dma_wait3A_1310 : memref<128x128xf32, #tpu.memory_space<hbm>>)
      tpu.yield
    }) : () -> ()
    "tpu.region"() ({
      %run_scoped3A = tpu.sem_alloc : memref<!tpu.dma_semaphore, #tpu.memory_space<semaphore_mem>>
      %dma_start3A_1295 = arith.constant 640 : i32
      %dma_start3A_1296 = arith.constant 0 : i32
      %dma_start3A_1297 = tpu.memref_slice %arg6[%add3A, %dma_start3A_1295, %dma_start3A_1296] : memref<32x2048x128xf32, #tpu.memory_space<hbm>> -> memref<1x128x128xf32, #tpu.memory_space<hbm>>
      %dma_start3A_1298 = tpu.memref_squeeze %dma_start3A_1297 : memref<1x128x128xf32, #tpu.memory_space<hbm>> -> memref<128x128xf32, #tpu.memory_space<hbm>>
      %dma_start3A_1299 = arith.constant 640 : i32
      %dma_start3A_1300 = arith.constant 0 : i32
      %dma_start3A_1301 = tpu.memref_slice %arg6[%add3A, %dma_start3A_1299, %dma_start3A_1300] : memref<32x2048x128xf32, #tpu.memory_space<hbm>> -> memref<1x128x128xf32, #tpu.memory_space<hbm>>
      %dma_start3A_1302 = tpu.memref_squeeze %dma_start3A_1301 : memref<1x128x128xf32, #tpu.memory_space<hbm>> -> memref<128x128xf32, #tpu.memory_space<hbm>>
      tpu.enqueue_dma source(%arg14 : memref<128x128xf32, #tpu.memory_space<vmem>>) target(%dma_start3A_1302 : memref<128x128xf32, #tpu.memory_space<hbm>>) target_semaphore(%run_scoped3A : memref<!tpu.dma_semaphore, #tpu.memory_space<semaphore_mem>>)
      %dma_wait3A_1303 = arith.constant 640 : i32
      %dma_wait3A_1304 = arith.constant 0 : i32
      %dma_wait3A_1305 = tpu.memref_slice %arg6[%add3A, %dma_wait3A_1303, %dma_wait3A_1304] : memref<32x2048x128xf32, #tpu.memory_space<hbm>> -> memref<1x128x128xf32, #tpu.memory_space<hbm>>
      %dma_wait3A_1306 = tpu.memref_squeeze %dma_wait3A_1305 : memref<1x128x128xf32, #tpu.memory_space<hbm>> -> memref<128x128xf32, #tpu.memory_space<hbm>>
      %dma_wait3A_1307 = arith.constant 640 : i32
      %dma_wait3A_1308 = arith.constant 0 : i32
      %dma_wait3A_1309 = tpu.memref_slice %arg6[%add3A, %dma_wait3A_1307, %dma_wait3A_1308] : memref<32x2048x128xf32, #tpu.memory_space<hbm>> -> memref<1x128x128xf32, #tpu.memory_space<hbm>>
      %dma_wait3A_1310 = tpu.memref_squeeze %dma_wait3A_1309 : memref<1x128x128xf32, #tpu.memory_space<hbm>> -> memref<128x128xf32, #tpu.memory_space<hbm>>
      tpu.wait_dma2 semaphore(%run_scoped3A : memref<!tpu.dma_semaphore, #tpu.memory_space<semaphore_mem>>) src(%arg14 : memref<128x128xf32, #tpu.memory_space<vmem>>) dst(%dma_wait3A_1310 : memref<128x128xf32, #tpu.memory_space<hbm>>)
      tpu.yield
    }) : () -> ()
    %dma_start3A_1115 = arith.constant 1024 : i32
    %dma_start3A_1116 = tpu.memref_slice %arg8[%dma_start3A_1115] : memref<2048xi32, #tpu.memory_space<vmem>> -> memref<128xi32, #tpu.memory_space<vmem>>
    %dma_start3A_1117 = arith.constant 0 : i32
    %dma_start3A_1118 = arith.constant 0 : i32
    %dma_start3A_1119 = tpu.memref_slice %arg3[%dma_start3A_1117, %dma_start3A_1118] : memref<131072x128xf32, #tpu.memory_space<hbm>> -> memref<131072x128xf32, #tpu.memory_space<hbm>>
    tpu.enqueue_indirect_dma source(%dma_start3A_1119 : memref<131072x128xf32, #tpu.memory_space<hbm>>) target(%arg13 : memref<128x128xf32, #tpu.memory_space<vmem>>) offsets(%dma_start3A_1116 : memref<128xi32, #tpu.memory_space<vmem>>) semaphore(%arg15 : memref<!tpu.dma_semaphore, #tpu.memory_space<semaphore_mem>>)
    %dma_start3A_1120 = arith.constant 1024 : i32
    %dma_start3A_1121 = tpu.memref_slice %arg8[%dma_start3A_1120] : memref<2048xi32, #tpu.memory_space<vmem>> -> memref<128xi32, #tpu.memory_space<vmem>>
    %dma_start3A_1122 = arith.constant 0 : i32
    %dma_start3A_1123 = arith.constant 0 : i32
    %dma_start3A_1124 = tpu.memref_slice %arg4[%dma_start3A_1122, %dma_start3A_1123] : memref<131072x128xf32, #tpu.memory_space<hbm>> -> memref<131072x128xf32, #tpu.memory_space<hbm>>
    tpu.enqueue_indirect_dma source(%dma_start3A_1124 : memref<131072x128xf32, #tpu.memory_space<hbm>>) target(%arg14 : memref<128x128xf32, #tpu.memory_space<vmem>>) offsets(%dma_start3A_1121 : memref<128xi32, #tpu.memory_space<vmem>>) semaphore(%arg15 : memref<!tpu.dma_semaphore, #tpu.memory_space<semaphore_mem>>)
    %dma_wait3A_1125 = arith.constant 768 : i32
    %dma_wait3A_1126 = tpu.memref_slice %arg8[%dma_wait3A_1125] : memref<2048xi32, #tpu.memory_space<vmem>> -> memref<128xi32, #tpu.memory_space<vmem>>
    %dma_wait3A_1127 = arith.constant 0 : i32
    %dma_wait3A_1128 = arith.constant 0 : i32
    %dma_wait3A_1129 = tpu.memref_slice %arg3[%dma_wait3A_1127, %dma_wait3A_1128] : memref<131072x128xf32, #tpu.memory_space<hbm>> -> memref<131072x128xf32, #tpu.memory_space<hbm>>
    tpu.wait_indirect_dma semaphore(%arg15 : memref<!tpu.dma_semaphore, #tpu.memory_space<semaphore_mem>>) src(%dma_wait3A_1129 : memref<131072x128xf32, #tpu.memory_space<hbm>>) dst(%arg9 : memref<128x128xf32, #tpu.memory_space<vmem>>)
    %dma_wait3A_1130 = arith.constant 768 : i32
    %dma_wait3A_1131 = tpu.memref_slice %arg8[%dma_wait3A_1130] : memref<2048xi32, #tpu.memory_space<vmem>> -> memref<128xi32, #tpu.memory_space<vmem>>
    %dma_wait3A_1132 = arith.constant 0 : i32
    %dma_wait3A_1133 = arith.constant 0 : i32
    %dma_wait3A_1134 = tpu.memref_slice %arg4[%dma_wait3A_1132, %dma_wait3A_1133] : memref<131072x128xf32, #tpu.memory_space<hbm>> -> memref<131072x128xf32, #tpu.memory_space<hbm>>
    tpu.wait_indirect_dma semaphore(%arg15 : memref<!tpu.dma_semaphore, #tpu.memory_space<semaphore_mem>>) src(%dma_wait3A_1134 : memref<131072x128xf32, #tpu.memory_space<hbm>>) dst(%arg10 : memref<128x128xf32, #tpu.memory_space<vmem>>)
    "tpu.region"() ({
      %run_scoped3A = tpu.sem_alloc : memref<!tpu.dma_semaphore, #tpu.memory_space<semaphore_mem>>
      %dma_start3A_1295 = arith.constant 768 : i32
      %dma_start3A_1296 = arith.constant 0 : i32
      %dma_start3A_1297 = tpu.memref_slice %arg5[%add3A, %dma_start3A_1295, %dma_start3A_1296] : memref<32x2048x128xf32, #tpu.memory_space<hbm>> -> memref<1x128x128xf32, #tpu.memory_space<hbm>>
      %dma_start3A_1298 = tpu.memref_squeeze %dma_start3A_1297 : memref<1x128x128xf32, #tpu.memory_space<hbm>> -> memref<128x128xf32, #tpu.memory_space<hbm>>
      %dma_start3A_1299 = arith.constant 768 : i32
      %dma_start3A_1300 = arith.constant 0 : i32
      %dma_start3A_1301 = tpu.memref_slice %arg5[%add3A, %dma_start3A_1299, %dma_start3A_1300] : memref<32x2048x128xf32, #tpu.memory_space<hbm>> -> memref<1x128x128xf32, #tpu.memory_space<hbm>>
      %dma_start3A_1302 = tpu.memref_squeeze %dma_start3A_1301 : memref<1x128x128xf32, #tpu.memory_space<hbm>> -> memref<128x128xf32, #tpu.memory_space<hbm>>
      tpu.enqueue_dma source(%arg9 : memref<128x128xf32, #tpu.memory_space<vmem>>) target(%dma_start3A_1302 : memref<128x128xf32, #tpu.memory_space<hbm>>) target_semaphore(%run_scoped3A : memref<!tpu.dma_semaphore, #tpu.memory_space<semaphore_mem>>)
      %dma_wait3A_1303 = arith.constant 768 : i32
      %dma_wait3A_1304 = arith.constant 0 : i32
      %dma_wait3A_1305 = tpu.memref_slice %arg5[%add3A, %dma_wait3A_1303, %dma_wait3A_1304] : memref<32x2048x128xf32, #tpu.memory_space<hbm>> -> memref<1x128x128xf32, #tpu.memory_space<hbm>>
      %dma_wait3A_1306 = tpu.memref_squeeze %dma_wait3A_1305 : memref<1x128x128xf32, #tpu.memory_space<hbm>> -> memref<128x128xf32, #tpu.memory_space<hbm>>
      %dma_wait3A_1307 = arith.constant 768 : i32
      %dma_wait3A_1308 = arith.constant 0 : i32
      %dma_wait3A_1309 = tpu.memref_slice %arg5[%add3A, %dma_wait3A_1307, %dma_wait3A_1308] : memref<32x2048x128xf32, #tpu.memory_space<hbm>> -> memref<1x128x128xf32, #tpu.memory_space<hbm>>
      %dma_wait3A_1310 = tpu.memref_squeeze %dma_wait3A_1309 : memref<1x128x128xf32, #tpu.memory_space<hbm>> -> memref<128x128xf32, #tpu.memory_space<hbm>>
      tpu.wait_dma2 semaphore(%run_scoped3A : memref<!tpu.dma_semaphore, #tpu.memory_space<semaphore_mem>>) src(%arg9 : memref<128x128xf32, #tpu.memory_space<vmem>>) dst(%dma_wait3A_1310 : memref<128x128xf32, #tpu.memory_space<hbm>>)
      tpu.yield
    }) : () -> ()
    "tpu.region"() ({
      %run_scoped3A = tpu.sem_alloc : memref<!tpu.dma_semaphore, #tpu.memory_space<semaphore_mem>>
      %dma_start3A_1295 = arith.constant 768 : i32
      %dma_start3A_1296 = arith.constant 0 : i32
      %dma_start3A_1297 = tpu.memref_slice %arg6[%add3A, %dma_start3A_1295, %dma_start3A_1296] : memref<32x2048x128xf32, #tpu.memory_space<hbm>> -> memref<1x128x128xf32, #tpu.memory_space<hbm>>
      %dma_start3A_1298 = tpu.memref_squeeze %dma_start3A_1297 : memref<1x128x128xf32, #tpu.memory_space<hbm>> -> memref<128x128xf32, #tpu.memory_space<hbm>>
      %dma_start3A_1299 = arith.constant 768 : i32
      %dma_start3A_1300 = arith.constant 0 : i32
      %dma_start3A_1301 = tpu.memref_slice %arg6[%add3A, %dma_start3A_1299, %dma_start3A_1300] : memref<32x2048x128xf32, #tpu.memory_space<hbm>> -> memref<1x128x128xf32, #tpu.memory_space<hbm>>
      %dma_start3A_1302 = tpu.memref_squeeze %dma_start3A_1301 : memref<1x128x128xf32, #tpu.memory_space<hbm>> -> memref<128x128xf32, #tpu.memory_space<hbm>>
      tpu.enqueue_dma source(%arg10 : memref<128x128xf32, #tpu.memory_space<vmem>>) target(%dma_start3A_1302 : memref<128x128xf32, #tpu.memory_space<hbm>>) target_semaphore(%run_scoped3A : memref<!tpu.dma_semaphore, #tpu.memory_space<semaphore_mem>>)
      %dma_wait3A_1303 = arith.constant 768 : i32
      %dma_wait3A_1304 = arith.constant 0 : i32
      %dma_wait3A_1305 = tpu.memref_slice %arg6[%add3A, %dma_wait3A_1303, %dma_wait3A_1304] : memref<32x2048x128xf32, #tpu.memory_space<hbm>> -> memref<1x128x128xf32, #tpu.memory_space<hbm>>
      %dma_wait3A_1306 = tpu.memref_squeeze %dma_wait3A_1305 : memref<1x128x128xf32, #tpu.memory_space<hbm>> -> memref<128x128xf32, #tpu.memory_space<hbm>>
      %dma_wait3A_1307 = arith.constant 768 : i32
      %dma_wait3A_1308 = arith.constant 0 : i32
      %dma_wait3A_1309 = tpu.memref_slice %arg6[%add3A, %dma_wait3A_1307, %dma_wait3A_1308] : memref<32x2048x128xf32, #tpu.memory_space<hbm>> -> memref<1x128x128xf32, #tpu.memory_space<hbm>>
      %dma_wait3A_1310 = tpu.memref_squeeze %dma_wait3A_1309 : memref<1x128x128xf32, #tpu.memory_space<hbm>> -> memref<128x128xf32, #tpu.memory_space<hbm>>
      tpu.wait_dma2 semaphore(%run_scoped3A : memref<!tpu.dma_semaphore, #tpu.memory_space<semaphore_mem>>) src(%arg10 : memref<128x128xf32, #tpu.memory_space<vmem>>) dst(%dma_wait3A_1310 : memref<128x128xf32, #tpu.memory_space<hbm>>)
      tpu.yield
    }) : () -> ()
    %dma_start3A_1135 = arith.constant 1152 : i32
    %dma_start3A_1136 = tpu.memref_slice %arg8[%dma_start3A_1135] : memref<2048xi32, #tpu.memory_space<vmem>> -> memref<128xi32, #tpu.memory_space<vmem>>
    %dma_start3A_1137 = arith.constant 0 : i32
    %dma_start3A_1138 = arith.constant 0 : i32
    %dma_start3A_1139 = tpu.memref_slice %arg3[%dma_start3A_1137, %dma_start3A_1138] : memref<131072x128xf32, #tpu.memory_space<hbm>> -> memref<131072x128xf32, #tpu.memory_space<hbm>>
    tpu.enqueue_indirect_dma source(%dma_start3A_1139 : memref<131072x128xf32, #tpu.memory_space<hbm>>) target(%arg9 : memref<128x128xf32, #tpu.memory_space<vmem>>) offsets(%dma_start3A_1136 : memref<128xi32, #tpu.memory_space<vmem>>) semaphore(%arg15 : memref<!tpu.dma_semaphore, #tpu.memory_space<semaphore_mem>>)
    %dma_start3A_1140 = arith.constant 1152 : i32
    %dma_start3A_1141 = tpu.memref_slice %arg8[%dma_start3A_1140] : memref<2048xi32, #tpu.memory_space<vmem>> -> memref<128xi32, #tpu.memory_space<vmem>>
    %dma_start3A_1142 = arith.constant 0 : i32
    %dma_start3A_1143 = arith.constant 0 : i32
    %dma_start3A_1144 = tpu.memref_slice %arg4[%dma_start3A_1142, %dma_start3A_1143] : memref<131072x128xf32, #tpu.memory_space<hbm>> -> memref<131072x128xf32, #tpu.memory_space<hbm>>
    tpu.enqueue_indirect_dma source(%dma_start3A_1144 : memref<131072x128xf32, #tpu.memory_space<hbm>>) target(%arg10 : memref<128x128xf32, #tpu.memory_space<vmem>>) offsets(%dma_start3A_1141 : memref<128xi32, #tpu.memory_space<vmem>>) semaphore(%arg15 : memref<!tpu.dma_semaphore, #tpu.memory_space<semaphore_mem>>)
    %dma_wait3A_1145 = arith.constant 896 : i32
    %dma_wait3A_1146 = tpu.memref_slice %arg8[%dma_wait3A_1145] : memref<2048xi32, #tpu.memory_space<vmem>> -> memref<128xi32, #tpu.memory_space<vmem>>
    %dma_wait3A_1147 = arith.constant 0 : i32
    %dma_wait3A_1148 = arith.constant 0 : i32
    %dma_wait3A_1149 = tpu.memref_slice %arg3[%dma_wait3A_1147, %dma_wait3A_1148] : memref<131072x128xf32, #tpu.memory_space<hbm>> -> memref<131072x128xf32, #tpu.memory_space<hbm>>
    tpu.wait_indirect_dma semaphore(%arg15 : memref<!tpu.dma_semaphore, #tpu.memory_space<semaphore_mem>>) src(%dma_wait3A_1149 : memref<131072x128xf32, #tpu.memory_space<hbm>>) dst(%arg11 : memref<128x128xf32, #tpu.memory_space<vmem>>)
    %dma_wait3A_1150 = arith.constant 896 : i32
    %dma_wait3A_1151 = tpu.memref_slice %arg8[%dma_wait3A_1150] : memref<2048xi32, #tpu.memory_space<vmem>> -> memref<128xi32, #tpu.memory_space<vmem>>
    %dma_wait3A_1152 = arith.constant 0 : i32
    %dma_wait3A_1153 = arith.constant 0 : i32
    %dma_wait3A_1154 = tpu.memref_slice %arg4[%dma_wait3A_1152, %dma_wait3A_1153] : memref<131072x128xf32, #tpu.memory_space<hbm>> -> memref<131072x128xf32, #tpu.memory_space<hbm>>
    tpu.wait_indirect_dma semaphore(%arg15 : memref<!tpu.dma_semaphore, #tpu.memory_space<semaphore_mem>>) src(%dma_wait3A_1154 : memref<131072x128xf32, #tpu.memory_space<hbm>>) dst(%arg12 : memref<128x128xf32, #tpu.memory_space<vmem>>)
    "tpu.region"() ({
      %run_scoped3A = tpu.sem_alloc : memref<!tpu.dma_semaphore, #tpu.memory_space<semaphore_mem>>
      %dma_start3A_1295 = arith.constant 896 : i32
      %dma_start3A_1296 = arith.constant 0 : i32
      %dma_start3A_1297 = tpu.memref_slice %arg5[%add3A, %dma_start3A_1295, %dma_start3A_1296] : memref<32x2048x128xf32, #tpu.memory_space<hbm>> -> memref<1x128x128xf32, #tpu.memory_space<hbm>>
      %dma_start3A_1298 = tpu.memref_squeeze %dma_start3A_1297 : memref<1x128x128xf32, #tpu.memory_space<hbm>> -> memref<128x128xf32, #tpu.memory_space<hbm>>
      %dma_start3A_1299 = arith.constant 896 : i32
      %dma_start3A_1300 = arith.constant 0 : i32
      %dma_start3A_1301 = tpu.memref_slice %arg5[%add3A, %dma_start3A_1299, %dma_start3A_1300] : memref<32x2048x128xf32, #tpu.memory_space<hbm>> -> memref<1x128x128xf32, #tpu.memory_space<hbm>>
      %dma_start3A_1302 = tpu.memref_squeeze %dma_start3A_1301 : memref<1x128x128xf32, #tpu.memory_space<hbm>> -> memref<128x128xf32, #tpu.memory_space<hbm>>
      tpu.enqueue_dma source(%arg11 : memref<128x128xf32, #tpu.memory_space<vmem>>) target(%dma_start3A_1302 : memref<128x128xf32, #tpu.memory_space<hbm>>) target_semaphore(%run_scoped3A : memref<!tpu.dma_semaphore, #tpu.memory_space<semaphore_mem>>)
      %dma_wait3A_1303 = arith.constant 896 : i32
      %dma_wait3A_1304 = arith.constant 0 : i32
      %dma_wait3A_1305 = tpu.memref_slice %arg5[%add3A, %dma_wait3A_1303, %dma_wait3A_1304] : memref<32x2048x128xf32, #tpu.memory_space<hbm>> -> memref<1x128x128xf32, #tpu.memory_space<hbm>>
      %dma_wait3A_1306 = tpu.memref_squeeze %dma_wait3A_1305 : memref<1x128x128xf32, #tpu.memory_space<hbm>> -> memref<128x128xf32, #tpu.memory_space<hbm>>
      %dma_wait3A_1307 = arith.constant 896 : i32
      %dma_wait3A_1308 = arith.constant 0 : i32
      %dma_wait3A_1309 = tpu.memref_slice %arg5[%add3A, %dma_wait3A_1307, %dma_wait3A_1308] : memref<32x2048x128xf32, #tpu.memory_space<hbm>> -> memref<1x128x128xf32, #tpu.memory_space<hbm>>
      %dma_wait3A_1310 = tpu.memref_squeeze %dma_wait3A_1309 : memref<1x128x128xf32, #tpu.memory_space<hbm>> -> memref<128x128xf32, #tpu.memory_space<hbm>>
      tpu.wait_dma2 semaphore(%run_scoped3A : memref<!tpu.dma_semaphore, #tpu.memory_space<semaphore_mem>>) src(%arg11 : memref<128x128xf32, #tpu.memory_space<vmem>>) dst(%dma_wait3A_1310 : memref<128x128xf32, #tpu.memory_space<hbm>>)
      tpu.yield
    }) : () -> ()
    "tpu.region"() ({
      %run_scoped3A = tpu.sem_alloc : memref<!tpu.dma_semaphore, #tpu.memory_space<semaphore_mem>>
      %dma_start3A_1295 = arith.constant 896 : i32
      %dma_start3A_1296 = arith.constant 0 : i32
      %dma_start3A_1297 = tpu.memref_slice %arg6[%add3A, %dma_start3A_1295, %dma_start3A_1296] : memref<32x2048x128xf32, #tpu.memory_space<hbm>> -> memref<1x128x128xf32, #tpu.memory_space<hbm>>
      %dma_start3A_1298 = tpu.memref_squeeze %dma_start3A_1297 : memref<1x128x128xf32, #tpu.memory_space<hbm>> -> memref<128x128xf32, #tpu.memory_space<hbm>>
      %dma_start3A_1299 = arith.constant 896 : i32
      %dma_start3A_1300 = arith.constant 0 : i32
      %dma_start3A_1301 = tpu.memref_slice %arg6[%add3A, %dma_start3A_1299, %dma_start3A_1300] : memref<32x2048x128xf32, #tpu.memory_space<hbm>> -> memref<1x128x128xf32, #tpu.memory_space<hbm>>
      %dma_start3A_1302 = tpu.memref_squeeze %dma_start3A_1301 : memref<1x128x128xf32, #tpu.memory_space<hbm>> -> memref<128x128xf32, #tpu.memory_space<hbm>>
      tpu.enqueue_dma source(%arg12 : memref<128x128xf32, #tpu.memory_space<vmem>>) target(%dma_start3A_1302 : memref<128x128xf32, #tpu.memory_space<hbm>>) target_semaphore(%run_scoped3A : memref<!tpu.dma_semaphore, #tpu.memory_space<semaphore_mem>>)
      %dma_wait3A_1303 = arith.constant 896 : i32
      %dma_wait3A_1304 = arith.constant 0 : i32
      %dma_wait3A_1305 = tpu.memref_slice %arg6[%add3A, %dma_wait3A_1303, %dma_wait3A_1304] : memref<32x2048x128xf32, #tpu.memory_space<hbm>> -> memref<1x128x128xf32, #tpu.memory_space<hbm>>
      %dma_wait3A_1306 = tpu.memref_squeeze %dma_wait3A_1305 : memref<1x128x128xf32, #tpu.memory_space<hbm>> -> memref<128x128xf32, #tpu.memory_space<hbm>>
      %dma_wait3A_1307 = arith.constant 896 : i32
      %dma_wait3A_1308 = arith.constant 0 : i32
      %dma_wait3A_1309 = tpu.memref_slice %arg6[%add3A, %dma_wait3A_1307, %dma_wait3A_1308] : memref<32x2048x128xf32, #tpu.memory_space<hbm>> -> memref<1x128x128xf32, #tpu.memory_space<hbm>>
      %dma_wait3A_1310 = tpu.memref_squeeze %dma_wait3A_1309 : memref<1x128x128xf32, #tpu.memory_space<hbm>> -> memref<128x128xf32, #tpu.memory_space<hbm>>
      tpu.wait_dma2 semaphore(%run_scoped3A : memref<!tpu.dma_semaphore, #tpu.memory_space<semaphore_mem>>) src(%arg12 : memref<128x128xf32, #tpu.memory_space<vmem>>) dst(%dma_wait3A_1310 : memref<128x128xf32, #tpu.memory_space<hbm>>)
      tpu.yield
    }) : () -> ()
    %dma_start3A_1155 = arith.constant 1280 : i32
    %dma_start3A_1156 = tpu.memref_slice %arg8[%dma_start3A_1155] : memref<2048xi32, #tpu.memory_space<vmem>> -> memref<128xi32, #tpu.memory_space<vmem>>
    %dma_start3A_1157 = arith.constant 0 : i32
    %dma_start3A_1158 = arith.constant 0 : i32
    %dma_start3A_1159 = tpu.memref_slice %arg3[%dma_start3A_1157, %dma_start3A_1158] : memref<131072x128xf32, #tpu.memory_space<hbm>> -> memref<131072x128xf32, #tpu.memory_space<hbm>>
    tpu.enqueue_indirect_dma source(%dma_start3A_1159 : memref<131072x128xf32, #tpu.memory_space<hbm>>) target(%arg11 : memref<128x128xf32, #tpu.memory_space<vmem>>) offsets(%dma_start3A_1156 : memref<128xi32, #tpu.memory_space<vmem>>) semaphore(%arg15 : memref<!tpu.dma_semaphore, #tpu.memory_space<semaphore_mem>>)
    %dma_start3A_1160 = arith.constant 1280 : i32
    %dma_start3A_1161 = tpu.memref_slice %arg8[%dma_start3A_1160] : memref<2048xi32, #tpu.memory_space<vmem>> -> memref<128xi32, #tpu.memory_space<vmem>>
    %dma_start3A_1162 = arith.constant 0 : i32
    %dma_start3A_1163 = arith.constant 0 : i32
    %dma_start3A_1164 = tpu.memref_slice %arg4[%dma_start3A_1162, %dma_start3A_1163] : memref<131072x128xf32, #tpu.memory_space<hbm>> -> memref<131072x128xf32, #tpu.memory_space<hbm>>
    tpu.enqueue_indirect_dma source(%dma_start3A_1164 : memref<131072x128xf32, #tpu.memory_space<hbm>>) target(%arg12 : memref<128x128xf32, #tpu.memory_space<vmem>>) offsets(%dma_start3A_1161 : memref<128xi32, #tpu.memory_space<vmem>>) semaphore(%arg15 : memref<!tpu.dma_semaphore, #tpu.memory_space<semaphore_mem>>)
    %dma_wait3A_1165 = arith.constant 1024 : i32
    %dma_wait3A_1166 = tpu.memref_slice %arg8[%dma_wait3A_1165] : memref<2048xi32, #tpu.memory_space<vmem>> -> memref<128xi32, #tpu.memory_space<vmem>>
    %dma_wait3A_1167 = arith.constant 0 : i32
    %dma_wait3A_1168 = arith.constant 0 : i32
    %dma_wait3A_1169 = tpu.memref_slice %arg3[%dma_wait3A_1167, %dma_wait3A_1168] : memref<131072x128xf32, #tpu.memory_space<hbm>> -> memref<131072x128xf32, #tpu.memory_space<hbm>>
    tpu.wait_indirect_dma semaphore(%arg15 : memref<!tpu.dma_semaphore, #tpu.memory_space<semaphore_mem>>) src(%dma_wait3A_1169 : memref<131072x128xf32, #tpu.memory_space<hbm>>) dst(%arg13 : memref<128x128xf32, #tpu.memory_space<vmem>>)
    %dma_wait3A_1170 = arith.constant 1024 : i32
    %dma_wait3A_1171 = tpu.memref_slice %arg8[%dma_wait3A_1170] : memref<2048xi32, #tpu.memory_space<vmem>> -> memref<128xi32, #tpu.memory_space<vmem>>
    %dma_wait3A_1172 = arith.constant 0 : i32
    %dma_wait3A_1173 = arith.constant 0 : i32
    %dma_wait3A_1174 = tpu.memref_slice %arg4[%dma_wait3A_1172, %dma_wait3A_1173] : memref<131072x128xf32, #tpu.memory_space<hbm>> -> memref<131072x128xf32, #tpu.memory_space<hbm>>
    tpu.wait_indirect_dma semaphore(%arg15 : memref<!tpu.dma_semaphore, #tpu.memory_space<semaphore_mem>>) src(%dma_wait3A_1174 : memref<131072x128xf32, #tpu.memory_space<hbm>>) dst(%arg14 : memref<128x128xf32, #tpu.memory_space<vmem>>)
    "tpu.region"() ({
      %run_scoped3A = tpu.sem_alloc : memref<!tpu.dma_semaphore, #tpu.memory_space<semaphore_mem>>
      %dma_start3A_1295 = arith.constant 1024 : i32
      %dma_start3A_1296 = arith.constant 0 : i32
      %dma_start3A_1297 = tpu.memref_slice %arg5[%add3A, %dma_start3A_1295, %dma_start3A_1296] : memref<32x2048x128xf32, #tpu.memory_space<hbm>> -> memref<1x128x128xf32, #tpu.memory_space<hbm>>
      %dma_start3A_1298 = tpu.memref_squeeze %dma_start3A_1297 : memref<1x128x128xf32, #tpu.memory_space<hbm>> -> memref<128x128xf32, #tpu.memory_space<hbm>>
      %dma_start3A_1299 = arith.constant 1024 : i32
      %dma_start3A_1300 = arith.constant 0 : i32
      %dma_start3A_1301 = tpu.memref_slice %arg5[%add3A, %dma_start3A_1299, %dma_start3A_1300] : memref<32x2048x128xf32, #tpu.memory_space<hbm>> -> memref<1x128x128xf32, #tpu.memory_space<hbm>>
      %dma_start3A_1302 = tpu.memref_squeeze %dma_start3A_1301 : memref<1x128x128xf32, #tpu.memory_space<hbm>> -> memref<128x128xf32, #tpu.memory_space<hbm>>
      tpu.enqueue_dma source(%arg13 : memref<128x128xf32, #tpu.memory_space<vmem>>) target(%dma_start3A_1302 : memref<128x128xf32, #tpu.memory_space<hbm>>) target_semaphore(%run_scoped3A : memref<!tpu.dma_semaphore, #tpu.memory_space<semaphore_mem>>)
      %dma_wait3A_1303 = arith.constant 1024 : i32
      %dma_wait3A_1304 = arith.constant 0 : i32
      %dma_wait3A_1305 = tpu.memref_slice %arg5[%add3A, %dma_wait3A_1303, %dma_wait3A_1304] : memref<32x2048x128xf32, #tpu.memory_space<hbm>> -> memref<1x128x128xf32, #tpu.memory_space<hbm>>
      %dma_wait3A_1306 = tpu.memref_squeeze %dma_wait3A_1305 : memref<1x128x128xf32, #tpu.memory_space<hbm>> -> memref<128x128xf32, #tpu.memory_space<hbm>>
      %dma_wait3A_1307 = arith.constant 1024 : i32
      %dma_wait3A_1308 = arith.constant 0 : i32
      %dma_wait3A_1309 = tpu.memref_slice %arg5[%add3A, %dma_wait3A_1307, %dma_wait3A_1308] : memref<32x2048x128xf32, #tpu.memory_space<hbm>> -> memref<1x128x128xf32, #tpu.memory_space<hbm>>
      %dma_wait3A_1310 = tpu.memref_squeeze %dma_wait3A_1309 : memref<1x128x128xf32, #tpu.memory_space<hbm>> -> memref<128x128xf32, #tpu.memory_space<hbm>>
      tpu.wait_dma2 semaphore(%run_scoped3A : memref<!tpu.dma_semaphore, #tpu.memory_space<semaphore_mem>>) src(%arg13 : memref<128x128xf32, #tpu.memory_space<vmem>>) dst(%dma_wait3A_1310 : memref<128x128xf32, #tpu.memory_space<hbm>>)
      tpu.yield
    }) : () -> ()
    "tpu.region"() ({
      %run_scoped3A = tpu.sem_alloc : memref<!tpu.dma_semaphore, #tpu.memory_space<semaphore_mem>>
      %dma_start3A_1295 = arith.constant 1024 : i32
      %dma_start3A_1296 = arith.constant 0 : i32
      %dma_start3A_1297 = tpu.memref_slice %arg6[%add3A, %dma_start3A_1295, %dma_start3A_1296] : memref<32x2048x128xf32, #tpu.memory_space<hbm>> -> memref<1x128x128xf32, #tpu.memory_space<hbm>>
      %dma_start3A_1298 = tpu.memref_squeeze %dma_start3A_1297 : memref<1x128x128xf32, #tpu.memory_space<hbm>> -> memref<128x128xf32, #tpu.memory_space<hbm>>
      %dma_start3A_1299 = arith.constant 1024 : i32
      %dma_start3A_1300 = arith.constant 0 : i32
      %dma_start3A_1301 = tpu.memref_slice %arg6[%add3A, %dma_start3A_1299, %dma_start3A_1300] : memref<32x2048x128xf32, #tpu.memory_space<hbm>> -> memref<1x128x128xf32, #tpu.memory_space<hbm>>
      %dma_start3A_1302 = tpu.memref_squeeze %dma_start3A_1301 : memref<1x128x128xf32, #tpu.memory_space<hbm>> -> memref<128x128xf32, #tpu.memory_space<hbm>>
      tpu.enqueue_dma source(%arg14 : memref<128x128xf32, #tpu.memory_space<vmem>>) target(%dma_start3A_1302 : memref<128x128xf32, #tpu.memory_space<hbm>>) target_semaphore(%run_scoped3A : memref<!tpu.dma_semaphore, #tpu.memory_space<semaphore_mem>>)
      %dma_wait3A_1303 = arith.constant 1024 : i32
      %dma_wait3A_1304 = arith.constant 0 : i32
      %dma_wait3A_1305 = tpu.memref_slice %arg6[%add3A, %dma_wait3A_1303, %dma_wait3A_1304] : memref<32x2048x128xf32, #tpu.memory_space<hbm>> -> memref<1x128x128xf32, #tpu.memory_space<hbm>>
      %dma_wait3A_1306 = tpu.memref_squeeze %dma_wait3A_1305 : memref<1x128x128xf32, #tpu.memory_space<hbm>> -> memref<128x128xf32, #tpu.memory_space<hbm>>
      %dma_wait3A_1307 = arith.constant 1024 : i32
      %dma_wait3A_1308 = arith.constant 0 : i32
      %dma_wait3A_1309 = tpu.memref_slice %arg6[%add3A, %dma_wait3A_1307, %dma_wait3A_1308] : memref<32x2048x128xf32, #tpu.memory_space<hbm>> -> memref<1x128x128xf32, #tpu.memory_space<hbm>>
      %dma_wait3A_1310 = tpu.memref_squeeze %dma_wait3A_1309 : memref<1x128x128xf32, #tpu.memory_space<hbm>> -> memref<128x128xf32, #tpu.memory_space<hbm>>
      tpu.wait_dma2 semaphore(%run_scoped3A : memref<!tpu.dma_semaphore, #tpu.memory_space<semaphore_mem>>) src(%arg14 : memref<128x128xf32, #tpu.memory_space<vmem>>) dst(%dma_wait3A_1310 : memref<128x128xf32, #tpu.memory_space<hbm>>)
      tpu.yield
    }) : () -> ()
    %dma_start3A_1175 = arith.constant 1408 : i32
    %dma_start3A_1176 = tpu.memref_slice %arg8[%dma_start3A_1175] : memref<2048xi32, #tpu.memory_space<vmem>> -> memref<128xi32, #tpu.memory_space<vmem>>
    %dma_start3A_1177 = arith.constant 0 : i32
    %dma_start3A_1178 = arith.constant 0 : i32
    %dma_start3A_1179 = tpu.memref_slice %arg3[%dma_start3A_1177, %dma_start3A_1178] : memref<131072x128xf32, #tpu.memory_space<hbm>> -> memref<131072x128xf32, #tpu.memory_space<hbm>>
    tpu.enqueue_indirect_dma source(%dma_start3A_1179 : memref<131072x128xf32, #tpu.memory_space<hbm>>) target(%arg13 : memref<128x128xf32, #tpu.memory_space<vmem>>) offsets(%dma_start3A_1176 : memref<128xi32, #tpu.memory_space<vmem>>) semaphore(%arg15 : memref<!tpu.dma_semaphore, #tpu.memory_space<semaphore_mem>>)
    %dma_start3A_1180 = arith.constant 1408 : i32
    %dma_start3A_1181 = tpu.memref_slice %arg8[%dma_start3A_1180] : memref<2048xi32, #tpu.memory_space<vmem>> -> memref<128xi32, #tpu.memory_space<vmem>>
    %dma_start3A_1182 = arith.constant 0 : i32
    %dma_start3A_1183 = arith.constant 0 : i32
    %dma_start3A_1184 = tpu.memref_slice %arg4[%dma_start3A_1182, %dma_start3A_1183] : memref<131072x128xf32, #tpu.memory_space<hbm>> -> memref<131072x128xf32, #tpu.memory_space<hbm>>
    tpu.enqueue_indirect_dma source(%dma_start3A_1184 : memref<131072x128xf32, #tpu.memory_space<hbm>>) target(%arg14 : memref<128x128xf32, #tpu.memory_space<vmem>>) offsets(%dma_start3A_1181 : memref<128xi32, #tpu.memory_space<vmem>>) semaphore(%arg15 : memref<!tpu.dma_semaphore, #tpu.memory_space<semaphore_mem>>)
    %dma_wait3A_1185 = arith.constant 1152 : i32
    %dma_wait3A_1186 = tpu.memref_slice %arg8[%dma_wait3A_1185] : memref<2048xi32, #tpu.memory_space<vmem>> -> memref<128xi32, #tpu.memory_space<vmem>>
    %dma_wait3A_1187 = arith.constant 0 : i32
    %dma_wait3A_1188 = arith.constant 0 : i32
    %dma_wait3A_1189 = tpu.memref_slice %arg3[%dma_wait3A_1187, %dma_wait3A_1188] : memref<131072x128xf32, #tpu.memory_space<hbm>> -> memref<131072x128xf32, #tpu.memory_space<hbm>>
    tpu.wait_indirect_dma semaphore(%arg15 : memref<!tpu.dma_semaphore, #tpu.memory_space<semaphore_mem>>) src(%dma_wait3A_1189 : memref<131072x128xf32, #tpu.memory_space<hbm>>) dst(%arg9 : memref<128x128xf32, #tpu.memory_space<vmem>>)
    %dma_wait3A_1190 = arith.constant 1152 : i32
    %dma_wait3A_1191 = tpu.memref_slice %arg8[%dma_wait3A_1190] : memref<2048xi32, #tpu.memory_space<vmem>> -> memref<128xi32, #tpu.memory_space<vmem>>
    %dma_wait3A_1192 = arith.constant 0 : i32
    %dma_wait3A_1193 = arith.constant 0 : i32
    %dma_wait3A_1194 = tpu.memref_slice %arg4[%dma_wait3A_1192, %dma_wait3A_1193] : memref<131072x128xf32, #tpu.memory_space<hbm>> -> memref<131072x128xf32, #tpu.memory_space<hbm>>
    tpu.wait_indirect_dma semaphore(%arg15 : memref<!tpu.dma_semaphore, #tpu.memory_space<semaphore_mem>>) src(%dma_wait3A_1194 : memref<131072x128xf32, #tpu.memory_space<hbm>>) dst(%arg10 : memref<128x128xf32, #tpu.memory_space<vmem>>)
    "tpu.region"() ({
      %run_scoped3A = tpu.sem_alloc : memref<!tpu.dma_semaphore, #tpu.memory_space<semaphore_mem>>
      %dma_start3A_1295 = arith.constant 1152 : i32
      %dma_start3A_1296 = arith.constant 0 : i32
      %dma_start3A_1297 = tpu.memref_slice %arg5[%add3A, %dma_start3A_1295, %dma_start3A_1296] : memref<32x2048x128xf32, #tpu.memory_space<hbm>> -> memref<1x128x128xf32, #tpu.memory_space<hbm>>
      %dma_start3A_1298 = tpu.memref_squeeze %dma_start3A_1297 : memref<1x128x128xf32, #tpu.memory_space<hbm>> -> memref<128x128xf32, #tpu.memory_space<hbm>>
      %dma_start3A_1299 = arith.constant 1152 : i32
      %dma_start3A_1300 = arith.constant 0 : i32
      %dma_start3A_1301 = tpu.memref_slice %arg5[%add3A, %dma_start3A_1299, %dma_start3A_1300] : memref<32x2048x128xf32, #tpu.memory_space<hbm>> -> memref<1x128x128xf32, #tpu.memory_space<hbm>>
      %dma_start3A_1302 = tpu.memref_squeeze %dma_start3A_1301 : memref<1x128x128xf32, #tpu.memory_space<hbm>> -> memref<128x128xf32, #tpu.memory_space<hbm>>
      tpu.enqueue_dma source(%arg9 : memref<128x128xf32, #tpu.memory_space<vmem>>) target(%dma_start3A_1302 : memref<128x128xf32, #tpu.memory_space<hbm>>) target_semaphore(%run_scoped3A : memref<!tpu.dma_semaphore, #tpu.memory_space<semaphore_mem>>)
      %dma_wait3A_1303 = arith.constant 1152 : i32
      %dma_wait3A_1304 = arith.constant 0 : i32
      %dma_wait3A_1305 = tpu.memref_slice %arg5[%add3A, %dma_wait3A_1303, %dma_wait3A_1304] : memref<32x2048x128xf32, #tpu.memory_space<hbm>> -> memref<1x128x128xf32, #tpu.memory_space<hbm>>
      %dma_wait3A_1306 = tpu.memref_squeeze %dma_wait3A_1305 : memref<1x128x128xf32, #tpu.memory_space<hbm>> -> memref<128x128xf32, #tpu.memory_space<hbm>>
      %dma_wait3A_1307 = arith.constant 1152 : i32
      %dma_wait3A_1308 = arith.constant 0 : i32
      %dma_wait3A_1309 = tpu.memref_slice %arg5[%add3A, %dma_wait3A_1307, %dma_wait3A_1308] : memref<32x2048x128xf32, #tpu.memory_space<hbm>> -> memref<1x128x128xf32, #tpu.memory_space<hbm>>
      %dma_wait3A_1310 = tpu.memref_squeeze %dma_wait3A_1309 : memref<1x128x128xf32, #tpu.memory_space<hbm>> -> memref<128x128xf32, #tpu.memory_space<hbm>>
      tpu.wait_dma2 semaphore(%run_scoped3A : memref<!tpu.dma_semaphore, #tpu.memory_space<semaphore_mem>>) src(%arg9 : memref<128x128xf32, #tpu.memory_space<vmem>>) dst(%dma_wait3A_1310 : memref<128x128xf32, #tpu.memory_space<hbm>>)
      tpu.yield
    }) : () -> ()
    "tpu.region"() ({
      %run_scoped3A = tpu.sem_alloc : memref<!tpu.dma_semaphore, #tpu.memory_space<semaphore_mem>>
      %dma_start3A_1295 = arith.constant 1152 : i32
      %dma_start3A_1296 = arith.constant 0 : i32
      %dma_start3A_1297 = tpu.memref_slice %arg6[%add3A, %dma_start3A_1295, %dma_start3A_1296] : memref<32x2048x128xf32, #tpu.memory_space<hbm>> -> memref<1x128x128xf32, #tpu.memory_space<hbm>>
      %dma_start3A_1298 = tpu.memref_squeeze %dma_start3A_1297 : memref<1x128x128xf32, #tpu.memory_space<hbm>> -> memref<128x128xf32, #tpu.memory_space<hbm>>
      %dma_start3A_1299 = arith.constant 1152 : i32
      %dma_start3A_1300 = arith.constant 0 : i32
      %dma_start3A_1301 = tpu.memref_slice %arg6[%add3A, %dma_start3A_1299, %dma_start3A_1300] : memref<32x2048x128xf32, #tpu.memory_space<hbm>> -> memref<1x128x128xf32, #tpu.memory_space<hbm>>
      %dma_start3A_1302 = tpu.memref_squeeze %dma_start3A_1301 : memref<1x128x128xf32, #tpu.memory_space<hbm>> -> memref<128x128xf32, #tpu.memory_space<hbm>>
      tpu.enqueue_dma source(%arg10 : memref<128x128xf32, #tpu.memory_space<vmem>>) target(%dma_start3A_1302 : memref<128x128xf32, #tpu.memory_space<hbm>>) target_semaphore(%run_scoped3A : memref<!tpu.dma_semaphore, #tpu.memory_space<semaphore_mem>>)
      %dma_wait3A_1303 = arith.constant 1152 : i32
      %dma_wait3A_1304 = arith.constant 0 : i32
      %dma_wait3A_1305 = tpu.memref_slice %arg6[%add3A, %dma_wait3A_1303, %dma_wait3A_1304] : memref<32x2048x128xf32, #tpu.memory_space<hbm>> -> memref<1x128x128xf32, #tpu.memory_space<hbm>>
      %dma_wait3A_1306 = tpu.memref_squeeze %dma_wait3A_1305 : memref<1x128x128xf32, #tpu.memory_space<hbm>> -> memref<128x128xf32, #tpu.memory_space<hbm>>
      %dma_wait3A_1307 = arith.constant 1152 : i32
      %dma_wait3A_1308 = arith.constant 0 : i32
      %dma_wait3A_1309 = tpu.memref_slice %arg6[%add3A, %dma_wait3A_1307, %dma_wait3A_1308] : memref<32x2048x128xf32, #tpu.memory_space<hbm>> -> memref<1x128x128xf32, #tpu.memory_space<hbm>>
      %dma_wait3A_1310 = tpu.memref_squeeze %dma_wait3A_1309 : memref<1x128x128xf32, #tpu.memory_space<hbm>> -> memref<128x128xf32, #tpu.memory_space<hbm>>
      tpu.wait_dma2 semaphore(%run_scoped3A : memref<!tpu.dma_semaphore, #tpu.memory_space<semaphore_mem>>) src(%arg10 : memref<128x128xf32, #tpu.memory_space<vmem>>) dst(%dma_wait3A_1310 : memref<128x128xf32, #tpu.memory_space<hbm>>)
      tpu.yield
    }) : () -> ()
    %dma_start3A_1195 = arith.constant 1536 : i32
    %dma_start3A_1196 = tpu.memref_slice %arg8[%dma_start3A_1195] : memref<2048xi32, #tpu.memory_space<vmem>> -> memref<128xi32, #tpu.memory_space<vmem>>
    %dma_start3A_1197 = arith.constant 0 : i32
    %dma_start3A_1198 = arith.constant 0 : i32
    %dma_start3A_1199 = tpu.memref_slice %arg3[%dma_start3A_1197, %dma_start3A_1198] : memref<131072x128xf32, #tpu.memory_space<hbm>> -> memref<131072x128xf32, #tpu.memory_space<hbm>>
    tpu.enqueue_indirect_dma source(%dma_start3A_1199 : memref<131072x128xf32, #tpu.memory_space<hbm>>) target(%arg9 : memref<128x128xf32, #tpu.memory_space<vmem>>) offsets(%dma_start3A_1196 : memref<128xi32, #tpu.memory_space<vmem>>) semaphore(%arg15 : memref<!tpu.dma_semaphore, #tpu.memory_space<semaphore_mem>>)
    %dma_start3A_1200 = arith.constant 1536 : i32
    %dma_start3A_1201 = tpu.memref_slice %arg8[%dma_start3A_1200] : memref<2048xi32, #tpu.memory_space<vmem>> -> memref<128xi32, #tpu.memory_space<vmem>>
    %dma_start3A_1202 = arith.constant 0 : i32
    %dma_start3A_1203 = arith.constant 0 : i32
    %dma_start3A_1204 = tpu.memref_slice %arg4[%dma_start3A_1202, %dma_start3A_1203] : memref<131072x128xf32, #tpu.memory_space<hbm>> -> memref<131072x128xf32, #tpu.memory_space<hbm>>
    tpu.enqueue_indirect_dma source(%dma_start3A_1204 : memref<131072x128xf32, #tpu.memory_space<hbm>>) target(%arg10 : memref<128x128xf32, #tpu.memory_space<vmem>>) offsets(%dma_start3A_1201 : memref<128xi32, #tpu.memory_space<vmem>>) semaphore(%arg15 : memref<!tpu.dma_semaphore, #tpu.memory_space<semaphore_mem>>)
    %dma_wait3A_1205 = arith.constant 1280 : i32
    %dma_wait3A_1206 = tpu.memref_slice %arg8[%dma_wait3A_1205] : memref<2048xi32, #tpu.memory_space<vmem>> -> memref<128xi32, #tpu.memory_space<vmem>>
    %dma_wait3A_1207 = arith.constant 0 : i32
    %dma_wait3A_1208 = arith.constant 0 : i32
    %dma_wait3A_1209 = tpu.memref_slice %arg3[%dma_wait3A_1207, %dma_wait3A_1208] : memref<131072x128xf32, #tpu.memory_space<hbm>> -> memref<131072x128xf32, #tpu.memory_space<hbm>>
    tpu.wait_indirect_dma semaphore(%arg15 : memref<!tpu.dma_semaphore, #tpu.memory_space<semaphore_mem>>) src(%dma_wait3A_1209 : memref<131072x128xf32, #tpu.memory_space<hbm>>) dst(%arg11 : memref<128x128xf32, #tpu.memory_space<vmem>>)
    %dma_wait3A_1210 = arith.constant 1280 : i32
    %dma_wait3A_1211 = tpu.memref_slice %arg8[%dma_wait3A_1210] : memref<2048xi32, #tpu.memory_space<vmem>> -> memref<128xi32, #tpu.memory_space<vmem>>
    %dma_wait3A_1212 = arith.constant 0 : i32
    %dma_wait3A_1213 = arith.constant 0 : i32
    %dma_wait3A_1214 = tpu.memref_slice %arg4[%dma_wait3A_1212, %dma_wait3A_1213] : memref<131072x128xf32, #tpu.memory_space<hbm>> -> memref<131072x128xf32, #tpu.memory_space<hbm>>
    tpu.wait_indirect_dma semaphore(%arg15 : memref<!tpu.dma_semaphore, #tpu.memory_space<semaphore_mem>>) src(%dma_wait3A_1214 : memref<131072x128xf32, #tpu.memory_space<hbm>>) dst(%arg12 : memref<128x128xf32, #tpu.memory_space<vmem>>)
    "tpu.region"() ({
      %run_scoped3A = tpu.sem_alloc : memref<!tpu.dma_semaphore, #tpu.memory_space<semaphore_mem>>
      %dma_start3A_1295 = arith.constant 1280 : i32
      %dma_start3A_1296 = arith.constant 0 : i32
      %dma_start3A_1297 = tpu.memref_slice %arg5[%add3A, %dma_start3A_1295, %dma_start3A_1296] : memref<32x2048x128xf32, #tpu.memory_space<hbm>> -> memref<1x128x128xf32, #tpu.memory_space<hbm>>
      %dma_start3A_1298 = tpu.memref_squeeze %dma_start3A_1297 : memref<1x128x128xf32, #tpu.memory_space<hbm>> -> memref<128x128xf32, #tpu.memory_space<hbm>>
      %dma_start3A_1299 = arith.constant 1280 : i32
      %dma_start3A_1300 = arith.constant 0 : i32
      %dma_start3A_1301 = tpu.memref_slice %arg5[%add3A, %dma_start3A_1299, %dma_start3A_1300] : memref<32x2048x128xf32, #tpu.memory_space<hbm>> -> memref<1x128x128xf32, #tpu.memory_space<hbm>>
      %dma_start3A_1302 = tpu.memref_squeeze %dma_start3A_1301 : memref<1x128x128xf32, #tpu.memory_space<hbm>> -> memref<128x128xf32, #tpu.memory_space<hbm>>
      tpu.enqueue_dma source(%arg11 : memref<128x128xf32, #tpu.memory_space<vmem>>) target(%dma_start3A_1302 : memref<128x128xf32, #tpu.memory_space<hbm>>) target_semaphore(%run_scoped3A : memref<!tpu.dma_semaphore, #tpu.memory_space<semaphore_mem>>)
      %dma_wait3A_1303 = arith.constant 1280 : i32
      %dma_wait3A_1304 = arith.constant 0 : i32
      %dma_wait3A_1305 = tpu.memref_slice %arg5[%add3A, %dma_wait3A_1303, %dma_wait3A_1304] : memref<32x2048x128xf32, #tpu.memory_space<hbm>> -> memref<1x128x128xf32, #tpu.memory_space<hbm>>
      %dma_wait3A_1306 = tpu.memref_squeeze %dma_wait3A_1305 : memref<1x128x128xf32, #tpu.memory_space<hbm>> -> memref<128x128xf32, #tpu.memory_space<hbm>>
      %dma_wait3A_1307 = arith.constant 1280 : i32
      %dma_wait3A_1308 = arith.constant 0 : i32
      %dma_wait3A_1309 = tpu.memref_slice %arg5[%add3A, %dma_wait3A_1307, %dma_wait3A_1308] : memref<32x2048x128xf32, #tpu.memory_space<hbm>> -> memref<1x128x128xf32, #tpu.memory_space<hbm>>
      %dma_wait3A_1310 = tpu.memref_squeeze %dma_wait3A_1309 : memref<1x128x128xf32, #tpu.memory_space<hbm>> -> memref<128x128xf32, #tpu.memory_space<hbm>>
      tpu.wait_dma2 semaphore(%run_scoped3A : memref<!tpu.dma_semaphore, #tpu.memory_space<semaphore_mem>>) src(%arg11 : memref<128x128xf32, #tpu.memory_space<vmem>>) dst(%dma_wait3A_1310 : memref<128x128xf32, #tpu.memory_space<hbm>>)
      tpu.yield
    }) : () -> ()
    "tpu.region"() ({
      %run_scoped3A = tpu.sem_alloc : memref<!tpu.dma_semaphore, #tpu.memory_space<semaphore_mem>>
      %dma_start3A_1295 = arith.constant 1280 : i32
      %dma_start3A_1296 = arith.constant 0 : i32
      %dma_start3A_1297 = tpu.memref_slice %arg6[%add3A, %dma_start3A_1295, %dma_start3A_1296] : memref<32x2048x128xf32, #tpu.memory_space<hbm>> -> memref<1x128x128xf32, #tpu.memory_space<hbm>>
      %dma_start3A_1298 = tpu.memref_squeeze %dma_start3A_1297 : memref<1x128x128xf32, #tpu.memory_space<hbm>> -> memref<128x128xf32, #tpu.memory_space<hbm>>
      %dma_start3A_1299 = arith.constant 1280 : i32
      %dma_start3A_1300 = arith.constant 0 : i32
      %dma_start3A_1301 = tpu.memref_slice %arg6[%add3A, %dma_start3A_1299, %dma_start3A_1300] : memref<32x2048x128xf32, #tpu.memory_space<hbm>> -> memref<1x128x128xf32, #tpu.memory_space<hbm>>
      %dma_start3A_1302 = tpu.memref_squeeze %dma_start3A_1301 : memref<1x128x128xf32, #tpu.memory_space<hbm>> -> memref<128x128xf32, #tpu.memory_space<hbm>>
      tpu.enqueue_dma source(%arg12 : memref<128x128xf32, #tpu.memory_space<vmem>>) target(%dma_start3A_1302 : memref<128x128xf32, #tpu.memory_space<hbm>>) target_semaphore(%run_scoped3A : memref<!tpu.dma_semaphore, #tpu.memory_space<semaphore_mem>>)
      %dma_wait3A_1303 = arith.constant 1280 : i32
      %dma_wait3A_1304 = arith.constant 0 : i32
      %dma_wait3A_1305 = tpu.memref_slice %arg6[%add3A, %dma_wait3A_1303, %dma_wait3A_1304] : memref<32x2048x128xf32, #tpu.memory_space<hbm>> -> memref<1x128x128xf32, #tpu.memory_space<hbm>>
      %dma_wait3A_1306 = tpu.memref_squeeze %dma_wait3A_1305 : memref<1x128x128xf32, #tpu.memory_space<hbm>> -> memref<128x128xf32, #tpu.memory_space<hbm>>
      %dma_wait3A_1307 = arith.constant 1280 : i32
      %dma_wait3A_1308 = arith.constant 0 : i32
      %dma_wait3A_1309 = tpu.memref_slice %arg6[%add3A, %dma_wait3A_1307, %dma_wait3A_1308] : memref<32x2048x128xf32, #tpu.memory_space<hbm>> -> memref<1x128x128xf32, #tpu.memory_space<hbm>>
      %dma_wait3A_1310 = tpu.memref_squeeze %dma_wait3A_1309 : memref<1x128x128xf32, #tpu.memory_space<hbm>> -> memref<128x128xf32, #tpu.memory_space<hbm>>
      tpu.wait_dma2 semaphore(%run_scoped3A : memref<!tpu.dma_semaphore, #tpu.memory_space<semaphore_mem>>) src(%arg12 : memref<128x128xf32, #tpu.memory_space<vmem>>) dst(%dma_wait3A_1310 : memref<128x128xf32, #tpu.memory_space<hbm>>)
      tpu.yield
    }) : () -> ()
    %dma_start3A_1215 = arith.constant 1664 : i32
    %dma_start3A_1216 = tpu.memref_slice %arg8[%dma_start3A_1215] : memref<2048xi32, #tpu.memory_space<vmem>> -> memref<128xi32, #tpu.memory_space<vmem>>
    %dma_start3A_1217 = arith.constant 0 : i32
    %dma_start3A_1218 = arith.constant 0 : i32
    %dma_start3A_1219 = tpu.memref_slice %arg3[%dma_start3A_1217, %dma_start3A_1218] : memref<131072x128xf32, #tpu.memory_space<hbm>> -> memref<131072x128xf32, #tpu.memory_space<hbm>>
    tpu.enqueue_indirect_dma source(%dma_start3A_1219 : memref<131072x128xf32, #tpu.memory_space<hbm>>) target(%arg11 : memref<128x128xf32, #tpu.memory_space<vmem>>) offsets(%dma_start3A_1216 : memref<128xi32, #tpu.memory_space<vmem>>) semaphore(%arg15 : memref<!tpu.dma_semaphore, #tpu.memory_space<semaphore_mem>>)
    %dma_start3A_1220 = arith.constant 1664 : i32
    %dma_start3A_1221 = tpu.memref_slice %arg8[%dma_start3A_1220] : memref<2048xi32, #tpu.memory_space<vmem>> -> memref<128xi32, #tpu.memory_space<vmem>>
    %dma_start3A_1222 = arith.constant 0 : i32
    %dma_start3A_1223 = arith.constant 0 : i32
    %dma_start3A_1224 = tpu.memref_slice %arg4[%dma_start3A_1222, %dma_start3A_1223] : memref<131072x128xf32, #tpu.memory_space<hbm>> -> memref<131072x128xf32, #tpu.memory_space<hbm>>
    tpu.enqueue_indirect_dma source(%dma_start3A_1224 : memref<131072x128xf32, #tpu.memory_space<hbm>>) target(%arg12 : memref<128x128xf32, #tpu.memory_space<vmem>>) offsets(%dma_start3A_1221 : memref<128xi32, #tpu.memory_space<vmem>>) semaphore(%arg15 : memref<!tpu.dma_semaphore, #tpu.memory_space<semaphore_mem>>)
    %dma_wait3A_1225 = arith.constant 1408 : i32
    %dma_wait3A_1226 = tpu.memref_slice %arg8[%dma_wait3A_1225] : memref<2048xi32, #tpu.memory_space<vmem>> -> memref<128xi32, #tpu.memory_space<vmem>>
    %dma_wait3A_1227 = arith.constant 0 : i32
    %dma_wait3A_1228 = arith.constant 0 : i32
    %dma_wait3A_1229 = tpu.memref_slice %arg3[%dma_wait3A_1227, %dma_wait3A_1228] : memref<131072x128xf32, #tpu.memory_space<hbm>> -> memref<131072x128xf32, #tpu.memory_space<hbm>>
    tpu.wait_indirect_dma semaphore(%arg15 : memref<!tpu.dma_semaphore, #tpu.memory_space<semaphore_mem>>) src(%dma_wait3A_1229 : memref<131072x128xf32, #tpu.memory_space<hbm>>) dst(%arg13 : memref<128x128xf32, #tpu.memory_space<vmem>>)
    %dma_wait3A_1230 = arith.constant 1408 : i32
    %dma_wait3A_1231 = tpu.memref_slice %arg8[%dma_wait3A_1230] : memref<2048xi32, #tpu.memory_space<vmem>> -> memref<128xi32, #tpu.memory_space<vmem>>
    %dma_wait3A_1232 = arith.constant 0 : i32
    %dma_wait3A_1233 = arith.constant 0 : i32
    %dma_wait3A_1234 = tpu.memref_slice %arg4[%dma_wait3A_1232, %dma_wait3A_1233] : memref<131072x128xf32, #tpu.memory_space<hbm>> -> memref<131072x128xf32, #tpu.memory_space<hbm>>
    tpu.wait_indirect_dma semaphore(%arg15 : memref<!tpu.dma_semaphore, #tpu.memory_space<semaphore_mem>>) src(%dma_wait3A_1234 : memref<131072x128xf32, #tpu.memory_space<hbm>>) dst(%arg14 : memref<128x128xf32, #tpu.memory_space<vmem>>)
    "tpu.region"() ({
      %run_scoped3A = tpu.sem_alloc : memref<!tpu.dma_semaphore, #tpu.memory_space<semaphore_mem>>
      %dma_start3A_1295 = arith.constant 1408 : i32
      %dma_start3A_1296 = arith.constant 0 : i32
      %dma_start3A_1297 = tpu.memref_slice %arg5[%add3A, %dma_start3A_1295, %dma_start3A_1296] : memref<32x2048x128xf32, #tpu.memory_space<hbm>> -> memref<1x128x128xf32, #tpu.memory_space<hbm>>
      %dma_start3A_1298 = tpu.memref_squeeze %dma_start3A_1297 : memref<1x128x128xf32, #tpu.memory_space<hbm>> -> memref<128x128xf32, #tpu.memory_space<hbm>>
      %dma_start3A_1299 = arith.constant 1408 : i32
      %dma_start3A_1300 = arith.constant 0 : i32
      %dma_start3A_1301 = tpu.memref_slice %arg5[%add3A, %dma_start3A_1299, %dma_start3A_1300] : memref<32x2048x128xf32, #tpu.memory_space<hbm>> -> memref<1x128x128xf32, #tpu.memory_space<hbm>>
      %dma_start3A_1302 = tpu.memref_squeeze %dma_start3A_1301 : memref<1x128x128xf32, #tpu.memory_space<hbm>> -> memref<128x128xf32, #tpu.memory_space<hbm>>
      tpu.enqueue_dma source(%arg13 : memref<128x128xf32, #tpu.memory_space<vmem>>) target(%dma_start3A_1302 : memref<128x128xf32, #tpu.memory_space<hbm>>) target_semaphore(%run_scoped3A : memref<!tpu.dma_semaphore, #tpu.memory_space<semaphore_mem>>)
      %dma_wait3A_1303 = arith.constant 1408 : i32
      %dma_wait3A_1304 = arith.constant 0 : i32
      %dma_wait3A_1305 = tpu.memref_slice %arg5[%add3A, %dma_wait3A_1303, %dma_wait3A_1304] : memref<32x2048x128xf32, #tpu.memory_space<hbm>> -> memref<1x128x128xf32, #tpu.memory_space<hbm>>
      %dma_wait3A_1306 = tpu.memref_squeeze %dma_wait3A_1305 : memref<1x128x128xf32, #tpu.memory_space<hbm>> -> memref<128x128xf32, #tpu.memory_space<hbm>>
      %dma_wait3A_1307 = arith.constant 1408 : i32
      %dma_wait3A_1308 = arith.constant 0 : i32
      %dma_wait3A_1309 = tpu.memref_slice %arg5[%add3A, %dma_wait3A_1307, %dma_wait3A_1308] : memref<32x2048x128xf32, #tpu.memory_space<hbm>> -> memref<1x128x128xf32, #tpu.memory_space<hbm>>
      %dma_wait3A_1310 = tpu.memref_squeeze %dma_wait3A_1309 : memref<1x128x128xf32, #tpu.memory_space<hbm>> -> memref<128x128xf32, #tpu.memory_space<hbm>>
      tpu.wait_dma2 semaphore(%run_scoped3A : memref<!tpu.dma_semaphore, #tpu.memory_space<semaphore_mem>>) src(%arg13 : memref<128x128xf32, #tpu.memory_space<vmem>>) dst(%dma_wait3A_1310 : memref<128x128xf32, #tpu.memory_space<hbm>>)
      tpu.yield
    }) : () -> ()
    "tpu.region"() ({
      %run_scoped3A = tpu.sem_alloc : memref<!tpu.dma_semaphore, #tpu.memory_space<semaphore_mem>>
      %dma_start3A_1295 = arith.constant 1408 : i32
      %dma_start3A_1296 = arith.constant 0 : i32
      %dma_start3A_1297 = tpu.memref_slice %arg6[%add3A, %dma_start3A_1295, %dma_start3A_1296] : memref<32x2048x128xf32, #tpu.memory_space<hbm>> -> memref<1x128x128xf32, #tpu.memory_space<hbm>>
      %dma_start3A_1298 = tpu.memref_squeeze %dma_start3A_1297 : memref<1x128x128xf32, #tpu.memory_space<hbm>> -> memref<128x128xf32, #tpu.memory_space<hbm>>
      %dma_start3A_1299 = arith.constant 1408 : i32
      %dma_start3A_1300 = arith.constant 0 : i32
      %dma_start3A_1301 = tpu.memref_slice %arg6[%add3A, %dma_start3A_1299, %dma_start3A_1300] : memref<32x2048x128xf32, #tpu.memory_space<hbm>> -> memref<1x128x128xf32, #tpu.memory_space<hbm>>
      %dma_start3A_1302 = tpu.memref_squeeze %dma_start3A_1301 : memref<1x128x128xf32, #tpu.memory_space<hbm>> -> memref<128x128xf32, #tpu.memory_space<hbm>>
      tpu.enqueue_dma source(%arg14 : memref<128x128xf32, #tpu.memory_space<vmem>>) target(%dma_start3A_1302 : memref<128x128xf32, #tpu.memory_space<hbm>>) target_semaphore(%run_scoped3A : memref<!tpu.dma_semaphore, #tpu.memory_space<semaphore_mem>>)
      %dma_wait3A_1303 = arith.constant 1408 : i32
      %dma_wait3A_1304 = arith.constant 0 : i32
      %dma_wait3A_1305 = tpu.memref_slice %arg6[%add3A, %dma_wait3A_1303, %dma_wait3A_1304] : memref<32x2048x128xf32, #tpu.memory_space<hbm>> -> memref<1x128x128xf32, #tpu.memory_space<hbm>>
      %dma_wait3A_1306 = tpu.memref_squeeze %dma_wait3A_1305 : memref<1x128x128xf32, #tpu.memory_space<hbm>> -> memref<128x128xf32, #tpu.memory_space<hbm>>
      %dma_wait3A_1307 = arith.constant 1408 : i32
      %dma_wait3A_1308 = arith.constant 0 : i32
      %dma_wait3A_1309 = tpu.memref_slice %arg6[%add3A, %dma_wait3A_1307, %dma_wait3A_1308] : memref<32x2048x128xf32, #tpu.memory_space<hbm>> -> memref<1x128x128xf32, #tpu.memory_space<hbm>>
      %dma_wait3A_1310 = tpu.memref_squeeze %dma_wait3A_1309 : memref<1x128x128xf32, #tpu.memory_space<hbm>> -> memref<128x128xf32, #tpu.memory_space<hbm>>
      tpu.wait_dma2 semaphore(%run_scoped3A : memref<!tpu.dma_semaphore, #tpu.memory_space<semaphore_mem>>) src(%arg14 : memref<128x128xf32, #tpu.memory_space<vmem>>) dst(%dma_wait3A_1310 : memref<128x128xf32, #tpu.memory_space<hbm>>)
      tpu.yield
    }) : () -> ()
    %dma_start3A_1235 = arith.constant 1792 : i32
    %dma_start3A_1236 = tpu.memref_slice %arg8[%dma_start3A_1235] : memref<2048xi32, #tpu.memory_space<vmem>> -> memref<128xi32, #tpu.memory_space<vmem>>
    %dma_start3A_1237 = arith.constant 0 : i32
    %dma_start3A_1238 = arith.constant 0 : i32
    %dma_start3A_1239 = tpu.memref_slice %arg3[%dma_start3A_1237, %dma_start3A_1238] : memref<131072x128xf32, #tpu.memory_space<hbm>> -> memref<131072x128xf32, #tpu.memory_space<hbm>>
    tpu.enqueue_indirect_dma source(%dma_start3A_1239 : memref<131072x128xf32, #tpu.memory_space<hbm>>) target(%arg13 : memref<128x128xf32, #tpu.memory_space<vmem>>) offsets(%dma_start3A_1236 : memref<128xi32, #tpu.memory_space<vmem>>) semaphore(%arg15 : memref<!tpu.dma_semaphore, #tpu.memory_space<semaphore_mem>>)
    %dma_start3A_1240 = arith.constant 1792 : i32
    %dma_start3A_1241 = tpu.memref_slice %arg8[%dma_start3A_1240] : memref<2048xi32, #tpu.memory_space<vmem>> -> memref<128xi32, #tpu.memory_space<vmem>>
    %dma_start3A_1242 = arith.constant 0 : i32
    %dma_start3A_1243 = arith.constant 0 : i32
    %dma_start3A_1244 = tpu.memref_slice %arg4[%dma_start3A_1242, %dma_start3A_1243] : memref<131072x128xf32, #tpu.memory_space<hbm>> -> memref<131072x128xf32, #tpu.memory_space<hbm>>
    tpu.enqueue_indirect_dma source(%dma_start3A_1244 : memref<131072x128xf32, #tpu.memory_space<hbm>>) target(%arg14 : memref<128x128xf32, #tpu.memory_space<vmem>>) offsets(%dma_start3A_1241 : memref<128xi32, #tpu.memory_space<vmem>>) semaphore(%arg15 : memref<!tpu.dma_semaphore, #tpu.memory_space<semaphore_mem>>)
    %dma_wait3A_1245 = arith.constant 1536 : i32
    %dma_wait3A_1246 = tpu.memref_slice %arg8[%dma_wait3A_1245] : memref<2048xi32, #tpu.memory_space<vmem>> -> memref<128xi32, #tpu.memory_space<vmem>>
    %dma_wait3A_1247 = arith.constant 0 : i32
    %dma_wait3A_1248 = arith.constant 0 : i32
    %dma_wait3A_1249 = tpu.memref_slice %arg3[%dma_wait3A_1247, %dma_wait3A_1248] : memref<131072x128xf32, #tpu.memory_space<hbm>> -> memref<131072x128xf32, #tpu.memory_space<hbm>>
    tpu.wait_indirect_dma semaphore(%arg15 : memref<!tpu.dma_semaphore, #tpu.memory_space<semaphore_mem>>) src(%dma_wait3A_1249 : memref<131072x128xf32, #tpu.memory_space<hbm>>) dst(%arg9 : memref<128x128xf32, #tpu.memory_space<vmem>>)
    %dma_wait3A_1250 = arith.constant 1536 : i32
    %dma_wait3A_1251 = tpu.memref_slice %arg8[%dma_wait3A_1250] : memref<2048xi32, #tpu.memory_space<vmem>> -> memref<128xi32, #tpu.memory_space<vmem>>
    %dma_wait3A_1252 = arith.constant 0 : i32
    %dma_wait3A_1253 = arith.constant 0 : i32
    %dma_wait3A_1254 = tpu.memref_slice %arg4[%dma_wait3A_1252, %dma_wait3A_1253] : memref<131072x128xf32, #tpu.memory_space<hbm>> -> memref<131072x128xf32, #tpu.memory_space<hbm>>
    tpu.wait_indirect_dma semaphore(%arg15 : memref<!tpu.dma_semaphore, #tpu.memory_space<semaphore_mem>>) src(%dma_wait3A_1254 : memref<131072x128xf32, #tpu.memory_space<hbm>>) dst(%arg10 : memref<128x128xf32, #tpu.memory_space<vmem>>)
    "tpu.region"() ({
      %run_scoped3A = tpu.sem_alloc : memref<!tpu.dma_semaphore, #tpu.memory_space<semaphore_mem>>
      %dma_start3A_1295 = arith.constant 1536 : i32
      %dma_start3A_1296 = arith.constant 0 : i32
      %dma_start3A_1297 = tpu.memref_slice %arg5[%add3A, %dma_start3A_1295, %dma_start3A_1296] : memref<32x2048x128xf32, #tpu.memory_space<hbm>> -> memref<1x128x128xf32, #tpu.memory_space<hbm>>
      %dma_start3A_1298 = tpu.memref_squeeze %dma_start3A_1297 : memref<1x128x128xf32, #tpu.memory_space<hbm>> -> memref<128x128xf32, #tpu.memory_space<hbm>>
      %dma_start3A_1299 = arith.constant 1536 : i32
      %dma_start3A_1300 = arith.constant 0 : i32
      %dma_start3A_1301 = tpu.memref_slice %arg5[%add3A, %dma_start3A_1299, %dma_start3A_1300] : memref<32x2048x128xf32, #tpu.memory_space<hbm>> -> memref<1x128x128xf32, #tpu.memory_space<hbm>>
      %dma_start3A_1302 = tpu.memref_squeeze %dma_start3A_1301 : memref<1x128x128xf32, #tpu.memory_space<hbm>> -> memref<128x128xf32, #tpu.memory_space<hbm>>
      tpu.enqueue_dma source(%arg9 : memref<128x128xf32, #tpu.memory_space<vmem>>) target(%dma_start3A_1302 : memref<128x128xf32, #tpu.memory_space<hbm>>) target_semaphore(%run_scoped3A : memref<!tpu.dma_semaphore, #tpu.memory_space<semaphore_mem>>)
      %dma_wait3A_1303 = arith.constant 1536 : i32
      %dma_wait3A_1304 = arith.constant 0 : i32
      %dma_wait3A_1305 = tpu.memref_slice %arg5[%add3A, %dma_wait3A_1303, %dma_wait3A_1304] : memref<32x2048x128xf32, #tpu.memory_space<hbm>> -> memref<1x128x128xf32, #tpu.memory_space<hbm>>
      %dma_wait3A_1306 = tpu.memref_squeeze %dma_wait3A_1305 : memref<1x128x128xf32, #tpu.memory_space<hbm>> -> memref<128x128xf32, #tpu.memory_space<hbm>>
      %dma_wait3A_1307 = arith.constant 1536 : i32
      %dma_wait3A_1308 = arith.constant 0 : i32
      %dma_wait3A_1309 = tpu.memref_slice %arg5[%add3A, %dma_wait3A_1307, %dma_wait3A_1308] : memref<32x2048x128xf32, #tpu.memory_space<hbm>> -> memref<1x128x128xf32, #tpu.memory_space<hbm>>
      %dma_wait3A_1310 = tpu.memref_squeeze %dma_wait3A_1309 : memref<1x128x128xf32, #tpu.memory_space<hbm>> -> memref<128x128xf32, #tpu.memory_space<hbm>>
      tpu.wait_dma2 semaphore(%run_scoped3A : memref<!tpu.dma_semaphore, #tpu.memory_space<semaphore_mem>>) src(%arg9 : memref<128x128xf32, #tpu.memory_space<vmem>>) dst(%dma_wait3A_1310 : memref<128x128xf32, #tpu.memory_space<hbm>>)
      tpu.yield
    }) : () -> ()
    "tpu.region"() ({
      %run_scoped3A = tpu.sem_alloc : memref<!tpu.dma_semaphore, #tpu.memory_space<semaphore_mem>>
      %dma_start3A_1295 = arith.constant 1536 : i32
      %dma_start3A_1296 = arith.constant 0 : i32
      %dma_start3A_1297 = tpu.memref_slice %arg6[%add3A, %dma_start3A_1295, %dma_start3A_1296] : memref<32x2048x128xf32, #tpu.memory_space<hbm>> -> memref<1x128x128xf32, #tpu.memory_space<hbm>>
      %dma_start3A_1298 = tpu.memref_squeeze %dma_start3A_1297 : memref<1x128x128xf32, #tpu.memory_space<hbm>> -> memref<128x128xf32, #tpu.memory_space<hbm>>
      %dma_start3A_1299 = arith.constant 1536 : i32
      %dma_start3A_1300 = arith.constant 0 : i32
      %dma_start3A_1301 = tpu.memref_slice %arg6[%add3A, %dma_start3A_1299, %dma_start3A_1300] : memref<32x2048x128xf32, #tpu.memory_space<hbm>> -> memref<1x128x128xf32, #tpu.memory_space<hbm>>
      %dma_start3A_1302 = tpu.memref_squeeze %dma_start3A_1301 : memref<1x128x128xf32, #tpu.memory_space<hbm>> -> memref<128x128xf32, #tpu.memory_space<hbm>>
      tpu.enqueue_dma source(%arg10 : memref<128x128xf32, #tpu.memory_space<vmem>>) target(%dma_start3A_1302 : memref<128x128xf32, #tpu.memory_space<hbm>>) target_semaphore(%run_scoped3A : memref<!tpu.dma_semaphore, #tpu.memory_space<semaphore_mem>>)
      %dma_wait3A_1303 = arith.constant 1536 : i32
      %dma_wait3A_1304 = arith.constant 0 : i32
      %dma_wait3A_1305 = tpu.memref_slice %arg6[%add3A, %dma_wait3A_1303, %dma_wait3A_1304] : memref<32x2048x128xf32, #tpu.memory_space<hbm>> -> memref<1x128x128xf32, #tpu.memory_space<hbm>>
      %dma_wait3A_1306 = tpu.memref_squeeze %dma_wait3A_1305 : memref<1x128x128xf32, #tpu.memory_space<hbm>> -> memref<128x128xf32, #tpu.memory_space<hbm>>
      %dma_wait3A_1307 = arith.constant 1536 : i32
      %dma_wait3A_1308 = arith.constant 0 : i32
      %dma_wait3A_1309 = tpu.memref_slice %arg6[%add3A, %dma_wait3A_1307, %dma_wait3A_1308] : memref<32x2048x128xf32, #tpu.memory_space<hbm>> -> memref<1x128x128xf32, #tpu.memory_space<hbm>>
      %dma_wait3A_1310 = tpu.memref_squeeze %dma_wait3A_1309 : memref<1x128x128xf32, #tpu.memory_space<hbm>> -> memref<128x128xf32, #tpu.memory_space<hbm>>
      tpu.wait_dma2 semaphore(%run_scoped3A : memref<!tpu.dma_semaphore, #tpu.memory_space<semaphore_mem>>) src(%arg10 : memref<128x128xf32, #tpu.memory_space<vmem>>) dst(%dma_wait3A_1310 : memref<128x128xf32, #tpu.memory_space<hbm>>)
      tpu.yield
    }) : () -> ()
    %dma_start3A_1255 = arith.constant 1920 : i32
    %dma_start3A_1256 = tpu.memref_slice %arg8[%dma_start3A_1255] : memref<2048xi32, #tpu.memory_space<vmem>> -> memref<128xi32, #tpu.memory_space<vmem>>
    %dma_start3A_1257 = arith.constant 0 : i32
    %dma_start3A_1258 = arith.constant 0 : i32
    %dma_start3A_1259 = tpu.memref_slice %arg3[%dma_start3A_1257, %dma_start3A_1258] : memref<131072x128xf32, #tpu.memory_space<hbm>> -> memref<131072x128xf32, #tpu.memory_space<hbm>>
    tpu.enqueue_indirect_dma source(%dma_start3A_1259 : memref<131072x128xf32, #tpu.memory_space<hbm>>) target(%arg9 : memref<128x128xf32, #tpu.memory_space<vmem>>) offsets(%dma_start3A_1256 : memref<128xi32, #tpu.memory_space<vmem>>) semaphore(%arg15 : memref<!tpu.dma_semaphore, #tpu.memory_space<semaphore_mem>>)
    %dma_start3A_1260 = arith.constant 1920 : i32
    %dma_start3A_1261 = tpu.memref_slice %arg8[%dma_start3A_1260] : memref<2048xi32, #tpu.memory_space<vmem>> -> memref<128xi32, #tpu.memory_space<vmem>>
    %dma_start3A_1262 = arith.constant 0 : i32
    %dma_start3A_1263 = arith.constant 0 : i32
    %dma_start3A_1264 = tpu.memref_slice %arg4[%dma_start3A_1262, %dma_start3A_1263] : memref<131072x128xf32, #tpu.memory_space<hbm>> -> memref<131072x128xf32, #tpu.memory_space<hbm>>
    tpu.enqueue_indirect_dma source(%dma_start3A_1264 : memref<131072x128xf32, #tpu.memory_space<hbm>>) target(%arg10 : memref<128x128xf32, #tpu.memory_space<vmem>>) offsets(%dma_start3A_1261 : memref<128xi32, #tpu.memory_space<vmem>>) semaphore(%arg15 : memref<!tpu.dma_semaphore, #tpu.memory_space<semaphore_mem>>)
    %dma_wait3A_1265 = arith.constant 1664 : i32
    %dma_wait3A_1266 = tpu.memref_slice %arg8[%dma_wait3A_1265] : memref<2048xi32, #tpu.memory_space<vmem>> -> memref<128xi32, #tpu.memory_space<vmem>>
    %dma_wait3A_1267 = arith.constant 0 : i32
    %dma_wait3A_1268 = arith.constant 0 : i32
    %dma_wait3A_1269 = tpu.memref_slice %arg3[%dma_wait3A_1267, %dma_wait3A_1268] : memref<131072x128xf32, #tpu.memory_space<hbm>> -> memref<131072x128xf32, #tpu.memory_space<hbm>>
    tpu.wait_indirect_dma semaphore(%arg15 : memref<!tpu.dma_semaphore, #tpu.memory_space<semaphore_mem>>) src(%dma_wait3A_1269 : memref<131072x128xf32, #tpu.memory_space<hbm>>) dst(%arg11 : memref<128x128xf32, #tpu.memory_space<vmem>>)
    %dma_wait3A_1270 = arith.constant 1664 : i32
    %dma_wait3A_1271 = tpu.memref_slice %arg8[%dma_wait3A_1270] : memref<2048xi32, #tpu.memory_space<vmem>> -> memref<128xi32, #tpu.memory_space<vmem>>
    %dma_wait3A_1272 = arith.constant 0 : i32
    %dma_wait3A_1273 = arith.constant 0 : i32
    %dma_wait3A_1274 = tpu.memref_slice %arg4[%dma_wait3A_1272, %dma_wait3A_1273] : memref<131072x128xf32, #tpu.memory_space<hbm>> -> memref<131072x128xf32, #tpu.memory_space<hbm>>
    tpu.wait_indirect_dma semaphore(%arg15 : memref<!tpu.dma_semaphore, #tpu.memory_space<semaphore_mem>>) src(%dma_wait3A_1274 : memref<131072x128xf32, #tpu.memory_space<hbm>>) dst(%arg12 : memref<128x128xf32, #tpu.memory_space<vmem>>)
    "tpu.region"() ({
      %run_scoped3A = tpu.sem_alloc : memref<!tpu.dma_semaphore, #tpu.memory_space<semaphore_mem>>
      %dma_start3A_1295 = arith.constant 1664 : i32
      %dma_start3A_1296 = arith.constant 0 : i32
      %dma_start3A_1297 = tpu.memref_slice %arg5[%add3A, %dma_start3A_1295, %dma_start3A_1296] : memref<32x2048x128xf32, #tpu.memory_space<hbm>> -> memref<1x128x128xf32, #tpu.memory_space<hbm>>
      %dma_start3A_1298 = tpu.memref_squeeze %dma_start3A_1297 : memref<1x128x128xf32, #tpu.memory_space<hbm>> -> memref<128x128xf32, #tpu.memory_space<hbm>>
      %dma_start3A_1299 = arith.constant 1664 : i32
      %dma_start3A_1300 = arith.constant 0 : i32
      %dma_start3A_1301 = tpu.memref_slice %arg5[%add3A, %dma_start3A_1299, %dma_start3A_1300] : memref<32x2048x128xf32, #tpu.memory_space<hbm>> -> memref<1x128x128xf32, #tpu.memory_space<hbm>>
      %dma_start3A_1302 = tpu.memref_squeeze %dma_start3A_1301 : memref<1x128x128xf32, #tpu.memory_space<hbm>> -> memref<128x128xf32, #tpu.memory_space<hbm>>
      tpu.enqueue_dma source(%arg11 : memref<128x128xf32, #tpu.memory_space<vmem>>) target(%dma_start3A_1302 : memref<128x128xf32, #tpu.memory_space<hbm>>) target_semaphore(%run_scoped3A : memref<!tpu.dma_semaphore, #tpu.memory_space<semaphore_mem>>)
      %dma_wait3A_1303 = arith.constant 1664 : i32
      %dma_wait3A_1304 = arith.constant 0 : i32
      %dma_wait3A_1305 = tpu.memref_slice %arg5[%add3A, %dma_wait3A_1303, %dma_wait3A_1304] : memref<32x2048x128xf32, #tpu.memory_space<hbm>> -> memref<1x128x128xf32, #tpu.memory_space<hbm>>
      %dma_wait3A_1306 = tpu.memref_squeeze %dma_wait3A_1305 : memref<1x128x128xf32, #tpu.memory_space<hbm>> -> memref<128x128xf32, #tpu.memory_space<hbm>>
      %dma_wait3A_1307 = arith.constant 1664 : i32
      %dma_wait3A_1308 = arith.constant 0 : i32
      %dma_wait3A_1309 = tpu.memref_slice %arg5[%add3A, %dma_wait3A_1307, %dma_wait3A_1308] : memref<32x2048x128xf32, #tpu.memory_space<hbm>> -> memref<1x128x128xf32, #tpu.memory_space<hbm>>
      %dma_wait3A_1310 = tpu.memref_squeeze %dma_wait3A_1309 : memref<1x128x128xf32, #tpu.memory_space<hbm>> -> memref<128x128xf32, #tpu.memory_space<hbm>>
      tpu.wait_dma2 semaphore(%run_scoped3A : memref<!tpu.dma_semaphore, #tpu.memory_space<semaphore_mem>>) src(%arg11 : memref<128x128xf32, #tpu.memory_space<vmem>>) dst(%dma_wait3A_1310 : memref<128x128xf32, #tpu.memory_space<hbm>>)
      tpu.yield
    }) : () -> ()
    "tpu.region"() ({
      %run_scoped3A = tpu.sem_alloc : memref<!tpu.dma_semaphore, #tpu.memory_space<semaphore_mem>>
      %dma_start3A_1295 = arith.constant 1664 : i32
      %dma_start3A_1296 = arith.constant 0 : i32
      %dma_start3A_1297 = tpu.memref_slice %arg6[%add3A, %dma_start3A_1295, %dma_start3A_1296] : memref<32x2048x128xf32, #tpu.memory_space<hbm>> -> memref<1x128x128xf32, #tpu.memory_space<hbm>>
      %dma_start3A_1298 = tpu.memref_squeeze %dma_start3A_1297 : memref<1x128x128xf32, #tpu.memory_space<hbm>> -> memref<128x128xf32, #tpu.memory_space<hbm>>
      %dma_start3A_1299 = arith.constant 1664 : i32
      %dma_start3A_1300 = arith.constant 0 : i32
      %dma_start3A_1301 = tpu.memref_slice %arg6[%add3A, %dma_start3A_1299, %dma_start3A_1300] : memref<32x2048x128xf32, #tpu.memory_space<hbm>> -> memref<1x128x128xf32, #tpu.memory_space<hbm>>
      %dma_start3A_1302 = tpu.memref_squeeze %dma_start3A_1301 : memref<1x128x128xf32, #tpu.memory_space<hbm>> -> memref<128x128xf32, #tpu.memory_space<hbm>>
      tpu.enqueue_dma source(%arg12 : memref<128x128xf32, #tpu.memory_space<vmem>>) target(%dma_start3A_1302 : memref<128x128xf32, #tpu.memory_space<hbm>>) target_semaphore(%run_scoped3A : memref<!tpu.dma_semaphore, #tpu.memory_space<semaphore_mem>>)
      %dma_wait3A_1303 = arith.constant 1664 : i32
      %dma_wait3A_1304 = arith.constant 0 : i32
      %dma_wait3A_1305 = tpu.memref_slice %arg6[%add3A, %dma_wait3A_1303, %dma_wait3A_1304] : memref<32x2048x128xf32, #tpu.memory_space<hbm>> -> memref<1x128x128xf32, #tpu.memory_space<hbm>>
      %dma_wait3A_1306 = tpu.memref_squeeze %dma_wait3A_1305 : memref<1x128x128xf32, #tpu.memory_space<hbm>> -> memref<128x128xf32, #tpu.memory_space<hbm>>
      %dma_wait3A_1307 = arith.constant 1664 : i32
      %dma_wait3A_1308 = arith.constant 0 : i32
      %dma_wait3A_1309 = tpu.memref_slice %arg6[%add3A, %dma_wait3A_1307, %dma_wait3A_1308] : memref<32x2048x128xf32, #tpu.memory_space<hbm>> -> memref<1x128x128xf32, #tpu.memory_space<hbm>>
      %dma_wait3A_1310 = tpu.memref_squeeze %dma_wait3A_1309 : memref<1x128x128xf32, #tpu.memory_space<hbm>> -> memref<128x128xf32, #tpu.memory_space<hbm>>
      tpu.wait_dma2 semaphore(%run_scoped3A : memref<!tpu.dma_semaphore, #tpu.memory_space<semaphore_mem>>) src(%arg12 : memref<128x128xf32, #tpu.memory_space<vmem>>) dst(%dma_wait3A_1310 : memref<128x128xf32, #tpu.memory_space<hbm>>)
      tpu.yield
    }) : () -> ()
    %dma_wait3A_1275 = arith.constant 1792 : i32
    %dma_wait3A_1276 = tpu.memref_slice %arg8[%dma_wait3A_1275] : memref<2048xi32, #tpu.memory_space<vmem>> -> memref<128xi32, #tpu.memory_space<vmem>>
    %dma_wait3A_1277 = arith.constant 0 : i32
    %dma_wait3A_1278 = arith.constant 0 : i32
    %dma_wait3A_1279 = tpu.memref_slice %arg3[%dma_wait3A_1277, %dma_wait3A_1278] : memref<131072x128xf32, #tpu.memory_space<hbm>> -> memref<131072x128xf32, #tpu.memory_space<hbm>>
    tpu.wait_indirect_dma semaphore(%arg15 : memref<!tpu.dma_semaphore, #tpu.memory_space<semaphore_mem>>) src(%dma_wait3A_1279 : memref<131072x128xf32, #tpu.memory_space<hbm>>) dst(%arg13 : memref<128x128xf32, #tpu.memory_space<vmem>>)
    %dma_wait3A_1280 = arith.constant 1792 : i32
    %dma_wait3A_1281 = tpu.memref_slice %arg8[%dma_wait3A_1280] : memref<2048xi32, #tpu.memory_space<vmem>> -> memref<128xi32, #tpu.memory_space<vmem>>
    %dma_wait3A_1282 = arith.constant 0 : i32
    %dma_wait3A_1283 = arith.constant 0 : i32
    %dma_wait3A_1284 = tpu.memref_slice %arg4[%dma_wait3A_1282, %dma_wait3A_1283] : memref<131072x128xf32, #tpu.memory_space<hbm>> -> memref<131072x128xf32, #tpu.memory_space<hbm>>
    tpu.wait_indirect_dma semaphore(%arg15 : memref<!tpu.dma_semaphore, #tpu.memory_space<semaphore_mem>>) src(%dma_wait3A_1284 : memref<131072x128xf32, #tpu.memory_space<hbm>>) dst(%arg14 : memref<128x128xf32, #tpu.memory_space<vmem>>)
    "tpu.region"() ({
      %run_scoped3A = tpu.sem_alloc : memref<!tpu.dma_semaphore, #tpu.memory_space<semaphore_mem>>
      %dma_start3A_1295 = arith.constant 1792 : i32
      %dma_start3A_1296 = arith.constant 0 : i32
      %dma_start3A_1297 = tpu.memref_slice %arg5[%add3A, %dma_start3A_1295, %dma_start3A_1296] : memref<32x2048x128xf32, #tpu.memory_space<hbm>> -> memref<1x128x128xf32, #tpu.memory_space<hbm>>
      %dma_start3A_1298 = tpu.memref_squeeze %dma_start3A_1297 : memref<1x128x128xf32, #tpu.memory_space<hbm>> -> memref<128x128xf32, #tpu.memory_space<hbm>>
      %dma_start3A_1299 = arith.constant 1792 : i32
      %dma_start3A_1300 = arith.constant 0 : i32
      %dma_start3A_1301 = tpu.memref_slice %arg5[%add3A, %dma_start3A_1299, %dma_start3A_1300] : memref<32x2048x128xf32, #tpu.memory_space<hbm>> -> memref<1x128x128xf32, #tpu.memory_space<hbm>>
      %dma_start3A_1302 = tpu.memref_squeeze %dma_start3A_1301 : memref<1x128x128xf32, #tpu.memory_space<hbm>> -> memref<128x128xf32, #tpu.memory_space<hbm>>
      tpu.enqueue_dma source(%arg13 : memref<128x128xf32, #tpu.memory_space<vmem>>) target(%dma_start3A_1302 : memref<128x128xf32, #tpu.memory_space<hbm>>) target_semaphore(%run_scoped3A : memref<!tpu.dma_semaphore, #tpu.memory_space<semaphore_mem>>)
      %dma_wait3A_1303 = arith.constant 1792 : i32
      %dma_wait3A_1304 = arith.constant 0 : i32
      %dma_wait3A_1305 = tpu.memref_slice %arg5[%add3A, %dma_wait3A_1303, %dma_wait3A_1304] : memref<32x2048x128xf32, #tpu.memory_space<hbm>> -> memref<1x128x128xf32, #tpu.memory_space<hbm>>
      %dma_wait3A_1306 = tpu.memref_squeeze %dma_wait3A_1305 : memref<1x128x128xf32, #tpu.memory_space<hbm>> -> memref<128x128xf32, #tpu.memory_space<hbm>>
      %dma_wait3A_1307 = arith.constant 1792 : i32
      %dma_wait3A_1308 = arith.constant 0 : i32
      %dma_wait3A_1309 = tpu.memref_slice %arg5[%add3A, %dma_wait3A_1307, %dma_wait3A_1308] : memref<32x2048x128xf32, #tpu.memory_space<hbm>> -> memref<1x128x128xf32, #tpu.memory_space<hbm>>
      %dma_wait3A_1310 = tpu.memref_squeeze %dma_wait3A_1309 : memref<1x128x128xf32, #tpu.memory_space<hbm>> -> memref<128x128xf32, #tpu.memory_space<hbm>>
      tpu.wait_dma2 semaphore(%run_scoped3A : memref<!tpu.dma_semaphore, #tpu.memory_space<semaphore_mem>>) src(%arg13 : memref<128x128xf32, #tpu.memory_space<vmem>>) dst(%dma_wait3A_1310 : memref<128x128xf32, #tpu.memory_space<hbm>>)
      tpu.yield
    }) : () -> ()
    "tpu.region"() ({
      %run_scoped3A = tpu.sem_alloc : memref<!tpu.dma_semaphore, #tpu.memory_space<semaphore_mem>>
      %dma_start3A_1295 = arith.constant 1792 : i32
      %dma_start3A_1296 = arith.constant 0 : i32
      %dma_start3A_1297 = tpu.memref_slice %arg6[%add3A, %dma_start3A_1295, %dma_start3A_1296] : memref<32x2048x128xf32, #tpu.memory_space<hbm>> -> memref<1x128x128xf32, #tpu.memory_space<hbm>>
      %dma_start3A_1298 = tpu.memref_squeeze %dma_start3A_1297 : memref<1x128x128xf32, #tpu.memory_space<hbm>> -> memref<128x128xf32, #tpu.memory_space<hbm>>
      %dma_start3A_1299 = arith.constant 1792 : i32
      %dma_start3A_1300 = arith.constant 0 : i32
      %dma_start3A_1301 = tpu.memref_slice %arg6[%add3A, %dma_start3A_1299, %dma_start3A_1300] : memref<32x2048x128xf32, #tpu.memory_space<hbm>> -> memref<1x128x128xf32, #tpu.memory_space<hbm>>
      %dma_start3A_1302 = tpu.memref_squeeze %dma_start3A_1301 : memref<1x128x128xf32, #tpu.memory_space<hbm>> -> memref<128x128xf32, #tpu.memory_space<hbm>>
      tpu.enqueue_dma source(%arg14 : memref<128x128xf32, #tpu.memory_space<vmem>>) target(%dma_start3A_1302 : memref<128x128xf32, #tpu.memory_space<hbm>>) target_semaphore(%run_scoped3A : memref<!tpu.dma_semaphore, #tpu.memory_space<semaphore_mem>>)
      %dma_wait3A_1303 = arith.constant 1792 : i32
      %dma_wait3A_1304 = arith.constant 0 : i32
      %dma_wait3A_1305 = tpu.memref_slice %arg6[%add3A, %dma_wait3A_1303, %dma_wait3A_1304] : memref<32x2048x128xf32, #tpu.memory_space<hbm>> -> memref<1x128x128xf32, #tpu.memory_space<hbm>>
      %dma_wait3A_1306 = tpu.memref_squeeze %dma_wait3A_1305 : memref<1x128x128xf32, #tpu.memory_space<hbm>> -> memref<128x128xf32, #tpu.memory_space<hbm>>
      %dma_wait3A_1307 = arith.constant 1792 : i32
      %dma_wait3A_1308 = arith.constant 0 : i32
      %dma_wait3A_1309 = tpu.memref_slice %arg6[%add3A, %dma_wait3A_1307, %dma_wait3A_1308] : memref<32x2048x128xf32, #tpu.memory_space<hbm>> -> memref<1x128x128xf32, #tpu.memory_space<hbm>>
      %dma_wait3A_1310 = tpu.memref_squeeze %dma_wait3A_1309 : memref<1x128x128xf32, #tpu.memory_space<hbm>> -> memref<128x128xf32, #tpu.memory_space<hbm>>
      tpu.wait_dma2 semaphore(%run_scoped3A : memref<!tpu.dma_semaphore, #tpu.memory_space<semaphore_mem>>) src(%arg14 : memref<128x128xf32, #tpu.memory_space<vmem>>) dst(%dma_wait3A_1310 : memref<128x128xf32, #tpu.memory_space<hbm>>)
      tpu.yield
    }) : () -> ()
    %dma_wait3A_1285 = arith.constant 1920 : i32
    %dma_wait3A_1286 = tpu.memref_slice %arg8[%dma_wait3A_1285] : memref<2048xi32, #tpu.memory_space<vmem>> -> memref<128xi32, #tpu.memory_space<vmem>>
    %dma_wait3A_1287 = arith.constant 0 : i32
    %dma_wait3A_1288 = arith.constant 0 : i32
    %dma_wait3A_1289 = tpu.memref_slice %arg3[%dma_wait3A_1287, %dma_wait3A_1288] : memref<131072x128xf32, #tpu.memory_space<hbm>> -> memref<131072x128xf32, #tpu.memory_space<hbm>>
    tpu.wait_indirect_dma semaphore(%arg15 : memref<!tpu.dma_semaphore, #tpu.memory_space<semaphore_mem>>) src(%dma_wait3A_1289 : memref<131072x128xf32, #tpu.memory_space<hbm>>) dst(%arg9 : memref<128x128xf32, #tpu.memory_space<vmem>>)
    %dma_wait3A_1290 = arith.constant 1920 : i32
    %dma_wait3A_1291 = tpu.memref_slice %arg8[%dma_wait3A_1290] : memref<2048xi32, #tpu.memory_space<vmem>> -> memref<128xi32, #tpu.memory_space<vmem>>
    %dma_wait3A_1292 = arith.constant 0 : i32
    %dma_wait3A_1293 = arith.constant 0 : i32
    %dma_wait3A_1294 = tpu.memref_slice %arg4[%dma_wait3A_1292, %dma_wait3A_1293] : memref<131072x128xf32, #tpu.memory_space<hbm>> -> memref<131072x128xf32, #tpu.memory_space<hbm>>
    tpu.wait_indirect_dma semaphore(%arg15 : memref<!tpu.dma_semaphore, #tpu.memory_space<semaphore_mem>>) src(%dma_wait3A_1294 : memref<131072x128xf32, #tpu.memory_space<hbm>>) dst(%arg10 : memref<128x128xf32, #tpu.memory_space<vmem>>)
    "tpu.region"() ({
      %run_scoped3A = tpu.sem_alloc : memref<!tpu.dma_semaphore, #tpu.memory_space<semaphore_mem>>
      %dma_start3A_1295 = arith.constant 1920 : i32
      %dma_start3A_1296 = arith.constant 0 : i32
      %dma_start3A_1297 = tpu.memref_slice %arg5[%add3A, %dma_start3A_1295, %dma_start3A_1296] : memref<32x2048x128xf32, #tpu.memory_space<hbm>> -> memref<1x128x128xf32, #tpu.memory_space<hbm>>
      %dma_start3A_1298 = tpu.memref_squeeze %dma_start3A_1297 : memref<1x128x128xf32, #tpu.memory_space<hbm>> -> memref<128x128xf32, #tpu.memory_space<hbm>>
      %dma_start3A_1299 = arith.constant 1920 : i32
      %dma_start3A_1300 = arith.constant 0 : i32
      %dma_start3A_1301 = tpu.memref_slice %arg5[%add3A, %dma_start3A_1299, %dma_start3A_1300] : memref<32x2048x128xf32, #tpu.memory_space<hbm>> -> memref<1x128x128xf32, #tpu.memory_space<hbm>>
      %dma_start3A_1302 = tpu.memref_squeeze %dma_start3A_1301 : memref<1x128x128xf32, #tpu.memory_space<hbm>> -> memref<128x128xf32, #tpu.memory_space<hbm>>
      tpu.enqueue_dma source(%arg9 : memref<128x128xf32, #tpu.memory_space<vmem>>) target(%dma_start3A_1302 : memref<128x128xf32, #tpu.memory_space<hbm>>) target_semaphore(%run_scoped3A : memref<!tpu.dma_semaphore, #tpu.memory_space<semaphore_mem>>)
      %dma_wait3A_1303 = arith.constant 1920 : i32
      %dma_wait3A_1304 = arith.constant 0 : i32
      %dma_wait3A_1305 = tpu.memref_slice %arg5[%add3A, %dma_wait3A_1303, %dma_wait3A_1304] : memref<32x2048x128xf32, #tpu.memory_space<hbm>> -> memref<1x128x128xf32, #tpu.memory_space<hbm>>
      %dma_wait3A_1306 = tpu.memref_squeeze %dma_wait3A_1305 : memref<1x128x128xf32, #tpu.memory_space<hbm>> -> memref<128x128xf32, #tpu.memory_space<hbm>>
      %dma_wait3A_1307 = arith.constant 1920 : i32
      %dma_wait3A_1308 = arith.constant 0 : i32
      %dma_wait3A_1309 = tpu.memref_slice %arg5[%add3A, %dma_wait3A_1307, %dma_wait3A_1308] : memref<32x2048x128xf32, #tpu.memory_space<hbm>> -> memref<1x128x128xf32, #tpu.memory_space<hbm>>
      %dma_wait3A_1310 = tpu.memref_squeeze %dma_wait3A_1309 : memref<1x128x128xf32, #tpu.memory_space<hbm>> -> memref<128x128xf32, #tpu.memory_space<hbm>>
      tpu.wait_dma2 semaphore(%run_scoped3A : memref<!tpu.dma_semaphore, #tpu.memory_space<semaphore_mem>>) src(%arg9 : memref<128x128xf32, #tpu.memory_space<vmem>>) dst(%dma_wait3A_1310 : memref<128x128xf32, #tpu.memory_space<hbm>>)
      tpu.yield
    }) : () -> ()
    "tpu.region"() ({
      %run_scoped3A = tpu.sem_alloc : memref<!tpu.dma_semaphore, #tpu.memory_space<semaphore_mem>>
      %dma_start3A_1295 = arith.constant 1920 : i32
      %dma_start3A_1296 = arith.constant 0 : i32
      %dma_start3A_1297 = tpu.memref_slice %arg6[%add3A, %dma_start3A_1295, %dma_start3A_1296] : memref<32x2048x128xf32, #tpu.memory_space<hbm>> -> memref<1x128x128xf32, #tpu.memory_space<hbm>>
      %dma_start3A_1298 = tpu.memref_squeeze %dma_start3A_1297 : memref<1x128x128xf32, #tpu.memory_space<hbm>> -> memref<128x128xf32, #tpu.memory_space<hbm>>
      %dma_start3A_1299 = arith.constant 1920 : i32
      %dma_start3A_1300 = arith.constant 0 : i32
      %dma_start3A_1301 = tpu.memref_slice %arg6[%add3A, %dma_start3A_1299, %dma_start3A_1300] : memref<32x2048x128xf32, #tpu.memory_space<hbm>> -> memref<1x128x128xf32, #tpu.memory_space<hbm>>
      %dma_start3A_1302 = tpu.memref_squeeze %dma_start3A_1301 : memref<1x128x128xf32, #tpu.memory_space<hbm>> -> memref<128x128xf32, #tpu.memory_space<hbm>>
      tpu.enqueue_dma source(%arg10 : memref<128x128xf32, #tpu.memory_space<vmem>>) target(%dma_start3A_1302 : memref<128x128xf32, #tpu.memory_space<hbm>>) target_semaphore(%run_scoped3A : memref<!tpu.dma_semaphore, #tpu.memory_space<semaphore_mem>>)
      %dma_wait3A_1303 = arith.constant 1920 : i32
      %dma_wait3A_1304 = arith.constant 0 : i32
      %dma_wait3A_1305 = tpu.memref_slice %arg6[%add3A, %dma_wait3A_1303, %dma_wait3A_1304] : memref<32x2048x128xf32, #tpu.memory_space<hbm>> -> memref<1x128x128xf32, #tpu.memory_space<hbm>>
      %dma_wait3A_1306 = tpu.memref_squeeze %dma_wait3A_1305 : memref<1x128x128xf32, #tpu.memory_space<hbm>> -> memref<128x128xf32, #tpu.memory_space<hbm>>
      %dma_wait3A_1307 = arith.constant 1920 : i32
      %dma_wait3A_1308 = arith.constant 0 : i32
      %dma_wait3A_1309 = tpu.memref_slice %arg6[%add3A, %dma_wait3A_1307, %dma_wait3A_1308] : memref<32x2048x128xf32, #tpu.memory_space<hbm>> -> memref<1x128x128xf32, #tpu.memory_space<hbm>>
      %dma_wait3A_1310 = tpu.memref_squeeze %dma_wait3A_1309 : memref<1x128x128xf32, #tpu.memory_space<hbm>> -> memref<128x128xf32, #tpu.memory_space<hbm>>
      tpu.wait_dma2 semaphore(%run_scoped3A : memref<!tpu.dma_semaphore, #tpu.memory_space<semaphore_mem>>) src(%arg10 : memref<128x128xf32, #tpu.memory_space<vmem>>) dst(%dma_wait3A_1310 : memref<128x128xf32, #tpu.memory_space<hbm>>)
      tpu.yield
    }) : () -> ()
    return
  }
}

#map = affine_map<(d0, d1) -> (0)>
#map1 = affine_map<(d0, d1) -> (0, 0)>
#map2 = affine_map<(d0, d1) -> (0, 0, 0)>
module attributes {stable_mosaic.version = 14 : i64} {
  func.func @gather(%arg0: i32, %arg1: i32, %arg2: memref<4096xi32, #tpu.memory_space<hbm>>, %arg3: memref<131072x128xf32, #tpu.memory_space<hbm>>, %arg4: memref<131072x128xf32, #tpu.memory_space<hbm>>, %arg5: memref<32x2048x128xf32, #tpu.memory_space<hbm>>, %arg6: memref<32x2048x128xf32, #tpu.memory_space<hbm>>, %arg7: memref<128xi32, #tpu.memory_space<vmem>>, %arg8: memref<2048xi32, #tpu.memory_space<vmem>>, %arg9: memref<128x128xf32, #tpu.memory_space<vmem>>, %arg10: memref<128x128xf32, #tpu.memory_space<vmem>>, %arg11: memref<128x128xf32, #tpu.memory_space<vmem>>, %arg12: memref<128x128xf32, #tpu.memory_space<vmem>>, %arg13: memref<128x128xf32, #tpu.memory_space<vmem>>, %arg14: memref<128x128xf32, #tpu.memory_space<vmem>>, %arg15: memref<!tpu.dma_semaphore, #tpu.memory_space<semaphore_mem>>) attributes {dimension_semantics = [#tpu.dimension_semantics<core_parallel>, #tpu.dimension_semantics<subcore_parallel>], iteration_bounds = array<i64: 2, 16>, scalar_prefetch = 0 : i64, scratch_operands = 9 : i64, tpu.core_type = #tpu.core_type<sc_vector_subcore>, window_params = [{transform_indices = #map}, {transform_indices = #map1}, {transform_indices = #map1}, {transform_indices = #map2}, {transform_indices = #map2}]} {
    %mul3A = arith.constant 16 : i32
    %mul3A_0 = arith.muli %arg0, %mul3A : i32
    %add3A = arith.addi %mul3A_0, %arg1 : i32
    %mul3A_1 = arith.constant 128 : i32
    %mul3A_2 = arith.muli %add3A, %mul3A_1 : i32
    "tpu.region"() ({
      %run_scoped3A = tpu.sem_alloc : memref<!tpu.dma_semaphore, #tpu.memory_space<semaphore_mem>>
      %dma_start3A_1295 = tpu.memref_slice %arg2[%mul3A_2] : memref<4096xi32, #tpu.memory_space<hbm>> -> memref<128xi32, #tpu.memory_space<hbm>>
      %dma_start3A_1296 = tpu.memref_slice %arg2[%mul3A_2] : memref<4096xi32, #tpu.memory_space<hbm>> -> memref<128xi32, #tpu.memory_space<hbm>>
      tpu.enqueue_dma source(%dma_start3A_1296 : memref<128xi32, #tpu.memory_space<hbm>>) target(%arg7 : memref<128xi32, #tpu.memory_space<vmem>>) target_semaphore(%run_scoped3A : memref<!tpu.dma_semaphore, #tpu.memory_space<semaphore_mem>>)
      %dma_wait3A_1297 = tpu.memref_slice %arg2[%mul3A_2] : memref<4096xi32, #tpu.memory_space<hbm>> -> memref<128xi32, #tpu.memory_space<hbm>>
      %dma_wait3A_1298 = tpu.memref_slice %arg2[%mul3A_2] : memref<4096xi32, #tpu.memory_space<hbm>> -> memref<128xi32, #tpu.memory_space<hbm>>
      tpu.wait_dma2 semaphore(%run_scoped3A : memref<!tpu.dma_semaphore, #tpu.memory_space<semaphore_mem>>) src(%dma_wait3A_1298 : memref<128xi32, #tpu.memory_space<hbm>>) dst(%arg7 : memref<128xi32, #tpu.memory_space<vmem>>)
      tpu.yield
    }) : () -> ()
    %get3A = arith.constant 0 : index
    %get3A_3 = tpu.vector_load %arg7[%get3A] {strides = array<i32>} : memref<128xi32, #tpu.memory_space<vmem>>, vector<16xi32>,
    %get3A_4 = vector.shape_cast %get3A_3 : vector<16xi32> to vector<16xi32>
    %mul3A_5 = arith.constant 16 : i32
    %mul3A_6 = vector.broadcast %mul3A_5 : i32 to vector<16xi32>
    %mul3A_7 = arith.muli %get3A_4, %mul3A_6 : vector<16xi32>
    %mul3A_8 = arith.constant 4096 : i32
    %mul3A_9 = arith.muli %add3A, %mul3A_8 : i32
    %add3A_10 = vector.broadcast %mul3A_9 : i32 to vector<16xi32>
    %add3A_11 = arith.addi %mul3A_7, %add3A_10 : vector<16xi32>
    %add3A_12 = arith.constant 0 : i32
    %add3A_13 = vector.broadcast %add3A_12 : i32 to vector<16xi32>
    %add3A_14 = arith.addi %add3A_11, %add3A_13 : vector<16xi32>
    %swap3A = arith.constant 0 : index
    %swap3A_15 = tpu.vector_load %arg8[%swap3A] {strides = array<i32>} : memref<2048xi32, #tpu.memory_space<vmem>>, vector<16xi32>,
    %swap3A_16 = vector.shape_cast %swap3A_15 : vector<16xi32> to vector<16xi32>
    %swap3A_17 = vector.shape_cast %add3A_14 : vector<16xi32> to vector<16xi32>
    tpu.vector_store %arg8[%swap3A], %swap3A_17 {strides = array<i32>} : memref<2048xi32, #tpu.memory_space<vmem>>, vector<16xi32>,
    %add3A_18 = arith.constant 1 : i32
    %add3A_19 = vector.broadcast %add3A_18 : i32 to vector<16xi32>
    %add3A_20 = arith.addi %add3A_11, %add3A_19 : vector<16xi32>
    %swap3A_21 = arith.constant 128 : index
    %swap3A_22 = tpu.vector_load %arg8[%swap3A_21] {strides = array<i32>} : memref<2048xi32, #tpu.memory_space<vmem>>, vector<16xi32>,
    %swap3A_23 = vector.shape_cast %swap3A_22 : vector<16xi32> to vector<16xi32>
    %swap3A_24 = vector.shape_cast %add3A_20 : vector<16xi32> to vector<16xi32>
    tpu.vector_store %arg8[%swap3A_21], %swap3A_24 {strides = array<i32>} : memref<2048xi32, #tpu.memory_space<vmem>>, vector<16xi32>,
    %add3A_25 = arith.constant 2 : i32
    %add3A_26 = vector.broadcast %add3A_25 : i32 to vector<16xi32>
    %add3A_27 = arith.addi %add3A_11, %add3A_26 : vector<16xi32>
    %swap3A_28 = arith.constant 256 : index
    %swap3A_29 = tpu.vector_load %arg8[%swap3A_28] {strides = array<i32>} : memref<2048xi32, #tpu.memory_space<vmem>>, vector<16xi32>,
    %swap3A_30 = vector.shape_cast %swap3A_29 : vector<16xi32> to vector<16xi32>
    %swap3A_31 = vector.shape_cast %add3A_27 : vector<16xi32> to vector<16xi32>
    tpu.vector_store %arg8[%swap3A_28], %swap3A_31 {strides = array<i32>} : memref<2048xi32, #tpu.memory_space<vmem>>, vector<16xi32>,
    %add3A_32 = arith.constant 3 : i32
    %add3A_33 = vector.broadcast %add3A_32 : i32 to vector<16xi32>
    %add3A_34 = arith.addi %add3A_11, %add3A_33 : vector<16xi32>
    %swap3A_35 = arith.constant 384 : index
    %swap3A_36 = tpu.vector_load %arg8[%swap3A_35] {strides = array<i32>} : memref<2048xi32, #tpu.memory_space<vmem>>, vector<16xi32>,
    %swap3A_37 = vector.shape_cast %swap3A_36 : vector<16xi32> to vector<16xi32>
    %swap3A_38 = vector.shape_cast %add3A_34 : vector<16xi32> to vector<16xi32>
    tpu.vector_store %arg8[%swap3A_35], %swap3A_38 {strides = array<i32>} : memref<2048xi32, #tpu.memory_space<vmem>>, vector<16xi32>,
    %add3A_39 = arith.constant 4 : i32
    %add3A_40 = vector.broadcast %add3A_39 : i32 to vector<16xi32>
    %add3A_41 = arith.addi %add3A_11, %add3A_40 : vector<16xi32>
    %swap3A_42 = arith.constant 512 : index
    %swap3A_43 = tpu.vector_load %arg8[%swap3A_42] {strides = array<i32>} : memref<2048xi32, #tpu.memory_space<vmem>>, vector<16xi32>,
    %swap3A_44 = vector.shape_cast %swap3A_43 : vector<16xi32> to vector<16xi32>
    %swap3A_45 = vector.shape_cast %add3A_41 : vector<16xi32> to vector<16xi32>
    tpu.vector_store %arg8[%swap3A_42], %swap3A_45 {strides = array<i32>} : memref<2048xi32, #tpu.memory_space<vmem>>, vector<16xi32>,
    %add3A_46 = arith.constant 5 : i32
    %add3A_47 = vector.broadcast %add3A_46 : i32 to vector<16xi32>
    %add3A_48 = arith.addi %add3A_11, %add3A_47 : vector<16xi32>
    %swap3A_49 = arith.constant 640 : index
    %swap3A_50 = tpu.vector_load %arg8[%swap3A_49] {strides = array<i32>} : memref<2048xi32, #tpu.memory_space<vmem>>, vector<16xi32>,
    %swap3A_51 = vector.shape_cast %swap3A_50 : vector<16xi32> to vector<16xi32>
    %swap3A_52 = vector.shape_cast %add3A_48 : vector<16xi32> to vector<16xi32>
    tpu.vector_store %arg8[%swap3A_49], %swap3A_52 {strides = array<i32>} : memref<2048xi32, #tpu.memory_space<vmem>>, vector<16xi32>,
    %add3A_53 = arith.constant 6 : i32
    %add3A_54 = vector.broadcast %add3A_53 : i32 to vector<16xi32>
    %add3A_55 = arith.addi %add3A_11, %add3A_54 : vector<16xi32>
    %swap3A_56 = arith.constant 768 : index
    %swap3A_57 = tpu.vector_load %arg8[%swap3A_56] {strides = array<i32>} : memref<2048xi32, #tpu.memory_space<vmem>>, vector<16xi32>,
    %swap3A_58 = vector.shape_cast %swap3A_57 : vector<16xi32> to vector<16xi32>
    %swap3A_59 = vector.shape_cast %add3A_55 : vector<16xi32> to vector<16xi32>
    tpu.vector_store %arg8[%swap3A_56], %swap3A_59 {strides = array<i32>} : memref<2048xi32, #tpu.memory_space<vmem>>, vector<16xi32>,
    %add3A_60 = arith.constant 7 : i32
    %add3A_61 = vector.broadcast %add3A_60 : i32 to vector<16xi32>
    %add3A_62 = arith.addi %add3A_11, %add3A_61 : vector<16xi32>
    %swap3A_63 = arith.constant 896 : index
    %swap3A_64 = tpu.vector_load %arg8[%swap3A_63] {strides = array<i32>} : memref<2048xi32, #tpu.memory_space<vmem>>, vector<16xi32>,
    %swap3A_65 = vector.shape_cast %swap3A_64 : vector<16xi32> to vector<16xi32>
    %swap3A_66 = vector.shape_cast %add3A_62 : vector<16xi32> to vector<16xi32>
    tpu.vector_store %arg8[%swap3A_63], %swap3A_66 {strides = array<i32>} : memref<2048xi32, #tpu.memory_space<vmem>>, vector<16xi32>,
    %add3A_67 = arith.constant 8 : i32
    %add3A_68 = vector.broadcast %add3A_67 : i32 to vector<16xi32>
    %add3A_69 = arith.addi %add3A_11, %add3A_68 : vector<16xi32>
    %swap3A_70 = arith.constant 1024 : index
    %swap3A_71 = tpu.vector_load %arg8[%swap3A_70] {strides = array<i32>} : memref<2048xi32, #tpu.memory_space<vmem>>, vector<16xi32>,
    %swap3A_72 = vector.shape_cast %swap3A_71 : vector<16xi32> to vector<16xi32>
    %swap3A_73 = vector.shape_cast %add3A_69 : vector<16xi32> to vector<16xi32>
    tpu.vector_store %arg8[%swap3A_70], %swap3A_73 {strides = array<i32>} : memref<2048xi32, #tpu.memory_space<vmem>>, vector<16xi32>,
    %add3A_74 = arith.constant 9 : i32
    %add3A_75 = vector.broadcast %add3A_74 : i32 to vector<16xi32>
    %add3A_76 = arith.addi %add3A_11, %add3A_75 : vector<16xi32>
    %swap3A_77 = arith.constant 1152 : index
    %swap3A_78 = tpu.vector_load %arg8[%swap3A_77] {strides = array<i32>} : memref<2048xi32, #tpu.memory_space<vmem>>, vector<16xi32>,
    %swap3A_79 = vector.shape_cast %swap3A_78 : vector<16xi32> to vector<16xi32>
    %swap3A_80 = vector.shape_cast %add3A_76 : vector<16xi32> to vector<16xi32>
    tpu.vector_store %arg8[%swap3A_77], %swap3A_80 {strides = array<i32>} : memref<2048xi32, #tpu.memory_space<vmem>>, vector<16xi32>,
    %add3A_81 = arith.constant 10 : i32
    %add3A_82 = vector.broadcast %add3A_81 : i32 to vector<16xi32>
    %add3A_83 = arith.addi %add3A_11, %add3A_82 : vector<16xi32>
    %swap3A_84 = arith.constant 1280 : index
    %swap3A_85 = tpu.vector_load %arg8[%swap3A_84] {strides = array<i32>} : memref<2048xi32, #tpu.memory_space<vmem>>, vector<16xi32>,
    %swap3A_86 = vector.shape_cast %swap3A_85 : vector<16xi32> to vector<16xi32>
    %swap3A_87 = vector.shape_cast %add3A_83 : vector<16xi32> to vector<16xi32>
    tpu.vector_store %arg8[%swap3A_84], %swap3A_87 {strides = array<i32>} : memref<2048xi32, #tpu.memory_space<vmem>>, vector<16xi32>,
    %add3A_88 = arith.constant 11 : i32
    %add3A_89 = vector.broadcast %add3A_88 : i32 to vector<16xi32>
    %add3A_90 = arith.addi %add3A_11, %add3A_89 : vector<16xi32>
    %swap3A_91 = arith.constant 1408 : index
    %swap3A_92 = tpu.vector_load %arg8[%swap3A_91] {strides = array<i32>} : memref<2048xi32, #tpu.memory_space<vmem>>, vector<16xi32>,
    %swap3A_93 = vector.shape_cast %swap3A_92 : vector<16xi32> to vector<16xi32>
    %swap3A_94 = vector.shape_cast %add3A_90 : vector<16xi32> to vector<16xi32>
    tpu.vector_store %arg8[%swap3A_91], %swap3A_94 {strides = array<i32>} : memref<2048xi32, #tpu.memory_space<vmem>>, vector<16xi32>,
    %add3A_95 = arith.constant 12 : i32
    %add3A_96 = vector.broadcast %add3A_95 : i32 to vector<16xi32>
    %add3A_97 = arith.addi %add3A_11, %add3A_96 : vector<16xi32>
    %swap3A_98 = arith.constant 1536 : index
    %swap3A_99 = tpu.vector_load %arg8[%swap3A_98] {strides = array<i32>} : memref<2048xi32, #tpu.memory_space<vmem>>, vector<16xi32>,
    %swap3A_100 = vector.shape_cast %swap3A_99 : vector<16xi32> to vector<16xi32>
    %swap3A_101 = vector.shape_cast %add3A_97 : vector<16xi32> to vector<16xi32>
    tpu.vector_store %arg8[%swap3A_98], %swap3A_101 {strides = array<i32>} : memref<2048xi32, #tpu.memory_space<vmem>>, vector<16xi32>,
    %add3A_102 = arith.constant 13 : i32
    %add3A_103 = vector.broadcast %add3A_102 : i32 to vector<16xi32>
    %add3A_104 = arith.addi %add3A_11, %add3A_103 : vector<16xi32>
    %swap3A_105 = arith.constant 1664 : index
    %swap3A_106 = tpu.vector_load %arg8[%swap3A_105] {strides = array<i32>} : memref<2048xi32, #tpu.memory_space<vmem>>, vector<16xi32>,
    %swap3A_107 = vector.shape_cast %swap3A_106 : vector<16xi32> to vector<16xi32>
    %swap3A_108 = vector.shape_cast %add3A_104 : vector<16xi32> to vector<16xi32>
    tpu.vector_store %arg8[%swap3A_105], %swap3A_108 {strides = array<i32>} : memref<2048xi32, #tpu.memory_space<vmem>>, vector<16xi32>,
    %add3A_109 = arith.constant 14 : i32
    %add3A_110 = vector.broadcast %add3A_109 : i32 to vector<16xi32>
    %add3A_111 = arith.addi %add3A_11, %add3A_110 : vector<16xi32>
    %swap3A_112 = arith.constant 1792 : index
    %swap3A_113 = tpu.vector_load %arg8[%swap3A_112] {strides = array<i32>} : memref<2048xi32, #tpu.memory_space<vmem>>, vector<16xi32>,
    %swap3A_114 = vector.shape_cast %swap3A_113 : vector<16xi32> to vector<16xi32>
    %swap3A_115 = vector.shape_cast %add3A_111 : vector<16xi32> to vector<16xi32>
    tpu.vector_store %arg8[%swap3A_112], %swap3A_115 {strides = array<i32>} : memref<2048xi32, #tpu.memory_space<vmem>>, vector<16xi32>,
    %add3A_116 = arith.constant 15 : i32
    %add3A_117 = vector.broadcast %add3A_116 : i32 to vector<16xi32>
    %add3A_118 = arith.addi %add3A_11, %add3A_117 : vector<16xi32>
    %swap3A_119 = arith.constant 1920 : index
    %swap3A_120 = tpu.vector_load %arg8[%swap3A_119] {strides = array<i32>} : memref<2048xi32, #tpu.memory_space<vmem>>, vector<16xi32>,
    %swap3A_121 = vector.shape_cast %swap3A_120 : vector<16xi32> to vector<16xi32>
    %swap3A_122 = vector.shape_cast %add3A_118 : vector<16xi32> to vector<16xi32>
    tpu.vector_store %arg8[%swap3A_119], %swap3A_122 {strides = array<i32>} : memref<2048xi32, #tpu.memory_space<vmem>>, vector<16xi32>,
    %get3A_123 = arith.constant 16 : index
    %get3A_124 = tpu.vector_load %arg7[%get3A_123] {strides = array<i32>} : memref<128xi32, #tpu.memory_space<vmem>>, vector<16xi32>,
    %get3A_125 = vector.shape_cast %get3A_124 : vector<16xi32> to vector<16xi32>
    %mul3A_126 = arith.constant 16 : i32
    %mul3A_127 = vector.broadcast %mul3A_126 : i32 to vector<16xi32>
    %mul3A_128 = arith.muli %get3A_125, %mul3A_127 : vector<16xi32>
    %mul3A_129 = arith.constant 4096 : i32
    %mul3A_130 = arith.muli %add3A, %mul3A_129 : i32
    %add3A_131 = vector.broadcast %mul3A_130 : i32 to vector<16xi32>
    %add3A_132 = arith.addi %mul3A_128, %add3A_131 : vector<16xi32>
    %add3A_133 = arith.constant 0 : i32
    %add3A_134 = vector.broadcast %add3A_133 : i32 to vector<16xi32>
    %add3A_135 = arith.addi %add3A_132, %add3A_134 : vector<16xi32>
    %swap3A_136 = arith.constant 16 : index
    %swap3A_137 = tpu.vector_load %arg8[%swap3A_136] {strides = array<i32>} : memref<2048xi32, #tpu.memory_space<vmem>>, vector<16xi32>,
    %swap3A_138 = vector.shape_cast %swap3A_137 : vector<16xi32> to vector<16xi32>
    %swap3A_139 = vector.shape_cast %add3A_135 : vector<16xi32> to vector<16xi32>
    tpu.vector_store %arg8[%swap3A_136], %swap3A_139 {strides = array<i32>} : memref<2048xi32, #tpu.memory_space<vmem>>, vector<16xi32>,
    %add3A_140 = arith.constant 1 : i32
    %add3A_141 = vector.broadcast %add3A_140 : i32 to vector<16xi32>
    %add3A_142 = arith.addi %add3A_132, %add3A_141 : vector<16xi32>
    %swap3A_143 = arith.constant 144 : index
    %swap3A_144 = tpu.vector_load %arg8[%swap3A_143] {strides = array<i32>} : memref<2048xi32, #tpu.memory_space<vmem>>, vector<16xi32>,
    %swap3A_145 = vector.shape_cast %swap3A_144 : vector<16xi32> to vector<16xi32>
    %swap3A_146 = vector.shape_cast %add3A_142 : vector<16xi32> to vector<16xi32>
    tpu.vector_store %arg8[%swap3A_143], %swap3A_146 {strides = array<i32>} : memref<2048xi32, #tpu.memory_space<vmem>>, vector<16xi32>,
    %add3A_147 = arith.constant 2 : i32
    %add3A_148 = vector.broadcast %add3A_147 : i32 to vector<16xi32>
    %add3A_149 = arith.addi %add3A_132, %add3A_148 : vector<16xi32>
    %swap3A_150 = arith.constant 272 : index
    %swap3A_151 = tpu.vector_load %arg8[%swap3A_150] {strides = array<i32>} : memref<2048xi32, #tpu.memory_space<vmem>>, vector<16xi32>,
    %swap3A_152 = vector.shape_cast %swap3A_151 : vector<16xi32> to vector<16xi32>
    %swap3A_153 = vector.shape_cast %add3A_149 : vector<16xi32> to vector<16xi32>
    tpu.vector_store %arg8[%swap3A_150], %swap3A_153 {strides = array<i32>} : memref<2048xi32, #tpu.memory_space<vmem>>, vector<16xi32>,
    %add3A_154 = arith.constant 3 : i32
    %add3A_155 = vector.broadcast %add3A_154 : i32 to vector<16xi32>
    %add3A_156 = arith.addi %add3A_132, %add3A_155 : vector<16xi32>
    %swap3A_157 = arith.constant 400 : index
    %swap3A_158 = tpu.vector_load %arg8[%swap3A_157] {strides = array<i32>} : memref<2048xi32, #tpu.memory_space<vmem>>, vector<16xi32>,
    %swap3A_159 = vector.shape_cast %swap3A_158 : vector<16xi32> to vector<16xi32>
    %swap3A_160 = vector.shape_cast %add3A_156 : vector<16xi32> to vector<16xi32>
    tpu.vector_store %arg8[%swap3A_157], %swap3A_160 {strides = array<i32>} : memref<2048xi32, #tpu.memory_space<vmem>>, vector<16xi32>,
    %add3A_161 = arith.constant 4 : i32
    %add3A_162 = vector.broadcast %add3A_161 : i32 to vector<16xi32>
    %add3A_163 = arith.addi %add3A_132, %add3A_162 : vector<16xi32>
    %swap3A_164 = arith.constant 528 : index
    %swap3A_165 = tpu.vector_load %arg8[%swap3A_164] {strides = array<i32>} : memref<2048xi32, #tpu.memory_space<vmem>>, vector<16xi32>,
    %swap3A_166 = vector.shape_cast %swap3A_165 : vector<16xi32> to vector<16xi32>
    %swap3A_167 = vector.shape_cast %add3A_163 : vector<16xi32> to vector<16xi32>
    tpu.vector_store %arg8[%swap3A_164], %swap3A_167 {strides = array<i32>} : memref<2048xi32, #tpu.memory_space<vmem>>, vector<16xi32>,
    %add3A_168 = arith.constant 5 : i32
    %add3A_169 = vector.broadcast %add3A_168 : i32 to vector<16xi32>
    %add3A_170 = arith.addi %add3A_132, %add3A_169 : vector<16xi32>
    %swap3A_171 = arith.constant 656 : index
    %swap3A_172 = tpu.vector_load %arg8[%swap3A_171] {strides = array<i32>} : memref<2048xi32, #tpu.memory_space<vmem>>, vector<16xi32>,
    %swap3A_173 = vector.shape_cast %swap3A_172 : vector<16xi32> to vector<16xi32>
    %swap3A_174 = vector.shape_cast %add3A_170 : vector<16xi32> to vector<16xi32>
    tpu.vector_store %arg8[%swap3A_171], %swap3A_174 {strides = array<i32>} : memref<2048xi32, #tpu.memory_space<vmem>>, vector<16xi32>,
    %add3A_175 = arith.constant 6 : i32
    %add3A_176 = vector.broadcast %add3A_175 : i32 to vector<16xi32>
    %add3A_177 = arith.addi %add3A_132, %add3A_176 : vector<16xi32>
    %swap3A_178 = arith.constant 784 : index
    %swap3A_179 = tpu.vector_load %arg8[%swap3A_178] {strides = array<i32>} : memref<2048xi32, #tpu.memory_space<vmem>>, vector<16xi32>,
    %swap3A_180 = vector.shape_cast %swap3A_179 : vector<16xi32> to vector<16xi32>
    %swap3A_181 = vector.shape_cast %add3A_177 : vector<16xi32> to vector<16xi32>
    tpu.vector_store %arg8[%swap3A_178], %swap3A_181 {strides = array<i32>} : memref<2048xi32, #tpu.memory_space<vmem>>, vector<16xi32>,
    %add3A_182 = arith.constant 7 : i32
    %add3A_183 = vector.broadcast %add3A_182 : i32 to vector<16xi32>
    %add3A_184 = arith.addi %add3A_132, %add3A_183 : vector<16xi32>
    %swap3A_185 = arith.constant 912 : index
    %swap3A_186 = tpu.vector_load %arg8[%swap3A_185] {strides = array<i32>} : memref<2048xi32, #tpu.memory_space<vmem>>, vector<16xi32>,
    %swap3A_187 = vector.shape_cast %swap3A_186 : vector<16xi32> to vector<16xi32>
    %swap3A_188 = vector.shape_cast %add3A_184 : vector<16xi32> to vector<16xi32>
    tpu.vector_store %arg8[%swap3A_185], %swap3A_188 {strides = array<i32>} : memref<2048xi32, #tpu.memory_space<vmem>>, vector<16xi32>,
    %add3A_189 = arith.constant 8 : i32
    %add3A_190 = vector.broadcast %add3A_189 : i32 to vector<16xi32>
    %add3A_191 = arith.addi %add3A_132, %add3A_190 : vector<16xi32>
    %swap3A_192 = arith.constant 1040 : index
    %swap3A_193 = tpu.vector_load %arg8[%swap3A_192] {strides = array<i32>} : memref<2048xi32, #tpu.memory_space<vmem>>, vector<16xi32>,
    %swap3A_194 = vector.shape_cast %swap3A_193 : vector<16xi32> to vector<16xi32>
    %swap3A_195 = vector.shape_cast %add3A_191 : vector<16xi32> to vector<16xi32>
    tpu.vector_store %arg8[%swap3A_192], %swap3A_195 {strides = array<i32>} : memref<2048xi32, #tpu.memory_space<vmem>>, vector<16xi32>,
    %add3A_196 = arith.constant 9 : i32
    %add3A_197 = vector.broadcast %add3A_196 : i32 to vector<16xi32>
    %add3A_198 = arith.addi %add3A_132, %add3A_197 : vector<16xi32>
    %swap3A_199 = arith.constant 1168 : index
    %swap3A_200 = tpu.vector_load %arg8[%swap3A_199] {strides = array<i32>} : memref<2048xi32, #tpu.memory_space<vmem>>, vector<16xi32>,
    %swap3A_201 = vector.shape_cast %swap3A_200 : vector<16xi32> to vector<16xi32>
    %swap3A_202 = vector.shape_cast %add3A_198 : vector<16xi32> to vector<16xi32>
    tpu.vector_store %arg8[%swap3A_199], %swap3A_202 {strides = array<i32>} : memref<2048xi32, #tpu.memory_space<vmem>>, vector<16xi32>,
    %add3A_203 = arith.constant 10 : i32
    %add3A_204 = vector.broadcast %add3A_203 : i32 to vector<16xi32>
    %add3A_205 = arith.addi %add3A_132, %add3A_204 : vector<16xi32>
    %swap3A_206 = arith.constant 1296 : index
    %swap3A_207 = tpu.vector_load %arg8[%swap3A_206] {strides = array<i32>} : memref<2048xi32, #tpu.memory_space<vmem>>, vector<16xi32>,
    %swap3A_208 = vector.shape_cast %swap3A_207 : vector<16xi32> to vector<16xi32>
    %swap3A_209 = vector.shape_cast %add3A_205 : vector<16xi32> to vector<16xi32>
    tpu.vector_store %arg8[%swap3A_206], %swap3A_209 {strides = array<i32>} : memref<2048xi32, #tpu.memory_space<vmem>>, vector<16xi32>,
    %add3A_210 = arith.constant 11 : i32
    %add3A_211 = vector.broadcast %add3A_210 : i32 to vector<16xi32>
    %add3A_212 = arith.addi %add3A_132, %add3A_211 : vector<16xi32>
    %swap3A_213 = arith.constant 1424 : index
    %swap3A_214 = tpu.vector_load %arg8[%swap3A_213] {strides = array<i32>} : memref<2048xi32, #tpu.memory_space<vmem>>, vector<16xi32>,
    %swap3A_215 = vector.shape_cast %swap3A_214 : vector<16xi32> to vector<16xi32>
    %swap3A_216 = vector.shape_cast %add3A_212 : vector<16xi32> to vector<16xi32>
    tpu.vector_store %arg8[%swap3A_213], %swap3A_216 {strides = array<i32>} : memref<2048xi32, #tpu.memory_space<vmem>>, vector<16xi32>,
    %add3A_217 = arith.constant 12 : i32
    %add3A_218 = vector.broadcast %add3A_217 : i32 to vector<16xi32>
    %add3A_219 = arith.addi %add3A_132, %add3A_218 : vector<16xi32>
    %swap3A_220 = arith.constant 1552 : index
    %swap3A_221 = tpu.vector_load %arg8[%swap3A_220] {strides = array<i32>} : memref<2048xi32, #tpu.memory_space<vmem>>, vector<16xi32>,
    %swap3A_222 = vector.shape_cast %swap3A_221 : vector<16xi32> to vector<16xi32>
    %swap3A_223 = vector.shape_cast %add3A_219 : vector<16xi32> to vector<16xi32>
    tpu.vector_store %arg8[%swap3A_220], %swap3A_223 {strides = array<i32>} : memref<2048xi32, #tpu.memory_space<vmem>>, vector<16xi32>,
    %add3A_224 = arith.constant 13 : i32
    %add3A_225 = vector.broadcast %add3A_224 : i32 to vector<16xi32>
    %add3A_226 = arith.addi %add3A_132, %add3A_225 : vector<16xi32>
    %swap3A_227 = arith.constant 1680 : index
    %swap3A_228 = tpu.vector_load %arg8[%swap3A_227] {strides = array<i32>} : memref<2048xi32, #tpu.memory_space<vmem>>, vector<16xi32>,
    %swap3A_229 = vector.shape_cast %swap3A_228 : vector<16xi32> to vector<16xi32>
    %swap3A_230 = vector.shape_cast %add3A_226 : vector<16xi32> to vector<16xi32>
    tpu.vector_store %arg8[%swap3A_227], %swap3A_230 {strides = array<i32>} : memref<2048xi32, #tpu.memory_space<vmem>>, vector<16xi32>,
    %add3A_231 = arith.constant 14 : i32
    %add3A_232 = vector.broadcast %add3A_231 : i32 to vector<16xi32>
    %add3A_233 = arith.addi %add3A_132, %add3A_232 : vector<16xi32>
    %swap3A_234 = arith.constant 1808 : index
    %swap3A_235 = tpu.vector_load %arg8[%swap3A_234] {strides = array<i32>} : memref<2048xi32, #tpu.memory_space<vmem>>, vector<16xi32>,
    %swap3A_236 = vector.shape_cast %swap3A_235 : vector<16xi32> to vector<16xi32>
    %swap3A_237 = vector.shape_cast %add3A_233 : vector<16xi32> to vector<16xi32>
    tpu.vector_store %arg8[%swap3A_234], %swap3A_237 {strides = array<i32>} : memref<2048xi32, #tpu.memory_space<vmem>>, vector<16xi32>,
    %add3A_238 = arith.constant 15 : i32
    %add3A_239 = vector.broadcast %add3A_238 : i32 to vector<16xi32>
    %add3A_240 = arith.addi %add3A_132, %add3A_239 : vector<16xi32>
    %swap3A_241 = arith.constant 1936 : index
    %swap3A_242 = tpu.vector_load %arg8[%swap3A_241] {strides = array<i32>} : memref<2048xi32, #tpu.memory_space<vmem>>, vector<16xi32>,
    %swap3A_243 = vector.shape_cast %swap3A_242 : vector<16xi32> to vector<16xi32>
    %swap3A_244 = vector.shape_cast %add3A_240 : vector<16xi32> to vector<16xi32>
    tpu.vector_store %arg8[%swap3A_241], %swap3A_244 {strides = array<i32>} : memref<2048xi32, #tpu.memory_space<vmem>>, vector<16xi32>,
    %get3A_245 = arith.constant 32 : index
    %get3A_246 = tpu.vector_load %arg7[%get3A_245] {strides = array<i32>} : memref<128xi32, #tpu.memory_space<vmem>>, vector<16xi32>,
    %get3A_247 = vector.shape_cast %get3A_246 : vector<16xi32> to vector<16xi32>
    %mul3A_248 = arith.constant 16 : i32
    %mul3A_249 = vector.broadcast %mul3A_248 : i32 to vector<16xi32>
    %mul3A_250 = arith.muli %get3A_247, %mul3A_249 : vector<16xi32>
    %mul3A_251 = arith.constant 4096 : i32
    %mul3A_252 = arith.muli %add3A, %mul3A_251 : i32
    %add3A_253 = vector.broadcast %mul3A_252 : i32 to vector<16xi32>
    %add3A_254 = arith.addi %mul3A_250, %add3A_253 : vector<16xi32>
    %add3A_255 = arith.constant 0 : i32
    %add3A_256 = vector.broadcast %add3A_255 : i32 to vector<16xi32>
    %add3A_257 = arith.addi %add3A_254, %add3A_256 : vector<16xi32>
    %swap3A_258 = arith.constant 32 : index
    %swap3A_259 = tpu.vector_load %arg8[%swap3A_258] {strides = array<i32>} : memref<2048xi32, #tpu.memory_space<vmem>>, vector<16xi32>,
    %swap3A_260 = vector.shape_cast %swap3A_259 : vector<16xi32> to vector<16xi32>
    %swap3A_261 = vector.shape_cast %add3A_257 : vector<16xi32> to vector<16xi32>
    tpu.vector_store %arg8[%swap3A_258], %swap3A_261 {strides = array<i32>} : memref<2048xi32, #tpu.memory_space<vmem>>, vector<16xi32>,
    %add3A_262 = arith.constant 1 : i32
    %add3A_263 = vector.broadcast %add3A_262 : i32 to vector<16xi32>
    %add3A_264 = arith.addi %add3A_254, %add3A_263 : vector<16xi32>
    %swap3A_265 = arith.constant 160 : index
    %swap3A_266 = tpu.vector_load %arg8[%swap3A_265] {strides = array<i32>} : memref<2048xi32, #tpu.memory_space<vmem>>, vector<16xi32>,
    %swap3A_267 = vector.shape_cast %swap3A_266 : vector<16xi32> to vector<16xi32>
    %swap3A_268 = vector.shape_cast %add3A_264 : vector<16xi32> to vector<16xi32>
    tpu.vector_store %arg8[%swap3A_265], %swap3A_268 {strides = array<i32>} : memref<2048xi32, #tpu.memory_space<vmem>>, vector<16xi32>,
    %add3A_269 = arith.constant 2 : i32
    %add3A_270 = vector.broadcast %add3A_269 : i32 to vector<16xi32>
    %add3A_271 = arith.addi %add3A_254, %add3A_270 : vector<16xi32>
    %swap3A_272 = arith.constant 288 : index
    %swap3A_273 = tpu.vector_load %arg8[%swap3A_272] {strides = array<i32>} : memref<2048xi32, #tpu.memory_space<vmem>>, vector<16xi32>,
    %swap3A_274 = vector.shape_cast %swap3A_273 : vector<16xi32> to vector<16xi32>
    %swap3A_275 = vector.shape_cast %add3A_271 : vector<16xi32> to vector<16xi32>
    tpu.vector_store %arg8[%swap3A_272], %swap3A_275 {strides = array<i32>} : memref<2048xi32, #tpu.memory_space<vmem>>, vector<16xi32>,
    %add3A_276 = arith.constant 3 : i32
    %add3A_277 = vector.broadcast %add3A_276 : i32 to vector<16xi32>
    %add3A_278 = arith.addi %add3A_254, %add3A_277 : vector<16xi32>
    %swap3A_279 = arith.constant 416 : index
    %swap3A_280 = tpu.vector_load %arg8[%swap3A_279] {strides = array<i32>} : memref<2048xi32, #tpu.memory_space<vmem>>, vector<16xi32>,
    %swap3A_281 = vector.shape_cast %swap3A_280 : vector<16xi32> to vector<16xi32>
    %swap3A_282 = vector.shape_cast %add3A_278 : vector<16xi32> to vector<16xi32>
    tpu.vector_store %arg8[%swap3A_279], %swap3A_282 {strides = array<i32>} : memref<2048xi32, #tpu.memory_space<vmem>>, vector<16xi32>,
    %add3A_283 = arith.constant 4 : i32
    %add3A_284 = vector.broadcast %add3A_283 : i32 to vector<16xi32>
    %add3A_285 = arith.addi %add3A_254, %add3A_284 : vector<16xi32>
    %swap3A_286 = arith.constant 544 : index
    %swap3A_287 = tpu.vector_load %arg8[%swap3A_286] {strides = array<i32>} : memref<2048xi32, #tpu.memory_space<vmem>>, vector<16xi32>,
    %swap3A_288 = vector.shape_cast %swap3A_287 : vector<16xi32> to vector<16xi32>
    %swap3A_289 = vector.shape_cast %add3A_285 : vector<16xi32> to vector<16xi32>
    tpu.vector_store %arg8[%swap3A_286], %swap3A_289 {strides = array<i32>} : memref<2048xi32, #tpu.memory_space<vmem>>, vector<16xi32>,
    %add3A_290 = arith.constant 5 : i32
    %add3A_291 = vector.broadcast %add3A_290 : i32 to vector<16xi32>
    %add3A_292 = arith.addi %add3A_254, %add3A_291 : vector<16xi32>
    %swap3A_293 = arith.constant 672 : index
    %swap3A_294 = tpu.vector_load %arg8[%swap3A_293] {strides = array<i32>} : memref<2048xi32, #tpu.memory_space<vmem>>, vector<16xi32>,
    %swap3A_295 = vector.shape_cast %swap3A_294 : vector<16xi32> to vector<16xi32>
    %swap3A_296 = vector.shape_cast %add3A_292 : vector<16xi32> to vector<16xi32>
    tpu.vector_store %arg8[%swap3A_293], %swap3A_296 {strides = array<i32>} : memref<2048xi32, #tpu.memory_space<vmem>>, vector<16xi32>,
    %add3A_297 = arith.constant 6 : i32
    %add3A_298 = vector.broadcast %add3A_297 : i32 to vector<16xi32>
    %add3A_299 = arith.addi %add3A_254, %add3A_298 : vector<16xi32>
    %swap3A_300 = arith.constant 800 : index
    %swap3A_301 = tpu.vector_load %arg8[%swap3A_300] {strides = array<i32>} : memref<2048xi32, #tpu.memory_space<vmem>>, vector<16xi32>,
    %swap3A_302 = vector.shape_cast %swap3A_301 : vector<16xi32> to vector<16xi32>
    %swap3A_303 = vector.shape_cast %add3A_299 : vector<16xi32> to vector<16xi32>
    tpu.vector_store %arg8[%swap3A_300], %swap3A_303 {strides = array<i32>} : memref<2048xi32, #tpu.memory_space<vmem>>, vector<16xi32>,
    %add3A_304 = arith.constant 7 : i32
    %add3A_305 = vector.broadcast %add3A_304 : i32 to vector<16xi32>
    %add3A_306 = arith.addi %add3A_254, %add3A_305 : vector<16xi32>
    %swap3A_307 = arith.constant 928 : index
    %swap3A_308 = tpu.vector_load %arg8[%swap3A_307] {strides = array<i32>} : memref<2048xi32, #tpu.memory_space<vmem>>, vector<16xi32>,
    %swap3A_309 = vector.shape_cast %swap3A_308 : vector<16xi32> to vector<16xi32>
    %swap3A_310 = vector.shape_cast %add3A_306 : vector<16xi32> to vector<16xi32>
    tpu.vector_store %arg8[%swap3A_307], %swap3A_310 {strides = array<i32>} : memref<2048xi32, #tpu.memory_space<vmem>>, vector<16xi32>,
    %add3A_311 = arith.constant 8 : i32
    %add3A_312 = vector.broadcast %add3A_311 : i32 to vector<16xi32>
    %add3A_313 = arith.addi %add3A_254, %add3A_312 : vector<16xi32>
    %swap3A_314 = arith.constant 1056 : index
    %swap3A_315 = tpu.vector_load %arg8[%swap3A_314] {strides = array<i32>} : memref<2048xi32, #tpu.memory_space<vmem>>, vector<16xi32>,
    %swap3A_316 = vector.shape_cast %swap3A_315 : vector<16xi32> to vector<16xi32>
    %swap3A_317 = vector.shape_cast %add3A_313 : vector<16xi32> to vector<16xi32>
    tpu.vector_store %arg8[%swap3A_314], %swap3A_317 {strides = array<i32>} : memref<2048xi32, #tpu.memory_space<vmem>>, vector<16xi32>,
    %add3A_318 = arith.constant 9 : i32
    %add3A_319 = vector.broadcast %add3A_318 : i32 to vector<16xi32>
    %add3A_320 = arith.addi %add3A_254, %add3A_319 : vector<16xi32>
    %swap3A_321 = arith.constant 1184 : index
    %swap3A_322 = tpu.vector_load %arg8[%swap3A_321] {strides = array<i32>} : memref<2048xi32, #tpu.memory_space<vmem>>, vector<16xi32>,
    %swap3A_323 = vector.shape_cast %swap3A_322 : vector<16xi32> to vector<16xi32>
    %swap3A_324 = vector.shape_cast %add3A_320 : vector<16xi32> to vector<16xi32>
    tpu.vector_store %arg8[%swap3A_321], %swap3A_324 {strides = array<i32>} : memref<2048xi32, #tpu.memory_space<vmem>>, vector<16xi32>,
    %add3A_325 = arith.constant 10 : i32
    %add3A_326 = vector.broadcast %add3A_325 : i32 to vector<16xi32>
    %add3A_327 = arith.addi %add3A_254, %add3A_326 : vector<16xi32>
    %swap3A_328 = arith.constant 1312 : index
    %swap3A_329 = tpu.vector_load %arg8[%swap3A_328] {strides = array<i32>} : memref<2048xi32, #tpu.memory_space<vmem>>, vector<16xi32>,
    %swap3A_330 = vector.shape_cast %swap3A_329 : vector<16xi32> to vector<16xi32>
    %swap3A_331 = vector.shape_cast %add3A_327 : vector<16xi32> to vector<16xi32>
    tpu.vector_store %arg8[%swap3A_328], %swap3A_331 {strides = array<i32>} : memref<2048xi32, #tpu.memory_space<vmem>>, vector<16xi32>,
    %add3A_332 = arith.constant 11 : i32
    %add3A_333 = vector.broadcast %add3A_332 : i32 to vector<16xi32>
    %add3A_334 = arith.addi %add3A_254, %add3A_333 : vector<16xi32>
    %swap3A_335 = arith.constant 1440 : index
    %swap3A_336 = tpu.vector_load %arg8[%swap3A_335] {strides = array<i32>} : memref<2048xi32, #tpu.memory_space<vmem>>, vector<16xi32>,
    %swap3A_337 = vector.shape_cast %swap3A_336 : vector<16xi32> to vector<16xi32>
    %swap3A_338 = vector.shape_cast %add3A_334 : vector<16xi32> to vector<16xi32>
    tpu.vector_store %arg8[%swap3A_335], %swap3A_338 {strides = array<i32>} : memref<2048xi32, #tpu.memory_space<vmem>>, vector<16xi32>,
    %add3A_339 = arith.constant 12 : i32
    %add3A_340 = vector.broadcast %add3A_339 : i32 to vector<16xi32>
    %add3A_341 = arith.addi %add3A_254, %add3A_340 : vector<16xi32>
    %swap3A_342 = arith.constant 1568 : index
    %swap3A_343 = tpu.vector_load %arg8[%swap3A_342] {strides = array<i32>} : memref<2048xi32, #tpu.memory_space<vmem>>, vector<16xi32>,
    %swap3A_344 = vector.shape_cast %swap3A_343 : vector<16xi32> to vector<16xi32>
    %swap3A_345 = vector.shape_cast %add3A_341 : vector<16xi32> to vector<16xi32>
    tpu.vector_store %arg8[%swap3A_342], %swap3A_345 {strides = array<i32>} : memref<2048xi32, #tpu.memory_space<vmem>>, vector<16xi32>,
    %add3A_346 = arith.constant 13 : i32
    %add3A_347 = vector.broadcast %add3A_346 : i32 to vector<16xi32>
    %add3A_348 = arith.addi %add3A_254, %add3A_347 : vector<16xi32>
    %swap3A_349 = arith.constant 1696 : index
    %swap3A_350 = tpu.vector_load %arg8[%swap3A_349] {strides = array<i32>} : memref<2048xi32, #tpu.memory_space<vmem>>, vector<16xi32>,
    %swap3A_351 = vector.shape_cast %swap3A_350 : vector<16xi32> to vector<16xi32>
    %swap3A_352 = vector.shape_cast %add3A_348 : vector<16xi32> to vector<16xi32>
    tpu.vector_store %arg8[%swap3A_349], %swap3A_352 {strides = array<i32>} : memref<2048xi32, #tpu.memory_space<vmem>>, vector<16xi32>,
    %add3A_353 = arith.constant 14 : i32
    %add3A_354 = vector.broadcast %add3A_353 : i32 to vector<16xi32>
    %add3A_355 = arith.addi %add3A_254, %add3A_354 : vector<16xi32>
    %swap3A_356 = arith.constant 1824 : index
    %swap3A_357 = tpu.vector_load %arg8[%swap3A_356] {strides = array<i32>} : memref<2048xi32, #tpu.memory_space<vmem>>, vector<16xi32>,
    %swap3A_358 = vector.shape_cast %swap3A_357 : vector<16xi32> to vector<16xi32>
    %swap3A_359 = vector.shape_cast %add3A_355 : vector<16xi32> to vector<16xi32>
    tpu.vector_store %arg8[%swap3A_356], %swap3A_359 {strides = array<i32>} : memref<2048xi32, #tpu.memory_space<vmem>>, vector<16xi32>,
    %add3A_360 = arith.constant 15 : i32
    %add3A_361 = vector.broadcast %add3A_360 : i32 to vector<16xi32>
    %add3A_362 = arith.addi %add3A_254, %add3A_361 : vector<16xi32>
    %swap3A_363 = arith.constant 1952 : index
    %swap3A_364 = tpu.vector_load %arg8[%swap3A_363] {strides = array<i32>} : memref<2048xi32, #tpu.memory_space<vmem>>, vector<16xi32>,
    %swap3A_365 = vector.shape_cast %swap3A_364 : vector<16xi32> to vector<16xi32>
    %swap3A_366 = vector.shape_cast %add3A_362 : vector<16xi32> to vector<16xi32>
    tpu.vector_store %arg8[%swap3A_363], %swap3A_366 {strides = array<i32>} : memref<2048xi32, #tpu.memory_space<vmem>>, vector<16xi32>,
    %get3A_367 = arith.constant 48 : index
    %get3A_368 = tpu.vector_load %arg7[%get3A_367] {strides = array<i32>} : memref<128xi32, #tpu.memory_space<vmem>>, vector<16xi32>,
    %get3A_369 = vector.shape_cast %get3A_368 : vector<16xi32> to vector<16xi32>
    %mul3A_370 = arith.constant 16 : i32
    %mul3A_371 = vector.broadcast %mul3A_370 : i32 to vector<16xi32>
    %mul3A_372 = arith.muli %get3A_369, %mul3A_371 : vector<16xi32>
    %mul3A_373 = arith.constant 4096 : i32
    %mul3A_374 = arith.muli %add3A, %mul3A_373 : i32
    %add3A_375 = vector.broadcast %mul3A_374 : i32 to vector<16xi32>
    %add3A_376 = arith.addi %mul3A_372, %add3A_375 : vector<16xi32>
    %add3A_377 = arith.constant 0 : i32
    %add3A_378 = vector.broadcast %add3A_377 : i32 to vector<16xi32>
    %add3A_379 = arith.addi %add3A_376, %add3A_378 : vector<16xi32>
    %swap3A_380 = arith.constant 48 : index
    %swap3A_381 = tpu.vector_load %arg8[%swap3A_380] {strides = array<i32>} : memref<2048xi32, #tpu.memory_space<vmem>>, vector<16xi32>,
    %swap3A_382 = vector.shape_cast %swap3A_381 : vector<16xi32> to vector<16xi32>
    %swap3A_383 = vector.shape_cast %add3A_379 : vector<16xi32> to vector<16xi32>
    tpu.vector_store %arg8[%swap3A_380], %swap3A_383 {strides = array<i32>} : memref<2048xi32, #tpu.memory_space<vmem>>, vector<16xi32>,
    %add3A_384 = arith.constant 1 : i32
    %add3A_385 = vector.broadcast %add3A_384 : i32 to vector<16xi32>
    %add3A_386 = arith.addi %add3A_376, %add3A_385 : vector<16xi32>
    %swap3A_387 = arith.constant 176 : index
    %swap3A_388 = tpu.vector_load %arg8[%swap3A_387] {strides = array<i32>} : memref<2048xi32, #tpu.memory_space<vmem>>, vector<16xi32>,
    %swap3A_389 = vector.shape_cast %swap3A_388 : vector<16xi32> to vector<16xi32>
    %swap3A_390 = vector.shape_cast %add3A_386 : vector<16xi32> to vector<16xi32>
    tpu.vector_store %arg8[%swap3A_387], %swap3A_390 {strides = array<i32>} : memref<2048xi32, #tpu.memory_space<vmem>>, vector<16xi32>,
    %add3A_391 = arith.constant 2 : i32
    %add3A_392 = vector.broadcast %add3A_391 : i32 to vector<16xi32>
    %add3A_393 = arith.addi %add3A_376, %add3A_392 : vector<16xi32>
    %swap3A_394 = arith.constant 304 : index
    %swap3A_395 = tpu.vector_load %arg8[%swap3A_394] {strides = array<i32>} : memref<2048xi32, #tpu.memory_space<vmem>>, vector<16xi32>,
    %swap3A_396 = vector.shape_cast %swap3A_395 : vector<16xi32> to vector<16xi32>
    %swap3A_397 = vector.shape_cast %add3A_393 : vector<16xi32> to vector<16xi32>
    tpu.vector_store %arg8[%swap3A_394], %swap3A_397 {strides = array<i32>} : memref<2048xi32, #tpu.memory_space<vmem>>, vector<16xi32>,
    %add3A_398 = arith.constant 3 : i32
    %add3A_399 = vector.broadcast %add3A_398 : i32 to vector<16xi32>
    %add3A_400 = arith.addi %add3A_376, %add3A_399 : vector<16xi32>
    %swap3A_401 = arith.constant 432 : index
    %swap3A_402 = tpu.vector_load %arg8[%swap3A_401] {strides = array<i32>} : memref<2048xi32, #tpu.memory_space<vmem>>, vector<16xi32>,
    %swap3A_403 = vector.shape_cast %swap3A_402 : vector<16xi32> to vector<16xi32>
    %swap3A_404 = vector.shape_cast %add3A_400 : vector<16xi32> to vector<16xi32>
    tpu.vector_store %arg8[%swap3A_401], %swap3A_404 {strides = array<i32>} : memref<2048xi32, #tpu.memory_space<vmem>>, vector<16xi32>,
    %add3A_405 = arith.constant 4 : i32
    %add3A_406 = vector.broadcast %add3A_405 : i32 to vector<16xi32>
    %add3A_407 = arith.addi %add3A_376, %add3A_406 : vector<16xi32>
    %swap3A_408 = arith.constant 560 : index
    %swap3A_409 = tpu.vector_load %arg8[%swap3A_408] {strides = array<i32>} : memref<2048xi32, #tpu.memory_space<vmem>>, vector<16xi32>,
    %swap3A_410 = vector.shape_cast %swap3A_409 : vector<16xi32> to vector<16xi32>
    %swap3A_411 = vector.shape_cast %add3A_407 : vector<16xi32> to vector<16xi32>
    tpu.vector_store %arg8[%swap3A_408], %swap3A_411 {strides = array<i32>} : memref<2048xi32, #tpu.memory_space<vmem>>, vector<16xi32>,
    %add3A_412 = arith.constant 5 : i32
    %add3A_413 = vector.broadcast %add3A_412 : i32 to vector<16xi32>
    %add3A_414 = arith.addi %add3A_376, %add3A_413 : vector<16xi32>
    %swap3A_415 = arith.constant 688 : index
    %swap3A_416 = tpu.vector_load %arg8[%swap3A_415] {strides = array<i32>} : memref<2048xi32, #tpu.memory_space<vmem>>, vector<16xi32>,
    %swap3A_417 = vector.shape_cast %swap3A_416 : vector<16xi32> to vector<16xi32>
    %swap3A_418 = vector.shape_cast %add3A_414 : vector<16xi32> to vector<16xi32>
    tpu.vector_store %arg8[%swap3A_415], %swap3A_418 {strides = array<i32>} : memref<2048xi32, #tpu.memory_space<vmem>>, vector<16xi32>,
    %add3A_419 = arith.constant 6 : i32
    %add3A_420 = vector.broadcast %add3A_419 : i32 to vector<16xi32>
    %add3A_421 = arith.addi %add3A_376, %add3A_420 : vector<16xi32>
    %swap3A_422 = arith.constant 816 : index
    %swap3A_423 = tpu.vector_load %arg8[%swap3A_422] {strides = array<i32>} : memref<2048xi32, #tpu.memory_space<vmem>>, vector<16xi32>,
    %swap3A_424 = vector.shape_cast %swap3A_423 : vector<16xi32> to vector<16xi32>
    %swap3A_425 = vector.shape_cast %add3A_421 : vector<16xi32> to vector<16xi32>
    tpu.vector_store %arg8[%swap3A_422], %swap3A_425 {strides = array<i32>} : memref<2048xi32, #tpu.memory_space<vmem>>, vector<16xi32>,
    %add3A_426 = arith.constant 7 : i32
    %add3A_427 = vector.broadcast %add3A_426 : i32 to vector<16xi32>
    %add3A_428 = arith.addi %add3A_376, %add3A_427 : vector<16xi32>
    %swap3A_429 = arith.constant 944 : index
    %swap3A_430 = tpu.vector_load %arg8[%swap3A_429] {strides = array<i32>} : memref<2048xi32, #tpu.memory_space<vmem>>, vector<16xi32>,
    %swap3A_431 = vector.shape_cast %swap3A_430 : vector<16xi32> to vector<16xi32>
    %swap3A_432 = vector.shape_cast %add3A_428 : vector<16xi32> to vector<16xi32>
    tpu.vector_store %arg8[%swap3A_429], %swap3A_432 {strides = array<i32>} : memref<2048xi32, #tpu.memory_space<vmem>>, vector<16xi32>,
    %add3A_433 = arith.constant 8 : i32
    %add3A_434 = vector.broadcast %add3A_433 : i32 to vector<16xi32>
    %add3A_435 = arith.addi %add3A_376, %add3A_434 : vector<16xi32>
    %swap3A_436 = arith.constant 1072 : index
    %swap3A_437 = tpu.vector_load %arg8[%swap3A_436] {strides = array<i32>} : memref<2048xi32, #tpu.memory_space<vmem>>, vector<16xi32>,
    %swap3A_438 = vector.shape_cast %swap3A_437 : vector<16xi32> to vector<16xi32>
    %swap3A_439 = vector.shape_cast %add3A_435 : vector<16xi32> to vector<16xi32>
    tpu.vector_store %arg8[%swap3A_436], %swap3A_439 {strides = array<i32>} : memref<2048xi32, #tpu.memory_space<vmem>>, vector<16xi32>,
    %add3A_440 = arith.constant 9 : i32
    %add3A_441 = vector.broadcast %add3A_440 : i32 to vector<16xi32>
    %add3A_442 = arith.addi %add3A_376, %add3A_441 : vector<16xi32>
    %swap3A_443 = arith.constant 1200 : index
    %swap3A_444 = tpu.vector_load %arg8[%swap3A_443] {strides = array<i32>} : memref<2048xi32, #tpu.memory_space<vmem>>, vector<16xi32>,
    %swap3A_445 = vector.shape_cast %swap3A_444 : vector<16xi32> to vector<16xi32>
    %swap3A_446 = vector.shape_cast %add3A_442 : vector<16xi32> to vector<16xi32>
    tpu.vector_store %arg8[%swap3A_443], %swap3A_446 {strides = array<i32>} : memref<2048xi32, #tpu.memory_space<vmem>>, vector<16xi32>,
    %add3A_447 = arith.constant 10 : i32
    %add3A_448 = vector.broadcast %add3A_447 : i32 to vector<16xi32>
    %add3A_449 = arith.addi %add3A_376, %add3A_448 : vector<16xi32>
    %swap3A_450 = arith.constant 1328 : index
    %swap3A_451 = tpu.vector_load %arg8[%swap3A_450] {strides = array<i32>} : memref<2048xi32, #tpu.memory_space<vmem>>, vector<16xi32>,
    %swap3A_452 = vector.shape_cast %swap3A_451 : vector<16xi32> to vector<16xi32>
    %swap3A_453 = vector.shape_cast %add3A_449 : vector<16xi32> to vector<16xi32>
    tpu.vector_store %arg8[%swap3A_450], %swap3A_453 {strides = array<i32>} : memref<2048xi32, #tpu.memory_space<vmem>>, vector<16xi32>,
    %add3A_454 = arith.constant 11 : i32
    %add3A_455 = vector.broadcast %add3A_454 : i32 to vector<16xi32>
    %add3A_456 = arith.addi %add3A_376, %add3A_455 : vector<16xi32>
    %swap3A_457 = arith.constant 1456 : index
    %swap3A_458 = tpu.vector_load %arg8[%swap3A_457] {strides = array<i32>} : memref<2048xi32, #tpu.memory_space<vmem>>, vector<16xi32>,
    %swap3A_459 = vector.shape_cast %swap3A_458 : vector<16xi32> to vector<16xi32>
    %swap3A_460 = vector.shape_cast %add3A_456 : vector<16xi32> to vector<16xi32>
    tpu.vector_store %arg8[%swap3A_457], %swap3A_460 {strides = array<i32>} : memref<2048xi32, #tpu.memory_space<vmem>>, vector<16xi32>,
    %add3A_461 = arith.constant 12 : i32
    %add3A_462 = vector.broadcast %add3A_461 : i32 to vector<16xi32>
    %add3A_463 = arith.addi %add3A_376, %add3A_462 : vector<16xi32>
    %swap3A_464 = arith.constant 1584 : index
    %swap3A_465 = tpu.vector_load %arg8[%swap3A_464] {strides = array<i32>} : memref<2048xi32, #tpu.memory_space<vmem>>, vector<16xi32>,
    %swap3A_466 = vector.shape_cast %swap3A_465 : vector<16xi32> to vector<16xi32>
    %swap3A_467 = vector.shape_cast %add3A_463 : vector<16xi32> to vector<16xi32>
    tpu.vector_store %arg8[%swap3A_464], %swap3A_467 {strides = array<i32>} : memref<2048xi32, #tpu.memory_space<vmem>>, vector<16xi32>,
    %add3A_468 = arith.constant 13 : i32
    %add3A_469 = vector.broadcast %add3A_468 : i32 to vector<16xi32>
    %add3A_470 = arith.addi %add3A_376, %add3A_469 : vector<16xi32>
    %swap3A_471 = arith.constant 1712 : index
    %swap3A_472 = tpu.vector_load %arg8[%swap3A_471] {strides = array<i32>} : memref<2048xi32, #tpu.memory_space<vmem>>, vector<16xi32>,
    %swap3A_473 = vector.shape_cast %swap3A_472 : vector<16xi32> to vector<16xi32>
    %swap3A_474 = vector.shape_cast %add3A_470 : vector<16xi32> to vector<16xi32>
    tpu.vector_store %arg8[%swap3A_471], %swap3A_474 {strides = array<i32>} : memref<2048xi32, #tpu.memory_space<vmem>>, vector<16xi32>,
    %add3A_475 = arith.constant 14 : i32
    %add3A_476 = vector.broadcast %add3A_475 : i32 to vector<16xi32>
    %add3A_477 = arith.addi %add3A_376, %add3A_476 : vector<16xi32>
    %swap3A_478 = arith.constant 1840 : index
    %swap3A_479 = tpu.vector_load %arg8[%swap3A_478] {strides = array<i32>} : memref<2048xi32, #tpu.memory_space<vmem>>, vector<16xi32>,
    %swap3A_480 = vector.shape_cast %swap3A_479 : vector<16xi32> to vector<16xi32>
    %swap3A_481 = vector.shape_cast %add3A_477 : vector<16xi32> to vector<16xi32>
    tpu.vector_store %arg8[%swap3A_478], %swap3A_481 {strides = array<i32>} : memref<2048xi32, #tpu.memory_space<vmem>>, vector<16xi32>,
    %add3A_482 = arith.constant 15 : i32
    %add3A_483 = vector.broadcast %add3A_482 : i32 to vector<16xi32>
    %add3A_484 = arith.addi %add3A_376, %add3A_483 : vector<16xi32>
    %swap3A_485 = arith.constant 1968 : index
    %swap3A_486 = tpu.vector_load %arg8[%swap3A_485] {strides = array<i32>} : memref<2048xi32, #tpu.memory_space<vmem>>, vector<16xi32>,
    %swap3A_487 = vector.shape_cast %swap3A_486 : vector<16xi32> to vector<16xi32>
    %swap3A_488 = vector.shape_cast %add3A_484 : vector<16xi32> to vector<16xi32>
    tpu.vector_store %arg8[%swap3A_485], %swap3A_488 {strides = array<i32>} : memref<2048xi32, #tpu.memory_space<vmem>>, vector<16xi32>,
    %get3A_489 = arith.constant 64 : index
    %get3A_490 = tpu.vector_load %arg7[%get3A_489] {strides = array<i32>} : memref<128xi32, #tpu.memory_space<vmem>>, vector<16xi32>,
    %get3A_491 = vector.shape_cast %get3A_490 : vector<16xi32> to vector<16xi32>
    %mul3A_492 = arith.constant 16 : i32
    %mul3A_493 = vector.broadcast %mul3A_492 : i32 to vector<16xi32>
    %mul3A_494 = arith.muli %get3A_491, %mul3A_493 : vector<16xi32>
    %mul3A_495 = arith.constant 4096 : i32
    %mul3A_496 = arith.muli %add3A, %mul3A_495 : i32
    %add3A_497 = vector.broadcast %mul3A_496 : i32 to vector<16xi32>
    %add3A_498 = arith.addi %mul3A_494, %add3A_497 : vector<16xi32>
    %add3A_499 = arith.constant 0 : i32
    %add3A_500 = vector.broadcast %add3A_499 : i32 to vector<16xi32>
    %add3A_501 = arith.addi %add3A_498, %add3A_500 : vector<16xi32>
    %swap3A_502 = arith.constant 64 : index
    %swap3A_503 = tpu.vector_load %arg8[%swap3A_502] {strides = array<i32>} : memref<2048xi32, #tpu.memory_space<vmem>>, vector<16xi32>,
    %swap3A_504 = vector.shape_cast %swap3A_503 : vector<16xi32> to vector<16xi32>
    %swap3A_505 = vector.shape_cast %add3A_501 : vector<16xi32> to vector<16xi32>
    tpu.vector_store %arg8[%swap3A_502], %swap3A_505 {strides = array<i32>} : memref<2048xi32, #tpu.memory_space<vmem>>, vector<16xi32>,
    %add3A_506 = arith.constant 1 : i32
    %add3A_507 = vector.broadcast %add3A_506 : i32 to vector<16xi32>
    %add3A_508 = arith.addi %add3A_498, %add3A_507 : vector<16xi32>
    %swap3A_509 = arith.constant 192 : index
    %swap3A_510 = tpu.vector_load %arg8[%swap3A_509] {strides = array<i32>} : memref<2048xi32, #tpu.memory_space<vmem>>, vector<16xi32>,
    %swap3A_511 = vector.shape_cast %swap3A_510 : vector<16xi32> to vector<16xi32>
    %swap3A_512 = vector.shape_cast %add3A_508 : vector<16xi32> to vector<16xi32>
    tpu.vector_store %arg8[%swap3A_509], %swap3A_512 {strides = array<i32>} : memref<2048xi32, #tpu.memory_space<vmem>>, vector<16xi32>,
    %add3A_513 = arith.constant 2 : i32
    %add3A_514 = vector.broadcast %add3A_513 : i32 to vector<16xi32>
    %add3A_515 = arith.addi %add3A_498, %add3A_514 : vector<16xi32>
    %swap3A_516 = arith.constant 320 : index
    %swap3A_517 = tpu.vector_load %arg8[%swap3A_516] {strides = array<i32>} : memref<2048xi32, #tpu.memory_space<vmem>>, vector<16xi32>,
    %swap3A_518 = vector.shape_cast %swap3A_517 : vector<16xi32> to vector<16xi32>
    %swap3A_519 = vector.shape_cast %add3A_515 : vector<16xi32> to vector<16xi32>
    tpu.vector_store %arg8[%swap3A_516], %swap3A_519 {strides = array<i32>} : memref<2048xi32, #tpu.memory_space<vmem>>, vector<16xi32>,
    %add3A_520 = arith.constant 3 : i32
    %add3A_521 = vector.broadcast %add3A_520 : i32 to vector<16xi32>
    %add3A_522 = arith.addi %add3A_498, %add3A_521 : vector<16xi32>
    %swap3A_523 = arith.constant 448 : index
    %swap3A_524 = tpu.vector_load %arg8[%swap3A_523] {strides = array<i32>} : memref<2048xi32, #tpu.memory_space<vmem>>, vector<16xi32>,
    %swap3A_525 = vector.shape_cast %swap3A_524 : vector<16xi32> to vector<16xi32>
    %swap3A_526 = vector.shape_cast %add3A_522 : vector<16xi32> to vector<16xi32>
    tpu.vector_store %arg8[%swap3A_523], %swap3A_526 {strides = array<i32>} : memref<2048xi32, #tpu.memory_space<vmem>>, vector<16xi32>,
    %add3A_527 = arith.constant 4 : i32
    %add3A_528 = vector.broadcast %add3A_527 : i32 to vector<16xi32>
    %add3A_529 = arith.addi %add3A_498, %add3A_528 : vector<16xi32>
    %swap3A_530 = arith.constant 576 : index
    %swap3A_531 = tpu.vector_load %arg8[%swap3A_530] {strides = array<i32>} : memref<2048xi32, #tpu.memory_space<vmem>>, vector<16xi32>,
    %swap3A_532 = vector.shape_cast %swap3A_531 : vector<16xi32> to vector<16xi32>
    %swap3A_533 = vector.shape_cast %add3A_529 : vector<16xi32> to vector<16xi32>
    tpu.vector_store %arg8[%swap3A_530], %swap3A_533 {strides = array<i32>} : memref<2048xi32, #tpu.memory_space<vmem>>, vector<16xi32>,
    %add3A_534 = arith.constant 5 : i32
    %add3A_535 = vector.broadcast %add3A_534 : i32 to vector<16xi32>
    %add3A_536 = arith.addi %add3A_498, %add3A_535 : vector<16xi32>
    %swap3A_537 = arith.constant 704 : index
    %swap3A_538 = tpu.vector_load %arg8[%swap3A_537] {strides = array<i32>} : memref<2048xi32, #tpu.memory_space<vmem>>, vector<16xi32>,
    %swap3A_539 = vector.shape_cast %swap3A_538 : vector<16xi32> to vector<16xi32>
    %swap3A_540 = vector.shape_cast %add3A_536 : vector<16xi32> to vector<16xi32>
    tpu.vector_store %arg8[%swap3A_537], %swap3A_540 {strides = array<i32>} : memref<2048xi32, #tpu.memory_space<vmem>>, vector<16xi32>,
    %add3A_541 = arith.constant 6 : i32
    %add3A_542 = vector.broadcast %add3A_541 : i32 to vector<16xi32>
    %add3A_543 = arith.addi %add3A_498, %add3A_542 : vector<16xi32>
    %swap3A_544 = arith.constant 832 : index
    %swap3A_545 = tpu.vector_load %arg8[%swap3A_544] {strides = array<i32>} : memref<2048xi32, #tpu.memory_space<vmem>>, vector<16xi32>,
    %swap3A_546 = vector.shape_cast %swap3A_545 : vector<16xi32> to vector<16xi32>
    %swap3A_547 = vector.shape_cast %add3A_543 : vector<16xi32> to vector<16xi32>
    tpu.vector_store %arg8[%swap3A_544], %swap3A_547 {strides = array<i32>} : memref<2048xi32, #tpu.memory_space<vmem>>, vector<16xi32>,
    %add3A_548 = arith.constant 7 : i32
    %add3A_549 = vector.broadcast %add3A_548 : i32 to vector<16xi32>
    %add3A_550 = arith.addi %add3A_498, %add3A_549 : vector<16xi32>
    %swap3A_551 = arith.constant 960 : index
    %swap3A_552 = tpu.vector_load %arg8[%swap3A_551] {strides = array<i32>} : memref<2048xi32, #tpu.memory_space<vmem>>, vector<16xi32>,
    %swap3A_553 = vector.shape_cast %swap3A_552 : vector<16xi32> to vector<16xi32>
    %swap3A_554 = vector.shape_cast %add3A_550 : vector<16xi32> to vector<16xi32>
    tpu.vector_store %arg8[%swap3A_551], %swap3A_554 {strides = array<i32>} : memref<2048xi32, #tpu.memory_space<vmem>>, vector<16xi32>,
    %add3A_555 = arith.constant 8 : i32
    %add3A_556 = vector.broadcast %add3A_555 : i32 to vector<16xi32>
    %add3A_557 = arith.addi %add3A_498, %add3A_556 : vector<16xi32>
    %swap3A_558 = arith.constant 1088 : index
    %swap3A_559 = tpu.vector_load %arg8[%swap3A_558] {strides = array<i32>} : memref<2048xi32, #tpu.memory_space<vmem>>, vector<16xi32>,
    %swap3A_560 = vector.shape_cast %swap3A_559 : vector<16xi32> to vector<16xi32>
    %swap3A_561 = vector.shape_cast %add3A_557 : vector<16xi32> to vector<16xi32>
    tpu.vector_store %arg8[%swap3A_558], %swap3A_561 {strides = array<i32>} : memref<2048xi32, #tpu.memory_space<vmem>>, vector<16xi32>,
    %add3A_562 = arith.constant 9 : i32
    %add3A_563 = vector.broadcast %add3A_562 : i32 to vector<16xi32>
    %add3A_564 = arith.addi %add3A_498, %add3A_563 : vector<16xi32>
    %swap3A_565 = arith.constant 1216 : index
    %swap3A_566 = tpu.vector_load %arg8[%swap3A_565] {strides = array<i32>} : memref<2048xi32, #tpu.memory_space<vmem>>, vector<16xi32>,
    %swap3A_567 = vector.shape_cast %swap3A_566 : vector<16xi32> to vector<16xi32>
    %swap3A_568 = vector.shape_cast %add3A_564 : vector<16xi32> to vector<16xi32>
    tpu.vector_store %arg8[%swap3A_565], %swap3A_568 {strides = array<i32>} : memref<2048xi32, #tpu.memory_space<vmem>>, vector<16xi32>,
    %add3A_569 = arith.constant 10 : i32
    %add3A_570 = vector.broadcast %add3A_569 : i32 to vector<16xi32>
    %add3A_571 = arith.addi %add3A_498, %add3A_570 : vector<16xi32>
    %swap3A_572 = arith.constant 1344 : index
    %swap3A_573 = tpu.vector_load %arg8[%swap3A_572] {strides = array<i32>} : memref<2048xi32, #tpu.memory_space<vmem>>, vector<16xi32>,
    %swap3A_574 = vector.shape_cast %swap3A_573 : vector<16xi32> to vector<16xi32>
    %swap3A_575 = vector.shape_cast %add3A_571 : vector<16xi32> to vector<16xi32>
    tpu.vector_store %arg8[%swap3A_572], %swap3A_575 {strides = array<i32>} : memref<2048xi32, #tpu.memory_space<vmem>>, vector<16xi32>,
    %add3A_576 = arith.constant 11 : i32
    %add3A_577 = vector.broadcast %add3A_576 : i32 to vector<16xi32>
    %add3A_578 = arith.addi %add3A_498, %add3A_577 : vector<16xi32>
    %swap3A_579 = arith.constant 1472 : index
    %swap3A_580 = tpu.vector_load %arg8[%swap3A_579] {strides = array<i32>} : memref<2048xi32, #tpu.memory_space<vmem>>, vector<16xi32>,
    %swap3A_581 = vector.shape_cast %swap3A_580 : vector<16xi32> to vector<16xi32>
    %swap3A_582 = vector.shape_cast %add3A_578 : vector<16xi32> to vector<16xi32>
    tpu.vector_store %arg8[%swap3A_579], %swap3A_582 {strides = array<i32>} : memref<2048xi32, #tpu.memory_space<vmem>>, vector<16xi32>,
    %add3A_583 = arith.constant 12 : i32
    %add3A_584 = vector.broadcast %add3A_583 : i32 to vector<16xi32>
    %add3A_585 = arith.addi %add3A_498, %add3A_584 : vector<16xi32>
    %swap3A_586 = arith.constant 1600 : index
    %swap3A_587 = tpu.vector_load %arg8[%swap3A_586] {strides = array<i32>} : memref<2048xi32, #tpu.memory_space<vmem>>, vector<16xi32>,
    %swap3A_588 = vector.shape_cast %swap3A_587 : vector<16xi32> to vector<16xi32>
    %swap3A_589 = vector.shape_cast %add3A_585 : vector<16xi32> to vector<16xi32>
    tpu.vector_store %arg8[%swap3A_586], %swap3A_589 {strides = array<i32>} : memref<2048xi32, #tpu.memory_space<vmem>>, vector<16xi32>,
    %add3A_590 = arith.constant 13 : i32
    %add3A_591 = vector.broadcast %add3A_590 : i32 to vector<16xi32>
    %add3A_592 = arith.addi %add3A_498, %add3A_591 : vector<16xi32>
    %swap3A_593 = arith.constant 1728 : index
    %swap3A_594 = tpu.vector_load %arg8[%swap3A_593] {strides = array<i32>} : memref<2048xi32, #tpu.memory_space<vmem>>, vector<16xi32>,
    %swap3A_595 = vector.shape_cast %swap3A_594 : vector<16xi32> to vector<16xi32>
    %swap3A_596 = vector.shape_cast %add3A_592 : vector<16xi32> to vector<16xi32>
    tpu.vector_store %arg8[%swap3A_593], %swap3A_596 {strides = array<i32>} : memref<2048xi32, #tpu.memory_space<vmem>>, vector<16xi32>,
    %add3A_597 = arith.constant 14 : i32
    %add3A_598 = vector.broadcast %add3A_597 : i32 to vector<16xi32>
    %add3A_599 = arith.addi %add3A_498, %add3A_598 : vector<16xi32>
    %swap3A_600 = arith.constant 1856 : index
    %swap3A_601 = tpu.vector_load %arg8[%swap3A_600] {strides = array<i32>} : memref<2048xi32, #tpu.memory_space<vmem>>, vector<16xi32>,
    %swap3A_602 = vector.shape_cast %swap3A_601 : vector<16xi32> to vector<16xi32>
    %swap3A_603 = vector.shape_cast %add3A_599 : vector<16xi32> to vector<16xi32>
    tpu.vector_store %arg8[%swap3A_600], %swap3A_603 {strides = array<i32>} : memref<2048xi32, #tpu.memory_space<vmem>>, vector<16xi32>,
    %add3A_604 = arith.constant 15 : i32
    %add3A_605 = vector.broadcast %add3A_604 : i32 to vector<16xi32>
    %add3A_606 = arith.addi %add3A_498, %add3A_605 : vector<16xi32>
    %swap3A_607 = arith.constant 1984 : index
    %swap3A_608 = tpu.vector_load %arg8[%swap3A_607] {strides = array<i32>} : memref<2048xi32, #tpu.memory_space<vmem>>, vector<16xi32>,
    %swap3A_609 = vector.shape_cast %swap3A_608 : vector<16xi32> to vector<16xi32>
    %swap3A_610 = vector.shape_cast %add3A_606 : vector<16xi32> to vector<16xi32>
    tpu.vector_store %arg8[%swap3A_607], %swap3A_610 {strides = array<i32>} : memref<2048xi32, #tpu.memory_space<vmem>>, vector<16xi32>,
    %get3A_611 = arith.constant 80 : index
    %get3A_612 = tpu.vector_load %arg7[%get3A_611] {strides = array<i32>} : memref<128xi32, #tpu.memory_space<vmem>>, vector<16xi32>,
    %get3A_613 = vector.shape_cast %get3A_612 : vector<16xi32> to vector<16xi32>
    %mul3A_614 = arith.constant 16 : i32
    %mul3A_615 = vector.broadcast %mul3A_614 : i32 to vector<16xi32>
    %mul3A_616 = arith.muli %get3A_613, %mul3A_615 : vector<16xi32>
    %mul3A_617 = arith.constant 4096 : i32
    %mul3A_618 = arith.muli %add3A, %mul3A_617 : i32
    %add3A_619 = vector.broadcast %mul3A_618 : i32 to vector<16xi32>
    %add3A_620 = arith.addi %mul3A_616, %add3A_619 : vector<16xi32>
    %add3A_621 = arith.constant 0 : i32
    %add3A_622 = vector.broadcast %add3A_621 : i32 to vector<16xi32>
    %add3A_623 = arith.addi %add3A_620, %add3A_622 : vector<16xi32>
    %swap3A_624 = arith.constant 80 : index
    %swap3A_625 = tpu.vector_load %arg8[%swap3A_624] {strides = array<i32>} : memref<2048xi32, #tpu.memory_space<vmem>>, vector<16xi32>,
    %swap3A_626 = vector.shape_cast %swap3A_625 : vector<16xi32> to vector<16xi32>
    %swap3A_627 = vector.shape_cast %add3A_623 : vector<16xi32> to vector<16xi32>
    tpu.vector_store %arg8[%swap3A_624], %swap3A_627 {strides = array<i32>} : memref<2048xi32, #tpu.memory_space<vmem>>, vector<16xi32>,
    %add3A_628 = arith.constant 1 : i32
    %add3A_629 = vector.broadcast %add3A_628 : i32 to vector<16xi32>
    %add3A_630 = arith.addi %add3A_620, %add3A_629 : vector<16xi32>
    %swap3A_631 = arith.constant 208 : index
    %swap3A_632 = tpu.vector_load %arg8[%swap3A_631] {strides = array<i32>} : memref<2048xi32, #tpu.memory_space<vmem>>, vector<16xi32>,
    %swap3A_633 = vector.shape_cast %swap3A_632 : vector<16xi32> to vector<16xi32>
    %swap3A_634 = vector.shape_cast %add3A_630 : vector<16xi32> to vector<16xi32>
    tpu.vector_store %arg8[%swap3A_631], %swap3A_634 {strides = array<i32>} : memref<2048xi32, #tpu.memory_space<vmem>>, vector<16xi32>,
    %add3A_635 = arith.constant 2 : i32
    %add3A_636 = vector.broadcast %add3A_635 : i32 to vector<16xi32>
    %add3A_637 = arith.addi %add3A_620, %add3A_636 : vector<16xi32>
    %swap3A_638 = arith.constant 336 : index
    %swap3A_639 = tpu.vector_load %arg8[%swap3A_638] {strides = array<i32>} : memref<2048xi32, #tpu.memory_space<vmem>>, vector<16xi32>,
    %swap3A_640 = vector.shape_cast %swap3A_639 : vector<16xi32> to vector<16xi32>
    %swap3A_641 = vector.shape_cast %add3A_637 : vector<16xi32> to vector<16xi32>
    tpu.vector_store %arg8[%swap3A_638], %swap3A_641 {strides = array<i32>} : memref<2048xi32, #tpu.memory_space<vmem>>, vector<16xi32>,
    %add3A_642 = arith.constant 3 : i32
    %add3A_643 = vector.broadcast %add3A_642 : i32 to vector<16xi32>
    %add3A_644 = arith.addi %add3A_620, %add3A_643 : vector<16xi32>
    %swap3A_645 = arith.constant 464 : index
    %swap3A_646 = tpu.vector_load %arg8[%swap3A_645] {strides = array<i32>} : memref<2048xi32, #tpu.memory_space<vmem>>, vector<16xi32>,
    %swap3A_647 = vector.shape_cast %swap3A_646 : vector<16xi32> to vector<16xi32>
    %swap3A_648 = vector.shape_cast %add3A_644 : vector<16xi32> to vector<16xi32>
    tpu.vector_store %arg8[%swap3A_645], %swap3A_648 {strides = array<i32>} : memref<2048xi32, #tpu.memory_space<vmem>>, vector<16xi32>,
    %add3A_649 = arith.constant 4 : i32
    %add3A_650 = vector.broadcast %add3A_649 : i32 to vector<16xi32>
    %add3A_651 = arith.addi %add3A_620, %add3A_650 : vector<16xi32>
    %swap3A_652 = arith.constant 592 : index
    %swap3A_653 = tpu.vector_load %arg8[%swap3A_652] {strides = array<i32>} : memref<2048xi32, #tpu.memory_space<vmem>>, vector<16xi32>,
    %swap3A_654 = vector.shape_cast %swap3A_653 : vector<16xi32> to vector<16xi32>
    %swap3A_655 = vector.shape_cast %add3A_651 : vector<16xi32> to vector<16xi32>
    tpu.vector_store %arg8[%swap3A_652], %swap3A_655 {strides = array<i32>} : memref<2048xi32, #tpu.memory_space<vmem>>, vector<16xi32>,
    %add3A_656 = arith.constant 5 : i32
    %add3A_657 = vector.broadcast %add3A_656 : i32 to vector<16xi32>
    %add3A_658 = arith.addi %add3A_620, %add3A_657 : vector<16xi32>
    %swap3A_659 = arith.constant 720 : index
    %swap3A_660 = tpu.vector_load %arg8[%swap3A_659] {strides = array<i32>} : memref<2048xi32, #tpu.memory_space<vmem>>, vector<16xi32>,
    %swap3A_661 = vector.shape_cast %swap3A_660 : vector<16xi32> to vector<16xi32>
    %swap3A_662 = vector.shape_cast %add3A_658 : vector<16xi32> to vector<16xi32>
    tpu.vector_store %arg8[%swap3A_659], %swap3A_662 {strides = array<i32>} : memref<2048xi32, #tpu.memory_space<vmem>>, vector<16xi32>,
    %add3A_663 = arith.constant 6 : i32
    %add3A_664 = vector.broadcast %add3A_663 : i32 to vector<16xi32>
    %add3A_665 = arith.addi %add3A_620, %add3A_664 : vector<16xi32>
    %swap3A_666 = arith.constant 848 : index
    %swap3A_667 = tpu.vector_load %arg8[%swap3A_666] {strides = array<i32>} : memref<2048xi32, #tpu.memory_space<vmem>>, vector<16xi32>,
    %swap3A_668 = vector.shape_cast %swap3A_667 : vector<16xi32> to vector<16xi32>
    %swap3A_669 = vector.shape_cast %add3A_665 : vector<16xi32> to vector<16xi32>
    tpu.vector_store %arg8[%swap3A_666], %swap3A_669 {strides = array<i32>} : memref<2048xi32, #tpu.memory_space<vmem>>, vector<16xi32>,
    %add3A_670 = arith.constant 7 : i32
    %add3A_671 = vector.broadcast %add3A_670 : i32 to vector<16xi32>
    %add3A_672 = arith.addi %add3A_620, %add3A_671 : vector<16xi32>
    %swap3A_673 = arith.constant 976 : index
    %swap3A_674 = tpu.vector_load %arg8[%swap3A_673] {strides = array<i32>} : memref<2048xi32, #tpu.memory_space<vmem>>, vector<16xi32>,
    %swap3A_675 = vector.shape_cast %swap3A_674 : vector<16xi32> to vector<16xi32>
    %swap3A_676 = vector.shape_cast %add3A_672 : vector<16xi32> to vector<16xi32>
    tpu.vector_store %arg8[%swap3A_673], %swap3A_676 {strides = array<i32>} : memref<2048xi32, #tpu.memory_space<vmem>>, vector<16xi32>,
    %add3A_677 = arith.constant 8 : i32
    %add3A_678 = vector.broadcast %add3A_677 : i32 to vector<16xi32>
    %add3A_679 = arith.addi %add3A_620, %add3A_678 : vector<16xi32>
    %swap3A_680 = arith.constant 1104 : index
    %swap3A_681 = tpu.vector_load %arg8[%swap3A_680] {strides = array<i32>} : memref<2048xi32, #tpu.memory_space<vmem>>, vector<16xi32>,
    %swap3A_682 = vector.shape_cast %swap3A_681 : vector<16xi32> to vector<16xi32>
    %swap3A_683 = vector.shape_cast %add3A_679 : vector<16xi32> to vector<16xi32>
    tpu.vector_store %arg8[%swap3A_680], %swap3A_683 {strides = array<i32>} : memref<2048xi32, #tpu.memory_space<vmem>>, vector<16xi32>,
    %add3A_684 = arith.constant 9 : i32
    %add3A_685 = vector.broadcast %add3A_684 : i32 to vector<16xi32>
    %add3A_686 = arith.addi %add3A_620, %add3A_685 : vector<16xi32>
    %swap3A_687 = arith.constant 1232 : index
    %swap3A_688 = tpu.vector_load %arg8[%swap3A_687] {strides = array<i32>} : memref<2048xi32, #tpu.memory_space<vmem>>, vector<16xi32>,
    %swap3A_689 = vector.shape_cast %swap3A_688 : vector<16xi32> to vector<16xi32>
    %swap3A_690 = vector.shape_cast %add3A_686 : vector<16xi32> to vector<16xi32>
    tpu.vector_store %arg8[%swap3A_687], %swap3A_690 {strides = array<i32>} : memref<2048xi32, #tpu.memory_space<vmem>>, vector<16xi32>,
    %add3A_691 = arith.constant 10 : i32
    %add3A_692 = vector.broadcast %add3A_691 : i32 to vector<16xi32>
    %add3A_693 = arith.addi %add3A_620, %add3A_692 : vector<16xi32>
    %swap3A_694 = arith.constant 1360 : index
    %swap3A_695 = tpu.vector_load %arg8[%swap3A_694] {strides = array<i32>} : memref<2048xi32, #tpu.memory_space<vmem>>, vector<16xi32>,
    %swap3A_696 = vector.shape_cast %swap3A_695 : vector<16xi32> to vector<16xi32>
    %swap3A_697 = vector.shape_cast %add3A_693 : vector<16xi32> to vector<16xi32>
    tpu.vector_store %arg8[%swap3A_694], %swap3A_697 {strides = array<i32>} : memref<2048xi32, #tpu.memory_space<vmem>>, vector<16xi32>,
    %add3A_698 = arith.constant 11 : i32
    %add3A_699 = vector.broadcast %add3A_698 : i32 to vector<16xi32>
    %add3A_700 = arith.addi %add3A_620, %add3A_699 : vector<16xi32>
    %swap3A_701 = arith.constant 1488 : index
    %swap3A_702 = tpu.vector_load %arg8[%swap3A_701] {strides = array<i32>} : memref<2048xi32, #tpu.memory_space<vmem>>, vector<16xi32>,
    %swap3A_703 = vector.shape_cast %swap3A_702 : vector<16xi32> to vector<16xi32>
    %swap3A_704 = vector.shape_cast %add3A_700 : vector<16xi32> to vector<16xi32>
    tpu.vector_store %arg8[%swap3A_701], %swap3A_704 {strides = array<i32>} : memref<2048xi32, #tpu.memory_space<vmem>>, vector<16xi32>,
    %add3A_705 = arith.constant 12 : i32
    %add3A_706 = vector.broadcast %add3A_705 : i32 to vector<16xi32>
    %add3A_707 = arith.addi %add3A_620, %add3A_706 : vector<16xi32>
    %swap3A_708 = arith.constant 1616 : index
    %swap3A_709 = tpu.vector_load %arg8[%swap3A_708] {strides = array<i32>} : memref<2048xi32, #tpu.memory_space<vmem>>, vector<16xi32>,
    %swap3A_710 = vector.shape_cast %swap3A_709 : vector<16xi32> to vector<16xi32>
    %swap3A_711 = vector.shape_cast %add3A_707 : vector<16xi32> to vector<16xi32>
    tpu.vector_store %arg8[%swap3A_708], %swap3A_711 {strides = array<i32>} : memref<2048xi32, #tpu.memory_space<vmem>>, vector<16xi32>,
    %add3A_712 = arith.constant 13 : i32
    %add3A_713 = vector.broadcast %add3A_712 : i32 to vector<16xi32>
    %add3A_714 = arith.addi %add3A_620, %add3A_713 : vector<16xi32>
    %swap3A_715 = arith.constant 1744 : index
    %swap3A_716 = tpu.vector_load %arg8[%swap3A_715] {strides = array<i32>} : memref<2048xi32, #tpu.memory_space<vmem>>, vector<16xi32>,
    %swap3A_717 = vector.shape_cast %swap3A_716 : vector<16xi32> to vector<16xi32>
    %swap3A_718 = vector.shape_cast %add3A_714 : vector<16xi32> to vector<16xi32>
    tpu.vector_store %arg8[%swap3A_715], %swap3A_718 {strides = array<i32>} : memref<2048xi32, #tpu.memory_space<vmem>>, vector<16xi32>,
    %add3A_719 = arith.constant 14 : i32
    %add3A_720 = vector.broadcast %add3A_719 : i32 to vector<16xi32>
    %add3A_721 = arith.addi %add3A_620, %add3A_720 : vector<16xi32>
    %swap3A_722 = arith.constant 1872 : index
    %swap3A_723 = tpu.vector_load %arg8[%swap3A_722] {strides = array<i32>} : memref<2048xi32, #tpu.memory_space<vmem>>, vector<16xi32>,
    %swap3A_724 = vector.shape_cast %swap3A_723 : vector<16xi32> to vector<16xi32>
    %swap3A_725 = vector.shape_cast %add3A_721 : vector<16xi32> to vector<16xi32>
    tpu.vector_store %arg8[%swap3A_722], %swap3A_725 {strides = array<i32>} : memref<2048xi32, #tpu.memory_space<vmem>>, vector<16xi32>,
    %add3A_726 = arith.constant 15 : i32
    %add3A_727 = vector.broadcast %add3A_726 : i32 to vector<16xi32>
    %add3A_728 = arith.addi %add3A_620, %add3A_727 : vector<16xi32>
    %swap3A_729 = arith.constant 2000 : index
    %swap3A_730 = tpu.vector_load %arg8[%swap3A_729] {strides = array<i32>} : memref<2048xi32, #tpu.memory_space<vmem>>, vector<16xi32>,
    %swap3A_731 = vector.shape_cast %swap3A_730 : vector<16xi32> to vector<16xi32>
    %swap3A_732 = vector.shape_cast %add3A_728 : vector<16xi32> to vector<16xi32>
    tpu.vector_store %arg8[%swap3A_729], %swap3A_732 {strides = array<i32>} : memref<2048xi32, #tpu.memory_space<vmem>>, vector<16xi32>,
    %get3A_733 = arith.constant 96 : index
    %get3A_734 = tpu.vector_load %arg7[%get3A_733] {strides = array<i32>} : memref<128xi32, #tpu.memory_space<vmem>>, vector<16xi32>,
    %get3A_735 = vector.shape_cast %get3A_734 : vector<16xi32> to vector<16xi32>
    %mul3A_736 = arith.constant 16 : i32
    %mul3A_737 = vector.broadcast %mul3A_736 : i32 to vector<16xi32>
    %mul3A_738 = arith.muli %get3A_735, %mul3A_737 : vector<16xi32>
    %mul3A_739 = arith.constant 4096 : i32
    %mul3A_740 = arith.muli %add3A, %mul3A_739 : i32
    %add3A_741 = vector.broadcast %mul3A_740 : i32 to vector<16xi32>
    %add3A_742 = arith.addi %mul3A_738, %add3A_741 : vector<16xi32>
    %add3A_743 = arith.constant 0 : i32
    %add3A_744 = vector.broadcast %add3A_743 : i32 to vector<16xi32>
    %add3A_745 = arith.addi %add3A_742, %add3A_744 : vector<16xi32>
    %swap3A_746 = arith.constant 96 : index
    %swap3A_747 = tpu.vector_load %arg8[%swap3A_746] {strides = array<i32>} : memref<2048xi32, #tpu.memory_space<vmem>>, vector<16xi32>,
    %swap3A_748 = vector.shape_cast %swap3A_747 : vector<16xi32> to vector<16xi32>
    %swap3A_749 = vector.shape_cast %add3A_745 : vector<16xi32> to vector<16xi32>
    tpu.vector_store %arg8[%swap3A_746], %swap3A_749 {strides = array<i32>} : memref<2048xi32, #tpu.memory_space<vmem>>, vector<16xi32>,
    %add3A_750 = arith.constant 1 : i32
    %add3A_751 = vector.broadcast %add3A_750 : i32 to vector<16xi32>
    %add3A_752 = arith.addi %add3A_742, %add3A_751 : vector<16xi32>
    %swap3A_753 = arith.constant 224 : index
    %swap3A_754 = tpu.vector_load %arg8[%swap3A_753] {strides = array<i32>} : memref<2048xi32, #tpu.memory_space<vmem>>, vector<16xi32>,
    %swap3A_755 = vector.shape_cast %swap3A_754 : vector<16xi32> to vector<16xi32>
    %swap3A_756 = vector.shape_cast %add3A_752 : vector<16xi32> to vector<16xi32>
    tpu.vector_store %arg8[%swap3A_753], %swap3A_756 {strides = array<i32>} : memref<2048xi32, #tpu.memory_space<vmem>>, vector<16xi32>,
    %add3A_757 = arith.constant 2 : i32
    %add3A_758 = vector.broadcast %add3A_757 : i32 to vector<16xi32>
    %add3A_759 = arith.addi %add3A_742, %add3A_758 : vector<16xi32>
    %swap3A_760 = arith.constant 352 : index
    %swap3A_761 = tpu.vector_load %arg8[%swap3A_760] {strides = array<i32>} : memref<2048xi32, #tpu.memory_space<vmem>>, vector<16xi32>,
    %swap3A_762 = vector.shape_cast %swap3A_761 : vector<16xi32> to vector<16xi32>
    %swap3A_763 = vector.shape_cast %add3A_759 : vector<16xi32> to vector<16xi32>
    tpu.vector_store %arg8[%swap3A_760], %swap3A_763 {strides = array<i32>} : memref<2048xi32, #tpu.memory_space<vmem>>, vector<16xi32>,
    %add3A_764 = arith.constant 3 : i32
    %add3A_765 = vector.broadcast %add3A_764 : i32 to vector<16xi32>
    %add3A_766 = arith.addi %add3A_742, %add3A_765 : vector<16xi32>
    %swap3A_767 = arith.constant 480 : index
    %swap3A_768 = tpu.vector_load %arg8[%swap3A_767] {strides = array<i32>} : memref<2048xi32, #tpu.memory_space<vmem>>, vector<16xi32>,
    %swap3A_769 = vector.shape_cast %swap3A_768 : vector<16xi32> to vector<16xi32>
    %swap3A_770 = vector.shape_cast %add3A_766 : vector<16xi32> to vector<16xi32>
    tpu.vector_store %arg8[%swap3A_767], %swap3A_770 {strides = array<i32>} : memref<2048xi32, #tpu.memory_space<vmem>>, vector<16xi32>,
    %add3A_771 = arith.constant 4 : i32
    %add3A_772 = vector.broadcast %add3A_771 : i32 to vector<16xi32>
    %add3A_773 = arith.addi %add3A_742, %add3A_772 : vector<16xi32>
    %swap3A_774 = arith.constant 608 : index
    %swap3A_775 = tpu.vector_load %arg8[%swap3A_774] {strides = array<i32>} : memref<2048xi32, #tpu.memory_space<vmem>>, vector<16xi32>,
    %swap3A_776 = vector.shape_cast %swap3A_775 : vector<16xi32> to vector<16xi32>
    %swap3A_777 = vector.shape_cast %add3A_773 : vector<16xi32> to vector<16xi32>
    tpu.vector_store %arg8[%swap3A_774], %swap3A_777 {strides = array<i32>} : memref<2048xi32, #tpu.memory_space<vmem>>, vector<16xi32>,
    %add3A_778 = arith.constant 5 : i32
    %add3A_779 = vector.broadcast %add3A_778 : i32 to vector<16xi32>
    %add3A_780 = arith.addi %add3A_742, %add3A_779 : vector<16xi32>
    %swap3A_781 = arith.constant 736 : index
    %swap3A_782 = tpu.vector_load %arg8[%swap3A_781] {strides = array<i32>} : memref<2048xi32, #tpu.memory_space<vmem>>, vector<16xi32>,
    %swap3A_783 = vector.shape_cast %swap3A_782 : vector<16xi32> to vector<16xi32>
    %swap3A_784 = vector.shape_cast %add3A_780 : vector<16xi32> to vector<16xi32>
    tpu.vector_store %arg8[%swap3A_781], %swap3A_784 {strides = array<i32>} : memref<2048xi32, #tpu.memory_space<vmem>>, vector<16xi32>,
    %add3A_785 = arith.constant 6 : i32
    %add3A_786 = vector.broadcast %add3A_785 : i32 to vector<16xi32>
    %add3A_787 = arith.addi %add3A_742, %add3A_786 : vector<16xi32>
    %swap3A_788 = arith.constant 864 : index
    %swap3A_789 = tpu.vector_load %arg8[%swap3A_788] {strides = array<i32>} : memref<2048xi32, #tpu.memory_space<vmem>>, vector<16xi32>,
    %swap3A_790 = vector.shape_cast %swap3A_789 : vector<16xi32> to vector<16xi32>
    %swap3A_791 = vector.shape_cast %add3A_787 : vector<16xi32> to vector<16xi32>
    tpu.vector_store %arg8[%swap3A_788], %swap3A_791 {strides = array<i32>} : memref<2048xi32, #tpu.memory_space<vmem>>, vector<16xi32>,
    %add3A_792 = arith.constant 7 : i32
    %add3A_793 = vector.broadcast %add3A_792 : i32 to vector<16xi32>
    %add3A_794 = arith.addi %add3A_742, %add3A_793 : vector<16xi32>
    %swap3A_795 = arith.constant 992 : index
    %swap3A_796 = tpu.vector_load %arg8[%swap3A_795] {strides = array<i32>} : memref<2048xi32, #tpu.memory_space<vmem>>, vector<16xi32>,
    %swap3A_797 = vector.shape_cast %swap3A_796 : vector<16xi32> to vector<16xi32>
    %swap3A_798 = vector.shape_cast %add3A_794 : vector<16xi32> to vector<16xi32>
    tpu.vector_store %arg8[%swap3A_795], %swap3A_798 {strides = array<i32>} : memref<2048xi32, #tpu.memory_space<vmem>>, vector<16xi32>,
    %add3A_799 = arith.constant 8 : i32
    %add3A_800 = vector.broadcast %add3A_799 : i32 to vector<16xi32>
    %add3A_801 = arith.addi %add3A_742, %add3A_800 : vector<16xi32>
    %swap3A_802 = arith.constant 1120 : index
    %swap3A_803 = tpu.vector_load %arg8[%swap3A_802] {strides = array<i32>} : memref<2048xi32, #tpu.memory_space<vmem>>, vector<16xi32>,
    %swap3A_804 = vector.shape_cast %swap3A_803 : vector<16xi32> to vector<16xi32>
    %swap3A_805 = vector.shape_cast %add3A_801 : vector<16xi32> to vector<16xi32>
    tpu.vector_store %arg8[%swap3A_802], %swap3A_805 {strides = array<i32>} : memref<2048xi32, #tpu.memory_space<vmem>>, vector<16xi32>,
    %add3A_806 = arith.constant 9 : i32
    %add3A_807 = vector.broadcast %add3A_806 : i32 to vector<16xi32>
    %add3A_808 = arith.addi %add3A_742, %add3A_807 : vector<16xi32>
    %swap3A_809 = arith.constant 1248 : index
    %swap3A_810 = tpu.vector_load %arg8[%swap3A_809] {strides = array<i32>} : memref<2048xi32, #tpu.memory_space<vmem>>, vector<16xi32>,
    %swap3A_811 = vector.shape_cast %swap3A_810 : vector<16xi32> to vector<16xi32>
    %swap3A_812 = vector.shape_cast %add3A_808 : vector<16xi32> to vector<16xi32>
    tpu.vector_store %arg8[%swap3A_809], %swap3A_812 {strides = array<i32>} : memref<2048xi32, #tpu.memory_space<vmem>>, vector<16xi32>,
    %add3A_813 = arith.constant 10 : i32
    %add3A_814 = vector.broadcast %add3A_813 : i32 to vector<16xi32>
    %add3A_815 = arith.addi %add3A_742, %add3A_814 : vector<16xi32>
    %swap3A_816 = arith.constant 1376 : index
    %swap3A_817 = tpu.vector_load %arg8[%swap3A_816] {strides = array<i32>} : memref<2048xi32, #tpu.memory_space<vmem>>, vector<16xi32>,
    %swap3A_818 = vector.shape_cast %swap3A_817 : vector<16xi32> to vector<16xi32>
    %swap3A_819 = vector.shape_cast %add3A_815 : vector<16xi32> to vector<16xi32>
    tpu.vector_store %arg8[%swap3A_816], %swap3A_819 {strides = array<i32>} : memref<2048xi32, #tpu.memory_space<vmem>>, vector<16xi32>,
    %add3A_820 = arith.constant 11 : i32
    %add3A_821 = vector.broadcast %add3A_820 : i32 to vector<16xi32>
    %add3A_822 = arith.addi %add3A_742, %add3A_821 : vector<16xi32>
    %swap3A_823 = arith.constant 1504 : index
    %swap3A_824 = tpu.vector_load %arg8[%swap3A_823] {strides = array<i32>} : memref<2048xi32, #tpu.memory_space<vmem>>, vector<16xi32>,
    %swap3A_825 = vector.shape_cast %swap3A_824 : vector<16xi32> to vector<16xi32>
    %swap3A_826 = vector.shape_cast %add3A_822 : vector<16xi32> to vector<16xi32>
    tpu.vector_store %arg8[%swap3A_823], %swap3A_826 {strides = array<i32>} : memref<2048xi32, #tpu.memory_space<vmem>>, vector<16xi32>,
    %add3A_827 = arith.constant 12 : i32
    %add3A_828 = vector.broadcast %add3A_827 : i32 to vector<16xi32>
    %add3A_829 = arith.addi %add3A_742, %add3A_828 : vector<16xi32>
    %swap3A_830 = arith.constant 1632 : index
    %swap3A_831 = tpu.vector_load %arg8[%swap3A_830] {strides = array<i32>} : memref<2048xi32, #tpu.memory_space<vmem>>, vector<16xi32>,
    %swap3A_832 = vector.shape_cast %swap3A_831 : vector<16xi32> to vector<16xi32>
    %swap3A_833 = vector.shape_cast %add3A_829 : vector<16xi32> to vector<16xi32>
    tpu.vector_store %arg8[%swap3A_830], %swap3A_833 {strides = array<i32>} : memref<2048xi32, #tpu.memory_space<vmem>>, vector<16xi32>,
    %add3A_834 = arith.constant 13 : i32
    %add3A_835 = vector.broadcast %add3A_834 : i32 to vector<16xi32>
    %add3A_836 = arith.addi %add3A_742, %add3A_835 : vector<16xi32>
    %swap3A_837 = arith.constant 1760 : index
    %swap3A_838 = tpu.vector_load %arg8[%swap3A_837] {strides = array<i32>} : memref<2048xi32, #tpu.memory_space<vmem>>, vector<16xi32>,
    %swap3A_839 = vector.shape_cast %swap3A_838 : vector<16xi32> to vector<16xi32>
    %swap3A_840 = vector.shape_cast %add3A_836 : vector<16xi32> to vector<16xi32>
    tpu.vector_store %arg8[%swap3A_837], %swap3A_840 {strides = array<i32>} : memref<2048xi32, #tpu.memory_space<vmem>>, vector<16xi32>,
    %add3A_841 = arith.constant 14 : i32
    %add3A_842 = vector.broadcast %add3A_841 : i32 to vector<16xi32>
    %add3A_843 = arith.addi %add3A_742, %add3A_842 : vector<16xi32>
    %swap3A_844 = arith.constant 1888 : index
    %swap3A_845 = tpu.vector_load %arg8[%swap3A_844] {strides = array<i32>} : memref<2048xi32, #tpu.memory_space<vmem>>, vector<16xi32>,
    %swap3A_846 = vector.shape_cast %swap3A_845 : vector<16xi32> to vector<16xi32>
    %swap3A_847 = vector.shape_cast %add3A_843 : vector<16xi32> to vector<16xi32>
    tpu.vector_store %arg8[%swap3A_844], %swap3A_847 {strides = array<i32>} : memref<2048xi32, #tpu.memory_space<vmem>>, vector<16xi32>,
    %add3A_848 = arith.constant 15 : i32
    %add3A_849 = vector.broadcast %add3A_848 : i32 to vector<16xi32>
    %add3A_850 = arith.addi %add3A_742, %add3A_849 : vector<16xi32>
    %swap3A_851 = arith.constant 2016 : index
    %swap3A_852 = tpu.vector_load %arg8[%swap3A_851] {strides = array<i32>} : memref<2048xi32, #tpu.memory_space<vmem>>, vector<16xi32>,
    %swap3A_853 = vector.shape_cast %swap3A_852 : vector<16xi32> to vector<16xi32>
    %swap3A_854 = vector.shape_cast %add3A_850 : vector<16xi32> to vector<16xi32>
    tpu.vector_store %arg8[%swap3A_851], %swap3A_854 {strides = array<i32>} : memref<2048xi32, #tpu.memory_space<vmem>>, vector<16xi32>,
    %get3A_855 = arith.constant 112 : index
    %get3A_856 = tpu.vector_load %arg7[%get3A_855] {strides = array<i32>} : memref<128xi32, #tpu.memory_space<vmem>>, vector<16xi32>,
    %get3A_857 = vector.shape_cast %get3A_856 : vector<16xi32> to vector<16xi32>
    %mul3A_858 = arith.constant 16 : i32
    %mul3A_859 = vector.broadcast %mul3A_858 : i32 to vector<16xi32>
    %mul3A_860 = arith.muli %get3A_857, %mul3A_859 : vector<16xi32>
    %mul3A_861 = arith.constant 4096 : i32
    %mul3A_862 = arith.muli %add3A, %mul3A_861 : i32
    %add3A_863 = vector.broadcast %mul3A_862 : i32 to vector<16xi32>
    %add3A_864 = arith.addi %mul3A_860, %add3A_863 : vector<16xi32>
    %add3A_865 = arith.constant 0 : i32
    %add3A_866 = vector.broadcast %add3A_865 : i32 to vector<16xi32>
    %add3A_867 = arith.addi %add3A_864, %add3A_866 : vector<16xi32>
    %swap3A_868 = arith.constant 112 : index
    %swap3A_869 = tpu.vector_load %arg8[%swap3A_868] {strides = array<i32>} : memref<2048xi32, #tpu.memory_space<vmem>>, vector<16xi32>,
    %swap3A_870 = vector.shape_cast %swap3A_869 : vector<16xi32> to vector<16xi32>
    %swap3A_871 = vector.shape_cast %add3A_867 : vector<16xi32> to vector<16xi32>
    tpu.vector_store %arg8[%swap3A_868], %swap3A_871 {strides = array<i32>} : memref<2048xi32, #tpu.memory_space<vmem>>, vector<16xi32>,
    %add3A_872 = arith.constant 1 : i32
    %add3A_873 = vector.broadcast %add3A_872 : i32 to vector<16xi32>
    %add3A_874 = arith.addi %add3A_864, %add3A_873 : vector<16xi32>
    %swap3A_875 = arith.constant 240 : index
    %swap3A_876 = tpu.vector_load %arg8[%swap3A_875] {strides = array<i32>} : memref<2048xi32, #tpu.memory_space<vmem>>, vector<16xi32>,
    %swap3A_877 = vector.shape_cast %swap3A_876 : vector<16xi32> to vector<16xi32>
    %swap3A_878 = vector.shape_cast %add3A_874 : vector<16xi32> to vector<16xi32>
    tpu.vector_store %arg8[%swap3A_875], %swap3A_878 {strides = array<i32>} : memref<2048xi32, #tpu.memory_space<vmem>>, vector<16xi32>,
    %add3A_879 = arith.constant 2 : i32
    %add3A_880 = vector.broadcast %add3A_879 : i32 to vector<16xi32>
    %add3A_881 = arith.addi %add3A_864, %add3A_880 : vector<16xi32>
    %swap3A_882 = arith.constant 368 : index
    %swap3A_883 = tpu.vector_load %arg8[%swap3A_882] {strides = array<i32>} : memref<2048xi32, #tpu.memory_space<vmem>>, vector<16xi32>,
    %swap3A_884 = vector.shape_cast %swap3A_883 : vector<16xi32> to vector<16xi32>
    %swap3A_885 = vector.shape_cast %add3A_881 : vector<16xi32> to vector<16xi32>
    tpu.vector_store %arg8[%swap3A_882], %swap3A_885 {strides = array<i32>} : memref<2048xi32, #tpu.memory_space<vmem>>, vector<16xi32>,
    %add3A_886 = arith.constant 3 : i32
    %add3A_887 = vector.broadcast %add3A_886 : i32 to vector<16xi32>
    %add3A_888 = arith.addi %add3A_864, %add3A_887 : vector<16xi32>
    %swap3A_889 = arith.constant 496 : index
    %swap3A_890 = tpu.vector_load %arg8[%swap3A_889] {strides = array<i32>} : memref<2048xi32, #tpu.memory_space<vmem>>, vector<16xi32>,
    %swap3A_891 = vector.shape_cast %swap3A_890 : vector<16xi32> to vector<16xi32>
    %swap3A_892 = vector.shape_cast %add3A_888 : vector<16xi32> to vector<16xi32>
    tpu.vector_store %arg8[%swap3A_889], %swap3A_892 {strides = array<i32>} : memref<2048xi32, #tpu.memory_space<vmem>>, vector<16xi32>,
    %add3A_893 = arith.constant 4 : i32
    %add3A_894 = vector.broadcast %add3A_893 : i32 to vector<16xi32>
    %add3A_895 = arith.addi %add3A_864, %add3A_894 : vector<16xi32>
    %swap3A_896 = arith.constant 624 : index
    %swap3A_897 = tpu.vector_load %arg8[%swap3A_896] {strides = array<i32>} : memref<2048xi32, #tpu.memory_space<vmem>>, vector<16xi32>,
    %swap3A_898 = vector.shape_cast %swap3A_897 : vector<16xi32> to vector<16xi32>
    %swap3A_899 = vector.shape_cast %add3A_895 : vector<16xi32> to vector<16xi32>
    tpu.vector_store %arg8[%swap3A_896], %swap3A_899 {strides = array<i32>} : memref<2048xi32, #tpu.memory_space<vmem>>, vector<16xi32>,
    %add3A_900 = arith.constant 5 : i32
    %add3A_901 = vector.broadcast %add3A_900 : i32 to vector<16xi32>
    %add3A_902 = arith.addi %add3A_864, %add3A_901 : vector<16xi32>
    %swap3A_903 = arith.constant 752 : index
    %swap3A_904 = tpu.vector_load %arg8[%swap3A_903] {strides = array<i32>} : memref<2048xi32, #tpu.memory_space<vmem>>, vector<16xi32>,
    %swap3A_905 = vector.shape_cast %swap3A_904 : vector<16xi32> to vector<16xi32>
    %swap3A_906 = vector.shape_cast %add3A_902 : vector<16xi32> to vector<16xi32>
    tpu.vector_store %arg8[%swap3A_903], %swap3A_906 {strides = array<i32>} : memref<2048xi32, #tpu.memory_space<vmem>>, vector<16xi32>,
    %add3A_907 = arith.constant 6 : i32
    %add3A_908 = vector.broadcast %add3A_907 : i32 to vector<16xi32>
    %add3A_909 = arith.addi %add3A_864, %add3A_908 : vector<16xi32>
    %swap3A_910 = arith.constant 880 : index
    %swap3A_911 = tpu.vector_load %arg8[%swap3A_910] {strides = array<i32>} : memref<2048xi32, #tpu.memory_space<vmem>>, vector<16xi32>,
    %swap3A_912 = vector.shape_cast %swap3A_911 : vector<16xi32> to vector<16xi32>
    %swap3A_913 = vector.shape_cast %add3A_909 : vector<16xi32> to vector<16xi32>
    tpu.vector_store %arg8[%swap3A_910], %swap3A_913 {strides = array<i32>} : memref<2048xi32, #tpu.memory_space<vmem>>, vector<16xi32>,
    %add3A_914 = arith.constant 7 : i32
    %add3A_915 = vector.broadcast %add3A_914 : i32 to vector<16xi32>
    %add3A_916 = arith.addi %add3A_864, %add3A_915 : vector<16xi32>
    %swap3A_917 = arith.constant 1008 : index
    %swap3A_918 = tpu.vector_load %arg8[%swap3A_917] {strides = array<i32>} : memref<2048xi32, #tpu.memory_space<vmem>>, vector<16xi32>,
    %swap3A_919 = vector.shape_cast %swap3A_918 : vector<16xi32> to vector<16xi32>
    %swap3A_920 = vector.shape_cast %add3A_916 : vector<16xi32> to vector<16xi32>
    tpu.vector_store %arg8[%swap3A_917], %swap3A_920 {strides = array<i32>} : memref<2048xi32, #tpu.memory_space<vmem>>, vector<16xi32>,
    %add3A_921 = arith.constant 8 : i32
    %add3A_922 = vector.broadcast %add3A_921 : i32 to vector<16xi32>
    %add3A_923 = arith.addi %add3A_864, %add3A_922 : vector<16xi32>
    %swap3A_924 = arith.constant 1136 : index
    %swap3A_925 = tpu.vector_load %arg8[%swap3A_924] {strides = array<i32>} : memref<2048xi32, #tpu.memory_space<vmem>>, vector<16xi32>,
    %swap3A_926 = vector.shape_cast %swap3A_925 : vector<16xi32> to vector<16xi32>
    %swap3A_927 = vector.shape_cast %add3A_923 : vector<16xi32> to vector<16xi32>
    tpu.vector_store %arg8[%swap3A_924], %swap3A_927 {strides = array<i32>} : memref<2048xi32, #tpu.memory_space<vmem>>, vector<16xi32>,
    %add3A_928 = arith.constant 9 : i32
    %add3A_929 = vector.broadcast %add3A_928 : i32 to vector<16xi32>
    %add3A_930 = arith.addi %add3A_864, %add3A_929 : vector<16xi32>
    %swap3A_931 = arith.constant 1264 : index
    %swap3A_932 = tpu.vector_load %arg8[%swap3A_931] {strides = array<i32>} : memref<2048xi32, #tpu.memory_space<vmem>>, vector<16xi32>,
    %swap3A_933 = vector.shape_cast %swap3A_932 : vector<16xi32> to vector<16xi32>
    %swap3A_934 = vector.shape_cast %add3A_930 : vector<16xi32> to vector<16xi32>
    tpu.vector_store %arg8[%swap3A_931], %swap3A_934 {strides = array<i32>} : memref<2048xi32, #tpu.memory_space<vmem>>, vector<16xi32>,
    %add3A_935 = arith.constant 10 : i32
    %add3A_936 = vector.broadcast %add3A_935 : i32 to vector<16xi32>
    %add3A_937 = arith.addi %add3A_864, %add3A_936 : vector<16xi32>
    %swap3A_938 = arith.constant 1392 : index
    %swap3A_939 = tpu.vector_load %arg8[%swap3A_938] {strides = array<i32>} : memref<2048xi32, #tpu.memory_space<vmem>>, vector<16xi32>,
    %swap3A_940 = vector.shape_cast %swap3A_939 : vector<16xi32> to vector<16xi32>
    %swap3A_941 = vector.shape_cast %add3A_937 : vector<16xi32> to vector<16xi32>
    tpu.vector_store %arg8[%swap3A_938], %swap3A_941 {strides = array<i32>} : memref<2048xi32, #tpu.memory_space<vmem>>, vector<16xi32>,
    %add3A_942 = arith.constant 11 : i32
    %add3A_943 = vector.broadcast %add3A_942 : i32 to vector<16xi32>
    %add3A_944 = arith.addi %add3A_864, %add3A_943 : vector<16xi32>
    %swap3A_945 = arith.constant 1520 : index
    %swap3A_946 = tpu.vector_load %arg8[%swap3A_945] {strides = array<i32>} : memref<2048xi32, #tpu.memory_space<vmem>>, vector<16xi32>,
    %swap3A_947 = vector.shape_cast %swap3A_946 : vector<16xi32> to vector<16xi32>
    %swap3A_948 = vector.shape_cast %add3A_944 : vector<16xi32> to vector<16xi32>
    tpu.vector_store %arg8[%swap3A_945], %swap3A_948 {strides = array<i32>} : memref<2048xi32, #tpu.memory_space<vmem>>, vector<16xi32>,
    %add3A_949 = arith.constant 12 : i32
    %add3A_950 = vector.broadcast %add3A_949 : i32 to vector<16xi32>
    %add3A_951 = arith.addi %add3A_864, %add3A_950 : vector<16xi32>
    %swap3A_952 = arith.constant 1648 : index
    %swap3A_953 = tpu.vector_load %arg8[%swap3A_952] {strides = array<i32>} : memref<2048xi32, #tpu.memory_space<vmem>>, vector<16xi32>,
    %swap3A_954 = vector.shape_cast %swap3A_953 : vector<16xi32> to vector<16xi32>
    %swap3A_955 = vector.shape_cast %add3A_951 : vector<16xi32> to vector<16xi32>
    tpu.vector_store %arg8[%swap3A_952], %swap3A_955 {strides = array<i32>} : memref<2048xi32, #tpu.memory_space<vmem>>, vector<16xi32>,
    %add3A_956 = arith.constant 13 : i32
    %add3A_957 = vector.broadcast %add3A_956 : i32 to vector<16xi32>
    %add3A_958 = arith.addi %add3A_864, %add3A_957 : vector<16xi32>
    %swap3A_959 = arith.constant 1776 : index
    %swap3A_960 = tpu.vector_load %arg8[%swap3A_959] {strides = array<i32>} : memref<2048xi32, #tpu.memory_space<vmem>>, vector<16xi32>,
    %swap3A_961 = vector.shape_cast %swap3A_960 : vector<16xi32> to vector<16xi32>
    %swap3A_962 = vector.shape_cast %add3A_958 : vector<16xi32> to vector<16xi32>
    tpu.vector_store %arg8[%swap3A_959], %swap3A_962 {strides = array<i32>} : memref<2048xi32, #tpu.memory_space<vmem>>, vector<16xi32>,
    %add3A_963 = arith.constant 14 : i32
    %add3A_964 = vector.broadcast %add3A_963 : i32 to vector<16xi32>
    %add3A_965 = arith.addi %add3A_864, %add3A_964 : vector<16xi32>
    %swap3A_966 = arith.constant 1904 : index
    %swap3A_967 = tpu.vector_load %arg8[%swap3A_966] {strides = array<i32>} : memref<2048xi32, #tpu.memory_space<vmem>>, vector<16xi32>,
    %swap3A_968 = vector.shape_cast %swap3A_967 : vector<16xi32> to vector<16xi32>
    %swap3A_969 = vector.shape_cast %add3A_965 : vector<16xi32> to vector<16xi32>
    tpu.vector_store %arg8[%swap3A_966], %swap3A_969 {strides = array<i32>} : memref<2048xi32, #tpu.memory_space<vmem>>, vector<16xi32>,
    %add3A_970 = arith.constant 15 : i32
    %add3A_971 = vector.broadcast %add3A_970 : i32 to vector<16xi32>
    %add3A_972 = arith.addi %add3A_864, %add3A_971 : vector<16xi32>
    %swap3A_973 = arith.constant 2032 : index
    %swap3A_974 = tpu.vector_load %arg8[%swap3A_973] {strides = array<i32>} : memref<2048xi32, #tpu.memory_space<vmem>>, vector<16xi32>,
    %swap3A_975 = vector.shape_cast %swap3A_974 : vector<16xi32> to vector<16xi32>
    %swap3A_976 = vector.shape_cast %add3A_972 : vector<16xi32> to vector<16xi32>
    tpu.vector_store %arg8[%swap3A_973], %swap3A_976 {strides = array<i32>} : memref<2048xi32, #tpu.memory_space<vmem>>, vector<16xi32>,
    %dma_start3A = arith.constant 0 : i32
    %dma_start3A_977 = tpu.memref_slice %arg8[%dma_start3A] : memref<2048xi32, #tpu.memory_space<vmem>> -> memref<128xi32, #tpu.memory_space<vmem>>
    %dma_start3A_978 = arith.constant 0 : i32
    %dma_start3A_979 = arith.constant 0 : i32
    %dma_start3A_980 = tpu.memref_slice %arg3[%dma_start3A_978, %dma_start3A_979] : memref<131072x128xf32, #tpu.memory_space<hbm>> -> memref<131072x128xf32, #tpu.memory_space<hbm>>
    tpu.enqueue_indirect_dma source(%dma_start3A_980 : memref<131072x128xf32, #tpu.memory_space<hbm>>) target(%arg9 : memref<128x128xf32, #tpu.memory_space<vmem>>) offsets(%dma_start3A_977 : memref<128xi32, #tpu.memory_space<vmem>>) semaphore(%arg15 : memref<!tpu.dma_semaphore, #tpu.memory_space<semaphore_mem>>)
    %dma_start3A_981 = arith.constant 0 : i32
    %dma_start3A_982 = tpu.memref_slice %arg8[%dma_start3A_981] : memref<2048xi32, #tpu.memory_space<vmem>> -> memref<128xi32, #tpu.memory_space<vmem>>
    %dma_start3A_983 = arith.constant 0 : i32
    %dma_start3A_984 = arith.constant 0 : i32
    %dma_start3A_985 = tpu.memref_slice %arg4[%dma_start3A_983, %dma_start3A_984] : memref<131072x128xf32, #tpu.memory_space<hbm>> -> memref<131072x128xf32, #tpu.memory_space<hbm>>
    tpu.enqueue_indirect_dma source(%dma_start3A_985 : memref<131072x128xf32, #tpu.memory_space<hbm>>) target(%arg10 : memref<128x128xf32, #tpu.memory_space<vmem>>) offsets(%dma_start3A_982 : memref<128xi32, #tpu.memory_space<vmem>>) semaphore(%arg15 : memref<!tpu.dma_semaphore, #tpu.memory_space<semaphore_mem>>)
    %dma_start3A_986 = arith.constant 128 : i32
    %dma_start3A_987 = tpu.memref_slice %arg8[%dma_start3A_986] : memref<2048xi32, #tpu.memory_space<vmem>> -> memref<128xi32, #tpu.memory_space<vmem>>
    %dma_start3A_988 = arith.constant 0 : i32
    %dma_start3A_989 = arith.constant 0 : i32
    %dma_start3A_990 = tpu.memref_slice %arg3[%dma_start3A_988, %dma_start3A_989] : memref<131072x128xf32, #tpu.memory_space<hbm>> -> memref<131072x128xf32, #tpu.memory_space<hbm>>
    tpu.enqueue_indirect_dma source(%dma_start3A_990 : memref<131072x128xf32, #tpu.memory_space<hbm>>) target(%arg11 : memref<128x128xf32, #tpu.memory_space<vmem>>) offsets(%dma_start3A_987 : memref<128xi32, #tpu.memory_space<vmem>>) semaphore(%arg15 : memref<!tpu.dma_semaphore, #tpu.memory_space<semaphore_mem>>)
    %dma_start3A_991 = arith.constant 128 : i32
    %dma_start3A_992 = tpu.memref_slice %arg8[%dma_start3A_991] : memref<2048xi32, #tpu.memory_space<vmem>> -> memref<128xi32, #tpu.memory_space<vmem>>
    %dma_start3A_993 = arith.constant 0 : i32
    %dma_start3A_994 = arith.constant 0 : i32
    %dma_start3A_995 = tpu.memref_slice %arg4[%dma_start3A_993, %dma_start3A_994] : memref<131072x128xf32, #tpu.memory_space<hbm>> -> memref<131072x128xf32, #tpu.memory_space<hbm>>
    tpu.enqueue_indirect_dma source(%dma_start3A_995 : memref<131072x128xf32, #tpu.memory_space<hbm>>) target(%arg12 : memref<128x128xf32, #tpu.memory_space<vmem>>) offsets(%dma_start3A_992 : memref<128xi32, #tpu.memory_space<vmem>>) semaphore(%arg15 : memref<!tpu.dma_semaphore, #tpu.memory_space<semaphore_mem>>)
    %dma_start3A_996 = arith.constant 256 : i32
    %dma_start3A_997 = tpu.memref_slice %arg8[%dma_start3A_996] : memref<2048xi32, #tpu.memory_space<vmem>> -> memref<128xi32, #tpu.memory_space<vmem>>
    %dma_start3A_998 = arith.constant 0 : i32
    %dma_start3A_999 = arith.constant 0 : i32
    %dma_start3A_1000 = tpu.memref_slice %arg3[%dma_start3A_998, %dma_start3A_999] : memref<131072x128xf32, #tpu.memory_space<hbm>> -> memref<131072x128xf32, #tpu.memory_space<hbm>>
    tpu.enqueue_indirect_dma source(%dma_start3A_1000 : memref<131072x128xf32, #tpu.memory_space<hbm>>) target(%arg13 : memref<128x128xf32, #tpu.memory_space<vmem>>) offsets(%dma_start3A_997 : memref<128xi32, #tpu.memory_space<vmem>>) semaphore(%arg15 : memref<!tpu.dma_semaphore, #tpu.memory_space<semaphore_mem>>)
    %dma_start3A_1001 = arith.constant 256 : i32
    %dma_start3A_1002 = tpu.memref_slice %arg8[%dma_start3A_1001] : memref<2048xi32, #tpu.memory_space<vmem>> -> memref<128xi32, #tpu.memory_space<vmem>>
    %dma_start3A_1003 = arith.constant 0 : i32
    %dma_start3A_1004 = arith.constant 0 : i32
    %dma_start3A_1005 = tpu.memref_slice %arg4[%dma_start3A_1003, %dma_start3A_1004] : memref<131072x128xf32, #tpu.memory_space<hbm>> -> memref<131072x128xf32, #tpu.memory_space<hbm>>
    tpu.enqueue_indirect_dma source(%dma_start3A_1005 : memref<131072x128xf32, #tpu.memory_space<hbm>>) target(%arg14 : memref<128x128xf32, #tpu.memory_space<vmem>>) offsets(%dma_start3A_1002 : memref<128xi32, #tpu.memory_space<vmem>>) semaphore(%arg15 : memref<!tpu.dma_semaphore, #tpu.memory_space<semaphore_mem>>)
    %dma_wait3A = arith.constant 0 : i32
    %dma_wait3A_1006 = tpu.memref_slice %arg8[%dma_wait3A] : memref<2048xi32, #tpu.memory_space<vmem>> -> memref<128xi32, #tpu.memory_space<vmem>>
    %dma_wait3A_1007 = arith.constant 0 : i32
    %dma_wait3A_1008 = arith.constant 0 : i32
    %dma_wait3A_1009 = tpu.memref_slice %arg3[%dma_wait3A_1007, %dma_wait3A_1008] : memref<131072x128xf32, #tpu.memory_space<hbm>> -> memref<131072x128xf32, #tpu.memory_space<hbm>>
    tpu.wait_indirect_dma semaphore(%arg15 : memref<!tpu.dma_semaphore, #tpu.memory_space<semaphore_mem>>) src(%dma_wait3A_1009 : memref<131072x128xf32, #tpu.memory_space<hbm>>) dst(%arg9 : memref<128x128xf32, #tpu.memory_space<vmem>>)
    %dma_wait3A_1010 = arith.constant 0 : i32
    %dma_wait3A_1011 = tpu.memref_slice %arg8[%dma_wait3A_1010] : memref<2048xi32, #tpu.memory_space<vmem>> -> memref<128xi32, #tpu.memory_space<vmem>>
    %dma_wait3A_1012 = arith.constant 0 : i32
    %dma_wait3A_1013 = arith.constant 0 : i32
    %dma_wait3A_1014 = tpu.memref_slice %arg4[%dma_wait3A_1012, %dma_wait3A_1013] : memref<131072x128xf32, #tpu.memory_space<hbm>> -> memref<131072x128xf32, #tpu.memory_space<hbm>>
    tpu.wait_indirect_dma semaphore(%arg15 : memref<!tpu.dma_semaphore, #tpu.memory_space<semaphore_mem>>) src(%dma_wait3A_1014 : memref<131072x128xf32, #tpu.memory_space<hbm>>) dst(%arg10 : memref<128x128xf32, #tpu.memory_space<vmem>>)
    "tpu.region"() ({
      %run_scoped3A = tpu.sem_alloc : memref<!tpu.dma_semaphore, #tpu.memory_space<semaphore_mem>>
      %dma_start3A_1295 = arith.constant 0 : i32
      %dma_start3A_1296 = arith.constant 0 : i32
      %dma_start3A_1297 = tpu.memref_slice %arg5[%add3A, %dma_start3A_1295, %dma_start3A_1296] : memref<32x2048x128xf32, #tpu.memory_space<hbm>> -> memref<1x128x128xf32, #tpu.memory_space<hbm>>
      %dma_start3A_1298 = tpu.memref_squeeze %dma_start3A_1297 : memref<1x128x128xf32, #tpu.memory_space<hbm>> -> memref<128x128xf32, #tpu.memory_space<hbm>>
      %dma_start3A_1299 = arith.constant 0 : i32
      %dma_start3A_1300 = arith.constant 0 : i32
      %dma_start3A_1301 = tpu.memref_slice %arg5[%add3A, %dma_start3A_1299, %dma_start3A_1300] : memref<32x2048x128xf32, #tpu.memory_space<hbm>> -> memref<1x128x128xf32, #tpu.memory_space<hbm>>
      %dma_start3A_1302 = tpu.memref_squeeze %dma_start3A_1301 : memref<1x128x128xf32, #tpu.memory_space<hbm>> -> memref<128x128xf32, #tpu.memory_space<hbm>>
      tpu.enqueue_dma source(%arg9 : memref<128x128xf32, #tpu.memory_space<vmem>>) target(%dma_start3A_1302 : memref<128x128xf32, #tpu.memory_space<hbm>>) target_semaphore(%run_scoped3A : memref<!tpu.dma_semaphore, #tpu.memory_space<semaphore_mem>>)
      %dma_wait3A_1303 = arith.constant 0 : i32
      %dma_wait3A_1304 = arith.constant 0 : i32
      %dma_wait3A_1305 = tpu.memref_slice %arg5[%add3A, %dma_wait3A_1303, %dma_wait3A_1304] : memref<32x2048x128xf32, #tpu.memory_space<hbm>> -> memref<1x128x128xf32, #tpu.memory_space<hbm>>
      %dma_wait3A_1306 = tpu.memref_squeeze %dma_wait3A_1305 : memref<1x128x128xf32, #tpu.memory_space<hbm>> -> memref<128x128xf32, #tpu.memory_space<hbm>>
      %dma_wait3A_1307 = arith.constant 0 : i32
      %dma_wait3A_1308 = arith.constant 0 : i32
      %dma_wait3A_1309 = tpu.memref_slice %arg5[%add3A, %dma_wait3A_1307, %dma_wait3A_1308] : memref<32x2048x128xf32, #tpu.memory_space<hbm>> -> memref<1x128x128xf32, #tpu.memory_space<hbm>>
      %dma_wait3A_1310 = tpu.memref_squeeze %dma_wait3A_1309 : memref<1x128x128xf32, #tpu.memory_space<hbm>> -> memref<128x128xf32, #tpu.memory_space<hbm>>
      tpu.wait_dma2 semaphore(%run_scoped3A : memref<!tpu.dma_semaphore, #tpu.memory_space<semaphore_mem>>) src(%arg9 : memref<128x128xf32, #tpu.memory_space<vmem>>) dst(%dma_wait3A_1310 : memref<128x128xf32, #tpu.memory_space<hbm>>)
      tpu.yield
    }) : () -> ()
    "tpu.region"() ({
      %run_scoped3A = tpu.sem_alloc : memref<!tpu.dma_semaphore, #tpu.memory_space<semaphore_mem>>
      %dma_start3A_1295 = arith.constant 0 : i32
      %dma_start3A_1296 = arith.constant 0 : i32
      %dma_start3A_1297 = tpu.memref_slice %arg6[%add3A, %dma_start3A_1295, %dma_start3A_1296] : memref<32x2048x128xf32, #tpu.memory_space<hbm>> -> memref<1x128x128xf32, #tpu.memory_space<hbm>>
      %dma_start3A_1298 = tpu.memref_squeeze %dma_start3A_1297 : memref<1x128x128xf32, #tpu.memory_space<hbm>> -> memref<128x128xf32, #tpu.memory_space<hbm>>
      %dma_start3A_1299 = arith.constant 0 : i32
      %dma_start3A_1300 = arith.constant 0 : i32
      %dma_start3A_1301 = tpu.memref_slice %arg6[%add3A, %dma_start3A_1299, %dma_start3A_1300] : memref<32x2048x128xf32, #tpu.memory_space<hbm>> -> memref<1x128x128xf32, #tpu.memory_space<hbm>>
      %dma_start3A_1302 = tpu.memref_squeeze %dma_start3A_1301 : memref<1x128x128xf32, #tpu.memory_space<hbm>> -> memref<128x128xf32, #tpu.memory_space<hbm>>
      tpu.enqueue_dma source(%arg10 : memref<128x128xf32, #tpu.memory_space<vmem>>) target(%dma_start3A_1302 : memref<128x128xf32, #tpu.memory_space<hbm>>) target_semaphore(%run_scoped3A : memref<!tpu.dma_semaphore, #tpu.memory_space<semaphore_mem>>)
      %dma_wait3A_1303 = arith.constant 0 : i32
      %dma_wait3A_1304 = arith.constant 0 : i32
      %dma_wait3A_1305 = tpu.memref_slice %arg6[%add3A, %dma_wait3A_1303, %dma_wait3A_1304] : memref<32x2048x128xf32, #tpu.memory_space<hbm>> -> memref<1x128x128xf32, #tpu.memory_space<hbm>>
      %dma_wait3A_1306 = tpu.memref_squeeze %dma_wait3A_1305 : memref<1x128x128xf32, #tpu.memory_space<hbm>> -> memref<128x128xf32, #tpu.memory_space<hbm>>
      %dma_wait3A_1307 = arith.constant 0 : i32
      %dma_wait3A_1308 = arith.constant 0 : i32
      %dma_wait3A_1309 = tpu.memref_slice %arg6[%add3A, %dma_wait3A_1307, %dma_wait3A_1308] : memref<32x2048x128xf32, #tpu.memory_space<hbm>> -> memref<1x128x128xf32, #tpu.memory_space<hbm>>
      %dma_wait3A_1310 = tpu.memref_squeeze %dma_wait3A_1309 : memref<1x128x128xf32, #tpu.memory_space<hbm>> -> memref<128x128xf32, #tpu.memory_space<hbm>>
      tpu.wait_dma2 semaphore(%run_scoped3A : memref<!tpu.dma_semaphore, #tpu.memory_space<semaphore_mem>>) src(%arg10 : memref<128x128xf32, #tpu.memory_space<vmem>>) dst(%dma_wait3A_1310 : memref<128x128xf32, #tpu.memory_space<hbm>>)
      tpu.yield
    }) : () -> ()
    %dma_start3A_1015 = arith.constant 384 : i32
    %dma_start3A_1016 = tpu.memref_slice %arg8[%dma_start3A_1015] : memref<2048xi32, #tpu.memory_space<vmem>> -> memref<128xi32, #tpu.memory_space<vmem>>
    %dma_start3A_1017 = arith.constant 0 : i32
    %dma_start3A_1018 = arith.constant 0 : i32
    %dma_start3A_1019 = tpu.memref_slice %arg3[%dma_start3A_1017, %dma_start3A_1018] : memref<131072x128xf32, #tpu.memory_space<hbm>> -> memref<131072x128xf32, #tpu.memory_space<hbm>>
    tpu.enqueue_indirect_dma source(%dma_start3A_1019 : memref<131072x128xf32, #tpu.memory_space<hbm>>) target(%arg9 : memref<128x128xf32, #tpu.memory_space<vmem>>) offsets(%dma_start3A_1016 : memref<128xi32, #tpu.memory_space<vmem>>) semaphore(%arg15 : memref<!tpu.dma_semaphore, #tpu.memory_space<semaphore_mem>>)
    %dma_start3A_1020 = arith.constant 384 : i32
    %dma_start3A_1021 = tpu.memref_slice %arg8[%dma_start3A_1020] : memref<2048xi32, #tpu.memory_space<vmem>> -> memref<128xi32, #tpu.memory_space<vmem>>
    %dma_start3A_1022 = arith.constant 0 : i32
    %dma_start3A_1023 = arith.constant 0 : i32
    %dma_start3A_1024 = tpu.memref_slice %arg4[%dma_start3A_1022, %dma_start3A_1023] : memref<131072x128xf32, #tpu.memory_space<hbm>> -> memref<131072x128xf32, #tpu.memory_space<hbm>>
    tpu.enqueue_indirect_dma source(%dma_start3A_1024 : memref<131072x128xf32, #tpu.memory_space<hbm>>) target(%arg10 : memref<128x128xf32, #tpu.memory_space<vmem>>) offsets(%dma_start3A_1021 : memref<128xi32, #tpu.memory_space<vmem>>) semaphore(%arg15 : memref<!tpu.dma_semaphore, #tpu.memory_space<semaphore_mem>>)
    %dma_wait3A_1025 = arith.constant 128 : i32
    %dma_wait3A_1026 = tpu.memref_slice %arg8[%dma_wait3A_1025] : memref<2048xi32, #tpu.memory_space<vmem>> -> memref<128xi32, #tpu.memory_space<vmem>>
    %dma_wait3A_1027 = arith.constant 0 : i32
    %dma_wait3A_1028 = arith.constant 0 : i32
    %dma_wait3A_1029 = tpu.memref_slice %arg3[%dma_wait3A_1027, %dma_wait3A_1028] : memref<131072x128xf32, #tpu.memory_space<hbm>> -> memref<131072x128xf32, #tpu.memory_space<hbm>>
    tpu.wait_indirect_dma semaphore(%arg15 : memref<!tpu.dma_semaphore, #tpu.memory_space<semaphore_mem>>) src(%dma_wait3A_1029 : memref<131072x128xf32, #tpu.memory_space<hbm>>) dst(%arg11 : memref<128x128xf32, #tpu.memory_space<vmem>>)
    %dma_wait3A_1030 = arith.constant 128 : i32
    %dma_wait3A_1031 = tpu.memref_slice %arg8[%dma_wait3A_1030] : memref<2048xi32, #tpu.memory_space<vmem>> -> memref<128xi32, #tpu.memory_space<vmem>>
    %dma_wait3A_1032 = arith.constant 0 : i32
    %dma_wait3A_1033 = arith.constant 0 : i32
    %dma_wait3A_1034 = tpu.memref_slice %arg4[%dma_wait3A_1032, %dma_wait3A_1033] : memref<131072x128xf32, #tpu.memory_space<hbm>> -> memref<131072x128xf32, #tpu.memory_space<hbm>>
    tpu.wait_indirect_dma semaphore(%arg15 : memref<!tpu.dma_semaphore, #tpu.memory_space<semaphore_mem>>) src(%dma_wait3A_1034 : memref<131072x128xf32, #tpu.memory_space<hbm>>) dst(%arg12 : memref<128x128xf32, #tpu.memory_space<vmem>>)
    "tpu.region"() ({
      %run_scoped3A = tpu.sem_alloc : memref<!tpu.dma_semaphore, #tpu.memory_space<semaphore_mem>>
      %dma_start3A_1295 = arith.constant 128 : i32
      %dma_start3A_1296 = arith.constant 0 : i32
      %dma_start3A_1297 = tpu.memref_slice %arg5[%add3A, %dma_start3A_1295, %dma_start3A_1296] : memref<32x2048x128xf32, #tpu.memory_space<hbm>> -> memref<1x128x128xf32, #tpu.memory_space<hbm>>
      %dma_start3A_1298 = tpu.memref_squeeze %dma_start3A_1297 : memref<1x128x128xf32, #tpu.memory_space<hbm>> -> memref<128x128xf32, #tpu.memory_space<hbm>>
      %dma_start3A_1299 = arith.constant 128 : i32
      %dma_start3A_1300 = arith.constant 0 : i32
      %dma_start3A_1301 = tpu.memref_slice %arg5[%add3A, %dma_start3A_1299, %dma_start3A_1300] : memref<32x2048x128xf32, #tpu.memory_space<hbm>> -> memref<1x128x128xf32, #tpu.memory_space<hbm>>
      %dma_start3A_1302 = tpu.memref_squeeze %dma_start3A_1301 : memref<1x128x128xf32, #tpu.memory_space<hbm>> -> memref<128x128xf32, #tpu.memory_space<hbm>>
      tpu.enqueue_dma source(%arg11 : memref<128x128xf32, #tpu.memory_space<vmem>>) target(%dma_start3A_1302 : memref<128x128xf32, #tpu.memory_space<hbm>>) target_semaphore(%run_scoped3A : memref<!tpu.dma_semaphore, #tpu.memory_space<semaphore_mem>>)
      %dma_wait3A_1303 = arith.constant 128 : i32
      %dma_wait3A_1304 = arith.constant 0 : i32
      %dma_wait3A_1305 = tpu.memref_slice %arg5[%add3A, %dma_wait3A_1303, %dma_wait3A_1304] : memref<32x2048x128xf32, #tpu.memory_space<hbm>> -> memref<1x128x128xf32, #tpu.memory_space<hbm>>
      %dma_wait3A_1306 = tpu.memref_squeeze %dma_wait3A_1305 : memref<1x128x128xf32, #tpu.memory_space<hbm>> -> memref<128x128xf32, #tpu.memory_space<hbm>>
      %dma_wait3A_1307 = arith.constant 128 : i32
      %dma_wait3A_1308 = arith.constant 0 : i32
      %dma_wait3A_1309 = tpu.memref_slice %arg5[%add3A, %dma_wait3A_1307, %dma_wait3A_1308] : memref<32x2048x128xf32, #tpu.memory_space<hbm>> -> memref<1x128x128xf32, #tpu.memory_space<hbm>>
      %dma_wait3A_1310 = tpu.memref_squeeze %dma_wait3A_1309 : memref<1x128x128xf32, #tpu.memory_space<hbm>> -> memref<128x128xf32, #tpu.memory_space<hbm>>
      tpu.wait_dma2 semaphore(%run_scoped3A : memref<!tpu.dma_semaphore, #tpu.memory_space<semaphore_mem>>) src(%arg11 : memref<128x128xf32, #tpu.memory_space<vmem>>) dst(%dma_wait3A_1310 : memref<128x128xf32, #tpu.memory_space<hbm>>)
      tpu.yield
    }) : () -> ()
    "tpu.region"() ({
      %run_scoped3A = tpu.sem_alloc : memref<!tpu.dma_semaphore, #tpu.memory_space<semaphore_mem>>
      %dma_start3A_1295 = arith.constant 128 : i32
      %dma_start3A_1296 = arith.constant 0 : i32
      %dma_start3A_1297 = tpu.memref_slice %arg6[%add3A, %dma_start3A_1295, %dma_start3A_1296] : memref<32x2048x128xf32, #tpu.memory_space<hbm>> -> memref<1x128x128xf32, #tpu.memory_space<hbm>>
      %dma_start3A_1298 = tpu.memref_squeeze %dma_start3A_1297 : memref<1x128x128xf32, #tpu.memory_space<hbm>> -> memref<128x128xf32, #tpu.memory_space<hbm>>
      %dma_start3A_1299 = arith.constant 128 : i32
      %dma_start3A_1300 = arith.constant 0 : i32
      %dma_start3A_1301 = tpu.memref_slice %arg6[%add3A, %dma_start3A_1299, %dma_start3A_1300] : memref<32x2048x128xf32, #tpu.memory_space<hbm>> -> memref<1x128x128xf32, #tpu.memory_space<hbm>>
      %dma_start3A_1302 = tpu.memref_squeeze %dma_start3A_1301 : memref<1x128x128xf32, #tpu.memory_space<hbm>> -> memref<128x128xf32, #tpu.memory_space<hbm>>
      tpu.enqueue_dma source(%arg12 : memref<128x128xf32, #tpu.memory_space<vmem>>) target(%dma_start3A_1302 : memref<128x128xf32, #tpu.memory_space<hbm>>) target_semaphore(%run_scoped3A : memref<!tpu.dma_semaphore, #tpu.memory_space<semaphore_mem>>)
      %dma_wait3A_1303 = arith.constant 128 : i32
      %dma_wait3A_1304 = arith.constant 0 : i32
      %dma_wait3A_1305 = tpu.memref_slice %arg6[%add3A, %dma_wait3A_1303, %dma_wait3A_1304] : memref<32x2048x128xf32, #tpu.memory_space<hbm>> -> memref<1x128x128xf32, #tpu.memory_space<hbm>>
      %dma_wait3A_1306 = tpu.memref_squeeze %dma_wait3A_1305 : memref<1x128x128xf32, #tpu.memory_space<hbm>> -> memref<128x128xf32, #tpu.memory_space<hbm>>
      %dma_wait3A_1307 = arith.constant 128 : i32
      %dma_wait3A_1308 = arith.constant 0 : i32
      %dma_wait3A_1309 = tpu.memref_slice %arg6[%add3A, %dma_wait3A_1307, %dma_wait3A_1308] : memref<32x2048x128xf32, #tpu.memory_space<hbm>> -> memref<1x128x128xf32, #tpu.memory_space<hbm>>
      %dma_wait3A_1310 = tpu.memref_squeeze %dma_wait3A_1309 : memref<1x128x128xf32, #tpu.memory_space<hbm>> -> memref<128x128xf32, #tpu.memory_space<hbm>>
      tpu.wait_dma2 semaphore(%run_scoped3A : memref<!tpu.dma_semaphore, #tpu.memory_space<semaphore_mem>>) src(%arg12 : memref<128x128xf32, #tpu.memory_space<vmem>>) dst(%dma_wait3A_1310 : memref<128x128xf32, #tpu.memory_space<hbm>>)
      tpu.yield
    }) : () -> ()
    %dma_start3A_1035 = arith.constant 512 : i32
    %dma_start3A_1036 = tpu.memref_slice %arg8[%dma_start3A_1035] : memref<2048xi32, #tpu.memory_space<vmem>> -> memref<128xi32, #tpu.memory_space<vmem>>
    %dma_start3A_1037 = arith.constant 0 : i32
    %dma_start3A_1038 = arith.constant 0 : i32
    %dma_start3A_1039 = tpu.memref_slice %arg3[%dma_start3A_1037, %dma_start3A_1038] : memref<131072x128xf32, #tpu.memory_space<hbm>> -> memref<131072x128xf32, #tpu.memory_space<hbm>>
    tpu.enqueue_indirect_dma source(%dma_start3A_1039 : memref<131072x128xf32, #tpu.memory_space<hbm>>) target(%arg11 : memref<128x128xf32, #tpu.memory_space<vmem>>) offsets(%dma_start3A_1036 : memref<128xi32, #tpu.memory_space<vmem>>) semaphore(%arg15 : memref<!tpu.dma_semaphore, #tpu.memory_space<semaphore_mem>>)
    %dma_start3A_1040 = arith.constant 512 : i32
    %dma_start3A_1041 = tpu.memref_slice %arg8[%dma_start3A_1040] : memref<2048xi32, #tpu.memory_space<vmem>> -> memref<128xi32, #tpu.memory_space<vmem>>
    %dma_start3A_1042 = arith.constant 0 : i32
    %dma_start3A_1043 = arith.constant 0 : i32
    %dma_start3A_1044 = tpu.memref_slice %arg4[%dma_start3A_1042, %dma_start3A_1043] : memref<131072x128xf32, #tpu.memory_space<hbm>> -> memref<131072x128xf32, #tpu.memory_space<hbm>>
    tpu.enqueue_indirect_dma source(%dma_start3A_1044 : memref<131072x128xf32, #tpu.memory_space<hbm>>) target(%arg12 : memref<128x128xf32, #tpu.memory_space<vmem>>) offsets(%dma_start3A_1041 : memref<128xi32, #tpu.memory_space<vmem>>) semaphore(%arg15 : memref<!tpu.dma_semaphore, #tpu.memory_space<semaphore_mem>>)
    %dma_wait3A_1045 = arith.constant 256 : i32
    %dma_wait3A_1046 = tpu.memref_slice %arg8[%dma_wait3A_1045] : memref<2048xi32, #tpu.memory_space<vmem>> -> memref<128xi32, #tpu.memory_space<vmem>>
    %dma_wait3A_1047 = arith.constant 0 : i32
    %dma_wait3A_1048 = arith.constant 0 : i32
    %dma_wait3A_1049 = tpu.memref_slice %arg3[%dma_wait3A_1047, %dma_wait3A_1048] : memref<131072x128xf32, #tpu.memory_space<hbm>> -> memref<131072x128xf32, #tpu.memory_space<hbm>>
    tpu.wait_indirect_dma semaphore(%arg15 : memref<!tpu.dma_semaphore, #tpu.memory_space<semaphore_mem>>) src(%dma_wait3A_1049 : memref<131072x128xf32, #tpu.memory_space<hbm>>) dst(%arg13 : memref<128x128xf32, #tpu.memory_space<vmem>>)
    %dma_wait3A_1050 = arith.constant 256 : i32
    %dma_wait3A_1051 = tpu.memref_slice %arg8[%dma_wait3A_1050] : memref<2048xi32, #tpu.memory_space<vmem>> -> memref<128xi32, #tpu.memory_space<vmem>>
    %dma_wait3A_1052 = arith.constant 0 : i32
    %dma_wait3A_1053 = arith.constant 0 : i32
    %dma_wait3A_1054 = tpu.memref_slice %arg4[%dma_wait3A_1052, %dma_wait3A_1053] : memref<131072x128xf32, #tpu.memory_space<hbm>> -> memref<131072x128xf32, #tpu.memory_space<hbm>>
    tpu.wait_indirect_dma semaphore(%arg15 : memref<!tpu.dma_semaphore, #tpu.memory_space<semaphore_mem>>) src(%dma_wait3A_1054 : memref<131072x128xf32, #tpu.memory_space<hbm>>) dst(%arg14 : memref<128x128xf32, #tpu.memory_space<vmem>>)
    "tpu.region"() ({
      %run_scoped3A = tpu.sem_alloc : memref<!tpu.dma_semaphore, #tpu.memory_space<semaphore_mem>>
      %dma_start3A_1295 = arith.constant 256 : i32
      %dma_start3A_1296 = arith.constant 0 : i32
      %dma_start3A_1297 = tpu.memref_slice %arg5[%add3A, %dma_start3A_1295, %dma_start3A_1296] : memref<32x2048x128xf32, #tpu.memory_space<hbm>> -> memref<1x128x128xf32, #tpu.memory_space<hbm>>
      %dma_start3A_1298 = tpu.memref_squeeze %dma_start3A_1297 : memref<1x128x128xf32, #tpu.memory_space<hbm>> -> memref<128x128xf32, #tpu.memory_space<hbm>>
      %dma_start3A_1299 = arith.constant 256 : i32
      %dma_start3A_1300 = arith.constant 0 : i32
      %dma_start3A_1301 = tpu.memref_slice %arg5[%add3A, %dma_start3A_1299, %dma_start3A_1300] : memref<32x2048x128xf32, #tpu.memory_space<hbm>> -> memref<1x128x128xf32, #tpu.memory_space<hbm>>
      %dma_start3A_1302 = tpu.memref_squeeze %dma_start3A_1301 : memref<1x128x128xf32, #tpu.memory_space<hbm>> -> memref<128x128xf32, #tpu.memory_space<hbm>>
      tpu.enqueue_dma source(%arg13 : memref<128x128xf32, #tpu.memory_space<vmem>>) target(%dma_start3A_1302 : memref<128x128xf32, #tpu.memory_space<hbm>>) target_semaphore(%run_scoped3A : memref<!tpu.dma_semaphore, #tpu.memory_space<semaphore_mem>>)
      %dma_wait3A_1303 = arith.constant 256 : i32
      %dma_wait3A_1304 = arith.constant 0 : i32
      %dma_wait3A_1305 = tpu.memref_slice %arg5[%add3A, %dma_wait3A_1303, %dma_wait3A_1304] : memref<32x2048x128xf32, #tpu.memory_space<hbm>> -> memref<1x128x128xf32, #tpu.memory_space<hbm>>
      %dma_wait3A_1306 = tpu.memref_squeeze %dma_wait3A_1305 : memref<1x128x128xf32, #tpu.memory_space<hbm>> -> memref<128x128xf32, #tpu.memory_space<hbm>>
      %dma_wait3A_1307 = arith.constant 256 : i32
      %dma_wait3A_1308 = arith.constant 0 : i32
      %dma_wait3A_1309 = tpu.memref_slice %arg5[%add3A, %dma_wait3A_1307, %dma_wait3A_1308] : memref<32x2048x128xf32, #tpu.memory_space<hbm>> -> memref<1x128x128xf32, #tpu.memory_space<hbm>>
      %dma_wait3A_1310 = tpu.memref_squeeze %dma_wait3A_1309 : memref<1x128x128xf32, #tpu.memory_space<hbm>> -> memref<128x128xf32, #tpu.memory_space<hbm>>
      tpu.wait_dma2 semaphore(%run_scoped3A : memref<!tpu.dma_semaphore, #tpu.memory_space<semaphore_mem>>) src(%arg13 : memref<128x128xf32, #tpu.memory_space<vmem>>) dst(%dma_wait3A_1310 : memref<128x128xf32, #tpu.memory_space<hbm>>)
      tpu.yield
    }) : () -> ()
    "tpu.region"() ({
      %run_scoped3A = tpu.sem_alloc : memref<!tpu.dma_semaphore, #tpu.memory_space<semaphore_mem>>
      %dma_start3A_1295 = arith.constant 256 : i32
      %dma_start3A_1296 = arith.constant 0 : i32
      %dma_start3A_1297 = tpu.memref_slice %arg6[%add3A, %dma_start3A_1295, %dma_start3A_1296] : memref<32x2048x128xf32, #tpu.memory_space<hbm>> -> memref<1x128x128xf32, #tpu.memory_space<hbm>>
      %dma_start3A_1298 = tpu.memref_squeeze %dma_start3A_1297 : memref<1x128x128xf32, #tpu.memory_space<hbm>> -> memref<128x128xf32, #tpu.memory_space<hbm>>
      %dma_start3A_1299 = arith.constant 256 : i32
      %dma_start3A_1300 = arith.constant 0 : i32
      %dma_start3A_1301 = tpu.memref_slice %arg6[%add3A, %dma_start3A_1299, %dma_start3A_1300] : memref<32x2048x128xf32, #tpu.memory_space<hbm>> -> memref<1x128x128xf32, #tpu.memory_space<hbm>>
      %dma_start3A_1302 = tpu.memref_squeeze %dma_start3A_1301 : memref<1x128x128xf32, #tpu.memory_space<hbm>> -> memref<128x128xf32, #tpu.memory_space<hbm>>
      tpu.enqueue_dma source(%arg14 : memref<128x128xf32, #tpu.memory_space<vmem>>) target(%dma_start3A_1302 : memref<128x128xf32, #tpu.memory_space<hbm>>) target_semaphore(%run_scoped3A : memref<!tpu.dma_semaphore, #tpu.memory_space<semaphore_mem>>)
      %dma_wait3A_1303 = arith.constant 256 : i32
      %dma_wait3A_1304 = arith.constant 0 : i32
      %dma_wait3A_1305 = tpu.memref_slice %arg6[%add3A, %dma_wait3A_1303, %dma_wait3A_1304] : memref<32x2048x128xf32, #tpu.memory_space<hbm>> -> memref<1x128x128xf32, #tpu.memory_space<hbm>>
      %dma_wait3A_1306 = tpu.memref_squeeze %dma_wait3A_1305 : memref<1x128x128xf32, #tpu.memory_space<hbm>> -> memref<128x128xf32, #tpu.memory_space<hbm>>
      %dma_wait3A_1307 = arith.constant 256 : i32
      %dma_wait3A_1308 = arith.constant 0 : i32
      %dma_wait3A_1309 = tpu.memref_slice %arg6[%add3A, %dma_wait3A_1307, %dma_wait3A_1308] : memref<32x2048x128xf32, #tpu.memory_space<hbm>> -> memref<1x128x128xf32, #tpu.memory_space<hbm>>
      %dma_wait3A_1310 = tpu.memref_squeeze %dma_wait3A_1309 : memref<1x128x128xf32, #tpu.memory_space<hbm>> -> memref<128x128xf32, #tpu.memory_space<hbm>>
      tpu.wait_dma2 semaphore(%run_scoped3A : memref<!tpu.dma_semaphore, #tpu.memory_space<semaphore_mem>>) src(%arg14 : memref<128x128xf32, #tpu.memory_space<vmem>>) dst(%dma_wait3A_1310 : memref<128x128xf32, #tpu.memory_space<hbm>>)
      tpu.yield
    }) : () -> ()
    %dma_start3A_1055 = arith.constant 640 : i32
    %dma_start3A_1056 = tpu.memref_slice %arg8[%dma_start3A_1055] : memref<2048xi32, #tpu.memory_space<vmem>> -> memref<128xi32, #tpu.memory_space<vmem>>
    %dma_start3A_1057 = arith.constant 0 : i32
    %dma_start3A_1058 = arith.constant 0 : i32
    %dma_start3A_1059 = tpu.memref_slice %arg3[%dma_start3A_1057, %dma_start3A_1058] : memref<131072x128xf32, #tpu.memory_space<hbm>> -> memref<131072x128xf32, #tpu.memory_space<hbm>>
    tpu.enqueue_indirect_dma source(%dma_start3A_1059 : memref<131072x128xf32, #tpu.memory_space<hbm>>) target(%arg13 : memref<128x128xf32, #tpu.memory_space<vmem>>) offsets(%dma_start3A_1056 : memref<128xi32, #tpu.memory_space<vmem>>) semaphore(%arg15 : memref<!tpu.dma_semaphore, #tpu.memory_space<semaphore_mem>>)
    %dma_start3A_1060 = arith.constant 640 : i32
    %dma_start3A_1061 = tpu.memref_slice %arg8[%dma_start3A_1060] : memref<2048xi32, #tpu.memory_space<vmem>> -> memref<128xi32, #tpu.memory_space<vmem>>
    %dma_start3A_1062 = arith.constant 0 : i32
    %dma_start3A_1063 = arith.constant 0 : i32
    %dma_start3A_1064 = tpu.memref_slice %arg4[%dma_start3A_1062, %dma_start3A_1063] : memref<131072x128xf32, #tpu.memory_space<hbm>> -> memref<131072x128xf32, #tpu.memory_space<hbm>>
    tpu.enqueue_indirect_dma source(%dma_start3A_1064 : memref<131072x128xf32, #tpu.memory_space<hbm>>) target(%arg14 : memref<128x128xf32, #tpu.memory_space<vmem>>) offsets(%dma_start3A_1061 : memref<128xi32, #tpu.memory_space<vmem>>) semaphore(%arg15 : memref<!tpu.dma_semaphore, #tpu.memory_space<semaphore_mem>>)
    %dma_wait3A_1065 = arith.constant 384 : i32
    %dma_wait3A_1066 = tpu.memref_slice %arg8[%dma_wait3A_1065] : memref<2048xi32, #tpu.memory_space<vmem>> -> memref<128xi32, #tpu.memory_space<vmem>>
    %dma_wait3A_1067 = arith.constant 0 : i32
    %dma_wait3A_1068 = arith.constant 0 : i32
    %dma_wait3A_1069 = tpu.memref_slice %arg3[%dma_wait3A_1067, %dma_wait3A_1068] : memref<131072x128xf32, #tpu.memory_space<hbm>> -> memref<131072x128xf32, #tpu.memory_space<hbm>>
    tpu.wait_indirect_dma semaphore(%arg15 : memref<!tpu.dma_semaphore, #tpu.memory_space<semaphore_mem>>) src(%dma_wait3A_1069 : memref<131072x128xf32, #tpu.memory_space<hbm>>) dst(%arg9 : memref<128x128xf32, #tpu.memory_space<vmem>>)
    %dma_wait3A_1070 = arith.constant 384 : i32
    %dma_wait3A_1071 = tpu.memref_slice %arg8[%dma_wait3A_1070] : memref<2048xi32, #tpu.memory_space<vmem>> -> memref<128xi32, #tpu.memory_space<vmem>>
    %dma_wait3A_1072 = arith.constant 0 : i32
    %dma_wait3A_1073 = arith.constant 0 : i32
    %dma_wait3A_1074 = tpu.memref_slice %arg4[%dma_wait3A_1072, %dma_wait3A_1073] : memref<131072x128xf32, #tpu.memory_space<hbm>> -> memref<131072x128xf32, #tpu.memory_space<hbm>>
    tpu.wait_indirect_dma semaphore(%arg15 : memref<!tpu.dma_semaphore, #tpu.memory_space<semaphore_mem>>) src(%dma_wait3A_1074 : memref<131072x128xf32, #tpu.memory_space<hbm>>) dst(%arg10 : memref<128x128xf32, #tpu.memory_space<vmem>>)
    "tpu.region"() ({
      %run_scoped3A = tpu.sem_alloc : memref<!tpu.dma_semaphore, #tpu.memory_space<semaphore_mem>>
      %dma_start3A_1295 = arith.constant 384 : i32
      %dma_start3A_1296 = arith.constant 0 : i32
      %dma_start3A_1297 = tpu.memref_slice %arg5[%add3A, %dma_start3A_1295, %dma_start3A_1296] : memref<32x2048x128xf32, #tpu.memory_space<hbm>> -> memref<1x128x128xf32, #tpu.memory_space<hbm>>
      %dma_start3A_1298 = tpu.memref_squeeze %dma_start3A_1297 : memref<1x128x128xf32, #tpu.memory_space<hbm>> -> memref<128x128xf32, #tpu.memory_space<hbm>>
      %dma_start3A_1299 = arith.constant 384 : i32
      %dma_start3A_1300 = arith.constant 0 : i32
      %dma_start3A_1301 = tpu.memref_slice %arg5[%add3A, %dma_start3A_1299, %dma_start3A_1300] : memref<32x2048x128xf32, #tpu.memory_space<hbm>> -> memref<1x128x128xf32, #tpu.memory_space<hbm>>
      %dma_start3A_1302 = tpu.memref_squeeze %dma_start3A_1301 : memref<1x128x128xf32, #tpu.memory_space<hbm>> -> memref<128x128xf32, #tpu.memory_space<hbm>>
      tpu.enqueue_dma source(%arg9 : memref<128x128xf32, #tpu.memory_space<vmem>>) target(%dma_start3A_1302 : memref<128x128xf32, #tpu.memory_space<hbm>>) target_semaphore(%run_scoped3A : memref<!tpu.dma_semaphore, #tpu.memory_space<semaphore_mem>>)
      %dma_wait3A_1303 = arith.constant 384 : i32
      %dma_wait3A_1304 = arith.constant 0 : i32
      %dma_wait3A_1305 = tpu.memref_slice %arg5[%add3A, %dma_wait3A_1303, %dma_wait3A_1304] : memref<32x2048x128xf32, #tpu.memory_space<hbm>> -> memref<1x128x128xf32, #tpu.memory_space<hbm>>
      %dma_wait3A_1306 = tpu.memref_squeeze %dma_wait3A_1305 : memref<1x128x128xf32, #tpu.memory_space<hbm>> -> memref<128x128xf32, #tpu.memory_space<hbm>>
      %dma_wait3A_1307 = arith.constant 384 : i32
      %dma_wait3A_1308 = arith.constant 0 : i32
      %dma_wait3A_1309 = tpu.memref_slice %arg5[%add3A, %dma_wait3A_1307, %dma_wait3A_1308] : memref<32x2048x128xf32, #tpu.memory_space<hbm>> -> memref<1x128x128xf32, #tpu.memory_space<hbm>>
      %dma_wait3A_1310 = tpu.memref_squeeze %dma_wait3A_1309 : memref<1x128x128xf32, #tpu.memory_space<hbm>> -> memref<128x128xf32, #tpu.memory_space<hbm>>
      tpu.wait_dma2 semaphore(%run_scoped3A : memref<!tpu.dma_semaphore, #tpu.memory_space<semaphore_mem>>) src(%arg9 : memref<128x128xf32, #tpu.memory_space<vmem>>) dst(%dma_wait3A_1310 : memref<128x128xf32, #tpu.memory_space<hbm>>)
      tpu.yield
    }) : () -> ()
    "tpu.region"() ({
      %run_scoped3A = tpu.sem_alloc : memref<!tpu.dma_semaphore, #tpu.memory_space<semaphore_mem>>
      %dma_start3A_1295 = arith.constant 384 : i32
      %dma_start3A_1296 = arith.constant 0 : i32
      %dma_start3A_1297 = tpu.memref_slice %arg6[%add3A, %dma_start3A_1295, %dma_start3A_1296] : memref<32x2048x128xf32, #tpu.memory_space<hbm>> -> memref<1x128x128xf32, #tpu.memory_space<hbm>>
      %dma_start3A_1298 = tpu.memref_squeeze %dma_start3A_1297 : memref<1x128x128xf32, #tpu.memory_space<hbm>> -> memref<128x128xf32, #tpu.memory_space<hbm>>
      %dma_start3A_1299 = arith.constant 384 : i32
      %dma_start3A_1300 = arith.constant 0 : i32
      %dma_start3A_1301 = tpu.memref_slice %arg6[%add3A, %dma_start3A_1299, %dma_start3A_1300] : memref<32x2048x128xf32, #tpu.memory_space<hbm>> -> memref<1x128x128xf32, #tpu.memory_space<hbm>>
      %dma_start3A_1302 = tpu.memref_squeeze %dma_start3A_1301 : memref<1x128x128xf32, #tpu.memory_space<hbm>> -> memref<128x128xf32, #tpu.memory_space<hbm>>
      tpu.enqueue_dma source(%arg10 : memref<128x128xf32, #tpu.memory_space<vmem>>) target(%dma_start3A_1302 : memref<128x128xf32, #tpu.memory_space<hbm>>) target_semaphore(%run_scoped3A : memref<!tpu.dma_semaphore, #tpu.memory_space<semaphore_mem>>)
      %dma_wait3A_1303 = arith.constant 384 : i32
      %dma_wait3A_1304 = arith.constant 0 : i32
      %dma_wait3A_1305 = tpu.memref_slice %arg6[%add3A, %dma_wait3A_1303, %dma_wait3A_1304] : memref<32x2048x128xf32, #tpu.memory_space<hbm>> -> memref<1x128x128xf32, #tpu.memory_space<hbm>>
      %dma_wait3A_1306 = tpu.memref_squeeze %dma_wait3A_1305 : memref<1x128x128xf32, #tpu.memory_space<hbm>> -> memref<128x128xf32, #tpu.memory_space<hbm>>
      %dma_wait3A_1307 = arith.constant 384 : i32
      %dma_wait3A_1308 = arith.constant 0 : i32
      %dma_wait3A_1309 = tpu.memref_slice %arg6[%add3A, %dma_wait3A_1307, %dma_wait3A_1308] : memref<32x2048x128xf32, #tpu.memory_space<hbm>> -> memref<1x128x128xf32, #tpu.memory_space<hbm>>
      %dma_wait3A_1310 = tpu.memref_squeeze %dma_wait3A_1309 : memref<1x128x128xf32, #tpu.memory_space<hbm>> -> memref<128x128xf32, #tpu.memory_space<hbm>>
      tpu.wait_dma2 semaphore(%run_scoped3A : memref<!tpu.dma_semaphore, #tpu.memory_space<semaphore_mem>>) src(%arg10 : memref<128x128xf32, #tpu.memory_space<vmem>>) dst(%dma_wait3A_1310 : memref<128x128xf32, #tpu.memory_space<hbm>>)
      tpu.yield
    }) : () -> ()
    %dma_start3A_1075 = arith.constant 768 : i32
    %dma_start3A_1076 = tpu.memref_slice %arg8[%dma_start3A_1075] : memref<2048xi32, #tpu.memory_space<vmem>> -> memref<128xi32, #tpu.memory_space<vmem>>
    %dma_start3A_1077 = arith.constant 0 : i32
    %dma_start3A_1078 = arith.constant 0 : i32
    %dma_start3A_1079 = tpu.memref_slice %arg3[%dma_start3A_1077, %dma_start3A_1078] : memref<131072x128xf32, #tpu.memory_space<hbm>> -> memref<131072x128xf32, #tpu.memory_space<hbm>>
    tpu.enqueue_indirect_dma source(%dma_start3A_1079 : memref<131072x128xf32, #tpu.memory_space<hbm>>) target(%arg9 : memref<128x128xf32, #tpu.memory_space<vmem>>) offsets(%dma_start3A_1076 : memref<128xi32, #tpu.memory_space<vmem>>) semaphore(%arg15 : memref<!tpu.dma_semaphore, #tpu.memory_space<semaphore_mem>>)
    %dma_start3A_1080 = arith.constant 768 : i32
    %dma_start3A_1081 = tpu.memref_slice %arg8[%dma_start3A_1080] : memref<2048xi32, #tpu.memory_space<vmem>> -> memref<128xi32, #tpu.memory_space<vmem>>
    %dma_start3A_1082 = arith.constant 0 : i32
    %dma_start3A_1083 = arith.constant 0 : i32
    %dma_start3A_1084 = tpu.memref_slice %arg4[%dma_start3A_1082, %dma_start3A_1083] : memref<131072x128xf32, #tpu.memory_space<hbm>> -> memref<131072x128xf32, #tpu.memory_space<hbm>>
    tpu.enqueue_indirect_dma source(%dma_start3A_1084 : memref<131072x128xf32, #tpu.memory_space<hbm>>) target(%arg10 : memref<128x128xf32, #tpu.memory_space<vmem>>) offsets(%dma_start3A_1081 : memref<128xi32, #tpu.memory_space<vmem>>) semaphore(%arg15 : memref<!tpu.dma_semaphore, #tpu.memory_space<semaphore_mem>>)
    %dma_wait3A_1085 = arith.constant 512 : i32
    %dma_wait3A_1086 = tpu.memref_slice %arg8[%dma_wait3A_1085] : memref<2048xi32, #tpu.memory_space<vmem>> -> memref<128xi32, #tpu.memory_space<vmem>>
    %dma_wait3A_1087 = arith.constant 0 : i32
    %dma_wait3A_1088 = arith.constant 0 : i32
    %dma_wait3A_1089 = tpu.memref_slice %arg3[%dma_wait3A_1087, %dma_wait3A_1088] : memref<131072x128xf32, #tpu.memory_space<hbm>> -> memref<131072x128xf32, #tpu.memory_space<hbm>>
    tpu.wait_indirect_dma semaphore(%arg15 : memref<!tpu.dma_semaphore, #tpu.memory_space<semaphore_mem>>) src(%dma_wait3A_1089 : memref<131072x128xf32, #tpu.memory_space<hbm>>) dst(%arg11 : memref<128x128xf32, #tpu.memory_space<vmem>>)
    %dma_wait3A_1090 = arith.constant 512 : i32
    %dma_wait3A_1091 = tpu.memref_slice %arg8[%dma_wait3A_1090] : memref<2048xi32, #tpu.memory_space<vmem>> -> memref<128xi32, #tpu.memory_space<vmem>>
    %dma_wait3A_1092 = arith.constant 0 : i32
    %dma_wait3A_1093 = arith.constant 0 : i32
    %dma_wait3A_1094 = tpu.memref_slice %arg4[%dma_wait3A_1092, %dma_wait3A_1093] : memref<131072x128xf32, #tpu.memory_space<hbm>> -> memref<131072x128xf32, #tpu.memory_space<hbm>>
    tpu.wait_indirect_dma semaphore(%arg15 : memref<!tpu.dma_semaphore, #tpu.memory_space<semaphore_mem>>) src(%dma_wait3A_1094 : memref<131072x128xf32, #tpu.memory_space<hbm>>) dst(%arg12 : memref<128x128xf32, #tpu.memory_space<vmem>>)
    "tpu.region"() ({
      %run_scoped3A = tpu.sem_alloc : memref<!tpu.dma_semaphore, #tpu.memory_space<semaphore_mem>>
      %dma_start3A_1295 = arith.constant 512 : i32
      %dma_start3A_1296 = arith.constant 0 : i32
      %dma_start3A_1297 = tpu.memref_slice %arg5[%add3A, %dma_start3A_1295, %dma_start3A_1296] : memref<32x2048x128xf32, #tpu.memory_space<hbm>> -> memref<1x128x128xf32, #tpu.memory_space<hbm>>
      %dma_start3A_1298 = tpu.memref_squeeze %dma_start3A_1297 : memref<1x128x128xf32, #tpu.memory_space<hbm>> -> memref<128x128xf32, #tpu.memory_space<hbm>>
      %dma_start3A_1299 = arith.constant 512 : i32
      %dma_start3A_1300 = arith.constant 0 : i32
      %dma_start3A_1301 = tpu.memref_slice %arg5[%add3A, %dma_start3A_1299, %dma_start3A_1300] : memref<32x2048x128xf32, #tpu.memory_space<hbm>> -> memref<1x128x128xf32, #tpu.memory_space<hbm>>
      %dma_start3A_1302 = tpu.memref_squeeze %dma_start3A_1301 : memref<1x128x128xf32, #tpu.memory_space<hbm>> -> memref<128x128xf32, #tpu.memory_space<hbm>>
      tpu.enqueue_dma source(%arg11 : memref<128x128xf32, #tpu.memory_space<vmem>>) target(%dma_start3A_1302 : memref<128x128xf32, #tpu.memory_space<hbm>>) target_semaphore(%run_scoped3A : memref<!tpu.dma_semaphore, #tpu.memory_space<semaphore_mem>>)
      %dma_wait3A_1303 = arith.constant 512 : i32
      %dma_wait3A_1304 = arith.constant 0 : i32
      %dma_wait3A_1305 = tpu.memref_slice %arg5[%add3A, %dma_wait3A_1303, %dma_wait3A_1304] : memref<32x2048x128xf32, #tpu.memory_space<hbm>> -> memref<1x128x128xf32, #tpu.memory_space<hbm>>
      %dma_wait3A_1306 = tpu.memref_squeeze %dma_wait3A_1305 : memref<1x128x128xf32, #tpu.memory_space<hbm>> -> memref<128x128xf32, #tpu.memory_space<hbm>>
      %dma_wait3A_1307 = arith.constant 512 : i32
      %dma_wait3A_1308 = arith.constant 0 : i32
      %dma_wait3A_1309 = tpu.memref_slice %arg5[%add3A, %dma_wait3A_1307, %dma_wait3A_1308] : memref<32x2048x128xf32, #tpu.memory_space<hbm>> -> memref<1x128x128xf32, #tpu.memory_space<hbm>>
      %dma_wait3A_1310 = tpu.memref_squeeze %dma_wait3A_1309 : memref<1x128x128xf32, #tpu.memory_space<hbm>> -> memref<128x128xf32, #tpu.memory_space<hbm>>
      tpu.wait_dma2 semaphore(%run_scoped3A : memref<!tpu.dma_semaphore, #tpu.memory_space<semaphore_mem>>) src(%arg11 : memref<128x128xf32, #tpu.memory_space<vmem>>) dst(%dma_wait3A_1310 : memref<128x128xf32, #tpu.memory_space<hbm>>)
      tpu.yield
    }) : () -> ()
    "tpu.region"() ({
      %run_scoped3A = tpu.sem_alloc : memref<!tpu.dma_semaphore, #tpu.memory_space<semaphore_mem>>
      %dma_start3A_1295 = arith.constant 512 : i32
      %dma_start3A_1296 = arith.constant 0 : i32
      %dma_start3A_1297 = tpu.memref_slice %arg6[%add3A, %dma_start3A_1295, %dma_start3A_1296] : memref<32x2048x128xf32, #tpu.memory_space<hbm>> -> memref<1x128x128xf32, #tpu.memory_space<hbm>>
      %dma_start3A_1298 = tpu.memref_squeeze %dma_start3A_1297 : memref<1x128x128xf32, #tpu.memory_space<hbm>> -> memref<128x128xf32, #tpu.memory_space<hbm>>
      %dma_start3A_1299 = arith.constant 512 : i32
      %dma_start3A_1300 = arith.constant 0 : i32
      %dma_start3A_1301 = tpu.memref_slice %arg6[%add3A, %dma_start3A_1299, %dma_start3A_1300] : memref<32x2048x128xf32, #tpu.memory_space<hbm>> -> memref<1x128x128xf32, #tpu.memory_space<hbm>>
      %dma_start3A_1302 = tpu.memref_squeeze %dma_start3A_1301 : memref<1x128x128xf32, #tpu.memory_space<hbm>> -> memref<128x128xf32, #tpu.memory_space<hbm>>
      tpu.enqueue_dma source(%arg12 : memref<128x128xf32, #tpu.memory_space<vmem>>) target(%dma_start3A_1302 : memref<128x128xf32, #tpu.memory_space<hbm>>) target_semaphore(%run_scoped3A : memref<!tpu.dma_semaphore, #tpu.memory_space<semaphore_mem>>)
      %dma_wait3A_1303 = arith.constant 512 : i32
      %dma_wait3A_1304 = arith.constant 0 : i32
      %dma_wait3A_1305 = tpu.memref_slice %arg6[%add3A, %dma_wait3A_1303, %dma_wait3A_1304] : memref<32x2048x128xf32, #tpu.memory_space<hbm>> -> memref<1x128x128xf32, #tpu.memory_space<hbm>>
      %dma_wait3A_1306 = tpu.memref_squeeze %dma_wait3A_1305 : memref<1x128x128xf32, #tpu.memory_space<hbm>> -> memref<128x128xf32, #tpu.memory_space<hbm>>
      %dma_wait3A_1307 = arith.constant 512 : i32
      %dma_wait3A_1308 = arith.constant 0 : i32
      %dma_wait3A_1309 = tpu.memref_slice %arg6[%add3A, %dma_wait3A_1307, %dma_wait3A_1308] : memref<32x2048x128xf32, #tpu.memory_space<hbm>> -> memref<1x128x128xf32, #tpu.memory_space<hbm>>
      %dma_wait3A_1310 = tpu.memref_squeeze %dma_wait3A_1309 : memref<1x128x128xf32, #tpu.memory_space<hbm>> -> memref<128x128xf32, #tpu.memory_space<hbm>>
      tpu.wait_dma2 semaphore(%run_scoped3A : memref<!tpu.dma_semaphore, #tpu.memory_space<semaphore_mem>>) src(%arg12 : memref<128x128xf32, #tpu.memory_space<vmem>>) dst(%dma_wait3A_1310 : memref<128x128xf32, #tpu.memory_space<hbm>>)
      tpu.yield
    }) : () -> ()
    %dma_start3A_1095 = arith.constant 896 : i32
    %dma_start3A_1096 = tpu.memref_slice %arg8[%dma_start3A_1095] : memref<2048xi32, #tpu.memory_space<vmem>> -> memref<128xi32, #tpu.memory_space<vmem>>
    %dma_start3A_1097 = arith.constant 0 : i32
    %dma_start3A_1098 = arith.constant 0 : i32
    %dma_start3A_1099 = tpu.memref_slice %arg3[%dma_start3A_1097, %dma_start3A_1098] : memref<131072x128xf32, #tpu.memory_space<hbm>> -> memref<131072x128xf32, #tpu.memory_space<hbm>>
    tpu.enqueue_indirect_dma source(%dma_start3A_1099 : memref<131072x128xf32, #tpu.memory_space<hbm>>) target(%arg11 : memref<128x128xf32, #tpu.memory_space<vmem>>) offsets(%dma_start3A_1096 : memref<128xi32, #tpu.memory_space<vmem>>) semaphore(%arg15 : memref<!tpu.dma_semaphore, #tpu.memory_space<semaphore_mem>>)
    %dma_start3A_1100 = arith.constant 896 : i32
    %dma_start3A_1101 = tpu.memref_slice %arg8[%dma_start3A_1100] : memref<2048xi32, #tpu.memory_space<vmem>> -> memref<128xi32, #tpu.memory_space<vmem>>
    %dma_start3A_1102 = arith.constant 0 : i32
    %dma_start3A_1103 = arith.constant 0 : i32
    %dma_start3A_1104 = tpu.memref_slice %arg4[%dma_start3A_1102, %dma_start3A_1103] : memref<131072x128xf32, #tpu.memory_space<hbm>> -> memref<131072x128xf32, #tpu.memory_space<hbm>>
    tpu.enqueue_indirect_dma source(%dma_start3A_1104 : memref<131072x128xf32, #tpu.memory_space<hbm>>) target(%arg12 : memref<128x128xf32, #tpu.memory_space<vmem>>) offsets(%dma_start3A_1101 : memref<128xi32, #tpu.memory_space<vmem>>) semaphore(%arg15 : memref<!tpu.dma_semaphore, #tpu.memory_space<semaphore_mem>>)
    %dma_wait3A_1105 = arith.constant 640 : i32
    %dma_wait3A_1106 = tpu.memref_slice %arg8[%dma_wait3A_1105] : memref<2048xi32, #tpu.memory_space<vmem>> -> memref<128xi32, #tpu.memory_space<vmem>>
    %dma_wait3A_1107 = arith.constant 0 : i32
    %dma_wait3A_1108 = arith.constant 0 : i32
    %dma_wait3A_1109 = tpu.memref_slice %arg3[%dma_wait3A_1107, %dma_wait3A_1108] : memref<131072x128xf32, #tpu.memory_space<hbm>> -> memref<131072x128xf32, #tpu.memory_space<hbm>>
    tpu.wait_indirect_dma semaphore(%arg15 : memref<!tpu.dma_semaphore, #tpu.memory_space<semaphore_mem>>) src(%dma_wait3A_1109 : memref<131072x128xf32, #tpu.memory_space<hbm>>) dst(%arg13 : memref<128x128xf32, #tpu.memory_space<vmem>>)
    %dma_wait3A_1110 = arith.constant 640 : i32
    %dma_wait3A_1111 = tpu.memref_slice %arg8[%dma_wait3A_1110] : memref<2048xi32, #tpu.memory_space<vmem>> -> memref<128xi32, #tpu.memory_space<vmem>>
    %dma_wait3A_1112 = arith.constant 0 : i32
    %dma_wait3A_1113 = arith.constant 0 : i32
    %dma_wait3A_1114 = tpu.memref_slice %arg4[%dma_wait3A_1112, %dma_wait3A_1113] : memref<131072x128xf32, #tpu.memory_space<hbm>> -> memref<131072x128xf32, #tpu.memory_space<hbm>>
    tpu.wait_indirect_dma semaphore(%arg15 : memref<!tpu.dma_semaphore, #tpu.memory_space<semaphore_mem>>) src(%dma_wait3A_1114 : memref<131072x128xf32, #tpu.memory_space<hbm>>) dst(%arg14 : memref<128x128xf32, #tpu.memory_space<vmem>>)
    "tpu.region"() ({
      %run_scoped3A = tpu.sem_alloc : memref<!tpu.dma_semaphore, #tpu.memory_space<semaphore_mem>>
      %dma_start3A_1295 = arith.constant 640 : i32
      %dma_start3A_1296 = arith.constant 0 : i32
      %dma_start3A_1297 = tpu.memref_slice %arg5[%add3A, %dma_start3A_1295, %dma_start3A_1296] : memref<32x2048x128xf32, #tpu.memory_space<hbm>> -> memref<1x128x128xf32, #tpu.memory_space<hbm>>
      %dma_start3A_1298 = tpu.memref_squeeze %dma_start3A_1297 : memref<1x128x128xf32, #tpu.memory_space<hbm>> -> memref<128x128xf32, #tpu.memory_space<hbm>>
      %dma_start3A_1299 = arith.constant 640 : i32
      %dma_start3A_1300 = arith.constant 0 : i32
      %dma_start3A_1301 = tpu.memref_slice %arg5[%add3A, %dma_start3A_1299, %dma_start3A_1300] : memref<32x2048x128xf32, #tpu.memory_space<hbm>> -> memref<1x128x128xf32, #tpu.memory_space<hbm>>
      %dma_start3A_1302 = tpu.memref_squeeze %dma_start3A_1301 : memref<1x128x128xf32, #tpu.memory_space<hbm>> -> memref<128x128xf32, #tpu.memory_space<hbm>>
      tpu.enqueue_dma source(%arg13 : memref<128x128xf32, #tpu.memory_space<vmem>>) target(%dma_start3A_1302 : memref<128x128xf32, #tpu.memory_space<hbm>>) target_semaphore(%run_scoped3A : memref<!tpu.dma_semaphore, #tpu.memory_space<semaphore_mem>>)
      %dma_wait3A_1303 = arith.constant 640 : i32
      %dma_wait3A_1304 = arith.constant 0 : i32
      %dma_wait3A_1305 = tpu.memref_slice %arg5[%add3A, %dma_wait3A_1303, %dma_wait3A_1304] : memref<32x2048x128xf32, #tpu.memory_space<hbm>> -> memref<1x128x128xf32, #tpu.memory_space<hbm>>
      %dma_wait3A_1306 = tpu.memref_squeeze %dma_wait3A_1305 : memref<1x128x128xf32, #tpu.memory_space<hbm>> -> memref<128x128xf32, #tpu.memory_space<hbm>>
      %dma_wait3A_1307 = arith.constant 640 : i32
      %dma_wait3A_1308 = arith.constant 0 : i32
      %dma_wait3A_1309 = tpu.memref_slice %arg5[%add3A, %dma_wait3A_1307, %dma_wait3A_1308] : memref<32x2048x128xf32, #tpu.memory_space<hbm>> -> memref<1x128x128xf32, #tpu.memory_space<hbm>>
      %dma_wait3A_1310 = tpu.memref_squeeze %dma_wait3A_1309 : memref<1x128x128xf32, #tpu.memory_space<hbm>> -> memref<128x128xf32, #tpu.memory_space<hbm>>
      tpu.wait_dma2 semaphore(%run_scoped3A : memref<!tpu.dma_semaphore, #tpu.memory_space<semaphore_mem>>) src(%arg13 : memref<128x128xf32, #tpu.memory_space<vmem>>) dst(%dma_wait3A_1310 : memref<128x128xf32, #tpu.memory_space<hbm>>)
      tpu.yield
    }) : () -> ()
    "tpu.region"() ({
      %run_scoped3A = tpu.sem_alloc : memref<!tpu.dma_semaphore, #tpu.memory_space<semaphore_mem>>
      %dma_start3A_1295 = arith.constant 640 : i32
      %dma_start3A_1296 = arith.constant 0 : i32
      %dma_start3A_1297 = tpu.memref_slice %arg6[%add3A, %dma_start3A_1295, %dma_start3A_1296] : memref<32x2048x128xf32, #tpu.memory_space<hbm>> -> memref<1x128x128xf32, #tpu.memory_space<hbm>>
      %dma_start3A_1298 = tpu.memref_squeeze %dma_start3A_1297 : memref<1x128x128xf32, #tpu.memory_space<hbm>> -> memref<128x128xf32, #tpu.memory_space<hbm>>
      %dma_start3A_1299 = arith.constant 640 : i32
      %dma_start3A_1300 = arith.constant 0 : i32
      %dma_start3A_1301 = tpu.memref_slice %arg6[%add3A, %dma_start3A_1299, %dma_start3A_1300] : memref<32x2048x128xf32, #tpu.memory_space<hbm>> -> memref<1x128x128xf32, #tpu.memory_space<hbm>>
      %dma_start3A_1302 = tpu.memref_squeeze %dma_start3A_1301 : memref<1x128x128xf32, #tpu.memory_space<hbm>> -> memref<128x128xf32, #tpu.memory_space<hbm>>
      tpu.enqueue_dma source(%arg14 : memref<128x128xf32, #tpu.memory_space<vmem>>) target(%dma_start3A_1302 : memref<128x128xf32, #tpu.memory_space<hbm>>) target_semaphore(%run_scoped3A : memref<!tpu.dma_semaphore, #tpu.memory_space<semaphore_mem>>)
      %dma_wait3A_1303 = arith.constant 640 : i32
      %dma_wait3A_1304 = arith.constant 0 : i32
      %dma_wait3A_1305 = tpu.memref_slice %arg6[%add3A, %dma_wait3A_1303, %dma_wait3A_1304] : memref<32x2048x128xf32, #tpu.memory_space<hbm>> -> memref<1x128x128xf32, #tpu.memory_space<hbm>>
      %dma_wait3A_1306 = tpu.memref_squeeze %dma_wait3A_1305 : memref<1x128x128xf32, #tpu.memory_space<hbm>> -> memref<128x128xf32, #tpu.memory_space<hbm>>
      %dma_wait3A_1307 = arith.constant 640 : i32
      %dma_wait3A_1308 = arith.constant 0 : i32
      %dma_wait3A_1309 = tpu.memref_slice %arg6[%add3A, %dma_wait3A_1307, %dma_wait3A_1308] : memref<32x2048x128xf32, #tpu.memory_space<hbm>> -> memref<1x128x128xf32, #tpu.memory_space<hbm>>
      %dma_wait3A_1310 = tpu.memref_squeeze %dma_wait3A_1309 : memref<1x128x128xf32, #tpu.memory_space<hbm>> -> memref<128x128xf32, #tpu.memory_space<hbm>>
      tpu.wait_dma2 semaphore(%run_scoped3A : memref<!tpu.dma_semaphore, #tpu.memory_space<semaphore_mem>>) src(%arg14 : memref<128x128xf32, #tpu.memory_space<vmem>>) dst(%dma_wait3A_1310 : memref<128x128xf32, #tpu.memory_space<hbm>>)
      tpu.yield
    }) : () -> ()
    %dma_start3A_1115 = arith.constant 1024 : i32
    %dma_start3A_1116 = tpu.memref_slice %arg8[%dma_start3A_1115] : memref<2048xi32, #tpu.memory_space<vmem>> -> memref<128xi32, #tpu.memory_space<vmem>>
    %dma_start3A_1117 = arith.constant 0 : i32
    %dma_start3A_1118 = arith.constant 0 : i32
    %dma_start3A_1119 = tpu.memref_slice %arg3[%dma_start3A_1117, %dma_start3A_1118] : memref<131072x128xf32, #tpu.memory_space<hbm>> -> memref<131072x128xf32, #tpu.memory_space<hbm>>
    tpu.enqueue_indirect_dma source(%dma_start3A_1119 : memref<131072x128xf32, #tpu.memory_space<hbm>>) target(%arg13 : memref<128x128xf32, #tpu.memory_space<vmem>>) offsets(%dma_start3A_1116 : memref<128xi32, #tpu.memory_space<vmem>>) semaphore(%arg15 : memref<!tpu.dma_semaphore, #tpu.memory_space<semaphore_mem>>)
    %dma_start3A_1120 = arith.constant 1024 : i32
    %dma_start3A_1121 = tpu.memref_slice %arg8[%dma_start3A_1120] : memref<2048xi32, #tpu.memory_space<vmem>> -> memref<128xi32, #tpu.memory_space<vmem>>
    %dma_start3A_1122 = arith.constant 0 : i32
    %dma_start3A_1123 = arith.constant 0 : i32
    %dma_start3A_1124 = tpu.memref_slice %arg4[%dma_start3A_1122, %dma_start3A_1123] : memref<131072x128xf32, #tpu.memory_space<hbm>> -> memref<131072x128xf32, #tpu.memory_space<hbm>>
    tpu.enqueue_indirect_dma source(%dma_start3A_1124 : memref<131072x128xf32, #tpu.memory_space<hbm>>) target(%arg14 : memref<128x128xf32, #tpu.memory_space<vmem>>) offsets(%dma_start3A_1121 : memref<128xi32, #tpu.memory_space<vmem>>) semaphore(%arg15 : memref<!tpu.dma_semaphore, #tpu.memory_space<semaphore_mem>>)
    %dma_wait3A_1125 = arith.constant 768 : i32
    %dma_wait3A_1126 = tpu.memref_slice %arg8[%dma_wait3A_1125] : memref<2048xi32, #tpu.memory_space<vmem>> -> memref<128xi32, #tpu.memory_space<vmem>>
    %dma_wait3A_1127 = arith.constant 0 : i32
    %dma_wait3A_1128 = arith.constant 0 : i32
    %dma_wait3A_1129 = tpu.memref_slice %arg3[%dma_wait3A_1127, %dma_wait3A_1128] : memref<131072x128xf32, #tpu.memory_space<hbm>> -> memref<131072x128xf32, #tpu.memory_space<hbm>>
    tpu.wait_indirect_dma semaphore(%arg15 : memref<!tpu.dma_semaphore, #tpu.memory_space<semaphore_mem>>) src(%dma_wait3A_1129 : memref<131072x128xf32, #tpu.memory_space<hbm>>) dst(%arg9 : memref<128x128xf32, #tpu.memory_space<vmem>>)
    %dma_wait3A_1130 = arith.constant 768 : i32
    %dma_wait3A_1131 = tpu.memref_slice %arg8[%dma_wait3A_1130] : memref<2048xi32, #tpu.memory_space<vmem>> -> memref<128xi32, #tpu.memory_space<vmem>>
    %dma_wait3A_1132 = arith.constant 0 : i32
    %dma_wait3A_1133 = arith.constant 0 : i32
    %dma_wait3A_1134 = tpu.memref_slice %arg4[%dma_wait3A_1132, %dma_wait3A_1133] : memref<131072x128xf32, #tpu.memory_space<hbm>> -> memref<131072x128xf32, #tpu.memory_space<hbm>>
    tpu.wait_indirect_dma semaphore(%arg15 : memref<!tpu.dma_semaphore, #tpu.memory_space<semaphore_mem>>) src(%dma_wait3A_1134 : memref<131072x128xf32, #tpu.memory_space<hbm>>) dst(%arg10 : memref<128x128xf32, #tpu.memory_space<vmem>>)
    "tpu.region"() ({
      %run_scoped3A = tpu.sem_alloc : memref<!tpu.dma_semaphore, #tpu.memory_space<semaphore_mem>>
      %dma_start3A_1295 = arith.constant 768 : i32
      %dma_start3A_1296 = arith.constant 0 : i32
      %dma_start3A_1297 = tpu.memref_slice %arg5[%add3A, %dma_start3A_1295, %dma_start3A_1296] : memref<32x2048x128xf32, #tpu.memory_space<hbm>> -> memref<1x128x128xf32, #tpu.memory_space<hbm>>
      %dma_start3A_1298 = tpu.memref_squeeze %dma_start3A_1297 : memref<1x128x128xf32, #tpu.memory_space<hbm>> -> memref<128x128xf32, #tpu.memory_space<hbm>>
      %dma_start3A_1299 = arith.constant 768 : i32
      %dma_start3A_1300 = arith.constant 0 : i32
      %dma_start3A_1301 = tpu.memref_slice %arg5[%add3A, %dma_start3A_1299, %dma_start3A_1300] : memref<32x2048x128xf32, #tpu.memory_space<hbm>> -> memref<1x128x128xf32, #tpu.memory_space<hbm>>
      %dma_start3A_1302 = tpu.memref_squeeze %dma_start3A_1301 : memref<1x128x128xf32, #tpu.memory_space<hbm>> -> memref<128x128xf32, #tpu.memory_space<hbm>>
      tpu.enqueue_dma source(%arg9 : memref<128x128xf32, #tpu.memory_space<vmem>>) target(%dma_start3A_1302 : memref<128x128xf32, #tpu.memory_space<hbm>>) target_semaphore(%run_scoped3A : memref<!tpu.dma_semaphore, #tpu.memory_space<semaphore_mem>>)
      %dma_wait3A_1303 = arith.constant 768 : i32
      %dma_wait3A_1304 = arith.constant 0 : i32
      %dma_wait3A_1305 = tpu.memref_slice %arg5[%add3A, %dma_wait3A_1303, %dma_wait3A_1304] : memref<32x2048x128xf32, #tpu.memory_space<hbm>> -> memref<1x128x128xf32, #tpu.memory_space<hbm>>
      %dma_wait3A_1306 = tpu.memref_squeeze %dma_wait3A_1305 : memref<1x128x128xf32, #tpu.memory_space<hbm>> -> memref<128x128xf32, #tpu.memory_space<hbm>>
      %dma_wait3A_1307 = arith.constant 768 : i32
      %dma_wait3A_1308 = arith.constant 0 : i32
      %dma_wait3A_1309 = tpu.memref_slice %arg5[%add3A, %dma_wait3A_1307, %dma_wait3A_1308] : memref<32x2048x128xf32, #tpu.memory_space<hbm>> -> memref<1x128x128xf32, #tpu.memory_space<hbm>>
      %dma_wait3A_1310 = tpu.memref_squeeze %dma_wait3A_1309 : memref<1x128x128xf32, #tpu.memory_space<hbm>> -> memref<128x128xf32, #tpu.memory_space<hbm>>
      tpu.wait_dma2 semaphore(%run_scoped3A : memref<!tpu.dma_semaphore, #tpu.memory_space<semaphore_mem>>) src(%arg9 : memref<128x128xf32, #tpu.memory_space<vmem>>) dst(%dma_wait3A_1310 : memref<128x128xf32, #tpu.memory_space<hbm>>)
      tpu.yield
    }) : () -> ()
    "tpu.region"() ({
      %run_scoped3A = tpu.sem_alloc : memref<!tpu.dma_semaphore, #tpu.memory_space<semaphore_mem>>
      %dma_start3A_1295 = arith.constant 768 : i32
      %dma_start3A_1296 = arith.constant 0 : i32
      %dma_start3A_1297 = tpu.memref_slice %arg6[%add3A, %dma_start3A_1295, %dma_start3A_1296] : memref<32x2048x128xf32, #tpu.memory_space<hbm>> -> memref<1x128x128xf32, #tpu.memory_space<hbm>>
      %dma_start3A_1298 = tpu.memref_squeeze %dma_start3A_1297 : memref<1x128x128xf32, #tpu.memory_space<hbm>> -> memref<128x128xf32, #tpu.memory_space<hbm>>
      %dma_start3A_1299 = arith.constant 768 : i32
      %dma_start3A_1300 = arith.constant 0 : i32
      %dma_start3A_1301 = tpu.memref_slice %arg6[%add3A, %dma_start3A_1299, %dma_start3A_1300] : memref<32x2048x128xf32, #tpu.memory_space<hbm>> -> memref<1x128x128xf32, #tpu.memory_space<hbm>>
      %dma_start3A_1302 = tpu.memref_squeeze %dma_start3A_1301 : memref<1x128x128xf32, #tpu.memory_space<hbm>> -> memref<128x128xf32, #tpu.memory_space<hbm>>
      tpu.enqueue_dma source(%arg10 : memref<128x128xf32, #tpu.memory_space<vmem>>) target(%dma_start3A_1302 : memref<128x128xf32, #tpu.memory_space<hbm>>) target_semaphore(%run_scoped3A : memref<!tpu.dma_semaphore, #tpu.memory_space<semaphore_mem>>)
      %dma_wait3A_1303 = arith.constant 768 : i32
      %dma_wait3A_1304 = arith.constant 0 : i32
      %dma_wait3A_1305 = tpu.memref_slice %arg6[%add3A, %dma_wait3A_1303, %dma_wait3A_1304] : memref<32x2048x128xf32, #tpu.memory_space<hbm>> -> memref<1x128x128xf32, #tpu.memory_space<hbm>>
      %dma_wait3A_1306 = tpu.memref_squeeze %dma_wait3A_1305 : memref<1x128x128xf32, #tpu.memory_space<hbm>> -> memref<128x128xf32, #tpu.memory_space<hbm>>
      %dma_wait3A_1307 = arith.constant 768 : i32
      %dma_wait3A_1308 = arith.constant 0 : i32
      %dma_wait3A_1309 = tpu.memref_slice %arg6[%add3A, %dma_wait3A_1307, %dma_wait3A_1308] : memref<32x2048x128xf32, #tpu.memory_space<hbm>> -> memref<1x128x128xf32, #tpu.memory_space<hbm>>
      %dma_wait3A_1310 = tpu.memref_squeeze %dma_wait3A_1309 : memref<1x128x128xf32, #tpu.memory_space<hbm>> -> memref<128x128xf32, #tpu.memory_space<hbm>>
      tpu.wait_dma2 semaphore(%run_scoped3A : memref<!tpu.dma_semaphore, #tpu.memory_space<semaphore_mem>>) src(%arg10 : memref<128x128xf32, #tpu.memory_space<vmem>>) dst(%dma_wait3A_1310 : memref<128x128xf32, #tpu.memory_space<hbm>>)
      tpu.yield
    }) : () -> ()
    %dma_start3A_1135 = arith.constant 1152 : i32
    %dma_start3A_1136 = tpu.memref_slice %arg8[%dma_start3A_1135] : memref<2048xi32, #tpu.memory_space<vmem>> -> memref<128xi32, #tpu.memory_space<vmem>>
    %dma_start3A_1137 = arith.constant 0 : i32
    %dma_start3A_1138 = arith.constant 0 : i32
    %dma_start3A_1139 = tpu.memref_slice %arg3[%dma_start3A_1137, %dma_start3A_1138] : memref<131072x128xf32, #tpu.memory_space<hbm>> -> memref<131072x128xf32, #tpu.memory_space<hbm>>
    tpu.enqueue_indirect_dma source(%dma_start3A_1139 : memref<131072x128xf32, #tpu.memory_space<hbm>>) target(%arg9 : memref<128x128xf32, #tpu.memory_space<vmem>>) offsets(%dma_start3A_1136 : memref<128xi32, #tpu.memory_space<vmem>>) semaphore(%arg15 : memref<!tpu.dma_semaphore, #tpu.memory_space<semaphore_mem>>)
    %dma_start3A_1140 = arith.constant 1152 : i32
    %dma_start3A_1141 = tpu.memref_slice %arg8[%dma_start3A_1140] : memref<2048xi32, #tpu.memory_space<vmem>> -> memref<128xi32, #tpu.memory_space<vmem>>
    %dma_start3A_1142 = arith.constant 0 : i32
    %dma_start3A_1143 = arith.constant 0 : i32
    %dma_start3A_1144 = tpu.memref_slice %arg4[%dma_start3A_1142, %dma_start3A_1143] : memref<131072x128xf32, #tpu.memory_space<hbm>> -> memref<131072x128xf32, #tpu.memory_space<hbm>>
    tpu.enqueue_indirect_dma source(%dma_start3A_1144 : memref<131072x128xf32, #tpu.memory_space<hbm>>) target(%arg10 : memref<128x128xf32, #tpu.memory_space<vmem>>) offsets(%dma_start3A_1141 : memref<128xi32, #tpu.memory_space<vmem>>) semaphore(%arg15 : memref<!tpu.dma_semaphore, #tpu.memory_space<semaphore_mem>>)
    %dma_wait3A_1145 = arith.constant 896 : i32
    %dma_wait3A_1146 = tpu.memref_slice %arg8[%dma_wait3A_1145] : memref<2048xi32, #tpu.memory_space<vmem>> -> memref<128xi32, #tpu.memory_space<vmem>>
    %dma_wait3A_1147 = arith.constant 0 : i32
    %dma_wait3A_1148 = arith.constant 0 : i32
    %dma_wait3A_1149 = tpu.memref_slice %arg3[%dma_wait3A_1147, %dma_wait3A_1148] : memref<131072x128xf32, #tpu.memory_space<hbm>> -> memref<131072x128xf32, #tpu.memory_space<hbm>>
    tpu.wait_indirect_dma semaphore(%arg15 : memref<!tpu.dma_semaphore, #tpu.memory_space<semaphore_mem>>) src(%dma_wait3A_1149 : memref<131072x128xf32, #tpu.memory_space<hbm>>) dst(%arg11 : memref<128x128xf32, #tpu.memory_space<vmem>>)
    %dma_wait3A_1150 = arith.constant 896 : i32
    %dma_wait3A_1151 = tpu.memref_slice %arg8[%dma_wait3A_1150] : memref<2048xi32, #tpu.memory_space<vmem>> -> memref<128xi32, #tpu.memory_space<vmem>>
    %dma_wait3A_1152 = arith.constant 0 : i32
    %dma_wait3A_1153 = arith.constant 0 : i32
    %dma_wait3A_1154 = tpu.memref_slice %arg4[%dma_wait3A_1152, %dma_wait3A_1153] : memref<131072x128xf32, #tpu.memory_space<hbm>> -> memref<131072x128xf32, #tpu.memory_space<hbm>>
    tpu.wait_indirect_dma semaphore(%arg15 : memref<!tpu.dma_semaphore, #tpu.memory_space<semaphore_mem>>) src(%dma_wait3A_1154 : memref<131072x128xf32, #tpu.memory_space<hbm>>) dst(%arg12 : memref<128x128xf32, #tpu.memory_space<vmem>>)
    "tpu.region"() ({
      %run_scoped3A = tpu.sem_alloc : memref<!tpu.dma_semaphore, #tpu.memory_space<semaphore_mem>>
      %dma_start3A_1295 = arith.constant 896 : i32
      %dma_start3A_1296 = arith.constant 0 : i32
      %dma_start3A_1297 = tpu.memref_slice %arg5[%add3A, %dma_start3A_1295, %dma_start3A_1296] : memref<32x2048x128xf32, #tpu.memory_space<hbm>> -> memref<1x128x128xf32, #tpu.memory_space<hbm>>
      %dma_start3A_1298 = tpu.memref_squeeze %dma_start3A_1297 : memref<1x128x128xf32, #tpu.memory_space<hbm>> -> memref<128x128xf32, #tpu.memory_space<hbm>>
      %dma_start3A_1299 = arith.constant 896 : i32
      %dma_start3A_1300 = arith.constant 0 : i32
      %dma_start3A_1301 = tpu.memref_slice %arg5[%add3A, %dma_start3A_1299, %dma_start3A_1300] : memref<32x2048x128xf32, #tpu.memory_space<hbm>> -> memref<1x128x128xf32, #tpu.memory_space<hbm>>
      %dma_start3A_1302 = tpu.memref_squeeze %dma_start3A_1301 : memref<1x128x128xf32, #tpu.memory_space<hbm>> -> memref<128x128xf32, #tpu.memory_space<hbm>>
      tpu.enqueue_dma source(%arg11 : memref<128x128xf32, #tpu.memory_space<vmem>>) target(%dma_start3A_1302 : memref<128x128xf32, #tpu.memory_space<hbm>>) target_semaphore(%run_scoped3A : memref<!tpu.dma_semaphore, #tpu.memory_space<semaphore_mem>>)
      %dma_wait3A_1303 = arith.constant 896 : i32
      %dma_wait3A_1304 = arith.constant 0 : i32
      %dma_wait3A_1305 = tpu.memref_slice %arg5[%add3A, %dma_wait3A_1303, %dma_wait3A_1304] : memref<32x2048x128xf32, #tpu.memory_space<hbm>> -> memref<1x128x128xf32, #tpu.memory_space<hbm>>
      %dma_wait3A_1306 = tpu.memref_squeeze %dma_wait3A_1305 : memref<1x128x128xf32, #tpu.memory_space<hbm>> -> memref<128x128xf32, #tpu.memory_space<hbm>>
      %dma_wait3A_1307 = arith.constant 896 : i32
      %dma_wait3A_1308 = arith.constant 0 : i32
      %dma_wait3A_1309 = tpu.memref_slice %arg5[%add3A, %dma_wait3A_1307, %dma_wait3A_1308] : memref<32x2048x128xf32, #tpu.memory_space<hbm>> -> memref<1x128x128xf32, #tpu.memory_space<hbm>>
      %dma_wait3A_1310 = tpu.memref_squeeze %dma_wait3A_1309 : memref<1x128x128xf32, #tpu.memory_space<hbm>> -> memref<128x128xf32, #tpu.memory_space<hbm>>
      tpu.wait_dma2 semaphore(%run_scoped3A : memref<!tpu.dma_semaphore, #tpu.memory_space<semaphore_mem>>) src(%arg11 : memref<128x128xf32, #tpu.memory_space<vmem>>) dst(%dma_wait3A_1310 : memref<128x128xf32, #tpu.memory_space<hbm>>)
      tpu.yield
    }) : () -> ()
    "tpu.region"() ({
      %run_scoped3A = tpu.sem_alloc : memref<!tpu.dma_semaphore, #tpu.memory_space<semaphore_mem>>
      %dma_start3A_1295 = arith.constant 896 : i32
      %dma_start3A_1296 = arith.constant 0 : i32
      %dma_start3A_1297 = tpu.memref_slice %arg6[%add3A, %dma_start3A_1295, %dma_start3A_1296] : memref<32x2048x128xf32, #tpu.memory_space<hbm>> -> memref<1x128x128xf32, #tpu.memory_space<hbm>>
      %dma_start3A_1298 = tpu.memref_squeeze %dma_start3A_1297 : memref<1x128x128xf32, #tpu.memory_space<hbm>> -> memref<128x128xf32, #tpu.memory_space<hbm>>
      %dma_start3A_1299 = arith.constant 896 : i32
      %dma_start3A_1300 = arith.constant 0 : i32
      %dma_start3A_1301 = tpu.memref_slice %arg6[%add3A, %dma_start3A_1299, %dma_start3A_1300] : memref<32x2048x128xf32, #tpu.memory_space<hbm>> -> memref<1x128x128xf32, #tpu.memory_space<hbm>>
      %dma_start3A_1302 = tpu.memref_squeeze %dma_start3A_1301 : memref<1x128x128xf32, #tpu.memory_space<hbm>> -> memref<128x128xf32, #tpu.memory_space<hbm>>
      tpu.enqueue_dma source(%arg12 : memref<128x128xf32, #tpu.memory_space<vmem>>) target(%dma_start3A_1302 : memref<128x128xf32, #tpu.memory_space<hbm>>) target_semaphore(%run_scoped3A : memref<!tpu.dma_semaphore, #tpu.memory_space<semaphore_mem>>)
      %dma_wait3A_1303 = arith.constant 896 : i32
      %dma_wait3A_1304 = arith.constant 0 : i32
      %dma_wait3A_1305 = tpu.memref_slice %arg6[%add3A, %dma_wait3A_1303, %dma_wait3A_1304] : memref<32x2048x128xf32, #tpu.memory_space<hbm>> -> memref<1x128x128xf32, #tpu.memory_space<hbm>>
      %dma_wait3A_1306 = tpu.memref_squeeze %dma_wait3A_1305 : memref<1x128x128xf32, #tpu.memory_space<hbm>> -> memref<128x128xf32, #tpu.memory_space<hbm>>
      %dma_wait3A_1307 = arith.constant 896 : i32
      %dma_wait3A_1308 = arith.constant 0 : i32
      %dma_wait3A_1309 = tpu.memref_slice %arg6[%add3A, %dma_wait3A_1307, %dma_wait3A_1308] : memref<32x2048x128xf32, #tpu.memory_space<hbm>> -> memref<1x128x128xf32, #tpu.memory_space<hbm>>
      %dma_wait3A_1310 = tpu.memref_squeeze %dma_wait3A_1309 : memref<1x128x128xf32, #tpu.memory_space<hbm>> -> memref<128x128xf32, #tpu.memory_space<hbm>>
      tpu.wait_dma2 semaphore(%run_scoped3A : memref<!tpu.dma_semaphore, #tpu.memory_space<semaphore_mem>>) src(%arg12 : memref<128x128xf32, #tpu.memory_space<vmem>>) dst(%dma_wait3A_1310 : memref<128x128xf32, #tpu.memory_space<hbm>>)
      tpu.yield
    }) : () -> ()
    %dma_start3A_1155 = arith.constant 1280 : i32
    %dma_start3A_1156 = tpu.memref_slice %arg8[%dma_start3A_1155] : memref<2048xi32, #tpu.memory_space<vmem>> -> memref<128xi32, #tpu.memory_space<vmem>>
    %dma_start3A_1157 = arith.constant 0 : i32
    %dma_start3A_1158 = arith.constant 0 : i32
    %dma_start3A_1159 = tpu.memref_slice %arg3[%dma_start3A_1157, %dma_start3A_1158] : memref<131072x128xf32, #tpu.memory_space<hbm>> -> memref<131072x128xf32, #tpu.memory_space<hbm>>
    tpu.enqueue_indirect_dma source(%dma_start3A_1159 : memref<131072x128xf32, #tpu.memory_space<hbm>>) target(%arg11 : memref<128x128xf32, #tpu.memory_space<vmem>>) offsets(%dma_start3A_1156 : memref<128xi32, #tpu.memory_space<vmem>>) semaphore(%arg15 : memref<!tpu.dma_semaphore, #tpu.memory_space<semaphore_mem>>)
    %dma_start3A_1160 = arith.constant 1280 : i32
    %dma_start3A_1161 = tpu.memref_slice %arg8[%dma_start3A_1160] : memref<2048xi32, #tpu.memory_space<vmem>> -> memref<128xi32, #tpu.memory_space<vmem>>
    %dma_start3A_1162 = arith.constant 0 : i32
    %dma_start3A_1163 = arith.constant 0 : i32
    %dma_start3A_1164 = tpu.memref_slice %arg4[%dma_start3A_1162, %dma_start3A_1163] : memref<131072x128xf32, #tpu.memory_space<hbm>> -> memref<131072x128xf32, #tpu.memory_space<hbm>>
    tpu.enqueue_indirect_dma source(%dma_start3A_1164 : memref<131072x128xf32, #tpu.memory_space<hbm>>) target(%arg12 : memref<128x128xf32, #tpu.memory_space<vmem>>) offsets(%dma_start3A_1161 : memref<128xi32, #tpu.memory_space<vmem>>) semaphore(%arg15 : memref<!tpu.dma_semaphore, #tpu.memory_space<semaphore_mem>>)
    %dma_wait3A_1165 = arith.constant 1024 : i32
    %dma_wait3A_1166 = tpu.memref_slice %arg8[%dma_wait3A_1165] : memref<2048xi32, #tpu.memory_space<vmem>> -> memref<128xi32, #tpu.memory_space<vmem>>
    %dma_wait3A_1167 = arith.constant 0 : i32
    %dma_wait3A_1168 = arith.constant 0 : i32
    %dma_wait3A_1169 = tpu.memref_slice %arg3[%dma_wait3A_1167, %dma_wait3A_1168] : memref<131072x128xf32, #tpu.memory_space<hbm>> -> memref<131072x128xf32, #tpu.memory_space<hbm>>
    tpu.wait_indirect_dma semaphore(%arg15 : memref<!tpu.dma_semaphore, #tpu.memory_space<semaphore_mem>>) src(%dma_wait3A_1169 : memref<131072x128xf32, #tpu.memory_space<hbm>>) dst(%arg13 : memref<128x128xf32, #tpu.memory_space<vmem>>)
    %dma_wait3A_1170 = arith.constant 1024 : i32
    %dma_wait3A_1171 = tpu.memref_slice %arg8[%dma_wait3A_1170] : memref<2048xi32, #tpu.memory_space<vmem>> -> memref<128xi32, #tpu.memory_space<vmem>>
    %dma_wait3A_1172 = arith.constant 0 : i32
    %dma_wait3A_1173 = arith.constant 0 : i32
    %dma_wait3A_1174 = tpu.memref_slice %arg4[%dma_wait3A_1172, %dma_wait3A_1173] : memref<131072x128xf32, #tpu.memory_space<hbm>> -> memref<131072x128xf32, #tpu.memory_space<hbm>>
    tpu.wait_indirect_dma semaphore(%arg15 : memref<!tpu.dma_semaphore, #tpu.memory_space<semaphore_mem>>) src(%dma_wait3A_1174 : memref<131072x128xf32, #tpu.memory_space<hbm>>) dst(%arg14 : memref<128x128xf32, #tpu.memory_space<vmem>>)
    "tpu.region"() ({
      %run_scoped3A = tpu.sem_alloc : memref<!tpu.dma_semaphore, #tpu.memory_space<semaphore_mem>>
      %dma_start3A_1295 = arith.constant 1024 : i32
      %dma_start3A_1296 = arith.constant 0 : i32
      %dma_start3A_1297 = tpu.memref_slice %arg5[%add3A, %dma_start3A_1295, %dma_start3A_1296] : memref<32x2048x128xf32, #tpu.memory_space<hbm>> -> memref<1x128x128xf32, #tpu.memory_space<hbm>>
      %dma_start3A_1298 = tpu.memref_squeeze %dma_start3A_1297 : memref<1x128x128xf32, #tpu.memory_space<hbm>> -> memref<128x128xf32, #tpu.memory_space<hbm>>
      %dma_start3A_1299 = arith.constant 1024 : i32
      %dma_start3A_1300 = arith.constant 0 : i32
      %dma_start3A_1301 = tpu.memref_slice %arg5[%add3A, %dma_start3A_1299, %dma_start3A_1300] : memref<32x2048x128xf32, #tpu.memory_space<hbm>> -> memref<1x128x128xf32, #tpu.memory_space<hbm>>
      %dma_start3A_1302 = tpu.memref_squeeze %dma_start3A_1301 : memref<1x128x128xf32, #tpu.memory_space<hbm>> -> memref<128x128xf32, #tpu.memory_space<hbm>>
      tpu.enqueue_dma source(%arg13 : memref<128x128xf32, #tpu.memory_space<vmem>>) target(%dma_start3A_1302 : memref<128x128xf32, #tpu.memory_space<hbm>>) target_semaphore(%run_scoped3A : memref<!tpu.dma_semaphore, #tpu.memory_space<semaphore_mem>>)
      %dma_wait3A_1303 = arith.constant 1024 : i32
      %dma_wait3A_1304 = arith.constant 0 : i32
      %dma_wait3A_1305 = tpu.memref_slice %arg5[%add3A, %dma_wait3A_1303, %dma_wait3A_1304] : memref<32x2048x128xf32, #tpu.memory_space<hbm>> -> memref<1x128x128xf32, #tpu.memory_space<hbm>>
      %dma_wait3A_1306 = tpu.memref_squeeze %dma_wait3A_1305 : memref<1x128x128xf32, #tpu.memory_space<hbm>> -> memref<128x128xf32, #tpu.memory_space<hbm>>
      %dma_wait3A_1307 = arith.constant 1024 : i32
      %dma_wait3A_1308 = arith.constant 0 : i32
      %dma_wait3A_1309 = tpu.memref_slice %arg5[%add3A, %dma_wait3A_1307, %dma_wait3A_1308] : memref<32x2048x128xf32, #tpu.memory_space<hbm>> -> memref<1x128x128xf32, #tpu.memory_space<hbm>>
      %dma_wait3A_1310 = tpu.memref_squeeze %dma_wait3A_1309 : memref<1x128x128xf32, #tpu.memory_space<hbm>> -> memref<128x128xf32, #tpu.memory_space<hbm>>
      tpu.wait_dma2 semaphore(%run_scoped3A : memref<!tpu.dma_semaphore, #tpu.memory_space<semaphore_mem>>) src(%arg13 : memref<128x128xf32, #tpu.memory_space<vmem>>) dst(%dma_wait3A_1310 : memref<128x128xf32, #tpu.memory_space<hbm>>)
      tpu.yield
    }) : () -> ()
    "tpu.region"() ({
      %run_scoped3A = tpu.sem_alloc : memref<!tpu.dma_semaphore, #tpu.memory_space<semaphore_mem>>
      %dma_start3A_1295 = arith.constant 1024 : i32
      %dma_start3A_1296 = arith.constant 0 : i32
      %dma_start3A_1297 = tpu.memref_slice %arg6[%add3A, %dma_start3A_1295, %dma_start3A_1296] : memref<32x2048x128xf32, #tpu.memory_space<hbm>> -> memref<1x128x128xf32, #tpu.memory_space<hbm>>
      %dma_start3A_1298 = tpu.memref_squeeze %dma_start3A_1297 : memref<1x128x128xf32, #tpu.memory_space<hbm>> -> memref<128x128xf32, #tpu.memory_space<hbm>>
      %dma_start3A_1299 = arith.constant 1024 : i32
      %dma_start3A_1300 = arith.constant 0 : i32
      %dma_start3A_1301 = tpu.memref_slice %arg6[%add3A, %dma_start3A_1299, %dma_start3A_1300] : memref<32x2048x128xf32, #tpu.memory_space<hbm>> -> memref<1x128x128xf32, #tpu.memory_space<hbm>>
      %dma_start3A_1302 = tpu.memref_squeeze %dma_start3A_1301 : memref<1x128x128xf32, #tpu.memory_space<hbm>> -> memref<128x128xf32, #tpu.memory_space<hbm>>
      tpu.enqueue_dma source(%arg14 : memref<128x128xf32, #tpu.memory_space<vmem>>) target(%dma_start3A_1302 : memref<128x128xf32, #tpu.memory_space<hbm>>) target_semaphore(%run_scoped3A : memref<!tpu.dma_semaphore, #tpu.memory_space<semaphore_mem>>)
      %dma_wait3A_1303 = arith.constant 1024 : i32
      %dma_wait3A_1304 = arith.constant 0 : i32
      %dma_wait3A_1305 = tpu.memref_slice %arg6[%add3A, %dma_wait3A_1303, %dma_wait3A_1304] : memref<32x2048x128xf32, #tpu.memory_space<hbm>> -> memref<1x128x128xf32, #tpu.memory_space<hbm>>
      %dma_wait3A_1306 = tpu.memref_squeeze %dma_wait3A_1305 : memref<1x128x128xf32, #tpu.memory_space<hbm>> -> memref<128x128xf32, #tpu.memory_space<hbm>>
      %dma_wait3A_1307 = arith.constant 1024 : i32
      %dma_wait3A_1308 = arith.constant 0 : i32
      %dma_wait3A_1309 = tpu.memref_slice %arg6[%add3A, %dma_wait3A_1307, %dma_wait3A_1308] : memref<32x2048x128xf32, #tpu.memory_space<hbm>> -> memref<1x128x128xf32, #tpu.memory_space<hbm>>
      %dma_wait3A_1310 = tpu.memref_squeeze %dma_wait3A_1309 : memref<1x128x128xf32, #tpu.memory_space<hbm>> -> memref<128x128xf32, #tpu.memory_space<hbm>>
      tpu.wait_dma2 semaphore(%run_scoped3A : memref<!tpu.dma_semaphore, #tpu.memory_space<semaphore_mem>>) src(%arg14 : memref<128x128xf32, #tpu.memory_space<vmem>>) dst(%dma_wait3A_1310 : memref<128x128xf32, #tpu.memory_space<hbm>>)
      tpu.yield
    }) : () -> ()
    %dma_start3A_1175 = arith.constant 1408 : i32
    %dma_start3A_1176 = tpu.memref_slice %arg8[%dma_start3A_1175] : memref<2048xi32, #tpu.memory_space<vmem>> -> memref<128xi32, #tpu.memory_space<vmem>>
    %dma_start3A_1177 = arith.constant 0 : i32
    %dma_start3A_1178 = arith.constant 0 : i32
    %dma_start3A_1179 = tpu.memref_slice %arg3[%dma_start3A_1177, %dma_start3A_1178] : memref<131072x128xf32, #tpu.memory_space<hbm>> -> memref<131072x128xf32, #tpu.memory_space<hbm>>
    tpu.enqueue_indirect_dma source(%dma_start3A_1179 : memref<131072x128xf32, #tpu.memory_space<hbm>>) target(%arg13 : memref<128x128xf32, #tpu.memory_space<vmem>>) offsets(%dma_start3A_1176 : memref<128xi32, #tpu.memory_space<vmem>>) semaphore(%arg15 : memref<!tpu.dma_semaphore, #tpu.memory_space<semaphore_mem>>)
    %dma_start3A_1180 = arith.constant 1408 : i32
    %dma_start3A_1181 = tpu.memref_slice %arg8[%dma_start3A_1180] : memref<2048xi32, #tpu.memory_space<vmem>> -> memref<128xi32, #tpu.memory_space<vmem>>
    %dma_start3A_1182 = arith.constant 0 : i32
    %dma_start3A_1183 = arith.constant 0 : i32
    %dma_start3A_1184 = tpu.memref_slice %arg4[%dma_start3A_1182, %dma_start3A_1183] : memref<131072x128xf32, #tpu.memory_space<hbm>> -> memref<131072x128xf32, #tpu.memory_space<hbm>>
    tpu.enqueue_indirect_dma source(%dma_start3A_1184 : memref<131072x128xf32, #tpu.memory_space<hbm>>) target(%arg14 : memref<128x128xf32, #tpu.memory_space<vmem>>) offsets(%dma_start3A_1181 : memref<128xi32, #tpu.memory_space<vmem>>) semaphore(%arg15 : memref<!tpu.dma_semaphore, #tpu.memory_space<semaphore_mem>>)
    %dma_wait3A_1185 = arith.constant 1152 : i32
    %dma_wait3A_1186 = tpu.memref_slice %arg8[%dma_wait3A_1185] : memref<2048xi32, #tpu.memory_space<vmem>> -> memref<128xi32, #tpu.memory_space<vmem>>
    %dma_wait3A_1187 = arith.constant 0 : i32
    %dma_wait3A_1188 = arith.constant 0 : i32
    %dma_wait3A_1189 = tpu.memref_slice %arg3[%dma_wait3A_1187, %dma_wait3A_1188] : memref<131072x128xf32, #tpu.memory_space<hbm>> -> memref<131072x128xf32, #tpu.memory_space<hbm>>
    tpu.wait_indirect_dma semaphore(%arg15 : memref<!tpu.dma_semaphore, #tpu.memory_space<semaphore_mem>>) src(%dma_wait3A_1189 : memref<131072x128xf32, #tpu.memory_space<hbm>>) dst(%arg9 : memref<128x128xf32, #tpu.memory_space<vmem>>)
    %dma_wait3A_1190 = arith.constant 1152 : i32
    %dma_wait3A_1191 = tpu.memref_slice %arg8[%dma_wait3A_1190] : memref<2048xi32, #tpu.memory_space<vmem>> -> memref<128xi32, #tpu.memory_space<vmem>>
    %dma_wait3A_1192 = arith.constant 0 : i32
    %dma_wait3A_1193 = arith.constant 0 : i32
    %dma_wait3A_1194 = tpu.memref_slice %arg4[%dma_wait3A_1192, %dma_wait3A_1193] : memref<131072x128xf32, #tpu.memory_space<hbm>> -> memref<131072x128xf32, #tpu.memory_space<hbm>>
    tpu.wait_indirect_dma semaphore(%arg15 : memref<!tpu.dma_semaphore, #tpu.memory_space<semaphore_mem>>) src(%dma_wait3A_1194 : memref<131072x128xf32, #tpu.memory_space<hbm>>) dst(%arg10 : memref<128x128xf32, #tpu.memory_space<vmem>>)
    "tpu.region"() ({
      %run_scoped3A = tpu.sem_alloc : memref<!tpu.dma_semaphore, #tpu.memory_space<semaphore_mem>>
      %dma_start3A_1295 = arith.constant 1152 : i32
      %dma_start3A_1296 = arith.constant 0 : i32
      %dma_start3A_1297 = tpu.memref_slice %arg5[%add3A, %dma_start3A_1295, %dma_start3A_1296] : memref<32x2048x128xf32, #tpu.memory_space<hbm>> -> memref<1x128x128xf32, #tpu.memory_space<hbm>>
      %dma_start3A_1298 = tpu.memref_squeeze %dma_start3A_1297 : memref<1x128x128xf32, #tpu.memory_space<hbm>> -> memref<128x128xf32, #tpu.memory_space<hbm>>
      %dma_start3A_1299 = arith.constant 1152 : i32
      %dma_start3A_1300 = arith.constant 0 : i32
      %dma_start3A_1301 = tpu.memref_slice %arg5[%add3A, %dma_start3A_1299, %dma_start3A_1300] : memref<32x2048x128xf32, #tpu.memory_space<hbm>> -> memref<1x128x128xf32, #tpu.memory_space<hbm>>
      %dma_start3A_1302 = tpu.memref_squeeze %dma_start3A_1301 : memref<1x128x128xf32, #tpu.memory_space<hbm>> -> memref<128x128xf32, #tpu.memory_space<hbm>>
      tpu.enqueue_dma source(%arg9 : memref<128x128xf32, #tpu.memory_space<vmem>>) target(%dma_start3A_1302 : memref<128x128xf32, #tpu.memory_space<hbm>>) target_semaphore(%run_scoped3A : memref<!tpu.dma_semaphore, #tpu.memory_space<semaphore_mem>>)
      %dma_wait3A_1303 = arith.constant 1152 : i32
      %dma_wait3A_1304 = arith.constant 0 : i32
      %dma_wait3A_1305 = tpu.memref_slice %arg5[%add3A, %dma_wait3A_1303, %dma_wait3A_1304] : memref<32x2048x128xf32, #tpu.memory_space<hbm>> -> memref<1x128x128xf32, #tpu.memory_space<hbm>>
      %dma_wait3A_1306 = tpu.memref_squeeze %dma_wait3A_1305 : memref<1x128x128xf32, #tpu.memory_space<hbm>> -> memref<128x128xf32, #tpu.memory_space<hbm>>
      %dma_wait3A_1307 = arith.constant 1152 : i32
      %dma_wait3A_1308 = arith.constant 0 : i32
      %dma_wait3A_1309 = tpu.memref_slice %arg5[%add3A, %dma_wait3A_1307, %dma_wait3A_1308] : memref<32x2048x128xf32, #tpu.memory_space<hbm>> -> memref<1x128x128xf32, #tpu.memory_space<hbm>>
      %dma_wait3A_1310 = tpu.memref_squeeze %dma_wait3A_1309 : memref<1x128x128xf32, #tpu.memory_space<hbm>> -> memref<128x128xf32, #tpu.memory_space<hbm>>
      tpu.wait_dma2 semaphore(%run_scoped3A : memref<!tpu.dma_semaphore, #tpu.memory_space<semaphore_mem>>) src(%arg9 : memref<128x128xf32, #tpu.memory_space<vmem>>) dst(%dma_wait3A_1310 : memref<128x128xf32, #tpu.memory_space<hbm>>)
      tpu.yield
    }) : () -> ()
    "tpu.region"() ({
      %run_scoped3A = tpu.sem_alloc : memref<!tpu.dma_semaphore, #tpu.memory_space<semaphore_mem>>
      %dma_start3A_1295 = arith.constant 1152 : i32
      %dma_start3A_1296 = arith.constant 0 : i32
      %dma_start3A_1297 = tpu.memref_slice %arg6[%add3A, %dma_start3A_1295, %dma_start3A_1296] : memref<32x2048x128xf32, #tpu.memory_space<hbm>> -> memref<1x128x128xf32, #tpu.memory_space<hbm>>
      %dma_start3A_1298 = tpu.memref_squeeze %dma_start3A_1297 : memref<1x128x128xf32, #tpu.memory_space<hbm>> -> memref<128x128xf32, #tpu.memory_space<hbm>>
      %dma_start3A_1299 = arith.constant 1152 : i32
      %dma_start3A_1300 = arith.constant 0 : i32
      %dma_start3A_1301 = tpu.memref_slice %arg6[%add3A, %dma_start3A_1299, %dma_start3A_1300] : memref<32x2048x128xf32, #tpu.memory_space<hbm>> -> memref<1x128x128xf32, #tpu.memory_space<hbm>>
      %dma_start3A_1302 = tpu.memref_squeeze %dma_start3A_1301 : memref<1x128x128xf32, #tpu.memory_space<hbm>> -> memref<128x128xf32, #tpu.memory_space<hbm>>
      tpu.enqueue_dma source(%arg10 : memref<128x128xf32, #tpu.memory_space<vmem>>) target(%dma_start3A_1302 : memref<128x128xf32, #tpu.memory_space<hbm>>) target_semaphore(%run_scoped3A : memref<!tpu.dma_semaphore, #tpu.memory_space<semaphore_mem>>)
      %dma_wait3A_1303 = arith.constant 1152 : i32
      %dma_wait3A_1304 = arith.constant 0 : i32
      %dma_wait3A_1305 = tpu.memref_slice %arg6[%add3A, %dma_wait3A_1303, %dma_wait3A_1304] : memref<32x2048x128xf32, #tpu.memory_space<hbm>> -> memref<1x128x128xf32, #tpu.memory_space<hbm>>
      %dma_wait3A_1306 = tpu.memref_squeeze %dma_wait3A_1305 : memref<1x128x128xf32, #tpu.memory_space<hbm>> -> memref<128x128xf32, #tpu.memory_space<hbm>>
      %dma_wait3A_1307 = arith.constant 1152 : i32
      %dma_wait3A_1308 = arith.constant 0 : i32
      %dma_wait3A_1309 = tpu.memref_slice %arg6[%add3A, %dma_wait3A_1307, %dma_wait3A_1308] : memref<32x2048x128xf32, #tpu.memory_space<hbm>> -> memref<1x128x128xf32, #tpu.memory_space<hbm>>
      %dma_wait3A_1310 = tpu.memref_squeeze %dma_wait3A_1309 : memref<1x128x128xf32, #tpu.memory_space<hbm>> -> memref<128x128xf32, #tpu.memory_space<hbm>>
      tpu.wait_dma2 semaphore(%run_scoped3A : memref<!tpu.dma_semaphore, #tpu.memory_space<semaphore_mem>>) src(%arg10 : memref<128x128xf32, #tpu.memory_space<vmem>>) dst(%dma_wait3A_1310 : memref<128x128xf32, #tpu.memory_space<hbm>>)
      tpu.yield
    }) : () -> ()
    %dma_start3A_1195 = arith.constant 1536 : i32
    %dma_start3A_1196 = tpu.memref_slice %arg8[%dma_start3A_1195] : memref<2048xi32, #tpu.memory_space<vmem>> -> memref<128xi32, #tpu.memory_space<vmem>>
    %dma_start3A_1197 = arith.constant 0 : i32
    %dma_start3A_1198 = arith.constant 0 : i32
    %dma_start3A_1199 = tpu.memref_slice %arg3[%dma_start3A_1197, %dma_start3A_1198] : memref<131072x128xf32, #tpu.memory_space<hbm>> -> memref<131072x128xf32, #tpu.memory_space<hbm>>
    tpu.enqueue_indirect_dma source(%dma_start3A_1199 : memref<131072x128xf32, #tpu.memory_space<hbm>>) target(%arg9 : memref<128x128xf32, #tpu.memory_space<vmem>>) offsets(%dma_start3A_1196 : memref<128xi32, #tpu.memory_space<vmem>>) semaphore(%arg15 : memref<!tpu.dma_semaphore, #tpu.memory_space<semaphore_mem>>)
    %dma_start3A_1200 = arith.constant 1536 : i32
    %dma_start3A_1201 = tpu.memref_slice %arg8[%dma_start3A_1200] : memref<2048xi32, #tpu.memory_space<vmem>> -> memref<128xi32, #tpu.memory_space<vmem>>
    %dma_start3A_1202 = arith.constant 0 : i32
    %dma_start3A_1203 = arith.constant 0 : i32
    %dma_start3A_1204 = tpu.memref_slice %arg4[%dma_start3A_1202, %dma_start3A_1203] : memref<131072x128xf32, #tpu.memory_space<hbm>> -> memref<131072x128xf32, #tpu.memory_space<hbm>>
    tpu.enqueue_indirect_dma source(%dma_start3A_1204 : memref<131072x128xf32, #tpu.memory_space<hbm>>) target(%arg10 : memref<128x128xf32, #tpu.memory_space<vmem>>) offsets(%dma_start3A_1201 : memref<128xi32, #tpu.memory_space<vmem>>) semaphore(%arg15 : memref<!tpu.dma_semaphore, #tpu.memory_space<semaphore_mem>>)
    %dma_wait3A_1205 = arith.constant 1280 : i32
    %dma_wait3A_1206 = tpu.memref_slice %arg8[%dma_wait3A_1205] : memref<2048xi32, #tpu.memory_space<vmem>> -> memref<128xi32, #tpu.memory_space<vmem>>
    %dma_wait3A_1207 = arith.constant 0 : i32
    %dma_wait3A_1208 = arith.constant 0 : i32
    %dma_wait3A_1209 = tpu.memref_slice %arg3[%dma_wait3A_1207, %dma_wait3A_1208] : memref<131072x128xf32, #tpu.memory_space<hbm>> -> memref<131072x128xf32, #tpu.memory_space<hbm>>
    tpu.wait_indirect_dma semaphore(%arg15 : memref<!tpu.dma_semaphore, #tpu.memory_space<semaphore_mem>>) src(%dma_wait3A_1209 : memref<131072x128xf32, #tpu.memory_space<hbm>>) dst(%arg11 : memref<128x128xf32, #tpu.memory_space<vmem>>)
    %dma_wait3A_1210 = arith.constant 1280 : i32
    %dma_wait3A_1211 = tpu.memref_slice %arg8[%dma_wait3A_1210] : memref<2048xi32, #tpu.memory_space<vmem>> -> memref<128xi32, #tpu.memory_space<vmem>>
    %dma_wait3A_1212 = arith.constant 0 : i32
    %dma_wait3A_1213 = arith.constant 0 : i32
    %dma_wait3A_1214 = tpu.memref_slice %arg4[%dma_wait3A_1212, %dma_wait3A_1213] : memref<131072x128xf32, #tpu.memory_space<hbm>> -> memref<131072x128xf32, #tpu.memory_space<hbm>>
    tpu.wait_indirect_dma semaphore(%arg15 : memref<!tpu.dma_semaphore, #tpu.memory_space<semaphore_mem>>) src(%dma_wait3A_1214 : memref<131072x128xf32, #tpu.memory_space<hbm>>) dst(%arg12 : memref<128x128xf32, #tpu.memory_space<vmem>>)
    "tpu.region"() ({
      %run_scoped3A = tpu.sem_alloc : memref<!tpu.dma_semaphore, #tpu.memory_space<semaphore_mem>>
      %dma_start3A_1295 = arith.constant 1280 : i32
      %dma_start3A_1296 = arith.constant 0 : i32
      %dma_start3A_1297 = tpu.memref_slice %arg5[%add3A, %dma_start3A_1295, %dma_start3A_1296] : memref<32x2048x128xf32, #tpu.memory_space<hbm>> -> memref<1x128x128xf32, #tpu.memory_space<hbm>>
      %dma_start3A_1298 = tpu.memref_squeeze %dma_start3A_1297 : memref<1x128x128xf32, #tpu.memory_space<hbm>> -> memref<128x128xf32, #tpu.memory_space<hbm>>
      %dma_start3A_1299 = arith.constant 1280 : i32
      %dma_start3A_1300 = arith.constant 0 : i32
      %dma_start3A_1301 = tpu.memref_slice %arg5[%add3A, %dma_start3A_1299, %dma_start3A_1300] : memref<32x2048x128xf32, #tpu.memory_space<hbm>> -> memref<1x128x128xf32, #tpu.memory_space<hbm>>
      %dma_start3A_1302 = tpu.memref_squeeze %dma_start3A_1301 : memref<1x128x128xf32, #tpu.memory_space<hbm>> -> memref<128x128xf32, #tpu.memory_space<hbm>>
      tpu.enqueue_dma source(%arg11 : memref<128x128xf32, #tpu.memory_space<vmem>>) target(%dma_start3A_1302 : memref<128x128xf32, #tpu.memory_space<hbm>>) target_semaphore(%run_scoped3A : memref<!tpu.dma_semaphore, #tpu.memory_space<semaphore_mem>>)
      %dma_wait3A_1303 = arith.constant 1280 : i32
      %dma_wait3A_1304 = arith.constant 0 : i32
      %dma_wait3A_1305 = tpu.memref_slice %arg5[%add3A, %dma_wait3A_1303, %dma_wait3A_1304] : memref<32x2048x128xf32, #tpu.memory_space<hbm>> -> memref<1x128x128xf32, #tpu.memory_space<hbm>>
      %dma_wait3A_1306 = tpu.memref_squeeze %dma_wait3A_1305 : memref<1x128x128xf32, #tpu.memory_space<hbm>> -> memref<128x128xf32, #tpu.memory_space<hbm>>
      %dma_wait3A_1307 = arith.constant 1280 : i32
      %dma_wait3A_1308 = arith.constant 0 : i32
      %dma_wait3A_1309 = tpu.memref_slice %arg5[%add3A, %dma_wait3A_1307, %dma_wait3A_1308] : memref<32x2048x128xf32, #tpu.memory_space<hbm>> -> memref<1x128x128xf32, #tpu.memory_space<hbm>>
      %dma_wait3A_1310 = tpu.memref_squeeze %dma_wait3A_1309 : memref<1x128x128xf32, #tpu.memory_space<hbm>> -> memref<128x128xf32, #tpu.memory_space<hbm>>
      tpu.wait_dma2 semaphore(%run_scoped3A : memref<!tpu.dma_semaphore, #tpu.memory_space<semaphore_mem>>) src(%arg11 : memref<128x128xf32, #tpu.memory_space<vmem>>) dst(%dma_wait3A_1310 : memref<128x128xf32, #tpu.memory_space<hbm>>)
      tpu.yield
    }) : () -> ()
    "tpu.region"() ({
      %run_scoped3A = tpu.sem_alloc : memref<!tpu.dma_semaphore, #tpu.memory_space<semaphore_mem>>
      %dma_start3A_1295 = arith.constant 1280 : i32
      %dma_start3A_1296 = arith.constant 0 : i32
      %dma_start3A_1297 = tpu.memref_slice %arg6[%add3A, %dma_start3A_1295, %dma_start3A_1296] : memref<32x2048x128xf32, #tpu.memory_space<hbm>> -> memref<1x128x128xf32, #tpu.memory_space<hbm>>
      %dma_start3A_1298 = tpu.memref_squeeze %dma_start3A_1297 : memref<1x128x128xf32, #tpu.memory_space<hbm>> -> memref<128x128xf32, #tpu.memory_space<hbm>>
      %dma_start3A_1299 = arith.constant 1280 : i32
      %dma_start3A_1300 = arith.constant 0 : i32
      %dma_start3A_1301 = tpu.memref_slice %arg6[%add3A, %dma_start3A_1299, %dma_start3A_1300] : memref<32x2048x128xf32, #tpu.memory_space<hbm>> -> memref<1x128x128xf32, #tpu.memory_space<hbm>>
      %dma_start3A_1302 = tpu.memref_squeeze %dma_start3A_1301 : memref<1x128x128xf32, #tpu.memory_space<hbm>> -> memref<128x128xf32, #tpu.memory_space<hbm>>
      tpu.enqueue_dma source(%arg12 : memref<128x128xf32, #tpu.memory_space<vmem>>) target(%dma_start3A_1302 : memref<128x128xf32, #tpu.memory_space<hbm>>) target_semaphore(%run_scoped3A : memref<!tpu.dma_semaphore, #tpu.memory_space<semaphore_mem>>)
      %dma_wait3A_1303 = arith.constant 1280 : i32
      %dma_wait3A_1304 = arith.constant 0 : i32
      %dma_wait3A_1305 = tpu.memref_slice %arg6[%add3A, %dma_wait3A_1303, %dma_wait3A_1304] : memref<32x2048x128xf32, #tpu.memory_space<hbm>> -> memref<1x128x128xf32, #tpu.memory_space<hbm>>
      %dma_wait3A_1306 = tpu.memref_squeeze %dma_wait3A_1305 : memref<1x128x128xf32, #tpu.memory_space<hbm>> -> memref<128x128xf32, #tpu.memory_space<hbm>>
      %dma_wait3A_1307 = arith.constant 1280 : i32
      %dma_wait3A_1308 = arith.constant 0 : i32
      %dma_wait3A_1309 = tpu.memref_slice %arg6[%add3A, %dma_wait3A_1307, %dma_wait3A_1308] : memref<32x2048x128xf32, #tpu.memory_space<hbm>> -> memref<1x128x128xf32, #tpu.memory_space<hbm>>
      %dma_wait3A_1310 = tpu.memref_squeeze %dma_wait3A_1309 : memref<1x128x128xf32, #tpu.memory_space<hbm>> -> memref<128x128xf32, #tpu.memory_space<hbm>>
      tpu.wait_dma2 semaphore(%run_scoped3A : memref<!tpu.dma_semaphore, #tpu.memory_space<semaphore_mem>>) src(%arg12 : memref<128x128xf32, #tpu.memory_space<vmem>>) dst(%dma_wait3A_1310 : memref<128x128xf32, #tpu.memory_space<hbm>>)
      tpu.yield
    }) : () -> ()
    %dma_start3A_1215 = arith.constant 1664 : i32
    %dma_start3A_1216 = tpu.memref_slice %arg8[%dma_start3A_1215] : memref<2048xi32, #tpu.memory_space<vmem>> -> memref<128xi32, #tpu.memory_space<vmem>>
    %dma_start3A_1217 = arith.constant 0 : i32
    %dma_start3A_1218 = arith.constant 0 : i32
    %dma_start3A_1219 = tpu.memref_slice %arg3[%dma_start3A_1217, %dma_start3A_1218] : memref<131072x128xf32, #tpu.memory_space<hbm>> -> memref<131072x128xf32, #tpu.memory_space<hbm>>
    tpu.enqueue_indirect_dma source(%dma_start3A_1219 : memref<131072x128xf32, #tpu.memory_space<hbm>>) target(%arg11 : memref<128x128xf32, #tpu.memory_space<vmem>>) offsets(%dma_start3A_1216 : memref<128xi32, #tpu.memory_space<vmem>>) semaphore(%arg15 : memref<!tpu.dma_semaphore, #tpu.memory_space<semaphore_mem>>)
    %dma_start3A_1220 = arith.constant 1664 : i32
    %dma_start3A_1221 = tpu.memref_slice %arg8[%dma_start3A_1220] : memref<2048xi32, #tpu.memory_space<vmem>> -> memref<128xi32, #tpu.memory_space<vmem>>
    %dma_start3A_1222 = arith.constant 0 : i32
    %dma_start3A_1223 = arith.constant 0 : i32
    %dma_start3A_1224 = tpu.memref_slice %arg4[%dma_start3A_1222, %dma_start3A_1223] : memref<131072x128xf32, #tpu.memory_space<hbm>> -> memref<131072x128xf32, #tpu.memory_space<hbm>>
    tpu.enqueue_indirect_dma source(%dma_start3A_1224 : memref<131072x128xf32, #tpu.memory_space<hbm>>) target(%arg12 : memref<128x128xf32, #tpu.memory_space<vmem>>) offsets(%dma_start3A_1221 : memref<128xi32, #tpu.memory_space<vmem>>) semaphore(%arg15 : memref<!tpu.dma_semaphore, #tpu.memory_space<semaphore_mem>>)
    %dma_wait3A_1225 = arith.constant 1408 : i32
    %dma_wait3A_1226 = tpu.memref_slice %arg8[%dma_wait3A_1225] : memref<2048xi32, #tpu.memory_space<vmem>> -> memref<128xi32, #tpu.memory_space<vmem>>
    %dma_wait3A_1227 = arith.constant 0 : i32
    %dma_wait3A_1228 = arith.constant 0 : i32
    %dma_wait3A_1229 = tpu.memref_slice %arg3[%dma_wait3A_1227, %dma_wait3A_1228] : memref<131072x128xf32, #tpu.memory_space<hbm>> -> memref<131072x128xf32, #tpu.memory_space<hbm>>
    tpu.wait_indirect_dma semaphore(%arg15 : memref<!tpu.dma_semaphore, #tpu.memory_space<semaphore_mem>>) src(%dma_wait3A_1229 : memref<131072x128xf32, #tpu.memory_space<hbm>>) dst(%arg13 : memref<128x128xf32, #tpu.memory_space<vmem>>)
    %dma_wait3A_1230 = arith.constant 1408 : i32
    %dma_wait3A_1231 = tpu.memref_slice %arg8[%dma_wait3A_1230] : memref<2048xi32, #tpu.memory_space<vmem>> -> memref<128xi32, #tpu.memory_space<vmem>>
    %dma_wait3A_1232 = arith.constant 0 : i32
    %dma_wait3A_1233 = arith.constant 0 : i32
    %dma_wait3A_1234 = tpu.memref_slice %arg4[%dma_wait3A_1232, %dma_wait3A_1233] : memref<131072x128xf32, #tpu.memory_space<hbm>> -> memref<131072x128xf32, #tpu.memory_space<hbm>>
    tpu.wait_indirect_dma semaphore(%arg15 : memref<!tpu.dma_semaphore, #tpu.memory_space<semaphore_mem>>) src(%dma_wait3A_1234 : memref<131072x128xf32, #tpu.memory_space<hbm>>) dst(%arg14 : memref<128x128xf32, #tpu.memory_space<vmem>>)
    "tpu.region"() ({
      %run_scoped3A = tpu.sem_alloc : memref<!tpu.dma_semaphore, #tpu.memory_space<semaphore_mem>>
      %dma_start3A_1295 = arith.constant 1408 : i32
      %dma_start3A_1296 = arith.constant 0 : i32
      %dma_start3A_1297 = tpu.memref_slice %arg5[%add3A, %dma_start3A_1295, %dma_start3A_1296] : memref<32x2048x128xf32, #tpu.memory_space<hbm>> -> memref<1x128x128xf32, #tpu.memory_space<hbm>>
      %dma_start3A_1298 = tpu.memref_squeeze %dma_start3A_1297 : memref<1x128x128xf32, #tpu.memory_space<hbm>> -> memref<128x128xf32, #tpu.memory_space<hbm>>
      %dma_start3A_1299 = arith.constant 1408 : i32
      %dma_start3A_1300 = arith.constant 0 : i32
      %dma_start3A_1301 = tpu.memref_slice %arg5[%add3A, %dma_start3A_1299, %dma_start3A_1300] : memref<32x2048x128xf32, #tpu.memory_space<hbm>> -> memref<1x128x128xf32, #tpu.memory_space<hbm>>
      %dma_start3A_1302 = tpu.memref_squeeze %dma_start3A_1301 : memref<1x128x128xf32, #tpu.memory_space<hbm>> -> memref<128x128xf32, #tpu.memory_space<hbm>>
      tpu.enqueue_dma source(%arg13 : memref<128x128xf32, #tpu.memory_space<vmem>>) target(%dma_start3A_1302 : memref<128x128xf32, #tpu.memory_space<hbm>>) target_semaphore(%run_scoped3A : memref<!tpu.dma_semaphore, #tpu.memory_space<semaphore_mem>>)
      %dma_wait3A_1303 = arith.constant 1408 : i32
      %dma_wait3A_1304 = arith.constant 0 : i32
      %dma_wait3A_1305 = tpu.memref_slice %arg5[%add3A, %dma_wait3A_1303, %dma_wait3A_1304] : memref<32x2048x128xf32, #tpu.memory_space<hbm>> -> memref<1x128x128xf32, #tpu.memory_space<hbm>>
      %dma_wait3A_1306 = tpu.memref_squeeze %dma_wait3A_1305 : memref<1x128x128xf32, #tpu.memory_space<hbm>> -> memref<128x128xf32, #tpu.memory_space<hbm>>
      %dma_wait3A_1307 = arith.constant 1408 : i32
      %dma_wait3A_1308 = arith.constant 0 : i32
      %dma_wait3A_1309 = tpu.memref_slice %arg5[%add3A, %dma_wait3A_1307, %dma_wait3A_1308] : memref<32x2048x128xf32, #tpu.memory_space<hbm>> -> memref<1x128x128xf32, #tpu.memory_space<hbm>>
      %dma_wait3A_1310 = tpu.memref_squeeze %dma_wait3A_1309 : memref<1x128x128xf32, #tpu.memory_space<hbm>> -> memref<128x128xf32, #tpu.memory_space<hbm>>
      tpu.wait_dma2 semaphore(%run_scoped3A : memref<!tpu.dma_semaphore, #tpu.memory_space<semaphore_mem>>) src(%arg13 : memref<128x128xf32, #tpu.memory_space<vmem>>) dst(%dma_wait3A_1310 : memref<128x128xf32, #tpu.memory_space<hbm>>)
      tpu.yield
    }) : () -> ()
    "tpu.region"() ({
      %run_scoped3A = tpu.sem_alloc : memref<!tpu.dma_semaphore, #tpu.memory_space<semaphore_mem>>
      %dma_start3A_1295 = arith.constant 1408 : i32
      %dma_start3A_1296 = arith.constant 0 : i32
      %dma_start3A_1297 = tpu.memref_slice %arg6[%add3A, %dma_start3A_1295, %dma_start3A_1296] : memref<32x2048x128xf32, #tpu.memory_space<hbm>> -> memref<1x128x128xf32, #tpu.memory_space<hbm>>
      %dma_start3A_1298 = tpu.memref_squeeze %dma_start3A_1297 : memref<1x128x128xf32, #tpu.memory_space<hbm>> -> memref<128x128xf32, #tpu.memory_space<hbm>>
      %dma_start3A_1299 = arith.constant 1408 : i32
      %dma_start3A_1300 = arith.constant 0 : i32
      %dma_start3A_1301 = tpu.memref_slice %arg6[%add3A, %dma_start3A_1299, %dma_start3A_1300] : memref<32x2048x128xf32, #tpu.memory_space<hbm>> -> memref<1x128x128xf32, #tpu.memory_space<hbm>>
      %dma_start3A_1302 = tpu.memref_squeeze %dma_start3A_1301 : memref<1x128x128xf32, #tpu.memory_space<hbm>> -> memref<128x128xf32, #tpu.memory_space<hbm>>
      tpu.enqueue_dma source(%arg14 : memref<128x128xf32, #tpu.memory_space<vmem>>) target(%dma_start3A_1302 : memref<128x128xf32, #tpu.memory_space<hbm>>) target_semaphore(%run_scoped3A : memref<!tpu.dma_semaphore, #tpu.memory_space<semaphore_mem>>)
      %dma_wait3A_1303 = arith.constant 1408 : i32
      %dma_wait3A_1304 = arith.constant 0 : i32
      %dma_wait3A_1305 = tpu.memref_slice %arg6[%add3A, %dma_wait3A_1303, %dma_wait3A_1304] : memref<32x2048x128xf32, #tpu.memory_space<hbm>> -> memref<1x128x128xf32, #tpu.memory_space<hbm>>
      %dma_wait3A_1306 = tpu.memref_squeeze %dma_wait3A_1305 : memref<1x128x128xf32, #tpu.memory_space<hbm>> -> memref<128x128xf32, #tpu.memory_space<hbm>>
      %dma_wait3A_1307 = arith.constant 1408 : i32
      %dma_wait3A_1308 = arith.constant 0 : i32
      %dma_wait3A_1309 = tpu.memref_slice %arg6[%add3A, %dma_wait3A_1307, %dma_wait3A_1308] : memref<32x2048x128xf32, #tpu.memory_space<hbm>> -> memref<1x128x128xf32, #tpu.memory_space<hbm>>
      %dma_wait3A_1310 = tpu.memref_squeeze %dma_wait3A_1309 : memref<1x128x128xf32, #tpu.memory_space<hbm>> -> memref<128x128xf32, #tpu.memory_space<hbm>>
      tpu.wait_dma2 semaphore(%run_scoped3A : memref<!tpu.dma_semaphore, #tpu.memory_space<semaphore_mem>>) src(%arg14 : memref<128x128xf32, #tpu.memory_space<vmem>>) dst(%dma_wait3A_1310 : memref<128x128xf32, #tpu.memory_space<hbm>>)
      tpu.yield
    }) : () -> ()
    %dma_start3A_1235 = arith.constant 1792 : i32
    %dma_start3A_1236 = tpu.memref_slice %arg8[%dma_start3A_1235] : memref<2048xi32, #tpu.memory_space<vmem>> -> memref<128xi32, #tpu.memory_space<vmem>>
    %dma_start3A_1237 = arith.constant 0 : i32
    %dma_start3A_1238 = arith.constant 0 : i32
    %dma_start3A_1239 = tpu.memref_slice %arg3[%dma_start3A_1237, %dma_start3A_1238] : memref<131072x128xf32, #tpu.memory_space<hbm>> -> memref<131072x128xf32, #tpu.memory_space<hbm>>
    tpu.enqueue_indirect_dma source(%dma_start3A_1239 : memref<131072x128xf32, #tpu.memory_space<hbm>>) target(%arg13 : memref<128x128xf32, #tpu.memory_space<vmem>>) offsets(%dma_start3A_1236 : memref<128xi32, #tpu.memory_space<vmem>>) semaphore(%arg15 : memref<!tpu.dma_semaphore, #tpu.memory_space<semaphore_mem>>)
    %dma_start3A_1240 = arith.constant 1792 : i32
    %dma_start3A_1241 = tpu.memref_slice %arg8[%dma_start3A_1240] : memref<2048xi32, #tpu.memory_space<vmem>> -> memref<128xi32, #tpu.memory_space<vmem>>
    %dma_start3A_1242 = arith.constant 0 : i32
    %dma_start3A_1243 = arith.constant 0 : i32
    %dma_start3A_1244 = tpu.memref_slice %arg4[%dma_start3A_1242, %dma_start3A_1243] : memref<131072x128xf32, #tpu.memory_space<hbm>> -> memref<131072x128xf32, #tpu.memory_space<hbm>>
    tpu.enqueue_indirect_dma source(%dma_start3A_1244 : memref<131072x128xf32, #tpu.memory_space<hbm>>) target(%arg14 : memref<128x128xf32, #tpu.memory_space<vmem>>) offsets(%dma_start3A_1241 : memref<128xi32, #tpu.memory_space<vmem>>) semaphore(%arg15 : memref<!tpu.dma_semaphore, #tpu.memory_space<semaphore_mem>>)
    %dma_wait3A_1245 = arith.constant 1536 : i32
    %dma_wait3A_1246 = tpu.memref_slice %arg8[%dma_wait3A_1245] : memref<2048xi32, #tpu.memory_space<vmem>> -> memref<128xi32, #tpu.memory_space<vmem>>
    %dma_wait3A_1247 = arith.constant 0 : i32
    %dma_wait3A_1248 = arith.constant 0 : i32
    %dma_wait3A_1249 = tpu.memref_slice %arg3[%dma_wait3A_1247, %dma_wait3A_1248] : memref<131072x128xf32, #tpu.memory_space<hbm>> -> memref<131072x128xf32, #tpu.memory_space<hbm>>
    tpu.wait_indirect_dma semaphore(%arg15 : memref<!tpu.dma_semaphore, #tpu.memory_space<semaphore_mem>>) src(%dma_wait3A_1249 : memref<131072x128xf32, #tpu.memory_space<hbm>>) dst(%arg9 : memref<128x128xf32, #tpu.memory_space<vmem>>)
    %dma_wait3A_1250 = arith.constant 1536 : i32
    %dma_wait3A_1251 = tpu.memref_slice %arg8[%dma_wait3A_1250] : memref<2048xi32, #tpu.memory_space<vmem>> -> memref<128xi32, #tpu.memory_space<vmem>>
    %dma_wait3A_1252 = arith.constant 0 : i32
    %dma_wait3A_1253 = arith.constant 0 : i32
    %dma_wait3A_1254 = tpu.memref_slice %arg4[%dma_wait3A_1252, %dma_wait3A_1253] : memref<131072x128xf32, #tpu.memory_space<hbm>> -> memref<131072x128xf32, #tpu.memory_space<hbm>>
    tpu.wait_indirect_dma semaphore(%arg15 : memref<!tpu.dma_semaphore, #tpu.memory_space<semaphore_mem>>) src(%dma_wait3A_1254 : memref<131072x128xf32, #tpu.memory_space<hbm>>) dst(%arg10 : memref<128x128xf32, #tpu.memory_space<vmem>>)
    "tpu.region"() ({
      %run_scoped3A = tpu.sem_alloc : memref<!tpu.dma_semaphore, #tpu.memory_space<semaphore_mem>>
      %dma_start3A_1295 = arith.constant 1536 : i32
      %dma_start3A_1296 = arith.constant 0 : i32
      %dma_start3A_1297 = tpu.memref_slice %arg5[%add3A, %dma_start3A_1295, %dma_start3A_1296] : memref<32x2048x128xf32, #tpu.memory_space<hbm>> -> memref<1x128x128xf32, #tpu.memory_space<hbm>>
      %dma_start3A_1298 = tpu.memref_squeeze %dma_start3A_1297 : memref<1x128x128xf32, #tpu.memory_space<hbm>> -> memref<128x128xf32, #tpu.memory_space<hbm>>
      %dma_start3A_1299 = arith.constant 1536 : i32
      %dma_start3A_1300 = arith.constant 0 : i32
      %dma_start3A_1301 = tpu.memref_slice %arg5[%add3A, %dma_start3A_1299, %dma_start3A_1300] : memref<32x2048x128xf32, #tpu.memory_space<hbm>> -> memref<1x128x128xf32, #tpu.memory_space<hbm>>
      %dma_start3A_1302 = tpu.memref_squeeze %dma_start3A_1301 : memref<1x128x128xf32, #tpu.memory_space<hbm>> -> memref<128x128xf32, #tpu.memory_space<hbm>>
      tpu.enqueue_dma source(%arg9 : memref<128x128xf32, #tpu.memory_space<vmem>>) target(%dma_start3A_1302 : memref<128x128xf32, #tpu.memory_space<hbm>>) target_semaphore(%run_scoped3A : memref<!tpu.dma_semaphore, #tpu.memory_space<semaphore_mem>>)
      %dma_wait3A_1303 = arith.constant 1536 : i32
      %dma_wait3A_1304 = arith.constant 0 : i32
      %dma_wait3A_1305 = tpu.memref_slice %arg5[%add3A, %dma_wait3A_1303, %dma_wait3A_1304] : memref<32x2048x128xf32, #tpu.memory_space<hbm>> -> memref<1x128x128xf32, #tpu.memory_space<hbm>>
      %dma_wait3A_1306 = tpu.memref_squeeze %dma_wait3A_1305 : memref<1x128x128xf32, #tpu.memory_space<hbm>> -> memref<128x128xf32, #tpu.memory_space<hbm>>
      %dma_wait3A_1307 = arith.constant 1536 : i32
      %dma_wait3A_1308 = arith.constant 0 : i32
      %dma_wait3A_1309 = tpu.memref_slice %arg5[%add3A, %dma_wait3A_1307, %dma_wait3A_1308] : memref<32x2048x128xf32, #tpu.memory_space<hbm>> -> memref<1x128x128xf32, #tpu.memory_space<hbm>>
      %dma_wait3A_1310 = tpu.memref_squeeze %dma_wait3A_1309 : memref<1x128x128xf32, #tpu.memory_space<hbm>> -> memref<128x128xf32, #tpu.memory_space<hbm>>
      tpu.wait_dma2 semaphore(%run_scoped3A : memref<!tpu.dma_semaphore, #tpu.memory_space<semaphore_mem>>) src(%arg9 : memref<128x128xf32, #tpu.memory_space<vmem>>) dst(%dma_wait3A_1310 : memref<128x128xf32, #tpu.memory_space<hbm>>)
      tpu.yield
    }) : () -> ()
    "tpu.region"() ({
      %run_scoped3A = tpu.sem_alloc : memref<!tpu.dma_semaphore, #tpu.memory_space<semaphore_mem>>
      %dma_start3A_1295 = arith.constant 1536 : i32
      %dma_start3A_1296 = arith.constant 0 : i32
      %dma_start3A_1297 = tpu.memref_slice %arg6[%add3A, %dma_start3A_1295, %dma_start3A_1296] : memref<32x2048x128xf32, #tpu.memory_space<hbm>> -> memref<1x128x128xf32, #tpu.memory_space<hbm>>
      %dma_start3A_1298 = tpu.memref_squeeze %dma_start3A_1297 : memref<1x128x128xf32, #tpu.memory_space<hbm>> -> memref<128x128xf32, #tpu.memory_space<hbm>>
      %dma_start3A_1299 = arith.constant 1536 : i32
      %dma_start3A_1300 = arith.constant 0 : i32
      %dma_start3A_1301 = tpu.memref_slice %arg6[%add3A, %dma_start3A_1299, %dma_start3A_1300] : memref<32x2048x128xf32, #tpu.memory_space<hbm>> -> memref<1x128x128xf32, #tpu.memory_space<hbm>>
      %dma_start3A_1302 = tpu.memref_squeeze %dma_start3A_1301 : memref<1x128x128xf32, #tpu.memory_space<hbm>> -> memref<128x128xf32, #tpu.memory_space<hbm>>
      tpu.enqueue_dma source(%arg10 : memref<128x128xf32, #tpu.memory_space<vmem>>) target(%dma_start3A_1302 : memref<128x128xf32, #tpu.memory_space<hbm>>) target_semaphore(%run_scoped3A : memref<!tpu.dma_semaphore, #tpu.memory_space<semaphore_mem>>)
      %dma_wait3A_1303 = arith.constant 1536 : i32
      %dma_wait3A_1304 = arith.constant 0 : i32
      %dma_wait3A_1305 = tpu.memref_slice %arg6[%add3A, %dma_wait3A_1303, %dma_wait3A_1304] : memref<32x2048x128xf32, #tpu.memory_space<hbm>> -> memref<1x128x128xf32, #tpu.memory_space<hbm>>
      %dma_wait3A_1306 = tpu.memref_squeeze %dma_wait3A_1305 : memref<1x128x128xf32, #tpu.memory_space<hbm>> -> memref<128x128xf32, #tpu.memory_space<hbm>>
      %dma_wait3A_1307 = arith.constant 1536 : i32
      %dma_wait3A_1308 = arith.constant 0 : i32
      %dma_wait3A_1309 = tpu.memref_slice %arg6[%add3A, %dma_wait3A_1307, %dma_wait3A_1308] : memref<32x2048x128xf32, #tpu.memory_space<hbm>> -> memref<1x128x128xf32, #tpu.memory_space<hbm>>
      %dma_wait3A_1310 = tpu.memref_squeeze %dma_wait3A_1309 : memref<1x128x128xf32, #tpu.memory_space<hbm>> -> memref<128x128xf32, #tpu.memory_space<hbm>>
      tpu.wait_dma2 semaphore(%run_scoped3A : memref<!tpu.dma_semaphore, #tpu.memory_space<semaphore_mem>>) src(%arg10 : memref<128x128xf32, #tpu.memory_space<vmem>>) dst(%dma_wait3A_1310 : memref<128x128xf32, #tpu.memory_space<hbm>>)
      tpu.yield
    }) : () -> ()
    %dma_start3A_1255 = arith.constant 1920 : i32
    %dma_start3A_1256 = tpu.memref_slice %arg8[%dma_start3A_1255] : memref<2048xi32, #tpu.memory_space<vmem>> -> memref<128xi32, #tpu.memory_space<vmem>>
    %dma_start3A_1257 = arith.constant 0 : i32
    %dma_start3A_1258 = arith.constant 0 : i32
    %dma_start3A_1259 = tpu.memref_slice %arg3[%dma_start3A_1257, %dma_start3A_1258] : memref<131072x128xf32, #tpu.memory_space<hbm>> -> memref<131072x128xf32, #tpu.memory_space<hbm>>
    tpu.enqueue_indirect_dma source(%dma_start3A_1259 : memref<131072x128xf32, #tpu.memory_space<hbm>>) target(%arg9 : memref<128x128xf32, #tpu.memory_space<vmem>>) offsets(%dma_start3A_1256 : memref<128xi32, #tpu.memory_space<vmem>>) semaphore(%arg15 : memref<!tpu.dma_semaphore, #tpu.memory_space<semaphore_mem>>)
    %dma_start3A_1260 = arith.constant 1920 : i32
    %dma_start3A_1261 = tpu.memref_slice %arg8[%dma_start3A_1260] : memref<2048xi32, #tpu.memory_space<vmem>> -> memref<128xi32, #tpu.memory_space<vmem>>
    %dma_start3A_1262 = arith.constant 0 : i32
    %dma_start3A_1263 = arith.constant 0 : i32
    %dma_start3A_1264 = tpu.memref_slice %arg4[%dma_start3A_1262, %dma_start3A_1263] : memref<131072x128xf32, #tpu.memory_space<hbm>> -> memref<131072x128xf32, #tpu.memory_space<hbm>>
    tpu.enqueue_indirect_dma source(%dma_start3A_1264 : memref<131072x128xf32, #tpu.memory_space<hbm>>) target(%arg10 : memref<128x128xf32, #tpu.memory_space<vmem>>) offsets(%dma_start3A_1261 : memref<128xi32, #tpu.memory_space<vmem>>) semaphore(%arg15 : memref<!tpu.dma_semaphore, #tpu.memory_space<semaphore_mem>>)
    %dma_wait3A_1265 = arith.constant 1664 : i32
    %dma_wait3A_1266 = tpu.memref_slice %arg8[%dma_wait3A_1265] : memref<2048xi32, #tpu.memory_space<vmem>> -> memref<128xi32, #tpu.memory_space<vmem>>
    %dma_wait3A_1267 = arith.constant 0 : i32
    %dma_wait3A_1268 = arith.constant 0 : i32
    %dma_wait3A_1269 = tpu.memref_slice %arg3[%dma_wait3A_1267, %dma_wait3A_1268] : memref<131072x128xf32, #tpu.memory_space<hbm>> -> memref<131072x128xf32, #tpu.memory_space<hbm>>
    tpu.wait_indirect_dma semaphore(%arg15 : memref<!tpu.dma_semaphore, #tpu.memory_space<semaphore_mem>>) src(%dma_wait3A_1269 : memref<131072x128xf32, #tpu.memory_space<hbm>>) dst(%arg11 : memref<128x128xf32, #tpu.memory_space<vmem>>)
    %dma_wait3A_1270 = arith.constant 1664 : i32
    %dma_wait3A_1271 = tpu.memref_slice %arg8[%dma_wait3A_1270] : memref<2048xi32, #tpu.memory_space<vmem>> -> memref<128xi32, #tpu.memory_space<vmem>>
    %dma_wait3A_1272 = arith.constant 0 : i32
    %dma_wait3A_1273 = arith.constant 0 : i32
    %dma_wait3A_1274 = tpu.memref_slice %arg4[%dma_wait3A_1272, %dma_wait3A_1273] : memref<131072x128xf32, #tpu.memory_space<hbm>> -> memref<131072x128xf32, #tpu.memory_space<hbm>>
    tpu.wait_indirect_dma semaphore(%arg15 : memref<!tpu.dma_semaphore, #tpu.memory_space<semaphore_mem>>) src(%dma_wait3A_1274 : memref<131072x128xf32, #tpu.memory_space<hbm>>) dst(%arg12 : memref<128x128xf32, #tpu.memory_space<vmem>>)
    "tpu.region"() ({
      %run_scoped3A = tpu.sem_alloc : memref<!tpu.dma_semaphore, #tpu.memory_space<semaphore_mem>>
      %dma_start3A_1295 = arith.constant 1664 : i32
      %dma_start3A_1296 = arith.constant 0 : i32
      %dma_start3A_1297 = tpu.memref_slice %arg5[%add3A, %dma_start3A_1295, %dma_start3A_1296] : memref<32x2048x128xf32, #tpu.memory_space<hbm>> -> memref<1x128x128xf32, #tpu.memory_space<hbm>>
      %dma_start3A_1298 = tpu.memref_squeeze %dma_start3A_1297 : memref<1x128x128xf32, #tpu.memory_space<hbm>> -> memref<128x128xf32, #tpu.memory_space<hbm>>
      %dma_start3A_1299 = arith.constant 1664 : i32
      %dma_start3A_1300 = arith.constant 0 : i32
      %dma_start3A_1301 = tpu.memref_slice %arg5[%add3A, %dma_start3A_1299, %dma_start3A_1300] : memref<32x2048x128xf32, #tpu.memory_space<hbm>> -> memref<1x128x128xf32, #tpu.memory_space<hbm>>
      %dma_start3A_1302 = tpu.memref_squeeze %dma_start3A_1301 : memref<1x128x128xf32, #tpu.memory_space<hbm>> -> memref<128x128xf32, #tpu.memory_space<hbm>>
      tpu.enqueue_dma source(%arg11 : memref<128x128xf32, #tpu.memory_space<vmem>>) target(%dma_start3A_1302 : memref<128x128xf32, #tpu.memory_space<hbm>>) target_semaphore(%run_scoped3A : memref<!tpu.dma_semaphore, #tpu.memory_space<semaphore_mem>>)
      %dma_wait3A_1303 = arith.constant 1664 : i32
      %dma_wait3A_1304 = arith.constant 0 : i32
      %dma_wait3A_1305 = tpu.memref_slice %arg5[%add3A, %dma_wait3A_1303, %dma_wait3A_1304] : memref<32x2048x128xf32, #tpu.memory_space<hbm>> -> memref<1x128x128xf32, #tpu.memory_space<hbm>>
      %dma_wait3A_1306 = tpu.memref_squeeze %dma_wait3A_1305 : memref<1x128x128xf32, #tpu.memory_space<hbm>> -> memref<128x128xf32, #tpu.memory_space<hbm>>
      %dma_wait3A_1307 = arith.constant 1664 : i32
      %dma_wait3A_1308 = arith.constant 0 : i32
      %dma_wait3A_1309 = tpu.memref_slice %arg5[%add3A, %dma_wait3A_1307, %dma_wait3A_1308] : memref<32x2048x128xf32, #tpu.memory_space<hbm>> -> memref<1x128x128xf32, #tpu.memory_space<hbm>>
      %dma_wait3A_1310 = tpu.memref_squeeze %dma_wait3A_1309 : memref<1x128x128xf32, #tpu.memory_space<hbm>> -> memref<128x128xf32, #tpu.memory_space<hbm>>
      tpu.wait_dma2 semaphore(%run_scoped3A : memref<!tpu.dma_semaphore, #tpu.memory_space<semaphore_mem>>) src(%arg11 : memref<128x128xf32, #tpu.memory_space<vmem>>) dst(%dma_wait3A_1310 : memref<128x128xf32, #tpu.memory_space<hbm>>)
      tpu.yield
    }) : () -> ()
    "tpu.region"() ({
      %run_scoped3A = tpu.sem_alloc : memref<!tpu.dma_semaphore, #tpu.memory_space<semaphore_mem>>
      %dma_start3A_1295 = arith.constant 1664 : i32
      %dma_start3A_1296 = arith.constant 0 : i32
      %dma_start3A_1297 = tpu.memref_slice %arg6[%add3A, %dma_start3A_1295, %dma_start3A_1296] : memref<32x2048x128xf32, #tpu.memory_space<hbm>> -> memref<1x128x128xf32, #tpu.memory_space<hbm>>
      %dma_start3A_1298 = tpu.memref_squeeze %dma_start3A_1297 : memref<1x128x128xf32, #tpu.memory_space<hbm>> -> memref<128x128xf32, #tpu.memory_space<hbm>>
      %dma_start3A_1299 = arith.constant 1664 : i32
      %dma_start3A_1300 = arith.constant 0 : i32
      %dma_start3A_1301 = tpu.memref_slice %arg6[%add3A, %dma_start3A_1299, %dma_start3A_1300] : memref<32x2048x128xf32, #tpu.memory_space<hbm>> -> memref<1x128x128xf32, #tpu.memory_space<hbm>>
      %dma_start3A_1302 = tpu.memref_squeeze %dma_start3A_1301 : memref<1x128x128xf32, #tpu.memory_space<hbm>> -> memref<128x128xf32, #tpu.memory_space<hbm>>
      tpu.enqueue_dma source(%arg12 : memref<128x128xf32, #tpu.memory_space<vmem>>) target(%dma_start3A_1302 : memref<128x128xf32, #tpu.memory_space<hbm>>) target_semaphore(%run_scoped3A : memref<!tpu.dma_semaphore, #tpu.memory_space<semaphore_mem>>)
      %dma_wait3A_1303 = arith.constant 1664 : i32
      %dma_wait3A_1304 = arith.constant 0 : i32
      %dma_wait3A_1305 = tpu.memref_slice %arg6[%add3A, %dma_wait3A_1303, %dma_wait3A_1304] : memref<32x2048x128xf32, #tpu.memory_space<hbm>> -> memref<1x128x128xf32, #tpu.memory_space<hbm>>
      %dma_wait3A_1306 = tpu.memref_squeeze %dma_wait3A_1305 : memref<1x128x128xf32, #tpu.memory_space<hbm>> -> memref<128x128xf32, #tpu.memory_space<hbm>>
      %dma_wait3A_1307 = arith.constant 1664 : i32
      %dma_wait3A_1308 = arith.constant 0 : i32
      %dma_wait3A_1309 = tpu.memref_slice %arg6[%add3A, %dma_wait3A_1307, %dma_wait3A_1308] : memref<32x2048x128xf32, #tpu.memory_space<hbm>> -> memref<1x128x128xf32, #tpu.memory_space<hbm>>
      %dma_wait3A_1310 = tpu.memref_squeeze %dma_wait3A_1309 : memref<1x128x128xf32, #tpu.memory_space<hbm>> -> memref<128x128xf32, #tpu.memory_space<hbm>>
      tpu.wait_dma2 semaphore(%run_scoped3A : memref<!tpu.dma_semaphore, #tpu.memory_space<semaphore_mem>>) src(%arg12 : memref<128x128xf32, #tpu.memory_space<vmem>>) dst(%dma_wait3A_1310 : memref<128x128xf32, #tpu.memory_space<hbm>>)
      tpu.yield
    }) : () -> ()
    %dma_wait3A_1275 = arith.constant 1792 : i32
    %dma_wait3A_1276 = tpu.memref_slice %arg8[%dma_wait3A_1275] : memref<2048xi32, #tpu.memory_space<vmem>> -> memref<128xi32, #tpu.memory_space<vmem>>
    %dma_wait3A_1277 = arith.constant 0 : i32
    %dma_wait3A_1278 = arith.constant 0 : i32
    %dma_wait3A_1279 = tpu.memref_slice %arg3[%dma_wait3A_1277, %dma_wait3A_1278] : memref<131072x128xf32, #tpu.memory_space<hbm>> -> memref<131072x128xf32, #tpu.memory_space<hbm>>
    tpu.wait_indirect_dma semaphore(%arg15 : memref<!tpu.dma_semaphore, #tpu.memory_space<semaphore_mem>>) src(%dma_wait3A_1279 : memref<131072x128xf32, #tpu.memory_space<hbm>>) dst(%arg13 : memref<128x128xf32, #tpu.memory_space<vmem>>)
    %dma_wait3A_1280 = arith.constant 1792 : i32
    %dma_wait3A_1281 = tpu.memref_slice %arg8[%dma_wait3A_1280] : memref<2048xi32, #tpu.memory_space<vmem>> -> memref<128xi32, #tpu.memory_space<vmem>>
    %dma_wait3A_1282 = arith.constant 0 : i32
    %dma_wait3A_1283 = arith.constant 0 : i32
    %dma_wait3A_1284 = tpu.memref_slice %arg4[%dma_wait3A_1282, %dma_wait3A_1283] : memref<131072x128xf32, #tpu.memory_space<hbm>> -> memref<131072x128xf32, #tpu.memory_space<hbm>>
    tpu.wait_indirect_dma semaphore(%arg15 : memref<!tpu.dma_semaphore, #tpu.memory_space<semaphore_mem>>) src(%dma_wait3A_1284 : memref<131072x128xf32, #tpu.memory_space<hbm>>) dst(%arg14 : memref<128x128xf32, #tpu.memory_space<vmem>>)
    "tpu.region"() ({
      %run_scoped3A = tpu.sem_alloc : memref<!tpu.dma_semaphore, #tpu.memory_space<semaphore_mem>>
      %dma_start3A_1295 = arith.constant 1792 : i32
      %dma_start3A_1296 = arith.constant 0 : i32
      %dma_start3A_1297 = tpu.memref_slice %arg5[%add3A, %dma_start3A_1295, %dma_start3A_1296] : memref<32x2048x128xf32, #tpu.memory_space<hbm>> -> memref<1x128x128xf32, #tpu.memory_space<hbm>>
      %dma_start3A_1298 = tpu.memref_squeeze %dma_start3A_1297 : memref<1x128x128xf32, #tpu.memory_space<hbm>> -> memref<128x128xf32, #tpu.memory_space<hbm>>
      %dma_start3A_1299 = arith.constant 1792 : i32
      %dma_start3A_1300 = arith.constant 0 : i32
      %dma_start3A_1301 = tpu.memref_slice %arg5[%add3A, %dma_start3A_1299, %dma_start3A_1300] : memref<32x2048x128xf32, #tpu.memory_space<hbm>> -> memref<1x128x128xf32, #tpu.memory_space<hbm>>
      %dma_start3A_1302 = tpu.memref_squeeze %dma_start3A_1301 : memref<1x128x128xf32, #tpu.memory_space<hbm>> -> memref<128x128xf32, #tpu.memory_space<hbm>>
      tpu.enqueue_dma source(%arg13 : memref<128x128xf32, #tpu.memory_space<vmem>>) target(%dma_start3A_1302 : memref<128x128xf32, #tpu.memory_space<hbm>>) target_semaphore(%run_scoped3A : memref<!tpu.dma_semaphore, #tpu.memory_space<semaphore_mem>>)
      %dma_wait3A_1303 = arith.constant 1792 : i32
      %dma_wait3A_1304 = arith.constant 0 : i32
      %dma_wait3A_1305 = tpu.memref_slice %arg5[%add3A, %dma_wait3A_1303, %dma_wait3A_1304] : memref<32x2048x128xf32, #tpu.memory_space<hbm>> -> memref<1x128x128xf32, #tpu.memory_space<hbm>>
      %dma_wait3A_1306 = tpu.memref_squeeze %dma_wait3A_1305 : memref<1x128x128xf32, #tpu.memory_space<hbm>> -> memref<128x128xf32, #tpu.memory_space<hbm>>
      %dma_wait3A_1307 = arith.constant 1792 : i32
      %dma_wait3A_1308 = arith.constant 0 : i32
      %dma_wait3A_1309 = tpu.memref_slice %arg5[%add3A, %dma_wait3A_1307, %dma_wait3A_1308] : memref<32x2048x128xf32, #tpu.memory_space<hbm>> -> memref<1x128x128xf32, #tpu.memory_space<hbm>>
      %dma_wait3A_1310 = tpu.memref_squeeze %dma_wait3A_1309 : memref<1x128x128xf32, #tpu.memory_space<hbm>> -> memref<128x128xf32, #tpu.memory_space<hbm>>
      tpu.wait_dma2 semaphore(%run_scoped3A : memref<!tpu.dma_semaphore, #tpu.memory_space<semaphore_mem>>) src(%arg13 : memref<128x128xf32, #tpu.memory_space<vmem>>) dst(%dma_wait3A_1310 : memref<128x128xf32, #tpu.memory_space<hbm>>)
      tpu.yield
    }) : () -> ()
    "tpu.region"() ({
      %run_scoped3A = tpu.sem_alloc : memref<!tpu.dma_semaphore, #tpu.memory_space<semaphore_mem>>
      %dma_start3A_1295 = arith.constant 1792 : i32
      %dma_start3A_1296 = arith.constant 0 : i32
      %dma_start3A_1297 = tpu.memref_slice %arg6[%add3A, %dma_start3A_1295, %dma_start3A_1296] : memref<32x2048x128xf32, #tpu.memory_space<hbm>> -> memref<1x128x128xf32, #tpu.memory_space<hbm>>
      %dma_start3A_1298 = tpu.memref_squeeze %dma_start3A_1297 : memref<1x128x128xf32, #tpu.memory_space<hbm>> -> memref<128x128xf32, #tpu.memory_space<hbm>>
      %dma_start3A_1299 = arith.constant 1792 : i32
      %dma_start3A_1300 = arith.constant 0 : i32
      %dma_start3A_1301 = tpu.memref_slice %arg6[%add3A, %dma_start3A_1299, %dma_start3A_1300] : memref<32x2048x128xf32, #tpu.memory_space<hbm>> -> memref<1x128x128xf32, #tpu.memory_space<hbm>>
      %dma_start3A_1302 = tpu.memref_squeeze %dma_start3A_1301 : memref<1x128x128xf32, #tpu.memory_space<hbm>> -> memref<128x128xf32, #tpu.memory_space<hbm>>
      tpu.enqueue_dma source(%arg14 : memref<128x128xf32, #tpu.memory_space<vmem>>) target(%dma_start3A_1302 : memref<128x128xf32, #tpu.memory_space<hbm>>) target_semaphore(%run_scoped3A : memref<!tpu.dma_semaphore, #tpu.memory_space<semaphore_mem>>)
      %dma_wait3A_1303 = arith.constant 1792 : i32
      %dma_wait3A_1304 = arith.constant 0 : i32
      %dma_wait3A_1305 = tpu.memref_slice %arg6[%add3A, %dma_wait3A_1303, %dma_wait3A_1304] : memref<32x2048x128xf32, #tpu.memory_space<hbm>> -> memref<1x128x128xf32, #tpu.memory_space<hbm>>
      %dma_wait3A_1306 = tpu.memref_squeeze %dma_wait3A_1305 : memref<1x128x128xf32, #tpu.memory_space<hbm>> -> memref<128x128xf32, #tpu.memory_space<hbm>>
      %dma_wait3A_1307 = arith.constant 1792 : i32
      %dma_wait3A_1308 = arith.constant 0 : i32
      %dma_wait3A_1309 = tpu.memref_slice %arg6[%add3A, %dma_wait3A_1307, %dma_wait3A_1308] : memref<32x2048x128xf32, #tpu.memory_space<hbm>> -> memref<1x128x128xf32, #tpu.memory_space<hbm>>
      %dma_wait3A_1310 = tpu.memref_squeeze %dma_wait3A_1309 : memref<1x128x128xf32, #tpu.memory_space<hbm>> -> memref<128x128xf32, #tpu.memory_space<hbm>>
      tpu.wait_dma2 semaphore(%run_scoped3A : memref<!tpu.dma_semaphore, #tpu.memory_space<semaphore_mem>>) src(%arg14 : memref<128x128xf32, #tpu.memory_space<vmem>>) dst(%dma_wait3A_1310 : memref<128x128xf32, #tpu.memory_space<hbm>>)
      tpu.yield
    }) : () -> ()
    %dma_wait3A_1285 = arith.constant 1920 : i32
    %dma_wait3A_1286 = tpu.memref_slice %arg8[%dma_wait3A_1285] : memref<2048xi32, #tpu.memory_space<vmem>> -> memref<128xi32, #tpu.memory_space<vmem>>
    %dma_wait3A_1287 = arith.constant 0 : i32
    %dma_wait3A_1288 = arith.constant 0 : i32
    %dma_wait3A_1289 = tpu.memref_slice %arg3[%dma_wait3A_1287, %dma_wait3A_1288] : memref<131072x128xf32, #tpu.memory_space<hbm>> -> memref<131072x128xf32, #tpu.memory_space<hbm>>
    tpu.wait_indirect_dma semaphore(%arg15 : memref<!tpu.dma_semaphore, #tpu.memory_space<semaphore_mem>>) src(%dma_wait3A_1289 : memref<131072x128xf32, #tpu.memory_space<hbm>>) dst(%arg9 : memref<128x128xf32, #tpu.memory_space<vmem>>)
    %dma_wait3A_1290 = arith.constant 1920 : i32
    %dma_wait3A_1291 = tpu.memref_slice %arg8[%dma_wait3A_1290] : memref<2048xi32, #tpu.memory_space<vmem>> -> memref<128xi32, #tpu.memory_space<vmem>>
    %dma_wait3A_1292 = arith.constant 0 : i32
    %dma_wait3A_1293 = arith.constant 0 : i32
    %dma_wait3A_1294 = tpu.memref_slice %arg4[%dma_wait3A_1292, %dma_wait3A_1293] : memref<131072x128xf32, #tpu.memory_space<hbm>> -> memref<131072x128xf32, #tpu.memory_space<hbm>>
    tpu.wait_indirect_dma semaphore(%arg15 : memref<!tpu.dma_semaphore, #tpu.memory_space<semaphore_mem>>) src(%dma_wait3A_1294 : memref<131072x128xf32, #tpu.memory_space<hbm>>) dst(%arg10 : memref<128x128xf32, #tpu.memory_space<vmem>>)
    "tpu.region"() ({
      %run_scoped3A = tpu.sem_alloc : memref<!tpu.dma_semaphore, #tpu.memory_space<semaphore_mem>>
      %dma_start3A_1295 = arith.constant 1920 : i32
      %dma_start3A_1296 = arith.constant 0 : i32
      %dma_start3A_1297 = tpu.memref_slice %arg5[%add3A, %dma_start3A_1295, %dma_start3A_1296] : memref<32x2048x128xf32, #tpu.memory_space<hbm>> -> memref<1x128x128xf32, #tpu.memory_space<hbm>>
      %dma_start3A_1298 = tpu.memref_squeeze %dma_start3A_1297 : memref<1x128x128xf32, #tpu.memory_space<hbm>> -> memref<128x128xf32, #tpu.memory_space<hbm>>
      %dma_start3A_1299 = arith.constant 1920 : i32
      %dma_start3A_1300 = arith.constant 0 : i32
      %dma_start3A_1301 = tpu.memref_slice %arg5[%add3A, %dma_start3A_1299, %dma_start3A_1300] : memref<32x2048x128xf32, #tpu.memory_space<hbm>> -> memref<1x128x128xf32, #tpu.memory_space<hbm>>
      %dma_start3A_1302 = tpu.memref_squeeze %dma_start3A_1301 : memref<1x128x128xf32, #tpu.memory_space<hbm>> -> memref<128x128xf32, #tpu.memory_space<hbm>>
      tpu.enqueue_dma source(%arg9 : memref<128x128xf32, #tpu.memory_space<vmem>>) target(%dma_start3A_1302 : memref<128x128xf32, #tpu.memory_space<hbm>>) target_semaphore(%run_scoped3A : memref<!tpu.dma_semaphore, #tpu.memory_space<semaphore_mem>>)
      %dma_wait3A_1303 = arith.constant 1920 : i32
      %dma_wait3A_1304 = arith.constant 0 : i32
      %dma_wait3A_1305 = tpu.memref_slice %arg5[%add3A, %dma_wait3A_1303, %dma_wait3A_1304] : memref<32x2048x128xf32, #tpu.memory_space<hbm>> -> memref<1x128x128xf32, #tpu.memory_space<hbm>>
      %dma_wait3A_1306 = tpu.memref_squeeze %dma_wait3A_1305 : memref<1x128x128xf32, #tpu.memory_space<hbm>> -> memref<128x128xf32, #tpu.memory_space<hbm>>
      %dma_wait3A_1307 = arith.constant 1920 : i32
      %dma_wait3A_1308 = arith.constant 0 : i32
      %dma_wait3A_1309 = tpu.memref_slice %arg5[%add3A, %dma_wait3A_1307, %dma_wait3A_1308] : memref<32x2048x128xf32, #tpu.memory_space<hbm>> -> memref<1x128x128xf32, #tpu.memory_space<hbm>>
      %dma_wait3A_1310 = tpu.memref_squeeze %dma_wait3A_1309 : memref<1x128x128xf32, #tpu.memory_space<hbm>> -> memref<128x128xf32, #tpu.memory_space<hbm>>
      tpu.wait_dma2 semaphore(%run_scoped3A : memref<!tpu.dma_semaphore, #tpu.memory_space<semaphore_mem>>) src(%arg9 : memref<128x128xf32, #tpu.memory_space<vmem>>) dst(%dma_wait3A_1310 : memref<128x128xf32, #tpu.memory_space<hbm>>)
      tpu.yield
    }) : () -> ()
    "tpu.region"() ({
      %run_scoped3A = tpu.sem_alloc : memref<!tpu.dma_semaphore, #tpu.memory_space<semaphore_mem>>
      %dma_start3A_1295 = arith.constant 1920 : i32
      %dma_start3A_1296 = arith.constant 0 : i32
      %dma_start3A_1297 = tpu.memref_slice %arg6[%add3A, %dma_start3A_1295, %dma_start3A_1296] : memref<32x2048x128xf32, #tpu.memory_space<hbm>> -> memref<1x128x128xf32, #tpu.memory_space<hbm>>
      %dma_start3A_1298 = tpu.memref_squeeze %dma_start3A_1297 : memref<1x128x128xf32, #tpu.memory_space<hbm>> -> memref<128x128xf32, #tpu.memory_space<hbm>>
      %dma_start3A_1299 = arith.constant 1920 : i32
      %dma_start3A_1300 = arith.constant 0 : i32
      %dma_start3A_1301 = tpu.memref_slice %arg6[%add3A, %dma_start3A_1299, %dma_start3A_1300] : memref<32x2048x128xf32, #tpu.memory_space<hbm>> -> memref<1x128x128xf32, #tpu.memory_space<hbm>>
      %dma_start3A_1302 = tpu.memref_squeeze %dma_start3A_1301 : memref<1x128x128xf32, #tpu.memory_space<hbm>> -> memref<128x128xf32, #tpu.memory_space<hbm>>
      tpu.enqueue_dma source(%arg10 : memref<128x128xf32, #tpu.memory_space<vmem>>) target(%dma_start3A_1302 : memref<128x128xf32, #tpu.memory_space<hbm>>) target_semaphore(%run_scoped3A : memref<!tpu.dma_semaphore, #tpu.memory_space<semaphore_mem>>)
      %dma_wait3A_1303 = arith.constant 1920 : i32
      %dma_wait3A_1304 = arith.constant 0 : i32
      %dma_wait3A_1305 = tpu.memref_slice %arg6[%add3A, %dma_wait3A_1303, %dma_wait3A_1304] : memref<32x2048x128xf32, #tpu.memory_space<hbm>> -> memref<1x128x128xf32, #tpu.memory_space<hbm>>
      %dma_wait3A_1306 = tpu.memref_squeeze %dma_wait3A_1305 : memref<1x128x128xf32, #tpu.memory_space<hbm>> -> memref<128x128xf32, #tpu.memory_space<hbm>>
      %dma_wait3A_1307 = arith.constant 1920 : i32
      %dma_wait3A_1308 = arith.constant 0 : i32
      %dma_wait3A_1309 = tpu.memref_slice %arg6[%add3A, %dma_wait3A_1307, %dma_wait3A_1308] : memref<32x2048x128xf32, #tpu.memory_space<hbm>> -> memref<1x128x128xf32, #tpu.memory_space<hbm>>
      %dma_wait3A_1310 = tpu.memref_squeeze %dma_wait3A_1309 : memref<1x128x128xf32, #tpu.memory_space<hbm>> -> memref<128x128xf32, #tpu.memory_space<hbm>>
      tpu.wait_dma2 semaphore(%run_scoped3A : memref<!tpu.dma_semaphore, #tpu.memory_space<semaphore_mem>>) src(%arg10 : memref<128x128xf32, #tpu.memory_space<vmem>>) dst(%dma_wait3A_1310 : memref<128x128xf32, #tpu.memory_space<hbm>>)
      tpu.yield
    }) : () -> ()
    return
  }
}

module attributes {stable_mosaic.version = 14 : i64} {
  func.func @_attn_body(%arg0: i32, %arg1: memref<1xf32, #tpu.memory_space<smem>>, %arg2: memref<1x128x128xf32, #tpu.memory_space<vmem>>, %arg3: memref<1x2048x128xf32, #tpu.memory_space<vmem>>, %arg4: memref<1x2048x128xf32, #tpu.memory_space<vmem>>, %arg5: memref<1x128x128xf32, #tpu.memory_space<vmem>>) attributes {dimension_semantics = [#tpu.dimension_semantics<arbitrary>], iteration_bounds = array<i64: 32>, scalar_prefetch = 0 : i64, scratch_operands = 0 : i64, tpu.core_type = #tpu.core_type<tc>, window_params = [{transform_indices = @transform_0, window_bounds = array<i64: 1>}, {transform_indices = @transform_1, window_bounds = array<i64: 1, 128, 128>}, {transform_indices = @transform_2, window_bounds = array<i64: 1, 2048, 128>}, {transform_indices = @transform_3, window_bounds = array<i64: 1, 2048, 128>}, {transform_indices = @transform_4, window_bounds = array<i64: 1, 128, 128>}]} {
    %get3A = arith.constant 0 : index
    %get3A_0 = arith.constant 0 : index
    %get3A_1 = arith.constant 0 : index
    %get3A_2 = vector.load %arg2[%get3A, %get3A_0, %get3A_1] : memref<1x128x128xf32, #tpu.memory_space<vmem>>, vector<1x128x128xf32>
    %get3A_3 = vector.shape_cast %get3A_2 : vector<1x128x128xf32> to vector<128x128xf32>
    %convert_element_type3A = arith.truncf %get3A_3 : vector<128x128xf32> to vector<128x128xbf16>
    %get3A_4 = arith.constant 0 : index
    %get3A_5 = arith.constant 0 : index
    %get3A_6 = arith.constant 0 : index
    %get3A_7 = vector.load %arg3[%get3A_4, %get3A_5, %get3A_6] : memref<1x2048x128xf32, #tpu.memory_space<vmem>>, vector<1x2048x128xf32>
    %get3A_8 = vector.shape_cast %get3A_7 : vector<1x2048x128xf32> to vector<2048x128xf32>
    %convert_element_type3A_9 = arith.truncf %get3A_8 : vector<2048x128xf32> to vector<2048x128xbf16>
    %dot_general3A = arith.constant dense<0.000000e+00> : vector<128x2048xf32>
    %dot_general3A_10 = tpu.matmul %convert_element_type3A, %convert_element_type3A_9, %dot_general3A {dimension_numbers = #tpu.dot_dimension_numbers<[1], [1], [0], [0], [0, 0, 1, 0], [], []>, transpose_lhs_hint = false} : vector<128x128xbf16>, vector<2048x128xbf16>, vector<128x2048xf32> -> vector<128x2048xf32>
    %get3A_11 = arith.constant 0 : index
    %get3A_12 = memref.load %arg1[%get3A_11] : memref<1xf32, #tpu.memory_space<smem>>
    %mul3A = vector.broadcast %get3A_12 : f32 to vector<128x2048xf32>
    %mul3A_13 = arith.mulf %dot_general3A_10, %mul3A : vector<128x2048xf32>
    %reduce_max3A = arith.constant dense<0xFF800000> : vector<128xf32>
    %reduce_max3A_14 = vector.multi_reduction <maximumf>, %mul3A_13, %reduce_max3A [1] : vector<128x2048xf32> to vector<128xf32>
    %broadcast_in_dim3A = vector.shape_cast %reduce_max3A_14 : vector<128xf32> to vector<128x1xf32>
    %sub3A = vector.broadcast %broadcast_in_dim3A : vector<128x1xf32> to vector<128x2048xf32>
    %sub3A_15 = arith.subf %mul3A_13, %sub3A : vector<128x2048xf32>
    %exp3A = math.exp %sub3A_15 : vector<128x2048xf32>
    %reduce_sum3A = arith.constant dense<0.000000e+00> : vector<128xf32>
    %reduce_sum3A_16 = vector.multi_reduction <add>, %exp3A, %reduce_sum3A [1] : vector<128x2048xf32> to vector<128xf32>
    %broadcast_in_dim3A_17 = vector.shape_cast %reduce_sum3A_16 : vector<128xf32> to vector<128x1xf32>
    %convert_element_type3A_18 = arith.truncf %exp3A : vector<128x2048xf32> to vector<128x2048xbf16>
    %get3A_19 = arith.constant 0 : index
    %get3A_20 = arith.constant 0 : index
    %get3A_21 = arith.constant 0 : index
    %get3A_22 = vector.load %arg4[%get3A_19, %get3A_20, %get3A_21] : memref<1x2048x128xf32, #tpu.memory_space<vmem>>, vector<1x2048x128xf32>
    %get3A_23 = vector.shape_cast %get3A_22 : vector<1x2048x128xf32> to vector<2048x128xf32>
    %convert_element_type3A_24 = arith.truncf %get3A_23 : vector<2048x128xf32> to vector<2048x128xbf16>
    %dot_general3A_25 = arith.constant dense<0.000000e+00> : vector<128x128xf32>
    %dot_general3A_26 = tpu.matmul %convert_element_type3A_18, %convert_element_type3A_24, %dot_general3A_25 {dimension_numbers = #tpu.dot_dimension_numbers<[1], [0], [0], [1], [0, 0, 1, 1], [], []>, transpose_lhs_hint = false} : vector<128x2048xbf16>, vector<2048x128xbf16>, vector<128x128xf32> -> vector<128x128xf32>
    %div3A = vector.broadcast %broadcast_in_dim3A_17 : vector<128x1xf32> to vector<128x128xf32>
    %div3A_27 = arith.divf %dot_general3A_26, %div3A : vector<128x128xf32>
    %swap3A = arith.constant 0 : index
    %swap3A_28 = arith.constant 0 : index
    %swap3A_29 = arith.constant 0 : index
    %swap3A_30 = vector.load %arg5[%swap3A, %swap3A_28, %swap3A_29] : memref<1x128x128xf32, #tpu.memory_space<vmem>>, vector<1x128x128xf32>
    %swap3A_31 = vector.shape_cast %swap3A_30 : vector<1x128x128xf32> to vector<128x128xf32>
    %swap3A_32 = vector.shape_cast %div3A_27 : vector<128x128xf32> to vector<1x128x128xf32>
    tpu.vector_store %arg5[%swap3A, %swap3A_28, %swap3A_29], %swap3A_32 {strides = array<i32>} : memref<1x128x128xf32, #tpu.memory_space<vmem>>, vector<1x128x128xf32>,
    return
  }
  func.func @transform_0(%arg0: i32) -> i32 {
    %c0_i32 = arith.constant 0 : i32
    %c0_i32_0 = arith.constant 0 : i32
    return %c0_i32 : i32
  }
  func.func @transform_1(%arg0: i32) -> (i32, i32, i32) {
    %c0_i32 = arith.constant 0 : i32
    %c0_i32_0 = arith.constant 0 : i32
    %c0_i32_1 = arith.constant 0 : i32
    return %arg0, %c0_i32, %c0_i32_0 : i32, i32, i32
  }
  func.func @transform_2(%arg0: i32) -> (i32, i32, i32) {
    %c0_i32 = arith.constant 0 : i32
    %c0_i32_0 = arith.constant 0 : i32
    %c0_i32_1 = arith.constant 0 : i32
    return %arg0, %c0_i32, %c0_i32_0 : i32, i32, i32
  }
  func.func @transform_3(%arg0: i32) -> (i32, i32, i32) {
    %c0_i32 = arith.constant 0 : i32
    %c0_i32_0 = arith.constant 0 : i32
    %c0_i32_1 = arith.constant 0 : i32
    return %arg0, %c0_i32, %c0_i32_0 : i32, i32, i32
  }
  func.func @transform_4(%arg0: i32) -> (i32, i32, i32) {
    %c0_i32 = arith.constant 0 : i32
    %c0_i32_0 = arith.constant 0 : i32
    %c0_i32_1 = arith.constant 0 : i32
    return %arg0, %c0_i32, %c0_i32_0 : i32, i32, i32
  }
}

</mosaic_0001>

<sc_bundles>
// kernel: kernel.6.cloned.1.call-start
scs
__scs_entry_jumppad:
0x0: {  	(pc) =	sbr.rel $0x88, $3  }
0x1: {  	(tag) =	ssettag $0x0;
	lr =	simm.s32 $0x1  }
0x2: {  	[smem:$0x3F9A] =	sst lr;
	_ =	strace $0xD0000000  }
0x3: {  	_ = 	snop  }
0x4: {  	_ = 	snop  }
0x5: {  	_ = 	snop  }
0x6: {  	_ = 	snop  }
0x7: {  	_ = 	snop  }
__scs_overlays_trampoline_lowered:
0x8: {  	[smem:$0x3FA9] =	sst s0  }
0x9: {  	[smem:$0x3FAA] =	sst s1  }
0xa: {  	[smem:$0x3FAB] =	sst s2  }
0xb: {  	[smem:$0x3FAC] =	sst s3  }
0xc: {  	[smem:$0x3FAD] =	sst s4  }
0xd: {  	[smem:$0x3FAE] =	sst s5  }
0xe: {  	[smem:$0x3FAF] =	sst s6  }
0xf: {  	[smem:$0x3FB0] =	sst s7  }
0x10: {  	[smem:$0x3FB1] =	sst s8  }
0x11: {  	[smem:$0x3FB2] =	sst s9;
	s0 =	simm.s32 @!p0 $0x0  }
0x12: {  	s1 =	sld [smem:$0x3F98];
	s0 =	simm.s32 @p0 $0x1  }
0x13: {  	[smem:$0x3FB3] =	sst s0;
	s0 =	simm.s32 @!p1 $0x0  }
0x14: {  	s2 =	sld [smem:$0x3F97];
	s0 =	simm.s32 @p1 $0x1  }
0x15: {  	[smem:$0x3FB4] =	sst s0;
	s0 =	simm.s32 @!p2 $0x0  }
0x16: {  	s3 =	sld [smem:$0x3FDB];
	s0 =	simm.s32 @p2 $0x1  }
0x17: {  	s4 =	simm.s32 $0x1BF5;
	[smem:$0x3FB6] =	sst s0  }
0x18: {  	s0 =	sld [smem:$0x3F99];
	_ =	swait.ge [sflag:s4], $0x0  }
0x19: {  	s7 =	sld [smem:$0x3F9A]  }
0x1a: {  	s8 =	sadd.s32 $0xFFFFE003, lr  }
0x1b: {  	s9 =	sadd.s32 $0xFFFFFEF7, lr;
	s5 =	simm.s32 $0xFFFFFFFF;
	p2 =	slt.u32 s8, $0xFFFFF086  }
0x1c: {  	p1 =	slt.u32 s9, $0xF7A;
	s5 =	simm.s32 @!p2 $0x0  }
0x1d: {  	s5 =	simm.s32 @p1 $0x1;
	p0 =	seq.s32 s7, s2  }
0x1e: {  	s7 =	smul.u32 @!p0 $0xF7A, s2;
	p2 =	seq.s32 @!p0 s5, $0x0  }
0x1f: {  	s9 =	smul.u32 $0xF7A, s1;
	s8 =	simm.s32 @!p0 $0x1BF5;
	p2 =	por !p2, p0  }
0x20: {  	[sflag:s8] =	ssyncset.s32 @!p0 $0xFFFFF086;
	s6 =	sadd.s32 @!p0 s3, s7;
	s7 =	simm.s32 @!p0 $0x108  }
0x21: {  	s3 =	sadd.s32 s3, s9;
	s6 =	sadd.s32 @!p0 $0x88, s6;
	s7 =	simm.s32 @p2 $0x1082  }
0x22: {  	[simem:s7], [sflag:s8] =	dma.local @!p0 [hbm:s6], $0xF7A  }
0x23: {  	s9 =	sor.u32 $0xD0000000, s2;
	s6 =	simm.s32 $0x108;
	_ =	swait.ge @!p0 [sflag:s8], $0x0  }
0x24: {  	s3 =	sadd.s32 $0x88, s3;
	s6 =	simm.s32 @!p1 $0x1082;
	[sflag:s4] =	ssyncset.s32 $0xFFFFF086  }
0x25: {  	[simem:s6], [sflag:s4] =	dma.local [hbm:s3], $0xF7A  }
0x26: {  	[smem:$0x3F9A] =	sst s1;
	(tag) =	ssettag s2;
	_ =	strace s9  }
0x27: {  	s1 =	sld [smem:$0x3FAA]  }
0x28: {  	s2 =	sld [smem:$0x3FAB]  }
0x29: {  	s4 =	sld [smem:$0x3FAD]  }
0x2a: {  	p0 =	seq.s32 s5, $0x0;
	s5 =	sld [smem:$0x3FAE]  }
0x2b: {  	s6 =	sld [smem:$0x3FAF]  }
0x2c: {  	s7 =	sld [smem:$0x3FB0]  }
0x2d: {  	s3 =	simm.s32 $0x108;
	s8 =	sld [smem:$0x3FB1]  }
0x2e: {  	s3 =	simm.s32 @!p0 $0x1082;
	s9 =	sld [smem:$0x3FB2]  }
0x2f: {  	lr =	sadd.s32 s0, s3;
	s0 =	sld [smem:$0x3FA9]  }
0x30: {  	s3 =	sld [smem:$0x3FAC]  }
0x31: {  	[smem:$0x3FB5] =	sst s10  }
0x32: {  	s10 =	sld [smem:$0x3FB3];
	_ =	sdelay $0x3  }
0x33: {  	p0 =	seq.s32 s10, $0x1;
	s10 =	sld [smem:$0x3FB5];
	_ =	sdelay $0x3  }
0x34: {  	[smem:$0x3FB5] =	sst s10  }
0x35: {  	s10 =	sld [smem:$0x3FB4];
	_ =	sdelay $0x3  }
0x36: {  	p1 =	seq.s32 s10, $0x1;
	s10 =	sld [smem:$0x3FB5];
	_ =	sdelay $0x3  }
0x37: {  	[smem:$0x3FB5] =	sst s10  }
0x38: {  	s10 =	sld [smem:$0x3FB6]  }
0x39: {  	_ = 	snop;
	(pc) =	sbr.ind lr, $3  }
0x3a: {  	_ = 	snop  }
0x3b: {  	_ = 	snop  }
0x3c: {  	p2 =	seq.s32 s10, $0x1;
	s10 =	sld [smem:$0x3FB5]  }
0x3d: {  	_ =	shalt  }
0x3e: {  	_ =	shalt  }
0x3f: {  	_ =	shalt  }
0x40: {  	_ =	shalt  }
0x41: {  	_ =	shalt  }
0x42: {  	_ =	shalt  }
0x43: {  	_ =	shalt  }
0x44: {  	_ =	shalt  }
0x45: {  	_ =	shalt  }
0x46: {  	_ =	shalt  }
0x47: {  	_ =	shalt  }
0x48: {  	_ =	shalt  }
0x49: {  	_ =	shalt  }
0x4a: {  	_ =	shalt  }
0x4b: {  	_ =	shalt  }
0x4c: {  	_ =	shalt  }
0x4d: {  	_ =	shalt  }
0x4e: {  	_ =	shalt  }
0x4f: {  	_ =	shalt  }
0x50: {  	_ =	shalt  }
0x51: {  	_ =	shalt  }
0x52: {  	_ =	shalt  }
0x53: {  	_ =	shalt  }
0x54: {  	_ =	shalt  }
0x55: {  	_ =	shalt  }
0x56: {  	_ =	shalt  }
0x57: {  	_ =	shalt  }
0x58: {  	_ =	shalt  }
0x59: {  	_ =	shalt  }
0x5a: {  	_ =	shalt  }
0x5b: {  	_ =	shalt  }
0x5c: {  	_ =	shalt  }
0x5d: {  	_ =	shalt  }
0x5e: {  	_ =	shalt  }
0x5f: {  	_ =	shalt  }
0x60: {  	_ =	shalt  }
0x61: {  	_ =	shalt  }
0x62: {  	_ =	shalt  }
0x63: {  	_ =	shalt  }
0x64: {  	_ =	shalt  }
0x65: {  	_ =	shalt  }
0x66: {  	_ =	shalt  }
0x67: {  	_ =	shalt  }
0x68: {  	_ =	shalt  }
0x69: {  	_ =	shalt  }
0x6a: {  	_ =	shalt  }
0x6b: {  	_ =	shalt  }
0x6c: {  	_ =	shalt  }
0x6d: {  	_ =	shalt  }
0x6e: {  	_ =	shalt  }
0x6f: {  	_ =	shalt  }
0x70: {  	_ =	shalt  }
0x71: {  	_ =	shalt  }
0x72: {  	_ =	shalt  }
0x73: {  	_ =	shalt  }
0x74: {  	_ =	shalt  }
0x75: {  	_ =	shalt  }
0x76: {  	_ =	shalt  }
0x77: {  	_ =	shalt  }
0x78: {  	_ =	shalt  }
0x79: {  	_ =	shalt  }
0x7a: {  	_ =	shalt  }
0x7b: {  	_ =	shalt  }
0x7c: {  	_ =	shalt  }
0x7d: {  	_ =	shalt  }
0x7e: {  	_ =	shalt  }
0x7f: {  	_ =	shalt  }
0x80: {  	_ =	shalt  }
0x81: {  	_ =	shalt  }
0x82: {  	_ =	shalt  }
0x83: {  	_ =	shalt  }
0x84: {  	_ =	shalt  }
0x85: {  	_ =	shalt  }
0x86: {  	_ =	shalt  }
0x87: {  	_ =	shalt  }
.Lfunc_end0:
.L_simem_size_0:
called_computation_lowered:
.L_overlay_start_0:
0x88: {  	s2 =	sld [smem:$0x3FD9]  }
0x89: {  	s3 =	sld [smem:$0x3FFE];
	_ =	sdelay $0x1  }
0x8a: {  	s1 =	srdreg.scid  }
0x8b: {  	s0 =	sand.u32 $0x1, s1  }
0x8c: {  	s17 =	sshll.u32 s0, $0xA;
	s2 =	sadd.s32 s3, s2  }
0x8d: {  	s2 =	sadd.s32 s2, s17  }
0x8e: {  	[smem:$0x3FC1] =	sst s2  }
0x8f: {  	_ = 	snop  }
0x90: {  	s2 =	sld [smem:$0x3FD0];
	(tm) =	ssettm $0x1  }
0x91: {  	s18 =	sld [smem:$0x3FFB];
	_ =	sdelay $0x3  }
0x92: {  	_ =	strace s18  }
0x93: {  	s3 =	sld [smem:$0x3FFC];
	_ =	sdelay $0x3  }
0x94: {  	_ =	strace s3  }
0x95: {  	s3 =	sld [smem:$0x3FFD];
	_ =	sdelay $0x3  }
0x96: {  	_ =	strace s3  }
0x97: {  	_ =	strace $0x8FFFFFFF  }
0x98: {  	s19 =	sld [smem:$0x3FDB];
	_ =	sdelay $0x1  }
0x99: {  	s4 =	simm.s32 $_scs_section_size  }
0x9a: {  	s5 =	simm.s32 $_size__tile_overlayer_lowered;
	s6 =	simm.s32 $_tile_overlayer_lowered  }
0x9b: {  	s22 =	simm.s32 $0x1BFF;
	s21 =	sshll.u32 s6, $0x1;
	s3 =	sadd.s32 s4, s19  }
0x9c: {  	s7 =	simm.s32 $0x0;
	s20 =	sshll.u32 s5, $0x1;
	s5 =	sadd.s32 s21, s3  }
0x9d: {  	[timem:s7], [sflag:s22] =	dma.local [hbm:s5], s20  }
0x9e: {  	_ =	swait.ge [sflag:s22], s20  }
0x9f: {  	s4 =	ssub.s32 $0x0, s20;
	[sflag:s22] =	ssyncset.done $0x0  }
0xa0: {  	[sflag:s22] =	ssyncadd.s32 s4;
	_ =	sdelay $0x1  }
0xa1: {  	s23 =	simm.s32 $0x1B8B  }
0xa2: {  	_ =	swait.ge [sflag:s23], $0x1  }
0xa3: {  	[sflag:s23] =	ssyncset.done $0x0  }
0xa4: {  	s25 =	simm.s32 $0x1B8E;
	s24 =	sld [smem:$0x3FFE];
	[sflag:s23] =	ssyncadd.s32 $0xFFFFFFFF  }
0xa5: {  	s26 =	simm.s32 $execute0_lowered;
	[smem:$0x3FD2] =	sst s25  }
0xa6: {  	s5 =	sshll.u32 s26, $0x1;
	_ =	strace $0x80000046;
	[dreg:$0x1] =	wrdreg $0xFFFFFFFF  }
0xa7: {  	s28 =	simm.s32 $_size_execute0_lowered;
	s3 =	sadd.s32 s3, s5;
	[dreg:$0x0] =	wrdreg $0x0  }
0xa8: {  	s5 =	sshll.u32 s28, $0x1;
	[dreg:$0x2] =	wrdreg s3  }
0xa9: {  	[dreg:$0x3] =	wrdreg s5  }
0xaa: {  	[dreg:$0x4] =	wrdreg $0xC0  }
0xab: {  	_ =	task [dreg:s7], $0x5FFFF  }
0xac: {  	[dreg:$0x1] =	wrdreg $0xFFFFFFFF  }
0xad: {  	[dreg:$0x0] =	wrdreg $0x60  }
0xae: {  	[dreg:$0x2] =	wrdreg s2  }
0xaf: {  	[dreg:$0x3] =	wrdreg s24  }
0xb0: {  	[dreg:$0x4] =	wrdreg $0x9  }
0xb1: {  	_ =	task.clear_ibuf [dreg:s7], $0x5FFFF;
	_ =	strace $0x90000046  }
0xb2: {  	s29 =	simm.s32 $0x9;
	_ =	strace $0x80000048  }
0xb3: {  	_ =	swait.ge [sflag:s29], $0x1  }
0xb4: {  	[sflag:s29] =	ssyncadd.s32 $0xFFFFFFFF  }
0xb5: {  	_ =	strace $0x90000048  }
0xb6: {  	_ =	sfence  }
0xb7: {  	s30 =	sld [smem:$0x0];
	_ =	sdelay $0x2  }
0xb8: {  	s31 =	sshll.u32 s1, $0xD;
	s1 =	sshrl.u32 s1, $0x2  }
0xb9: {  	s3 =	sand.u32 $0x4000, s31;
	s1 =	sadd.s32 s1, s30  }
0xba: {  	s0 =	sor.u32 s3, s0;
	s1 =	sshll.u32 s1, $0x11  }
0xbb: {  	s0 =	sor.u32 s1, s0  }
0xbc: {  	s0 =	sadd.s32 $0x8F2B, s0  }
0xbd: {  	[sflag:s0] =	ssyncadd.remote.s32 $0x1  }
0xbe: {  	_ =	sfence.sel $0xFFFF  }
0xbf: {  	[dreg:$0x0] =	wrdreg $0xFFFFFFFF;
	(pc) =	sbr.abs _section_cstart, $3  }
0xc0: {  	[dreg:$0x1] =	wrdreg $0xFFFFFFFF  }
0xc1: {  	_ =	task.clear_ibuf [dreg:s7], $0x2FFFF;
	_ =	strace $0x9FFFFFFF  }
0xc2: {  	(tm) =	ssettm $0x7FFFFFFF  }
0xc3: {  	_ =	shalt  }
tec
execute0_lowered:
.L_overlay_start_1:
0x0: {  	(tag) =	ssettag $0x1  }
0x1: {  	s3 =	rddreg [dreg:$0x0]  }
0x2: {  	s4 =	rddreg [dreg:$0x1];
	s0 =	srdreg.scid;
	s2 =	simm.s32 $0x0  }
0x3: {  	s1 =	stileid.u32;
	s28 =	simm.s32 $0x600;
	s8 =	sand.u32 $0x1, s0  }
0x4: {  	s29 =	simm.s32 $0x680;
	[smem:$0x7FF] =	sst s2;
	s0 =	sshll.u32 s8, $0x4  }
0x5: {  	s31 =	simm.s32 $0x780;
	_ =	strace $0x80000047;
	s5 =	sor.u32 s1, s0  }
0x6: {  	s8 =	ssub.s32 $0x2, s8;
	s0 =	sadd.s32 $0x802000, s4;
	s6 =	sshll.u32 s5, $0x4  }
0x7: {  	s7 =	sshll.u32 s5, $0xF;
	s30 =	sshll.u32 s5, $0xC;
	s3 =	sadd.s32 s3, s6  }
0x8: {  	s6 =	sadd.s32 $0x902000, s4;
	s22 =	sadd.s32 s0, s7;
	[dreg:$0x3] =	wrdreg s3  }
0x9: {  	s9 =	sor.u32 $0x800, s7;
	[dreg:$0x4] =	wrdreg s22;
	s23 =	sadd.s32 s6, s7  }
0xa: {  	s26 =	sor.u32 $0x1000, s7;
	s24 =	sadd.s32 s0, s9;
	[dreg:$0x5] =	wrdreg s23  }
0xb: {  	s11 =	sor.u32 $0x1800, s7;
	s25 =	sadd.s32 s6, s9;
	[dreg:$0x6] =	wrdreg s24  }
0xc: {  	s14 =	sor.u32 $0x2000, s7;
	s1 =	sadd.s32 s0, s26;
	[dreg:$0x7] =	wrdreg s25  }
0xd: {  	s17 =	sor.u32 $0x2800, s7;
	s10 =	sadd.s32 s6, s26;
	[dreg:$0x8] =	wrdreg s1  }
0xe: {  	s20 =	sor.u32 $0x3000, s7;
	s12 =	sadd.s32 s0, s11;
	[dreg:$0x9] =	wrdreg s10  }
0xf: {  	v0 =	vmov s30;
	s30 =	simm.s32 $0x700;
	s13 =	sadd.s32 s6, s11;
	[dreg:$0xa] =	wrdreg s12  }
0x10: {  	s15 =	sadd.s32 s0, s14;
	s16 =	sadd.s32 s6, s14;
	[dreg:$0xb] =	wrdreg s13  }
0x11: {  	s18 =	sadd.s32 s0, s17;
	s19 =	sadd.s32 s6, s17;
	[dreg:$0xc] =	wrdreg s15  }
0x12: {  	s21 =	sadd.s32 s0, s20;
	s22 =	sadd.s32 s6, s20;
	[dreg:$0xd] =	wrdreg s16  }
0x13: {  	s26 =	sor.u32 $0x4000, s7;
	s11 =	sor.u32 $0x4800, s7;
	[dreg:$0xe] =	wrdreg s18  }
0x14: {  	s14 =	sor.u32 $0x5000, s7;
	s3 =	sadd.s32 $0x2000, s4;
	[dreg:$0xf] =	wrdreg s19  }
0x15: {  	s4 =	sadd.s32 $0x402000, s4;
	[dreg:$0x10] =	wrdreg s21;
	s23 =	sor.u32 $0x3800, s7  }
0x16: {  	[dreg:$0x11] =	wrdreg s22;
	s1 =	sadd.s32 s0, s26;
	s10 =	sadd.s32 s6, s26  }
0x17: {  	s12 =	sadd.s32 s0, s11;
	s13 =	sadd.s32 s6, s11;
	[dreg:$0x14] =	wrdreg s1  }
0x18: {  	s15 =	sadd.s32 s0, s14;
	s9 =	sadd.s32 s6, s14;
	[dreg:$0x15] =	wrdreg s10  }
0x19: {  	s18 =	sor.u32 $0x6000, s7;
	s21 =	sor.u32 $0x6800, s7;
	[dreg:$0x16] =	wrdreg s12  }
0x1a: {  	s11 =	sshrl.u32 s8, $0x1;
	s14 =	simm.s32 $0xC880;
	[dreg:$0x17] =	wrdreg s13  }
0x1b: {  	s24 =	sadd.s32 s0, s23;
	s25 =	sadd.s32 s6, s23;
	[dreg:$0x18] =	wrdreg s15  }
0x1c: {  	s10 =	sor.u32 $0x5800, s7;
	[dreg:$0x19] =	wrdreg s9;
	s19 =	sadd.s32 s0, s18  }
0x1d: {  	s20 =	sadd.s32 s6, s18;
	s22 =	sadd.s32 s0, s21;
	s23 =	sadd.s32 s6, s21  }
0x1e: {  	s8 =	ssub.s32 s8, s11;
	s9 =	simm.s32 $0x80;
	[dreg:$0x12] =	wrdreg s24  }
0x1f: {  	s11 =	simm.s32 $0x4880;
	s12 =	simm.s32 $0x100;
	[dreg:$0x13] =	wrdreg s25  }
0x20: {  	s13 =	simm.s32 $0x8880;
	s15 =	simm.s32 $0x180;
	[dreg:$0x1c] =	wrdreg s19  }
0x21: {  	s18 =	simm.s32 $0x1;
	s21 =	simm.s32 $0x300;
	[dreg:$0x1d] =	wrdreg s20  }
0x22: {  	s16 =	sadd.s32 s0, s10;
	s17 =	sadd.s32 s6, s10;
	[dreg:$0x1e] =	wrdreg s22  }
0x23: {  	s24 =	sor.u32 $0x7000, s7;
	[dreg:$0x1f] =	wrdreg s23;
	s7 =	sor.u32 $0x7800, s7  }
0x24: {  	s10 =	simm.s32 $0x880;
	s19 =	simm.s32 $0x200;
	s20 =	simm.s32 $0x280  }
0x25: {  	s22 =	simm.s32 $0x380;
	s23 =	simm.s32 $0x400;
	[dreg:$0x1a] =	wrdreg s16  }
0x26: {  	[dreg:$0x1b] =	wrdreg s17;
	s25 =	sadd.s32 s0, s24;
	s26 =	sadd.s32 s6, s24  }
0x27: {  	s5 =	sadd.s32 s0, s7;
	s6 =	sadd.s32 s6, s7;
	s7 =	smax.u32 s8, $0x1  }
0x28: {  	s8 =	simm.s32 $0x2;
	s16 =	simm.s32 $0x10880;
	s17 =	simm.s32 $0x14880  }
0x29: {  	s24 =	simm.s32 $0x480;
	s0 =	simm.s32 $0x800;
	[smem:$0x7FC] =	sst s25  }
0x2a: {  	[smem:$0x7FD] =	sst s26;
	s25 =	simm.s32 $0x500;
	s26 =	simm.s32 $0x580  }
.LBB2_1:
0x2b: {  	s1 =	rddreg [dreg:$0x3]  }
0x2c: {  	[tilespmem:s2], [sflag:$0x2] =	stream.linear.gather [hbm4b:s1+s2], $0x80, $0x38;
	[tilespmem:$0x18880] =	vst v63  }
0x2d: {  	_ =	swait.ge [sflag:s8], $0x80  }
0x2e: {  	[sflag:s8] =	ssyncset.done $0x0  }
0x2f: {  	[sflag:s8] =	ssyncadd.s32 $0xFFFFFF80  }
0x30: {  	v1 =	vld [tilespmem:$0x0];
	_ =	sdelay $0x4  }
0x31: {  	v1 =	vshll.u32 v1, $0x4  }
0x32: {  	v1 =	vadd.s32 v0, v1  }
0x33: {  	[tilespmem:$0x80] =	vst v1;
	v2 =	vor.u32 $0x1, v1  }
0x34: {  	[tilespmem:$0x100] =	vst v2;
	v2 =	vor.u32 $0x2, v1  }
0x35: {  	[tilespmem:$0x180] =	vst v2;
	v2 =	vor.u32 $0x3, v1  }
0x36: {  	[tilespmem:$0x200] =	vst v2;
	v2 =	vor.u32 $0x4, v1  }
0x37: {  	[tilespmem:$0x280] =	vst v2;
	v2 =	vor.u32 $0x5, v1  }
0x38: {  	[tilespmem:$0x300] =	vst v2;
	v2 =	vor.u32 $0x6, v1  }
0x39: {  	[tilespmem:$0x380] =	vst v2;
	v2 =	vor.u32 $0x7, v1  }
0x3a: {  	[tilespmem:$0x400] =	vst v2;
	v2 =	vor.u32 $0x8, v1  }
0x3b: {  	[tilespmem:$0x480] =	vst v2;
	v2 =	vor.u32 $0x9, v1  }
0x3c: {  	v3 =	vld [tilespmem:$0x10];
	[tilespmem:$0x500] =	vst v2;
	v2 =	vor.u32 $0xA, v1  }
0x3d: {  	[tilespmem:$0x580] =	vst v2;
	v2 =	vor.u32 $0xB, v1  }
0x3e: {  	[tilespmem:$0x600] =	vst v2;
	v2 =	vor.u32 $0xC, v1  }
0x3f: {  	[tilespmem:$0x680] =	vst v2;
	v2 =	vor.u32 $0xD, v1  }
0x40: {  	[tilespmem:$0x700] =	vst v2;
	v2 =	vor.u32 $0xE, v1  }
0x41: {  	v1 =	vor.u32 $0xF, v1;
	[tilespmem:$0x780] =	vst v2;
	v2 =	vshll.u32 v3, $0x4  }
0x42: {  	[tilespmem:$0x800] =	vst v1;
	v1 =	vadd.s32 v0, v2  }
0x43: {  	[tilespmem:$0x90] =	vst v1;
	v2 =	vor.u32 $0x1, v1  }
0x44: {  	[tilespmem:$0x110] =	vst v2;
	v2 =	vor.u32 $0x2, v1  }
0x45: {  	[tilespmem:$0x190] =	vst v2;
	v2 =	vor.u32 $0x3, v1  }
0x46: {  	[tilespmem:$0x210] =	vst v2;
	v2 =	vor.u32 $0x4, v1  }
0x47: {  	[tilespmem:$0x290] =	vst v2;
	v2 =	vor.u32 $0x5, v1  }
0x48: {  	[tilespmem:$0x310] =	vst v2;
	v2 =	vor.u32 $0x6, v1  }
0x49: {  	[tilespmem:$0x390] =	vst v2;
	v2 =	vor.u32 $0x7, v1  }
0x4a: {  	[tilespmem:$0x410] =	vst v2;
	v2 =	vor.u32 $0x8, v1  }
0x4b: {  	[tilespmem:$0x490] =	vst v2;
	v2 =	vor.u32 $0x9, v1  }
0x4c: {  	v3 =	vld [tilespmem:$0x20];
	[tilespmem:$0x510] =	vst v2;
	v2 =	vor.u32 $0xA, v1  }
0x4d: {  	[tilespmem:$0x590] =	vst v2;
	v2 =	vor.u32 $0xB, v1  }
0x4e: {  	[tilespmem:$0x610] =	vst v2;
	v2 =	vor.u32 $0xC, v1  }
0x4f: {  	[tilespmem:$0x690] =	vst v2;
	v2 =	vor.u32 $0xD, v1  }
0x50: {  	[tilespmem:$0x710] =	vst v2;
	v2 =	vor.u32 $0xE, v1  }
0x51: {  	v1 =	vor.u32 $0xF, v1;
	[tilespmem:$0x790] =	vst v2;
	v2 =	vshll.u32 v3, $0x4  }
0x52: {  	[tilespmem:$0x810] =	vst v1;
	v1 =	vadd.s32 v0, v2  }
0x53: {  	[tilespmem:$0xA0] =	vst v1;
	v2 =	vor.u32 $0x1, v1  }
0x54: {  	[tilespmem:$0x120] =	vst v2;
	v2 =	vor.u32 $0x2, v1  }
0x55: {  	[tilespmem:$0x1A0] =	vst v2;
	v2 =	vor.u32 $0x3, v1  }
0x56: {  	[tilespmem:$0x220] =	vst v2;
	v2 =	vor.u32 $0x4, v1  }
0x57: {  	[tilespmem:$0x2A0] =	vst v2;
	v2 =	vor.u32 $0x5, v1  }
0x58: {  	[tilespmem:$0x320] =	vst v2;
	v2 =	vor.u32 $0x6, v1  }
0x59: {  	[tilespmem:$0x3A0] =	vst v2;
	v2 =	vor.u32 $0x7, v1  }
0x5a: {  	[tilespmem:$0x420] =	vst v2;
	v2 =	vor.u32 $0x8, v1  }
0x5b: {  	[tilespmem:$0x4A0] =	vst v2;
	v2 =	vor.u32 $0x9, v1  }
0x5c: {  	v3 =	vld [tilespmem:$0x30];
	[tilespmem:$0x520] =	vst v2;
	v2 =	vor.u32 $0xA, v1  }
0x5d: {  	[tilespmem:$0x5A0] =	vst v2;
	v2 =	vor.u32 $0xB, v1  }
0x5e: {  	[tilespmem:$0x620] =	vst v2;
	v2 =	vor.u32 $0xC, v1  }
0x5f: {  	[tilespmem:$0x6A0] =	vst v2;
	v2 =	vor.u32 $0xD, v1  }
0x60: {  	[tilespmem:$0x720] =	vst v2;
	v2 =	vor.u32 $0xE, v1  }
0x61: {  	v1 =	vor.u32 $0xF, v1;
	[tilespmem:$0x7A0] =	vst v2;
	v2 =	vshll.u32 v3, $0x4  }
0x62: {  	[tilespmem:$0x820] =	vst v1;
	v1 =	vadd.s32 v0, v2  }
0x63: {  	[tilespmem:$0xB0] =	vst v1;
	v2 =	vor.u32 $0x1, v1  }
0x64: {  	[tilespmem:$0x130] =	vst v2;
	v2 =	vor.u32 $0x2, v1  }
0x65: {  	[tilespmem:$0x1B0] =	vst v2;
	v2 =	vor.u32 $0x3, v1  }
0x66: {  	[tilespmem:$0x230] =	vst v2;
	v2 =	vor.u32 $0x4, v1  }
0x67: {  	[tilespmem:$0x2B0] =	vst v2;
	v2 =	vor.u32 $0x5, v1  }
0x68: {  	[tilespmem:$0x330] =	vst v2;
	v2 =	vor.u32 $0x6, v1  }
0x69: {  	[tilespmem:$0x3B0] =	vst v2;
	v2 =	vor.u32 $0x7, v1  }
0x6a: {  	[tilespmem:$0x430] =	vst v2;
	v2 =	vor.u32 $0x8, v1  }
0x6b: {  	[tilespmem:$0x4B0] =	vst v2;
	v2 =	vor.u32 $0x9, v1  }
0x6c: {  	v3 =	vld [tilespmem:$0x40];
	[tilespmem:$0x530] =	vst v2;
	v2 =	vor.u32 $0xA, v1  }
0x6d: {  	[tilespmem:$0x5B0] =	vst v2;
	v2 =	vor.u32 $0xB, v1  }
0x6e: {  	[tilespmem:$0x630] =	vst v2;
	v2 =	vor.u32 $0xC, v1  }
0x6f: {  	[tilespmem:$0x6B0] =	vst v2;
	v2 =	vor.u32 $0xD, v1  }
0x70: {  	[tilespmem:$0x730] =	vst v2;
	v2 =	vor.u32 $0xE, v1  }
0x71: {  	v1 =	vor.u32 $0xF, v1;
	[tilespmem:$0x7B0] =	vst v2;
	v2 =	vshll.u32 v3, $0x4  }
0x72: {  	[tilespmem:$0x830] =	vst v1;
	v1 =	vadd.s32 v0, v2  }
0x73: {  	[tilespmem:$0xC0] =	vst v1;
	v2 =	vor.u32 $0x1, v1  }
0x74: {  	[tilespmem:$0x140] =	vst v2;
	v2 =	vor.u32 $0x2, v1  }
0x75: {  	[tilespmem:$0x1C0] =	vst v2;
	v2 =	vor.u32 $0x3, v1  }
0x76: {  	[tilespmem:$0x240] =	vst v2;
	v2 =	vor.u32 $0x4, v1  }
0x77: {  	[tilespmem:$0x2C0] =	vst v2;
	v2 =	vor.u32 $0x5, v1  }
0x78: {  	[tilespmem:$0x340] =	vst v2;
	v2 =	vor.u32 $0x6, v1  }
0x79: {  	[tilespmem:$0x3C0] =	vst v2;
	v2 =	vor.u32 $0x7, v1  }
0x7a: {  	[tilespmem:$0x440] =	vst v2;
	v2 =	vor.u32 $0x8, v1  }
0x7b: {  	[tilespmem:$0x4C0] =	vst v2;
	v2 =	vor.u32 $0x9, v1  }
0x7c: {  	v3 =	vld [tilespmem:$0x50];
	[tilespmem:$0x540] =	vst v2;
	v2 =	vor.u32 $0xA, v1  }
0x7d: {  	[tilespmem:$0x5C0] =	vst v2;
	v2 =	vor.u32 $0xB, v1  }
0x7e: {  	[tilespmem:$0x640] =	vst v2;
	v2 =	vor.u32 $0xC, v1  }
0x7f: {  	[tilespmem:$0x6C0] =	vst v2;
	v2 =	vor.u32 $0xD, v1  }
0x80: {  	[tilespmem:$0x740] =	vst v2;
	v2 =	vor.u32 $0xE, v1  }
0x81: {  	v1 =	vor.u32 $0xF, v1;
	[tilespmem:$0x7C0] =	vst v2;
	v2 =	vshll.u32 v3, $0x4  }
0x82: {  	[tilespmem:$0x840] =	vst v1;
	v1 =	vadd.s32 v0, v2  }
0x83: {  	[tilespmem:$0xD0] =	vst v1;
	v2 =	vor.u32 $0x1, v1  }
0x84: {  	[tilespmem:$0x150] =	vst v2;
	v2 =	vor.u32 $0x2, v1  }
0x85: {  	[tilespmem:$0x1D0] =	vst v2;
	v2 =	vor.u32 $0x3, v1  }
0x86: {  	[tilespmem:$0x250] =	vst v2;
	v2 =	vor.u32 $0x4, v1  }
0x87: {  	[tilespmem:$0x2D0] =	vst v2;
	v2 =	vor.u32 $0x5, v1  }
0x88: {  	[tilespmem:$0x350] =	vst v2;
	v2 =	vor.u32 $0x6, v1  }
0x89: {  	[tilespmem:$0x3D0] =	vst v2;
	v2 =	vor.u32 $0x7, v1  }
0x8a: {  	[tilespmem:$0x450] =	vst v2;
	v2 =	vor.u32 $0x8, v1  }
0x8b: {  	[tilespmem:$0x4D0] =	vst v2;
	v2 =	vor.u32 $0x9, v1  }
0x8c: {  	v3 =	vld [tilespmem:$0x60];
	[tilespmem:$0x550] =	vst v2;
	v2 =	vor.u32 $0xA, v1  }
0x8d: {  	[tilespmem:$0x5D0] =	vst v2;
	v2 =	vor.u32 $0xB, v1  }
0x8e: {  	[tilespmem:$0x650] =	vst v2;
	v2 =	vor.u32 $0xC, v1  }
0x8f: {  	[tilespmem:$0x6D0] =	vst v2;
	v2 =	vor.u32 $0xD, v1  }
0x90: {  	[tilespmem:$0x750] =	vst v2;
	v2 =	vor.u32 $0xE, v1  }
0x91: {  	v3 =	vshll.u32 v3, $0x4;
	v1 =	vor.u32 $0xF, v1;
	[tilespmem:$0x7D0] =	vst v2  }
0x92: {  	v2 =	vadd.s32 v0, v3;
	[tilespmem:$0x850] =	vst v1  }
0x93: {  	v1 =	vor.u32 $0x1, v2;
	[tilespmem:$0xE0] =	vst v2  }
0x94: {  	[tilespmem:$0x160] =	vst v1;
	v1 =	vor.u32 $0x2, v2  }
0x95: {  	[tilespmem:$0x1E0] =	vst v1;
	v1 =	vor.u32 $0x3, v2  }
0x96: {  	[tilespmem:$0x260] =	vst v1;
	v1 =	vor.u32 $0x4, v2  }
0x97: {  	[tilespmem:$0x2E0] =	vst v1;
	v1 =	vor.u32 $0x5, v2  }
0x98: {  	[tilespmem:$0x360] =	vst v1;
	v1 =	vor.u32 $0x6, v2  }
0x99: {  	[tilespmem:$0x3E0] =	vst v1;
	v1 =	vor.u32 $0x7, v2  }
0x9a: {  	[tilespmem:$0x460] =	vst v1;
	v1 =	vor.u32 $0x8, v2  }
0x9b: {  	[tilespmem:$0x4E0] =	vst v1;
	v1 =	vor.u32 $0x9, v2  }
0x9c: {  	v3 =	vld [tilespmem:$0x70];
	[tilespmem:$0x560] =	vst v1;
	v1 =	vor.u32 $0xA, v2  }
0x9d: {  	[tilespmem:$0x5E0] =	vst v1;
	v1 =	vor.u32 $0xB, v2  }
0x9e: {  	[tilespmem:$0x660] =	vst v1;
	v1 =	vor.u32 $0xC, v2  }
0x9f: {  	[tilespmem:$0x6E0] =	vst v1;
	v1 =	vor.u32 $0xD, v2  }
0xa0: {  	[tilespmem:$0x760] =	vst v1;
	v1 =	vor.u32 $0xE, v2  }
0xa1: {  	[tilespmem:$0x7E0] =	vst v1;
	v1 =	vor.u32 $0xF, v2;
	v2 =	vshll.u32 v3, $0x4  }
0xa2: {  	[tilespmem:$0x860] =	vst v1;
	v1 =	vadd.s32 v0, v2  }
0xa3: {  	[tilespmem:$0xF0] =	vst v1;
	v2 =	vor.u32 $0x1, v1  }
0xa4: {  	[tilespmem:$0x170] =	vst v2;
	v2 =	vor.u32 $0x2, v1  }
0xa5: {  	[tilespmem:$0x1F0] =	vst v2;
	v2 =	vor.u32 $0x3, v1  }
0xa6: {  	[tilespmem:$0x270] =	vst v2;
	v2 =	vor.u32 $0x4, v1  }
0xa7: {  	[tilespmem:$0x2F0] =	vst v2;
	v2 =	vor.u32 $0x5, v1  }
0xa8: {  	[tilespmem:$0x370] =	vst v2;
	v2 =	vor.u32 $0x6, v1  }
0xa9: {  	[tilespmem:$0x3F0] =	vst v2;
	v2 =	vor.u32 $0x7, v1  }
0xaa: {  	[tilespmem:$0x470] =	vst v2;
	v2 =	vor.u32 $0x8, v1  }
0xab: {  	[tilespmem:$0x4F0] =	vst v2;
	v2 =	vor.u32 $0x9, v1  }
0xac: {  	[tilespmem:$0x570] =	vst v2;
	v2 =	vor.u32 $0xA, v1  }
0xad: {  	[tilespmem:$0x5F0] =	vst v2;
	v2 =	vor.u32 $0xB, v1  }
0xae: {  	[tilespmem:$0x670] =	vst v2;
	v2 =	vor.u32 $0xC, v1  }
0xaf: {  	[tilespmem:$0x6F0] =	vst v2;
	v2 =	vor.u32 $0xD, v1  }
0xb0: {  	[tilespmem:$0x770] =	vst v2;
	v2 =	vor.u32 $0xE, v1  }
0xb1: {  	v1 =	vor.u32 $0xF, v1;
	[tilespmem:$0x7F0] =	vst v2  }
0xb2: {  	[tilespmem:$0x870] =	vst v1  }
0xb3: {  	[tilespmem:s10], [sflag:$0x1] =	stream.indirect.gather [hbm4b:s3+s9], $0x80, s9, s9, $0xb8;
	[tilespmem:$0x18880] =	vst v63  }
0xb4: {  	_ = 	snop  }
0xb5: {  	[tilespmem:s11], [sflag:$0x1] =	stream.indirect.gather [hbm4b:s4+s9], $0x80, s9, s9, $0xb8;
	[tilespmem:$0x18880] =	vst v63  }
0xb6: {  	_ = 	snop  }
0xb7: {  	[tilespmem:s13], [sflag:$0x1] =	stream.indirect.gather [hbm4b:s3+s9], $0x80, s12, s9, $0xb8;
	[tilespmem:$0x18880] =	vst v63  }
0xb8: {  	_ = 	snop  }
0xb9: {  	[tilespmem:s14], [sflag:$0x1] =	stream.indirect.gather [hbm4b:s4+s9], $0x80, s12, s9, $0xb8;
	[tilespmem:$0x18880] =	vst v63  }
0xba: {  	_ = 	snop  }
0xbb: {  	[tilespmem:s16], [sflag:$0x1] =	stream.indirect.gather [hbm4b:s3+s9], $0x80, s15, s9, $0xb8;
	[tilespmem:$0x18880] =	vst v63  }
0xbc: {  	_ = 	snop  }
0xbd: {  	[tilespmem:s17], [sflag:$0x1] =	stream.indirect.gather [hbm4b:s4+s9], $0x80, s15, s9, $0xb8;
	[tilespmem:$0x18880] =	vst v63  }
0xbe: {  	_ =	swait.ge [sflag:s18], $0x4000  }
0xbf: {  	[sflag:s18] =	ssyncset.done $0x0  }
0xc0: {  	[sflag:s18] =	ssyncadd.s32 $0xFFFFC000  }
0xc1: {  	_ =	swait.ge [sflag:s18], $0x4000  }
0xc2: {  	[sflag:s18] =	ssyncset.done $0x0  }
0xc3: {  	s1 =	rddreg [dreg:$0x4];
	[sflag:s18] =	ssyncadd.s32 $0xFFFFC000  }
0xc4: {  	[hbm4b:s1+s2] =	stream.linear.scatter [tilespmem:s10], [sflag:$0x2], $0x4000, $0x38;
	[tilespmem:$0x18880] =	vst v63  }
0xc5: {  	_ =	swait.ge [sflag:s8], $0x4000  }
0xc6: {  	[sflag:s8] =	ssyncset.done $0x0  }
0xc7: {  	s1 =	rddreg [dreg:$0x5];
	[sflag:s8] =	ssyncadd.s32 $0xFFFFC000  }
0xc8: {  	[hbm4b:s1+s2] =	stream.linear.scatter [tilespmem:s11], [sflag:$0x2], $0x4000, $0x38;
	[tilespmem:$0x18880] =	vst v63  }
0xc9: {  	_ =	swait.ge [sflag:s8], $0x4000  }
0xca: {  	[sflag:s8] =	ssyncset.done $0x0  }
0xcb: {  	[sflag:s8] =	ssyncadd.s32 $0xFFFFC000  }
0xcc: {  	[tilespmem:s10], [sflag:$0x1] =	stream.indirect.gather [hbm4b:s3+s9], $0x80, s19, s9, $0xb8;
	[tilespmem:$0x18880] =	vst v63  }
0xcd: {  	_ = 	snop  }
0xce: {  	[tilespmem:s11], [sflag:$0x1] =	stream.indirect.gather [hbm4b:s4+s9], $0x80, s19, s9, $0xb8;
	[tilespmem:$0x18880] =	vst v63  }
0xcf: {  	_ =	swait.ge [sflag:s18], $0x4000  }
0xd0: {  	[sflag:s18] =	ssyncset.done $0x0  }
0xd1: {  	[sflag:s18] =	ssyncadd.s32 $0xFFFFC000  }
0xd2: {  	_ =	swait.ge [sflag:s18], $0x4000  }
0xd3: {  	[sflag:s18] =	ssyncset.done $0x0  }
0xd4: {  	s1 =	rddreg [dreg:$0x6];
	[sflag:s18] =	ssyncadd.s32 $0xFFFFC000  }
0xd5: {  	[hbm4b:s1+s2] =	stream.linear.scatter [tilespmem:s13], [sflag:$0x2], $0x4000, $0x38;
	[tilespmem:$0x18880] =	vst v63  }
0xd6: {  	_ =	swait.ge [sflag:s8], $0x4000  }
0xd7: {  	[sflag:s8] =	ssyncset.done $0x0  }
0xd8: {  	s1 =	rddreg [dreg:$0x7];
	[sflag:s8] =	ssyncadd.s32 $0xFFFFC000  }
0xd9: {  	[hbm4b:s1+s2] =	stream.linear.scatter [tilespmem:s14], [sflag:$0x2], $0x4000, $0x38;
	[tilespmem:$0x18880] =	vst v63  }
0xda: {  	_ =	swait.ge [sflag:s8], $0x4000  }
0xdb: {  	[sflag:s8] =	ssyncset.done $0x0  }
0xdc: {  	[sflag:s8] =	ssyncadd.s32 $0xFFFFC000  }
0xdd: {  	[tilespmem:s13], [sflag:$0x1] =	stream.indirect.gather [hbm4b:s3+s9], $0x80, s20, s9, $0xb8;
	[tilespmem:$0x18880] =	vst v63  }
0xde: {  	_ = 	snop  }
0xdf: {  	[tilespmem:s14], [sflag:$0x1] =	stream.indirect.gather [hbm4b:s4+s9], $0x80, s20, s9, $0xb8;
	[tilespmem:$0x18880] =	vst v63  }
0xe0: {  	_ =	swait.ge [sflag:s18], $0x4000  }
0xe1: {  	[sflag:s18] =	ssyncset.done $0x0  }
0xe2: {  	[sflag:s18] =	ssyncadd.s32 $0xFFFFC000  }
0xe3: {  	_ =	swait.ge [sflag:s18], $0x4000  }
0xe4: {  	[sflag:s18] =	ssyncset.done $0x0  }
0xe5: {  	s1 =	rddreg [dreg:$0x8];
	[sflag:s18] =	ssyncadd.s32 $0xFFFFC000  }
0xe6: {  	[hbm4b:s1+s2] =	stream.linear.scatter [tilespmem:s16], [sflag:$0x2], $0x4000, $0x38;
	[tilespmem:$0x18880] =	vst v63  }
0xe7: {  	_ =	swait.ge [sflag:s8], $0x4000  }
0xe8: {  	[sflag:s8] =	ssyncset.done $0x0  }
0xe9: {  	s1 =	rddreg [dreg:$0x9];
	[sflag:s8] =	ssyncadd.s32 $0xFFFFC000  }
0xea: {  	[hbm4b:s1+s2] =	stream.linear.scatter [tilespmem:s17], [sflag:$0x2], $0x4000, $0x38;
	[tilespmem:$0x18880] =	vst v63  }
0xeb: {  	_ =	swait.ge [sflag:s8], $0x4000  }
0xec: {  	[sflag:s8] =	ssyncset.done $0x0  }
0xed: {  	[sflag:s8] =	ssyncadd.s32 $0xFFFFC000  }
0xee: {  	[tilespmem:s16], [sflag:$0x1] =	stream.indirect.gather [hbm4b:s3+s9], $0x80, s21, s9, $0xb8;
	[tilespmem:$0x18880] =	vst v63  }
0xef: {  	_ = 	snop  }
0xf0: {  	[tilespmem:s17], [sflag:$0x1] =	stream.indirect.gather [hbm4b:s4+s9], $0x80, s21, s9, $0xb8;
	[tilespmem:$0x18880] =	vst v63  }
0xf1: {  	_ =	swait.ge [sflag:s18], $0x4000  }
0xf2: {  	[sflag:s18] =	ssyncset.done $0x0  }
0xf3: {  	[sflag:s18] =	ssyncadd.s32 $0xFFFFC000  }
0xf4: {  	_ =	swait.ge [sflag:s18], $0x4000  }
0xf5: {  	[sflag:s18] =	ssyncset.done $0x0  }
0xf6: {  	s1 =	rddreg [dreg:$0xa];
	[sflag:s18] =	ssyncadd.s32 $0xFFFFC000  }
0xf7: {  	[hbm4b:s1+s2] =	stream.linear.scatter [tilespmem:s10], [sflag:$0x2], $0x4000, $0x38;
	[tilespmem:$0x18880] =	vst v63  }
0xf8: {  	_ =	swait.ge [sflag:s8], $0x4000  }
0xf9: {  	[sflag:s8] =	ssyncset.done $0x0  }
0xfa: {  	s1 =	rddreg [dreg:$0xb];
	[sflag:s8] =	ssyncadd.s32 $0xFFFFC000  }
0xfb: {  	[hbm4b:s1+s2] =	stream.linear.scatter [tilespmem:s11], [sflag:$0x2], $0x4000, $0x38;
	[tilespmem:$0x18880] =	vst v63  }
0xfc: {  	_ =	swait.ge [sflag:s8], $0x4000  }
0xfd: {  	[sflag:s8] =	ssyncset.done $0x0  }
0xfe: {  	[sflag:s8] =	ssyncadd.s32 $0xFFFFC000  }
0xff: {  	[tilespmem:s10], [sflag:$0x1] =	stream.indirect.gather [hbm4b:s3+s9], $0x80, s22, s9, $0xb8;
	[tilespmem:$0x18880] =	vst v63  }
0x100: {  	_ = 	snop  }
0x101: {  	[tilespmem:s11], [sflag:$0x1] =	stream.indirect.gather [hbm4b:s4+s9], $0x80, s22, s9, $0xb8;
	[tilespmem:$0x18880] =	vst v63  }
0x102: {  	_ =	swait.ge [sflag:s18], $0x4000  }
0x103: {  	[sflag:s18] =	ssyncset.done $0x0  }
0x104: {  	[sflag:s18] =	ssyncadd.s32 $0xFFFFC000  }
0x105: {  	_ =	swait.ge [sflag:s18], $0x4000  }
0x106: {  	[sflag:s18] =	ssyncset.done $0x0  }
0x107: {  	s1 =	rddreg [dreg:$0xc];
	[sflag:s18] =	ssyncadd.s32 $0xFFFFC000  }
0x108: {  	[hbm4b:s1+s2] =	stream.linear.scatter [tilespmem:s13], [sflag:$0x2], $0x4000, $0x38;
	[tilespmem:$0x18880] =	vst v63  }
0x109: {  	_ =	swait.ge [sflag:s8], $0x4000  }
0x10a: {  	[sflag:s8] =	ssyncset.done $0x0  }
0x10b: {  	s1 =	rddreg [dreg:$0xd];
	[sflag:s8] =	ssyncadd.s32 $0xFFFFC000  }
0x10c: {  	[hbm4b:s1+s2] =	stream.linear.scatter [tilespmem:s14], [sflag:$0x2], $0x4000, $0x38;
	[tilespmem:$0x18880] =	vst v63  }
0x10d: {  	_ =	swait.ge [sflag:s8], $0x4000  }
0x10e: {  	[sflag:s8] =	ssyncset.done $0x0  }
0x10f: {  	[sflag:s8] =	ssyncadd.s32 $0xFFFFC000  }
0x110: {  	[tilespmem:s13], [sflag:$0x1] =	stream.indirect.gather [hbm4b:s3+s9], $0x80, s23, s9, $0xb8;
	[tilespmem:$0x18880] =	vst v63  }
0x111: {  	_ = 	snop  }
0x112: {  	[tilespmem:s14], [sflag:$0x1] =	stream.indirect.gather [hbm4b:s4+s9], $0x80, s23, s9, $0xb8;
	[tilespmem:$0x18880] =	vst v63  }
0x113: {  	_ =	swait.ge [sflag:s18], $0x4000  }
0x114: {  	[sflag:s18] =	ssyncset.done $0x0  }
0x115: {  	[sflag:s18] =	ssyncadd.s32 $0xFFFFC000  }
0x116: {  	_ =	swait.ge [sflag:s18], $0x4000  }
0x117: {  	[sflag:s18] =	ssyncset.done $0x0  }
0x118: {  	s1 =	rddreg [dreg:$0xe];
	[sflag:s18] =	ssyncadd.s32 $0xFFFFC000  }
0x119: {  	[hbm4b:s1+s2] =	stream.linear.scatter [tilespmem:s16], [sflag:$0x2], $0x4000, $0x38;
	[tilespmem:$0x18880] =	vst v63  }
0x11a: {  	_ =	swait.ge [sflag:s8], $0x4000  }
0x11b: {  	[sflag:s8] =	ssyncset.done $0x0  }
0x11c: {  	s1 =	rddreg [dreg:$0xf];
	[sflag:s8] =	ssyncadd.s32 $0xFFFFC000  }
0x11d: {  	[hbm4b:s1+s2] =	stream.linear.scatter [tilespmem:s17], [sflag:$0x2], $0x4000, $0x38;
	[tilespmem:$0x18880] =	vst v63  }
0x11e: {  	_ =	swait.ge [sflag:s8], $0x4000  }
0x11f: {  	[sflag:s8] =	ssyncset.done $0x0  }
0x120: {  	[sflag:s8] =	ssyncadd.s32 $0xFFFFC000  }
0x121: {  	[tilespmem:s16], [sflag:$0x1] =	stream.indirect.gather [hbm4b:s3+s9], $0x80, s24, s9, $0xb8;
	[tilespmem:$0x18880] =	vst v63  }
0x122: {  	_ = 	snop  }
0x123: {  	[tilespmem:s17], [sflag:$0x1] =	stream.indirect.gather [hbm4b:s4+s9], $0x80, s24, s9, $0xb8;
	[tilespmem:$0x18880] =	vst v63  }
0x124: {  	_ =	swait.ge [sflag:s18], $0x4000  }
0x125: {  	[sflag:s18] =	ssyncset.done $0x0  }
0x126: {  	[sflag:s18] =	ssyncadd.s32 $0xFFFFC000  }
0x127: {  	_ =	swait.ge [sflag:s18], $0x4000  }
0x128: {  	[sflag:s18] =	ssyncset.done $0x0  }
0x129: {  	s1 =	rddreg [dreg:$0x10];
	[sflag:s18] =	ssyncadd.s32 $0xFFFFC000  }
0x12a: {  	[hbm4b:s1+s2] =	stream.linear.scatter [tilespmem:s10], [sflag:$0x2], $0x4000, $0x38;
	[tilespmem:$0x18880] =	vst v63  }
0x12b: {  	_ =	swait.ge [sflag:s8], $0x4000  }
0x12c: {  	[sflag:s8] =	ssyncset.done $0x0  }
0x12d: {  	s1 =	rddreg [dreg:$0x11];
	[sflag:s8] =	ssyncadd.s32 $0xFFFFC000  }
0x12e: {  	[hbm4b:s1+s2] =	stream.linear.scatter [tilespmem:s11], [sflag:$0x2], $0x4000, $0x38;
	[tilespmem:$0x18880] =	vst v63  }
0x12f: {  	_ =	swait.ge [sflag:s8], $0x4000  }
0x130: {  	[sflag:s8] =	ssyncset.done $0x0  }
0x131: {  	[sflag:s8] =	ssyncadd.s32 $0xFFFFC000  }
0x132: {  	[tilespmem:s10], [sflag:$0x1] =	stream.indirect.gather [hbm4b:s3+s9], $0x80, s25, s9, $0xb8;
	[tilespmem:$0x18880] =	vst v63  }
0x133: {  	_ = 	snop  }
0x134: {  	[tilespmem:s11], [sflag:$0x1] =	stream.indirect.gather [hbm4b:s4+s9], $0x80, s25, s9, $0xb8;
	[tilespmem:$0x18880] =	vst v63  }
0x135: {  	_ =	swait.ge [sflag:s18], $0x4000  }
0x136: {  	[sflag:s18] =	ssyncset.done $0x0  }
0x137: {  	[sflag:s18] =	ssyncadd.s32 $0xFFFFC000  }
0x138: {  	_ =	swait.ge [sflag:s18], $0x4000  }
0x139: {  	[sflag:s18] =	ssyncset.done $0x0  }
0x13a: {  	s1 =	rddreg [dreg:$0x12];
	[sflag:s18] =	ssyncadd.s32 $0xFFFFC000  }
0x13b: {  	[hbm4b:s1+s2] =	stream.linear.scatter [tilespmem:s13], [sflag:$0x2], $0x4000, $0x38;
	[tilespmem:$0x18880] =	vst v63  }
0x13c: {  	_ =	swait.ge [sflag:s8], $0x4000  }
0x13d: {  	[sflag:s8] =	ssyncset.done $0x0  }
0x13e: {  	s1 =	rddreg [dreg:$0x13];
	[sflag:s8] =	ssyncadd.s32 $0xFFFFC000  }
0x13f: {  	[hbm4b:s1+s2] =	stream.linear.scatter [tilespmem:s14], [sflag:$0x2], $0x4000, $0x38;
	[tilespmem:$0x18880] =	vst v63  }
0x140: {  	_ =	swait.ge [sflag:s8], $0x4000  }
0x141: {  	[sflag:s8] =	ssyncset.done $0x0  }
0x142: {  	[sflag:s8] =	ssyncadd.s32 $0xFFFFC000  }
0x143: {  	[tilespmem:s13], [sflag:$0x1] =	stream.indirect.gather [hbm4b:s3+s9], $0x80, s26, s9, $0xb8;
	[tilespmem:$0x18880] =	vst v63  }
0x144: {  	_ = 	snop  }
0x145: {  	[tilespmem:s14], [sflag:$0x1] =	stream.indirect.gather [hbm4b:s4+s9], $0x80, s26, s9, $0xb8;
	[tilespmem:$0x18880] =	vst v63  }
0x146: {  	_ =	swait.ge [sflag:s18], $0x4000  }
0x147: {  	[sflag:s18] =	ssyncset.done $0x0  }
0x148: {  	[sflag:s18] =	ssyncadd.s32 $0xFFFFC000  }
0x149: {  	_ =	swait.ge [sflag:s18], $0x4000  }
0x14a: {  	[sflag:s18] =	ssyncset.done $0x0  }
0x14b: {  	s1 =	rddreg [dreg:$0x14];
	[sflag:s18] =	ssyncadd.s32 $0xFFFFC000  }
0x14c: {  	[hbm4b:s1+s2] =	stream.linear.scatter [tilespmem:s16], [sflag:$0x2], $0x4000, $0x38;
	[tilespmem:$0x18880] =	vst v63  }
0x14d: {  	_ =	swait.ge [sflag:s8], $0x4000  }
0x14e: {  	[sflag:s8] =	ssyncset.done $0x0  }
0x14f: {  	s1 =	rddreg [dreg:$0x15];
	[sflag:s8] =	ssyncadd.s32 $0xFFFFC000  }
0x150: {  	[hbm4b:s1+s2] =	stream.linear.scatter [tilespmem:s17], [sflag:$0x2], $0x4000, $0x38;
	[tilespmem:$0x18880] =	vst v63  }
0x151: {  	_ =	swait.ge [sflag:s8], $0x4000  }
0x152: {  	[sflag:s8] =	ssyncset.done $0x0  }
0x153: {  	[sflag:s8] =	ssyncadd.s32 $0xFFFFC000  }
0x154: {  	[tilespmem:s16], [sflag:$0x1] =	stream.indirect.gather [hbm4b:s3+s9], $0x80, s28, s9, $0xb8;
	[tilespmem:$0x18880] =	vst v63  }
0x155: {  	_ = 	snop  }
0x156: {  	[tilespmem:s17], [sflag:$0x1] =	stream.indirect.gather [hbm4b:s4+s9], $0x80, s28, s9, $0xb8;
	[tilespmem:$0x18880] =	vst v63  }
0x157: {  	_ =	swait.ge [sflag:s18], $0x4000  }
0x158: {  	[sflag:s18] =	ssyncset.done $0x0  }
0x159: {  	[sflag:s18] =	ssyncadd.s32 $0xFFFFC000  }
0x15a: {  	_ =	swait.ge [sflag:s18], $0x4000  }
0x15b: {  	[sflag:s18] =	ssyncset.done $0x0  }
0x15c: {  	s1 =	rddreg [dreg:$0x16];
	[sflag:s18] =	ssyncadd.s32 $0xFFFFC000  }
0x15d: {  	[hbm4b:s1+s2] =	stream.linear.scatter [tilespmem:s10], [sflag:$0x2], $0x4000, $0x38;
	[tilespmem:$0x18880] =	vst v63  }
0x15e: {  	_ =	swait.ge [sflag:s8], $0x4000  }
0x15f: {  	[sflag:s8] =	ssyncset.done $0x0  }
0x160: {  	s1 =	rddreg [dreg:$0x17];
	[sflag:s8] =	ssyncadd.s32 $0xFFFFC000  }
0x161: {  	[hbm4b:s1+s2] =	stream.linear.scatter [tilespmem:s11], [sflag:$0x2], $0x4000, $0x38;
	[tilespmem:$0x18880] =	vst v63  }
0x162: {  	_ =	swait.ge [sflag:s8], $0x4000  }
0x163: {  	[sflag:s8] =	ssyncset.done $0x0  }
0x164: {  	[sflag:s8] =	ssyncadd.s32 $0xFFFFC000  }
0x165: {  	[tilespmem:s10], [sflag:$0x1] =	stream.indirect.gather [hbm4b:s3+s9], $0x80, s29, s9, $0xb8;
	[tilespmem:$0x18880] =	vst v63  }
0x166: {  	_ = 	snop  }
0x167: {  	[tilespmem:s11], [sflag:$0x1] =	stream.indirect.gather [hbm4b:s4+s9], $0x80, s29, s9, $0xb8;
	[tilespmem:$0x18880] =	vst v63  }
0x168: {  	_ =	swait.ge [sflag:s18], $0x4000  }
0x169: {  	[sflag:s18] =	ssyncset.done $0x0  }
0x16a: {  	[sflag:s18] =	ssyncadd.s32 $0xFFFFC000  }
0x16b: {  	_ =	swait.ge [sflag:s18], $0x4000  }
0x16c: {  	[sflag:s18] =	ssyncset.done $0x0  }
0x16d: {  	s1 =	rddreg [dreg:$0x18];
	[sflag:s18] =	ssyncadd.s32 $0xFFFFC000  }
0x16e: {  	[hbm4b:s1+s2] =	stream.linear.scatter [tilespmem:s13], [sflag:$0x2], $0x4000, $0x38;
	[tilespmem:$0x18880] =	vst v63  }
0x16f: {  	_ =	swait.ge [sflag:s8], $0x4000  }
0x170: {  	[sflag:s8] =	ssyncset.done $0x0  }
0x171: {  	s1 =	rddreg [dreg:$0x19];
	[sflag:s8] =	ssyncadd.s32 $0xFFFFC000  }
0x172: {  	[hbm4b:s1+s2] =	stream.linear.scatter [tilespmem:s14], [sflag:$0x2], $0x4000, $0x38;
	[tilespmem:$0x18880] =	vst v63  }
0x173: {  	_ =	swait.ge [sflag:s8], $0x4000  }
0x174: {  	[sflag:s8] =	ssyncset.done $0x0  }
0x175: {  	[sflag:s8] =	ssyncadd.s32 $0xFFFFC000  }
0x176: {  	[tilespmem:s13], [sflag:$0x1] =	stream.indirect.gather [hbm4b:s3+s9], $0x80, s30, s9, $0xb8;
	[tilespmem:$0x18880] =	vst v63  }
0x177: {  	_ = 	snop  }
0x178: {  	[tilespmem:s14], [sflag:$0x1] =	stream.indirect.gather [hbm4b:s4+s9], $0x80, s30, s9, $0xb8;
	[tilespmem:$0x18880] =	vst v63  }
0x179: {  	_ =	swait.ge [sflag:s18], $0x4000  }
0x17a: {  	[sflag:s18] =	ssyncset.done $0x0  }
0x17b: {  	[sflag:s18] =	ssyncadd.s32 $0xFFFFC000  }
0x17c: {  	_ =	swait.ge [sflag:s18], $0x4000  }
0x17d: {  	[sflag:s18] =	ssyncset.done $0x0  }
0x17e: {  	s1 =	rddreg [dreg:$0x1a];
	[sflag:s18] =	ssyncadd.s32 $0xFFFFC000  }
0x17f: {  	[hbm4b:s1+s2] =	stream.linear.scatter [tilespmem:s16], [sflag:$0x2], $0x4000, $0x38;
	[tilespmem:$0x18880] =	vst v63  }
0x180: {  	_ =	swait.ge [sflag:s8], $0x4000  }
0x181: {  	[sflag:s8] =	ssyncset.done $0x0  }
0x182: {  	s1 =	rddreg [dreg:$0x1b];
	[sflag:s8] =	ssyncadd.s32 $0xFFFFC000  }
0x183: {  	[hbm4b:s1+s2] =	stream.linear.scatter [tilespmem:s17], [sflag:$0x2], $0x4000, $0x38;
	[tilespmem:$0x18880] =	vst v63  }
0x184: {  	_ =	swait.ge [sflag:s8], $0x4000  }
0x185: {  	[sflag:s8] =	ssyncset.done $0x0  }
0x186: {  	[sflag:s8] =	ssyncadd.s32 $0xFFFFC000  }
0x187: {  	[tilespmem:s16], [sflag:$0x1] =	stream.indirect.gather [hbm4b:s3+s9], $0x80, s31, s9, $0xb8;
	[tilespmem:$0x18880] =	vst v63  }
0x188: {  	_ = 	snop  }
0x189: {  	[tilespmem:s17], [sflag:$0x1] =	stream.indirect.gather [hbm4b:s4+s9], $0x80, s31, s9, $0xb8;
	[tilespmem:$0x18880] =	vst v63  }
0x18a: {  	_ =	swait.ge [sflag:s18], $0x4000  }
0x18b: {  	[sflag:s18] =	ssyncset.done $0x0  }
0x18c: {  	[sflag:s18] =	ssyncadd.s32 $0xFFFFC000  }
0x18d: {  	_ =	swait.ge [sflag:s18], $0x4000  }
0x18e: {  	[sflag:s18] =	ssyncset.done $0x0  }
0x18f: {  	s1 =	rddreg [dreg:$0x1c];
	[sflag:s18] =	ssyncadd.s32 $0xFFFFC000  }
0x190: {  	[hbm4b:s1+s2] =	stream.linear.scatter [tilespmem:s10], [sflag:$0x2], $0x4000, $0x38;
	[tilespmem:$0x18880] =	vst v63  }
0x191: {  	_ =	swait.ge [sflag:s8], $0x4000  }
0x192: {  	[sflag:s8] =	ssyncset.done $0x0  }
0x193: {  	s1 =	rddreg [dreg:$0x1d];
	[sflag:s8] =	ssyncadd.s32 $0xFFFFC000  }
0x194: {  	[hbm4b:s1+s2] =	stream.linear.scatter [tilespmem:s11], [sflag:$0x2], $0x4000, $0x38;
	[tilespmem:$0x18880] =	vst v63  }
0x195: {  	_ =	swait.ge [sflag:s8], $0x4000  }
0x196: {  	[sflag:s8] =	ssyncset.done $0x0  }
0x197: {  	[sflag:s8] =	ssyncadd.s32 $0xFFFFC000  }
0x198: {  	[tilespmem:s10], [sflag:$0x1] =	stream.indirect.gather [hbm4b:s3+s9], $0x80, s0, s9, $0xb8;
	[tilespmem:$0x18880] =	vst v63  }
0x199: {  	_ = 	snop  }
0x19a: {  	[tilespmem:s11], [sflag:$0x1] =	stream.indirect.gather [hbm4b:s4+s9], $0x80, s0, s9, $0xb8;
	[tilespmem:$0x18880] =	vst v63  }
0x19b: {  	_ =	swait.ge [sflag:s18], $0x4000  }
0x19c: {  	[sflag:s18] =	ssyncset.done $0x0  }
0x19d: {  	[sflag:s18] =	ssyncadd.s32 $0xFFFFC000  }
0x19e: {  	_ =	swait.ge [sflag:s18], $0x4000  }
0x19f: {  	[sflag:s18] =	ssyncset.done $0x0  }
0x1a0: {  	s1 =	rddreg [dreg:$0x1e];
	[sflag:s18] =	ssyncadd.s32 $0xFFFFC000  }
0x1a1: {  	[hbm4b:s1+s2] =	stream.linear.scatter [tilespmem:s13], [sflag:$0x2], $0x4000, $0x38;
	[tilespmem:$0x18880] =	vst v63  }
0x1a2: {  	_ =	swait.ge [sflag:s8], $0x4000  }
0x1a3: {  	[sflag:s8] =	ssyncset.done $0x0  }
0x1a4: {  	s1 =	rddreg [dreg:$0x1f];
	[sflag:s8] =	ssyncadd.s32 $0xFFFFC000  }
0x1a5: {  	[hbm4b:s1+s2] =	stream.linear.scatter [tilespmem:s14], [sflag:$0x2], $0x4000, $0x38;
	[tilespmem:$0x18880] =	vst v63  }
0x1a6: {  	_ =	swait.ge [sflag:s8], $0x4000  }
0x1a7: {  	[sflag:s8] =	ssyncset.done $0x0  }
0x1a8: {  	[sflag:s8] =	ssyncadd.s32 $0xFFFFC000  }
0x1a9: {  	_ =	swait.ge [sflag:s18], $0x4000  }
0x1aa: {  	[sflag:s18] =	ssyncset.done $0x0  }
0x1ab: {  	[sflag:s18] =	ssyncadd.s32 $0xFFFFC000  }
0x1ac: {  	_ =	swait.ge [sflag:s18], $0x4000  }
0x1ad: {  	s1 =	sld [smem:$0x7FC]  }
0x1ae: {  	[sflag:s18] =	ssyncset.done $0x0  }
0x1af: {  	[sflag:s18] =	ssyncadd.s32 $0xFFFFC000  }
0x1b0: {  	[hbm4b:s1+s2] =	stream.linear.scatter [tilespmem:s16], [sflag:$0x2], $0x4000, $0x38;
	[tilespmem:$0x18880] =	vst v63  }
0x1b1: {  	_ =	swait.ge [sflag:s8], $0x4000  }
0x1b2: {  	s1 =	sld [smem:$0x7FD]  }
0x1b3: {  	[sflag:s8] =	ssyncset.done $0x0  }
0x1b4: {  	[sflag:s8] =	ssyncadd.s32 $0xFFFFC000  }
0x1b5: {  	[hbm4b:s1+s2] =	stream.linear.scatter [tilespmem:s17], [sflag:$0x2], $0x4000, $0x38;
	[tilespmem:$0x18880] =	vst v63  }
0x1b6: {  	_ =	swait.ge [sflag:s8], $0x4000  }
0x1b7: {  	[sflag:s8] =	ssyncset.done $0x0  }
0x1b8: {  	[sflag:s8] =	ssyncadd.s32 $0xFFFFC000  }
0x1b9: {  	_ =	swait.ge [sflag:s18], $0x4000  }
0x1ba: {  	[sflag:s18] =	ssyncset.done $0x0  }
0x1bb: {  	[sflag:s18] =	ssyncadd.s32 $0xFFFFC000  }
0x1bc: {  	_ =	swait.ge [sflag:s18], $0x4000  }
0x1bd: {  	[sflag:s18] =	ssyncset.done $0x0  }
0x1be: {  	[sflag:s18] =	ssyncadd.s32 $0xFFFFC000  }
0x1bf: {  	[hbm4b:s5+s2] =	stream.linear.scatter [tilespmem:s10], [sflag:$0x2], $0x4000, $0x38;
	[tilespmem:$0x18880] =	vst v63  }
0x1c0: {  	_ =	swait.ge [sflag:s8], $0x4000  }
0x1c1: {  	p0 =	sne.s32 s7, $0x1;
	[sflag:s8] =	ssyncset.done $0x0  }
.Ltmp0:
0x1c2: {  	[sflag:s8] =	ssyncadd.s32 $0xFFFFC000;
	(pc) =	sbr.rel @p0 .LBB2_1-.Ltmp0, $4  }
0x1c3: {  	[hbm4b:s6+s2] =	stream.linear.scatter [tilespmem:s11], [sflag:$0x2], $0x4000, $0x38;
	[tilespmem:$0x18880] =	vst v63  }
0x1c4: {  	_ =	swait.ge [sflag:s8], $0x4000  }
0x1c5: {  	[sflag:s8] =	ssyncset.done $0x0  }
0x1c6: {  	s7 =	sadd.s32 $0xFFFFFFFF, s7;
	[sflag:s8] =	ssyncadd.s32 $0xFFFFC000  }
0x1c7: {  	_ =	sfence.sel $0x180000  }
0x1c8: {  	[bflag:$0x0] =	sbarrier.arrive $0xFFFF  }
0x1c9: {  	_ =	strace $0x90000047  }
0x1ca: {  	s0 =	stileid.u32;
	[bflag:$0x2] =	sbarrier.arrive $0xFFFF  }
0x1cb: {  	p0 =	sne.s32 s0, $0x0;
	s0 =	rddreg [dreg:$0x2]  }
0x1cc: {  	s0 =	sadd.s32 @!p0 $0x100000, s0  }
0x1cd: {  	[sflag:s0] =	ssyncadd.tile.s32 @!p0 $0x1;
	_ =	shalt  }
.Lfunc_end2:
_tile_overlayer_lowered:
.L_overlay_start_2:
0x1ce: {  	(tag) =	ssettag $0x2  }
0x1cf: {  	s0 =	rddreg [dreg:$0x0];
	s2 =	stileid.u32  }
0x1d0: {  	s1 =	rddreg [dreg:$0x1];
	p0 =	sne.s32 s2, $0x0  }
0x1d1: {  	s3 =	rddreg [dreg:$0x2];
	[bflag:$0x3] =	sbarrier.arrive $0xFFFF;
	s2 =	simm.s32 @!p0 $0x1C02  }
0x1d2: {  	[timem:s3], [sflag:s2] =	dma.local @!p0 [hbm:s0], s1  }
0x1d3: {  	s0 =	simm.s32 @!p0 $0x2  }
0x1d4: {  	_ =	swait.ge @!p0 [sflag:s0], s1  }
0x1d5: {  	s1 =	ssub.s32 @!p0 $0x0, s1;
	[sflag:s0] =	ssyncset.done @!p0 $0x0  }
0x1d6: {  	[sflag:s0] =	ssyncadd.s32 @!p0 s1  }
0x1d7: {  	[bflag:$0x3] =	sbarrier.arrive $0xFFFF  }
0x1d8: {  	_ =	shalt  }

// kernel: kernel.9.cloned.1.call-start
scs
__scs_entry_jumppad:
0x0: {  	(pc) =	sbr.rel $0x88, $3  }
0x1: {  	(tag) =	ssettag $0x0;
	lr =	simm.s32 $0x1  }
0x2: {  	[smem:$0x3F9A] =	sst lr;
	_ =	strace $0xD0000000  }
0x3: {  	_ = 	snop  }
0x4: {  	_ = 	snop  }
0x5: {  	_ = 	snop  }
0x6: {  	_ = 	snop  }
0x7: {  	_ = 	snop  }
__scs_overlays_trampoline_lowered:
0x8: {  	[smem:$0x3FA9] =	sst s0  }
0x9: {  	[smem:$0x3FAA] =	sst s1  }
0xa: {  	[smem:$0x3FAB] =	sst s2  }
0xb: {  	[smem:$0x3FAC] =	sst s3  }
0xc: {  	[smem:$0x3FAD] =	sst s4  }
0xd: {  	[smem:$0x3FAE] =	sst s5  }
0xe: {  	[smem:$0x3FAF] =	sst s6  }
0xf: {  	[smem:$0x3FB0] =	sst s7  }
0x10: {  	[smem:$0x3FB1] =	sst s8  }
0x11: {  	[smem:$0x3FB2] =	sst s9;
	s0 =	simm.s32 @!p0 $0x0  }
0x12: {  	s1 =	sld [smem:$0x3F98];
	s0 =	simm.s32 @p0 $0x1  }
0x13: {  	[smem:$0x3FB3] =	sst s0;
	s0 =	simm.s32 @!p1 $0x0  }
0x14: {  	s2 =	sld [smem:$0x3F97];
	s0 =	simm.s32 @p1 $0x1  }
0x15: {  	[smem:$0x3FB4] =	sst s0;
	s0 =	simm.s32 @!p2 $0x0  }
0x16: {  	s3 =	sld [smem:$0x3FDB];
	s0 =	simm.s32 @p2 $0x1  }
0x17: {  	s4 =	simm.s32 $0x1BF5;
	[smem:$0x3FB6] =	sst s0  }
0x18: {  	s0 =	sld [smem:$0x3F99];
	_ =	swait.ge [sflag:s4], $0x0  }
0x19: {  	s7 =	sld [smem:$0x3F9A]  }
0x1a: {  	s8 =	sadd.s32 $0xFFFFE003, lr  }
0x1b: {  	s9 =	sadd.s32 $0xFFFFFEF7, lr;
	s5 =	simm.s32 $0xFFFFFFFF;
	p2 =	slt.u32 s8, $0xFFFFF086  }
0x1c: {  	p1 =	slt.u32 s9, $0xF7A;
	s5 =	simm.s32 @!p2 $0x0  }
0x1d: {  	s5 =	simm.s32 @p1 $0x1;
	p0 =	seq.s32 s7, s2  }
0x1e: {  	s7 =	smul.u32 @!p0 $0xF7A, s2;
	p2 =	seq.s32 @!p0 s5, $0x0  }
0x1f: {  	s9 =	smul.u32 $0xF7A, s1;
	s8 =	simm.s32 @!p0 $0x1BF5;
	p2 =	por !p2, p0  }
0x20: {  	[sflag:s8] =	ssyncset.s32 @!p0 $0xFFFFF086;
	s6 =	sadd.s32 @!p0 s3, s7;
	s7 =	simm.s32 @!p0 $0x108  }
0x21: {  	s3 =	sadd.s32 s3, s9;
	s6 =	sadd.s32 @!p0 $0x88, s6;
	s7 =	simm.s32 @p2 $0x1082  }
0x22: {  	[simem:s7], [sflag:s8] =	dma.local @!p0 [hbm:s6], $0xF7A  }
0x23: {  	s9 =	sor.u32 $0xD0000000, s2;
	s6 =	simm.s32 $0x108;
	_ =	swait.ge @!p0 [sflag:s8], $0x0  }
0x24: {  	s3 =	sadd.s32 $0x88, s3;
	s6 =	simm.s32 @!p1 $0x1082;
	[sflag:s4] =	ssyncset.s32 $0xFFFFF086  }
0x25: {  	[simem:s6], [sflag:s4] =	dma.local [hbm:s3], $0xF7A  }
0x26: {  	[smem:$0x3F9A] =	sst s1;
	(tag) =	ssettag s2;
	_ =	strace s9  }
0x27: {  	s1 =	sld [smem:$0x3FAA]  }
0x28: {  	s2 =	sld [smem:$0x3FAB]  }
0x29: {  	s4 =	sld [smem:$0x3FAD]  }
0x2a: {  	p0 =	seq.s32 s5, $0x0;
	s5 =	sld [smem:$0x3FAE]  }
0x2b: {  	s6 =	sld [smem:$0x3FAF]  }
0x2c: {  	s7 =	sld [smem:$0x3FB0]  }
0x2d: {  	s3 =	simm.s32 $0x108;
	s8 =	sld [smem:$0x3FB1]  }
0x2e: {  	s3 =	simm.s32 @!p0 $0x1082;
	s9 =	sld [smem:$0x3FB2]  }
0x2f: {  	lr =	sadd.s32 s0, s3;
	s0 =	sld [smem:$0x3FA9]  }
0x30: {  	s3 =	sld [smem:$0x3FAC]  }
0x31: {  	[smem:$0x3FB5] =	sst s10  }
0x32: {  	s10 =	sld [smem:$0x3FB3];
	_ =	sdelay $0x3  }
0x33: {  	p0 =	seq.s32 s10, $0x1;
	s10 =	sld [smem:$0x3FB5];
	_ =	sdelay $0x3  }
0x34: {  	[smem:$0x3FB5] =	sst s10  }
0x35: {  	s10 =	sld [smem:$0x3FB4];
	_ =	sdelay $0x3  }
0x36: {  	p1 =	seq.s32 s10, $0x1;
	s10 =	sld [smem:$0x3FB5];
	_ =	sdelay $0x3  }
0x37: {  	[smem:$0x3FB5] =	sst s10  }
0x38: {  	s10 =	sld [smem:$0x3FB6]  }
0x39: {  	_ = 	snop;
	(pc) =	sbr.ind lr, $3  }
0x3a: {  	_ = 	snop  }
0x3b: {  	_ = 	snop  }
0x3c: {  	p2 =	seq.s32 s10, $0x1;
	s10 =	sld [smem:$0x3FB5]  }
0x3d: {  	_ =	shalt  }
0x3e: {  	_ =	shalt  }
0x3f: {  	_ =	shalt  }
0x40: {  	_ =	shalt  }
0x41: {  	_ =	shalt  }
0x42: {  	_ =	shalt  }
0x43: {  	_ =	shalt  }
0x44: {  	_ =	shalt  }
0x45: {  	_ =	shalt  }
0x46: {  	_ =	shalt  }
0x47: {  	_ =	shalt  }
0x48: {  	_ =	shalt  }
0x49: {  	_ =	shalt  }
0x4a: {  	_ =	shalt  }
0x4b: {  	_ =	shalt  }
0x4c: {  	_ =	shalt  }
0x4d: {  	_ =	shalt  }
0x4e: {  	_ =	shalt  }
0x4f: {  	_ =	shalt  }
0x50: {  	_ =	shalt  }
0x51: {  	_ =	shalt  }
0x52: {  	_ =	shalt  }
0x53: {  	_ =	shalt  }
0x54: {  	_ =	shalt  }
0x55: {  	_ =	shalt  }
0x56: {  	_ =	shalt  }
0x57: {  	_ =	shalt  }
0x58: {  	_ =	shalt  }
0x59: {  	_ =	shalt  }
0x5a: {  	_ =	shalt  }
0x5b: {  	_ =	shalt  }
0x5c: {  	_ =	shalt  }
0x5d: {  	_ =	shalt  }
0x5e: {  	_ =	shalt  }
0x5f: {  	_ =	shalt  }
0x60: {  	_ =	shalt  }
0x61: {  	_ =	shalt  }
0x62: {  	_ =	shalt  }
0x63: {  	_ =	shalt  }
0x64: {  	_ =	shalt  }
0x65: {  	_ =	shalt  }
0x66: {  	_ =	shalt  }
0x67: {  	_ =	shalt  }
0x68: {  	_ =	shalt  }
0x69: {  	_ =	shalt  }
0x6a: {  	_ =	shalt  }
0x6b: {  	_ =	shalt  }
0x6c: {  	_ =	shalt  }
0x6d: {  	_ =	shalt  }
0x6e: {  	_ =	shalt  }
0x6f: {  	_ =	shalt  }
0x70: {  	_ =	shalt  }
0x71: {  	_ =	shalt  }
0x72: {  	_ =	shalt  }
0x73: {  	_ =	shalt  }
0x74: {  	_ =	shalt  }
0x75: {  	_ =	shalt  }
0x76: {  	_ =	shalt  }
0x77: {  	_ =	shalt  }
0x78: {  	_ =	shalt  }
0x79: {  	_ =	shalt  }
0x7a: {  	_ =	shalt  }
0x7b: {  	_ =	shalt  }
0x7c: {  	_ =	shalt  }
0x7d: {  	_ =	shalt  }
0x7e: {  	_ =	shalt  }
0x7f: {  	_ =	shalt  }
0x80: {  	_ =	shalt  }
0x81: {  	_ =	shalt  }
0x82: {  	_ =	shalt  }
0x83: {  	_ =	shalt  }
0x84: {  	_ =	shalt  }
0x85: {  	_ =	shalt  }
0x86: {  	_ =	shalt  }
0x87: {  	_ =	shalt  }
.Lfunc_end0:
.L_simem_size_0:
called_computation.1_lowered:
.L_overlay_start_0:
0x88: {  	s2 =	sld [smem:$0x3FD9]  }
0x89: {  	s3 =	sld [smem:$0x3FFE];
	_ =	sdelay $0x1  }
0x8a: {  	s1 =	srdreg.scid  }
0x8b: {  	s0 =	sand.u32 $0x1, s1  }
0x8c: {  	s17 =	sshll.u32 s0, $0xA;
	s2 =	sadd.s32 s3, s2  }
0x8d: {  	s2 =	sadd.s32 s2, s17  }
0x8e: {  	[smem:$0x3FC1] =	sst s2  }
0x8f: {  	_ = 	snop  }
0x90: {  	(tm) =	ssettm $0x1  }
0x91: {  	s18 =	sld [smem:$0x3FFB];
	_ =	sdelay $0x3  }
0x92: {  	_ =	strace s18  }
0x93: {  	s2 =	sld [smem:$0x3FFC];
	_ =	sdelay $0x3  }
0x94: {  	_ =	strace s2  }
0x95: {  	s2 =	sld [smem:$0x3FFD];
	_ =	sdelay $0x3  }
0x96: {  	_ =	strace s2  }
0x97: {  	_ =	strace $0x8FFFFFFF  }
0x98: {  	s19 =	sld [smem:$0x3FDB];
	_ =	sdelay $0x1  }
0x99: {  	s20 =	simm.s32 $_scs_section_size  }
0x9a: {  	s4 =	simm.s32 $_size__tile_overlayer_lowered;
	s5 =	simm.s32 $_tile_overlayer_lowered  }
0x9b: {  	s6 =	simm.s32 $0x1BFF;
	s21 =	sshll.u32 s5, $0x1;
	s3 =	sadd.s32 s20, s19  }
0x9c: {  	s22 =	simm.s32 $0x0;
	s4 =	sshll.u32 s4, $0x1;
	s5 =	sadd.s32 s21, s3  }
0x9d: {  	[timem:s22], [sflag:s6] =	dma.local [hbm:s5], s4  }
0x9e: {  	_ =	swait.ge [sflag:s6], s4  }
0x9f: {  	s4 =	ssub.s32 $0x0, s4;
	[sflag:s6] =	ssyncset.done $0x0  }
0xa0: {  	[sflag:s6] =	ssyncadd.s32 s4;
	_ =	sdelay $0x1  }
0xa1: {  	s23 =	simm.s32 $0x1B8B  }
0xa2: {  	_ =	swait.ge [sflag:s23], $0x1  }
0xa3: {  	[sflag:s23] =	ssyncset.done $0x0  }
0xa4: {  	[sflag:s23] =	ssyncadd.s32 $0xFFFFFFFF  }
0xa5: {  	s4 =	sld [smem:$0x0]  }
0xa6: {  	s5 =	sand.u32 $0xFFFFFFFE, s1  }
0xa7: {  	p0 =	sne.s32 s1, s5  }
0xa8: {  	s5 =	sshll.u32 @p0 s5, $0xE  }
0xa9: {  	s5 =	sadd.s32 @p0 $0x11B8D, s5;
	s6 =	sshll.u32 @p0 s4, $0x11  }
0xaa: {  	s5 =	sor.u32 @p0 s6, s5  }
0xab: {  	[sflag:s5] =	ssyncadd.remote.s32 @p0 $0x1;
	_ =	sdelay $0x1  }
0xac: {  	s5 =	simm.s32 @p0 $0x1B8D  }
0xad: {  	_ =	swait.eq @p0 [sflag:s5], $0x1  }
0xae: {  	[sflag:s5] =	ssyncadd.s32 @p0 $0xFFFFFFFF  }
0xaf: {  	s6 =	sshll.u32 @!p0 s1, $0xE  }
0xb0: {  	s6 =	sor.u32 @!p0 $0x4000, s6;
	s5 =	simm.s32 @!p0 $0x1B8D  }
0xb1: {  	s4 =	sshll.u32 @!p0 s4, $0x11;
	s6 =	sadd.s32 @!p0 $0x11B8D, s6;
	_ =	swait.eq @!p0 [sflag:s5], $0x1  }
0xb2: {  	s4 =	sor.u32 @!p0 s4, s6;
	[sflag:s5] =	ssyncadd.s32 @!p0 $0xFFFFFFFF  }
0xb3: {  	s25 =	simm.s32 $0x1B8E;
	s24 =	sld [smem:$0x3FFE];
	[sflag:s4] =	ssyncadd.remote.s32 @!p0 $0x1  }
0xb4: {  	s26 =	simm.s32 $execute0_lowered;
	[smem:$0x3FD2] =	sst s25  }
0xb5: {  	s5 =	sshll.u32 s26, $0x1;
	_ =	strace $0x80000049;
	[dreg:$0x1] =	wrdreg $0xFFFFFFFF  }
0xb6: {  	s28 =	simm.s32 $_size_execute0_lowered;
	s3 =	sadd.s32 s3, s5;
	[dreg:$0x0] =	wrdreg $0x0  }
0xb7: {  	s5 =	sshll.u32 s28, $0x1;
	[dreg:$0x2] =	wrdreg s3  }
0xb8: {  	[dreg:$0x3] =	wrdreg s5  }
0xb9: {  	[dreg:$0x4] =	wrdreg $0xC0  }
0xba: {  	_ =	task [dreg:s22], $0x5FFFF  }
0xbb: {  	[dreg:$0x1] =	wrdreg $0xFFFFFFFF  }
0xbc: {  	[dreg:$0x0] =	wrdreg $0x60  }
0xbd: {  	[dreg:$0x2] =	wrdreg s24  }
0xbe: {  	[dreg:$0x3] =	wrdreg $0xA  }
0xbf: {  	_ =	task.clear_ibuf [dreg:s22], $0x4FFFF;
	_ =	strace $0x90000049  }
0xc0: {  	s29 =	simm.s32 $0xA;
	_ =	strace $0x8000004B  }
0xc1: {  	_ =	swait.ge [sflag:s29], $0x1  }
0xc2: {  	[sflag:s29] =	ssyncadd.s32 $0xFFFFFFFF  }
0xc3: {  	_ =	strace $0x9000004B  }
0xc4: {  	_ =	sfence  }
0xc5: {  	s30 =	sld [smem:$0x0];
	_ =	sdelay $0x2  }
0xc6: {  	s31 =	sshll.u32 s1, $0xD;
	s1 =	sshrl.u32 s1, $0x2  }
0xc7: {  	s4 =	sand.u32 $0x4000, s31;
	s1 =	sadd.s32 s1, s30  }
0xc8: {  	s0 =	sor.u32 s4, s0;
	s1 =	sshll.u32 s1, $0x11  }
0xc9: {  	s0 =	sor.u32 s1, s0  }
0xca: {  	s0 =	sadd.s32 $0x8F2B, s0  }
0xcb: {  	[sflag:s0] =	ssyncadd.remote.s32 $0x1  }
0xcc: {  	_ =	sfence.sel $0xFFFF  }
0xcd: {  	[dreg:$0x0] =	wrdreg $0xFFFFFFFF;
	(pc) =	sbr.abs _section_cstart, $3  }
0xce: {  	[dreg:$0x1] =	wrdreg $0xFFFFFFFF  }
0xcf: {  	_ =	task.clear_ibuf [dreg:s22], $0x2FFFF;
	_ =	strace $0x9FFFFFFF  }
0xd0: {  	(tm) =	ssettm $0x7FFFFFFF  }
0xd1: {  	_ =	shalt  }
tec
execute0_lowered:
.L_overlay_start_1:
0x0: {  	(tag) =	ssettag $0x1  }
0x1: {  	s0 =	srdreg.scid  }
0x2: {  	s4 =	rddreg [dreg:$0x0];
	s1 =	stileid.u32;
	s8 =	sand.u32 $0x1, s0  }
0x3: {  	s2 =	simm.s32 $0x0;
	s28 =	simm.s32 $0x600;
	s0 =	sshll.u32 s8, $0x4  }
0x4: {  	s29 =	simm.s32 $0x680;
	[smem:$0x7FF] =	sst s2;
	s0 =	sor.u32 s1, s0  }
0x5: {  	s5 =	sadd.s32 $0xA02000, s4;
	s6 =	sadd.s32 $0xB02000, s4;
	s7 =	sshll.u32 s0, $0xF  }
0x6: {  	_ =	strace $0x8000004A;
	s3 =	sshll.u32 s0, $0x4;
	s22 =	sadd.s32 s5, s7  }
0x7: {  	s3 =	sadd.s32 s3, s4;
	s23 =	sadd.s32 s6, s7;
	[dreg:$0x3] =	wrdreg s22  }
0x8: {  	s9 =	sor.u32 $0x800, s7;
	s3 =	sadd.s32 $0x1E00, s3;
	[dreg:$0x4] =	wrdreg s23  }
0x9: {  	s30 =	simm.s32 $0x700;
	s24 =	sadd.s32 s5, s9;
	[dreg:$0x2] =	wrdreg s3  }
0xa: {  	s26 =	sor.u32 $0x1000, s7;
	s25 =	sadd.s32 s6, s9;
	[dreg:$0x5] =	wrdreg s24  }
0xb: {  	s31 =	simm.s32 $0x780;
	s1 =	sadd.s32 s5, s26;
	[dreg:$0x6] =	wrdreg s25  }
0xc: {  	s11 =	sor.u32 $0x1800, s7;
	s10 =	sadd.s32 s6, s26;
	[dreg:$0x7] =	wrdreg s1  }
0xd: {  	s8 =	ssub.s32 $0x2, s8;
	s12 =	sadd.s32 s5, s11;
	[dreg:$0x8] =	wrdreg s10  }
0xe: {  	s14 =	sor.u32 $0x2000, s7;
	s13 =	sadd.s32 s6, s11;
	[dreg:$0x9] =	wrdreg s12  }
0xf: {  	s0 =	sshll.u32 s0, $0xC;
	s15 =	sadd.s32 s5, s14;
	[dreg:$0xa] =	wrdreg s13  }
0x10: {  	s17 =	sor.u32 $0x2800, s7;
	s16 =	sadd.s32 s6, s14;
	[dreg:$0xb] =	wrdreg s15  }
0x11: {  	s20 =	sor.u32 $0x3000, s7;
	s18 =	sadd.s32 s5, s17;
	[dreg:$0xc] =	wrdreg s16  }
0x12: {  	v0 =	vmov s0;
	s0 =	simm.s32 $0x800;
	s19 =	sadd.s32 s6, s17;
	[dreg:$0xd] =	wrdreg s18  }
0x13: {  	s21 =	sadd.s32 s5, s20;
	s22 =	sadd.s32 s6, s20;
	[dreg:$0xe] =	wrdreg s19  }
0x14: {  	s23 =	sor.u32 $0x3800, s7;
	s26 =	sor.u32 $0x4000, s7;
	[dreg:$0xf] =	wrdreg s21  }
0x15: {  	s11 =	sor.u32 $0x4800, s7;
	[dreg:$0x10] =	wrdreg s22;
	s24 =	sadd.s32 s5, s23  }
0x16: {  	s14 =	sor.u32 $0x5000, s7;
	s25 =	sadd.s32 s6, s23;
	[dreg:$0x11] =	wrdreg s24  }
0x17: {  	s1 =	sadd.s32 s5, s26;
	s10 =	sadd.s32 s6, s26;
	[dreg:$0x12] =	wrdreg s25  }
0x18: {  	s12 =	sadd.s32 s5, s11;
	s13 =	sadd.s32 s6, s11;
	[dreg:$0x13] =	wrdreg s1  }
0x19: {  	s15 =	sadd.s32 s5, s14;
	s9 =	sadd.s32 s6, s14;
	[dreg:$0x14] =	wrdreg s10  }
0x1a: {  	s3 =	sadd.s32 $0x202000, s4;
	s18 =	sor.u32 $0x6000, s7;
	[dreg:$0x15] =	wrdreg s12  }
0x1b: {  	s4 =	sadd.s32 $0x602000, s4;
	s21 =	sor.u32 $0x6800, s7;
	[dreg:$0x16] =	wrdreg s13  }
0x1c: {  	s11 =	sshrl.u32 s8, $0x1;
	s14 =	simm.s32 $0xC880;
	[dreg:$0x17] =	wrdreg s15  }
0x1d: {  	s10 =	sor.u32 $0x5800, s7;
	[dreg:$0x18] =	wrdreg s9;
	s19 =	sadd.s32 s5, s18  }
0x1e: {  	s20 =	sadd.s32 s6, s18;
	s22 =	sadd.s32 s5, s21;
	s23 =	sadd.s32 s6, s21  }
0x1f: {  	s24 =	sor.u32 $0x7000, s7;
	s8 =	ssub.s32 s8, s11;
	s7 =	sor.u32 $0x7800, s7  }
0x20: {  	s9 =	simm.s32 $0x80;
	s11 =	simm.s32 $0x4880;
	s12 =	simm.s32 $0x100  }
0x21: {  	s13 =	simm.s32 $0x8880;
	s15 =	simm.s32 $0x180;
	[dreg:$0x1b] =	wrdreg s19  }
0x22: {  	s18 =	simm.s32 $0x1;
	s21 =	simm.s32 $0x300;
	[dreg:$0x1c] =	wrdreg s20  }
0x23: {  	s16 =	sadd.s32 s5, s10;
	s17 =	sadd.s32 s6, s10;
	[dreg:$0x1d] =	wrdreg s22  }
0x24: {  	[dreg:$0x1e] =	wrdreg s23;
	s25 =	sadd.s32 s5, s24;
	s26 =	sadd.s32 s6, s24  }
0x25: {  	s5 =	sadd.s32 s5, s7;
	s6 =	sadd.s32 s6, s7;
	s7 =	smax.u32 s8, $0x1  }
0x26: {  	s8 =	simm.s32 $0x2;
	s10 =	simm.s32 $0x880;
	[dreg:$0x19] =	wrdreg s16  }
0x27: {  	s19 =	simm.s32 $0x200;
	s20 =	simm.s32 $0x280;
	[dreg:$0x1a] =	wrdreg s17  }
0x28: {  	s22 =	simm.s32 $0x380;
	s23 =	simm.s32 $0x400;
	[dreg:$0x1f] =	wrdreg s25  }
0x29: {  	s24 =	simm.s32 $0x480;
	[smem:$0x7FD] =	sst s26;
	s16 =	simm.s32 $0x10880  }
0x2a: {  	s17 =	simm.s32 $0x14880;
	s25 =	simm.s32 $0x500;
	s26 =	simm.s32 $0x580  }
.LBB2_1:
0x2b: {  	s1 =	rddreg [dreg:$0x2]  }
0x2c: {  	[tilespmem:s2], [sflag:$0x2] =	stream.linear.gather [hbm4b:s1+s2], $0x80, $0x38;
	[tilespmem:$0x18880] =	vst v63  }
0x2d: {  	_ =	swait.ge [sflag:s8], $0x80  }
0x2e: {  	[sflag:s8] =	ssyncset.done $0x0  }
0x2f: {  	[sflag:s8] =	ssyncadd.s32 $0xFFFFFF80  }
0x30: {  	v1 =	vld [tilespmem:$0x0];
	_ =	sdelay $0x4  }
0x31: {  	v1 =	vshll.u32 v1, $0x4  }
0x32: {  	v1 =	vadd.s32 v0, v1  }
0x33: {  	[tilespmem:$0x80] =	vst v1;
	v2 =	vor.u32 $0x1, v1  }
0x34: {  	[tilespmem:$0x100] =	vst v2;
	v2 =	vor.u32 $0x2, v1  }
0x35: {  	[tilespmem:$0x180] =	vst v2;
	v2 =	vor.u32 $0x3, v1  }
0x36: {  	[tilespmem:$0x200] =	vst v2;
	v2 =	vor.u32 $0x4, v1  }
0x37: {  	[tilespmem:$0x280] =	vst v2;
	v2 =	vor.u32 $0x5, v1  }
0x38: {  	[tilespmem:$0x300] =	vst v2;
	v2 =	vor.u32 $0x6, v1  }
0x39: {  	[tilespmem:$0x380] =	vst v2;
	v2 =	vor.u32 $0x7, v1  }
0x3a: {  	[tilespmem:$0x400] =	vst v2;
	v2 =	vor.u32 $0x8, v1  }
0x3b: {  	[tilespmem:$0x480] =	vst v2;
	v2 =	vor.u32 $0x9, v1  }
0x3c: {  	v3 =	vld [tilespmem:$0x10];
	[tilespmem:$0x500] =	vst v2;
	v2 =	vor.u32 $0xA, v1  }
0x3d: {  	[tilespmem:$0x580] =	vst v2;
	v2 =	vor.u32 $0xB, v1  }
0x3e: {  	[tilespmem:$0x600] =	vst v2;
	v2 =	vor.u32 $0xC, v1  }
0x3f: {  	[tilespmem:$0x680] =	vst v2;
	v2 =	vor.u32 $0xD, v1  }
0x40: {  	[tilespmem:$0x700] =	vst v2;
	v2 =	vor.u32 $0xE, v1  }
0x41: {  	v1 =	vor.u32 $0xF, v1;
	[tilespmem:$0x780] =	vst v2;
	v2 =	vshll.u32 v3, $0x4  }
0x42: {  	[tilespmem:$0x800] =	vst v1;
	v1 =	vadd.s32 v0, v2  }
0x43: {  	[tilespmem:$0x90] =	vst v1;
	v2 =	vor.u32 $0x1, v1  }
0x44: {  	[tilespmem:$0x110] =	vst v2;
	v2 =	vor.u32 $0x2, v1  }
0x45: {  	[tilespmem:$0x190] =	vst v2;
	v2 =	vor.u32 $0x3, v1  }
0x46: {  	[tilespmem:$0x210] =	vst v2;
	v2 =	vor.u32 $0x4, v1  }
0x47: {  	[tilespmem:$0x290] =	vst v2;
	v2 =	vor.u32 $0x5, v1  }
0x48: {  	[tilespmem:$0x310] =	vst v2;
	v2 =	vor.u32 $0x6, v1  }
0x49: {  	[tilespmem:$0x390] =	vst v2;
	v2 =	vor.u32 $0x7, v1  }
0x4a: {  	[tilespmem:$0x410] =	vst v2;
	v2 =	vor.u32 $0x8, v1  }
0x4b: {  	[tilespmem:$0x490] =	vst v2;
	v2 =	vor.u32 $0x9, v1  }
0x4c: {  	v3 =	vld [tilespmem:$0x20];
	[tilespmem:$0x510] =	vst v2;
	v2 =	vor.u32 $0xA, v1  }
0x4d: {  	[tilespmem:$0x590] =	vst v2;
	v2 =	vor.u32 $0xB, v1  }
0x4e: {  	[tilespmem:$0x610] =	vst v2;
	v2 =	vor.u32 $0xC, v1  }
0x4f: {  	[tilespmem:$0x690] =	vst v2;
	v2 =	vor.u32 $0xD, v1  }
0x50: {  	[tilespmem:$0x710] =	vst v2;
	v2 =	vor.u32 $0xE, v1  }
0x51: {  	v1 =	vor.u32 $0xF, v1;
	[tilespmem:$0x790] =	vst v2;
	v2 =	vshll.u32 v3, $0x4  }
0x52: {  	[tilespmem:$0x810] =	vst v1;
	v1 =	vadd.s32 v0, v2  }
0x53: {  	[tilespmem:$0xA0] =	vst v1;
	v2 =	vor.u32 $0x1, v1  }
0x54: {  	[tilespmem:$0x120] =	vst v2;
	v2 =	vor.u32 $0x2, v1  }
0x55: {  	[tilespmem:$0x1A0] =	vst v2;
	v2 =	vor.u32 $0x3, v1  }
0x56: {  	[tilespmem:$0x220] =	vst v2;
	v2 =	vor.u32 $0x4, v1  }
0x57: {  	[tilespmem:$0x2A0] =	vst v2;
	v2 =	vor.u32 $0x5, v1  }
0x58: {  	[tilespmem:$0x320] =	vst v2;
	v2 =	vor.u32 $0x6, v1  }
0x59: {  	[tilespmem:$0x3A0] =	vst v2;
	v2 =	vor.u32 $0x7, v1  }
0x5a: {  	[tilespmem:$0x420] =	vst v2;
	v2 =	vor.u32 $0x8, v1  }
0x5b: {  	[tilespmem:$0x4A0] =	vst v2;
	v2 =	vor.u32 $0x9, v1  }
0x5c: {  	v3 =	vld [tilespmem:$0x30];
	[tilespmem:$0x520] =	vst v2;
	v2 =	vor.u32 $0xA, v1  }
0x5d: {  	[tilespmem:$0x5A0] =	vst v2;
	v2 =	vor.u32 $0xB, v1  }
0x5e: {  	[tilespmem:$0x620] =	vst v2;
	v2 =	vor.u32 $0xC, v1  }
0x5f: {  	[tilespmem:$0x6A0] =	vst v2;
	v2 =	vor.u32 $0xD, v1  }
0x60: {  	[tilespmem:$0x720] =	vst v2;
	v2 =	vor.u32 $0xE, v1  }
0x61: {  	v1 =	vor.u32 $0xF, v1;
	[tilespmem:$0x7A0] =	vst v2;
	v2 =	vshll.u32 v3, $0x4  }
0x62: {  	[tilespmem:$0x820] =	vst v1;
	v1 =	vadd.s32 v0, v2  }
0x63: {  	[tilespmem:$0xB0] =	vst v1;
	v2 =	vor.u32 $0x1, v1  }
0x64: {  	[tilespmem:$0x130] =	vst v2;
	v2 =	vor.u32 $0x2, v1  }
0x65: {  	[tilespmem:$0x1B0] =	vst v2;
	v2 =	vor.u32 $0x3, v1  }
0x66: {  	[tilespmem:$0x230] =	vst v2;
	v2 =	vor.u32 $0x4, v1  }
0x67: {  	[tilespmem:$0x2B0] =	vst v2;
	v2 =	vor.u32 $0x5, v1  }
0x68: {  	[tilespmem:$0x330] =	vst v2;
	v2 =	vor.u32 $0x6, v1  }
0x69: {  	[tilespmem:$0x3B0] =	vst v2;
	v2 =	vor.u32 $0x7, v1  }
0x6a: {  	[tilespmem:$0x430] =	vst v2;
	v2 =	vor.u32 $0x8, v1  }
0x6b: {  	[tilespmem:$0x4B0] =	vst v2;
	v2 =	vor.u32 $0x9, v1  }
0x6c: {  	v3 =	vld [tilespmem:$0x40];
	[tilespmem:$0x530] =	vst v2;
	v2 =	vor.u32 $0xA, v1  }
0x6d: {  	[tilespmem:$0x5B0] =	vst v2;
	v2 =	vor.u32 $0xB, v1  }
0x6e: {  	[tilespmem:$0x630] =	vst v2;
	v2 =	vor.u32 $0xC, v1  }
0x6f: {  	[tilespmem:$0x6B0] =	vst v2;
	v2 =	vor.u32 $0xD, v1  }
0x70: {  	[tilespmem:$0x730] =	vst v2;
	v2 =	vor.u32 $0xE, v1  }
0x71: {  	v1 =	vor.u32 $0xF, v1;
	[tilespmem:$0x7B0] =	vst v2;
	v2 =	vshll.u32 v3, $0x4  }
0x72: {  	[tilespmem:$0x830] =	vst v1;
	v1 =	vadd.s32 v0, v2  }
0x73: {  	[tilespmem:$0xC0] =	vst v1;
	v2 =	vor.u32 $0x1, v1  }
0x74: {  	[tilespmem:$0x140] =	vst v2;
	v2 =	vor.u32 $0x2, v1  }
0x75: {  	[tilespmem:$0x1C0] =	vst v2;
	v2 =	vor.u32 $0x3, v1  }
0x76: {  	[tilespmem:$0x240] =	vst v2;
	v2 =	vor.u32 $0x4, v1  }
0x77: {  	[tilespmem:$0x2C0] =	vst v2;
	v2 =	vor.u32 $0x5, v1  }
0x78: {  	[tilespmem:$0x340] =	vst v2;
	v2 =	vor.u32 $0x6, v1  }
0x79: {  	[tilespmem:$0x3C0] =	vst v2;
	v2 =	vor.u32 $0x7, v1  }
0x7a: {  	[tilespmem:$0x440] =	vst v2;
	v2 =	vor.u32 $0x8, v1  }
0x7b: {  	[tilespmem:$0x4C0] =	vst v2;
	v2 =	vor.u32 $0x9, v1  }
0x7c: {  	v3 =	vld [tilespmem:$0x50];
	[tilespmem:$0x540] =	vst v2;
	v2 =	vor.u32 $0xA, v1  }
0x7d: {  	[tilespmem:$0x5C0] =	vst v2;
	v2 =	vor.u32 $0xB, v1  }
0x7e: {  	[tilespmem:$0x640] =	vst v2;
	v2 =	vor.u32 $0xC, v1  }
0x7f: {  	[tilespmem:$0x6C0] =	vst v2;
	v2 =	vor.u32 $0xD, v1  }
0x80: {  	[tilespmem:$0x740] =	vst v2;
	v2 =	vor.u32 $0xE, v1  }
0x81: {  	v1 =	vor.u32 $0xF, v1;
	[tilespmem:$0x7C0] =	vst v2;
	v2 =	vshll.u32 v3, $0x4  }
0x82: {  	[tilespmem:$0x840] =	vst v1;
	v1 =	vadd.s32 v0, v2  }
0x83: {  	[tilespmem:$0xD0] =	vst v1;
	v2 =	vor.u32 $0x1, v1  }
0x84: {  	[tilespmem:$0x150] =	vst v2;
	v2 =	vor.u32 $0x2, v1  }
0x85: {  	[tilespmem:$0x1D0] =	vst v2;
	v2 =	vor.u32 $0x3, v1  }
0x86: {  	[tilespmem:$0x250] =	vst v2;
	v2 =	vor.u32 $0x4, v1  }
0x87: {  	[tilespmem:$0x2D0] =	vst v2;
	v2 =	vor.u32 $0x5, v1  }
0x88: {  	[tilespmem:$0x350] =	vst v2;
	v2 =	vor.u32 $0x6, v1  }
0x89: {  	[tilespmem:$0x3D0] =	vst v2;
	v2 =	vor.u32 $0x7, v1  }
0x8a: {  	[tilespmem:$0x450] =	vst v2;
	v2 =	vor.u32 $0x8, v1  }
0x8b: {  	[tilespmem:$0x4D0] =	vst v2;
	v2 =	vor.u32 $0x9, v1  }
0x8c: {  	v3 =	vld [tilespmem:$0x60];
	[tilespmem:$0x550] =	vst v2;
	v2 =	vor.u32 $0xA, v1  }
0x8d: {  	[tilespmem:$0x5D0] =	vst v2;
	v2 =	vor.u32 $0xB, v1  }
0x8e: {  	[tilespmem:$0x650] =	vst v2;
	v2 =	vor.u32 $0xC, v1  }
0x8f: {  	[tilespmem:$0x6D0] =	vst v2;
	v2 =	vor.u32 $0xD, v1  }
0x90: {  	[tilespmem:$0x750] =	vst v2;
	v2 =	vor.u32 $0xE, v1  }
0x91: {  	v3 =	vshll.u32 v3, $0x4;
	v1 =	vor.u32 $0xF, v1;
	[tilespmem:$0x7D0] =	vst v2  }
0x92: {  	v2 =	vadd.s32 v0, v3;
	[tilespmem:$0x850] =	vst v1  }
0x93: {  	v1 =	vor.u32 $0x1, v2;
	[tilespmem:$0xE0] =	vst v2  }
0x94: {  	[tilespmem:$0x160] =	vst v1;
	v1 =	vor.u32 $0x2, v2  }
0x95: {  	[tilespmem:$0x1E0] =	vst v1;
	v1 =	vor.u32 $0x3, v2  }
0x96: {  	[tilespmem:$0x260] =	vst v1;
	v1 =	vor.u32 $0x4, v2  }
0x97: {  	[tilespmem:$0x2E0] =	vst v1;
	v1 =	vor.u32 $0x5, v2  }
0x98: {  	[tilespmem:$0x360] =	vst v1;
	v1 =	vor.u32 $0x6, v2  }
0x99: {  	[tilespmem:$0x3E0] =	vst v1;
	v1 =	vor.u32 $0x7, v2  }
0x9a: {  	[tilespmem:$0x460] =	vst v1;
	v1 =	vor.u32 $0x8, v2  }
0x9b: {  	[tilespmem:$0x4E0] =	vst v1;
	v1 =	vor.u32 $0x9, v2  }
0x9c: {  	v3 =	vld [tilespmem:$0x70];
	[tilespmem:$0x560] =	vst v1;
	v1 =	vor.u32 $0xA, v2  }
0x9d: {  	[tilespmem:$0x5E0] =	vst v1;
	v1 =	vor.u32 $0xB, v2  }
0x9e: {  	[tilespmem:$0x660] =	vst v1;
	v1 =	vor.u32 $0xC, v2  }
0x9f: {  	[tilespmem:$0x6E0] =	vst v1;
	v1 =	vor.u32 $0xD, v2  }
0xa0: {  	[tilespmem:$0x760] =	vst v1;
	v1 =	vor.u32 $0xE, v2  }
0xa1: {  	[tilespmem:$0x7E0] =	vst v1;
	v1 =	vor.u32 $0xF, v2;
	v2 =	vshll.u32 v3, $0x4  }
0xa2: {  	[tilespmem:$0x860] =	vst v1;
	v1 =	vadd.s32 v0, v2  }
0xa3: {  	[tilespmem:$0xF0] =	vst v1;
	v2 =	vor.u32 $0x1, v1  }
0xa4: {  	[tilespmem:$0x170] =	vst v2;
	v2 =	vor.u32 $0x2, v1  }
0xa5: {  	[tilespmem:$0x1F0] =	vst v2;
	v2 =	vor.u32 $0x3, v1  }
0xa6: {  	[tilespmem:$0x270] =	vst v2;
	v2 =	vor.u32 $0x4, v1  }
0xa7: {  	[tilespmem:$0x2F0] =	vst v2;
	v2 =	vor.u32 $0x5, v1  }
0xa8: {  	[tilespmem:$0x370] =	vst v2;
	v2 =	vor.u32 $0x6, v1  }
0xa9: {  	[tilespmem:$0x3F0] =	vst v2;
	v2 =	vor.u32 $0x7, v1  }
0xaa: {  	[tilespmem:$0x470] =	vst v2;
	v2 =	vor.u32 $0x8, v1  }
0xab: {  	[tilespmem:$0x4F0] =	vst v2;
	v2 =	vor.u32 $0x9, v1  }
0xac: {  	[tilespmem:$0x570] =	vst v2;
	v2 =	vor.u32 $0xA, v1  }
0xad: {  	[tilespmem:$0x5F0] =	vst v2;
	v2 =	vor.u32 $0xB, v1  }
0xae: {  	[tilespmem:$0x670] =	vst v2;
	v2 =	vor.u32 $0xC, v1  }
0xaf: {  	[tilespmem:$0x6F0] =	vst v2;
	v2 =	vor.u32 $0xD, v1  }
0xb0: {  	[tilespmem:$0x770] =	vst v2;
	v2 =	vor.u32 $0xE, v1  }
0xb1: {  	v1 =	vor.u32 $0xF, v1;
	[tilespmem:$0x7F0] =	vst v2  }
0xb2: {  	[tilespmem:$0x870] =	vst v1  }
0xb3: {  	[tilespmem:s10], [sflag:$0x1] =	stream.indirect.gather [hbm4b:s3+s9], $0x80, s9, s9, $0xb8;
	[tilespmem:$0x18880] =	vst v63  }
0xb4: {  	_ = 	snop  }
0xb5: {  	[tilespmem:s11], [sflag:$0x1] =	stream.indirect.gather [hbm4b:s4+s9], $0x80, s9, s9, $0xb8;
	[tilespmem:$0x18880] =	vst v63  }
0xb6: {  	_ = 	snop  }
0xb7: {  	[tilespmem:s13], [sflag:$0x1] =	stream.indirect.gather [hbm4b:s3+s9], $0x80, s12, s9, $0xb8;
	[tilespmem:$0x18880] =	vst v63  }
0xb8: {  	_ = 	snop  }
0xb9: {  	[tilespmem:s14], [sflag:$0x1] =	stream.indirect.gather [hbm4b:s4+s9], $0x80, s12, s9, $0xb8;
	[tilespmem:$0x18880] =	vst v63  }
0xba: {  	_ = 	snop  }
0xbb: {  	[tilespmem:s16], [sflag:$0x1] =	stream.indirect.gather [hbm4b:s3+s9], $0x80, s15, s9, $0xb8;
	[tilespmem:$0x18880] =	vst v63  }
0xbc: {  	_ = 	snop  }
0xbd: {  	[tilespmem:s17], [sflag:$0x1] =	stream.indirect.gather [hbm4b:s4+s9], $0x80, s15, s9, $0xb8;
	[tilespmem:$0x18880] =	vst v63  }
0xbe: {  	_ =	swait.ge [sflag:s18], $0x4000  }
0xbf: {  	[sflag:s18] =	ssyncset.done $0x0  }
0xc0: {  	[sflag:s18] =	ssyncadd.s32 $0xFFFFC000  }
0xc1: {  	_ =	swait.ge [sflag:s18], $0x4000  }
0xc2: {  	[sflag:s18] =	ssyncset.done $0x0  }
0xc3: {  	s1 =	rddreg [dreg:$0x3];
	[sflag:s18] =	ssyncadd.s32 $0xFFFFC000  }
0xc4: {  	[hbm4b:s1+s2] =	stream.linear.scatter [tilespmem:s10], [sflag:$0x2], $0x4000, $0x38;
	[tilespmem:$0x18880] =	vst v63  }
0xc5: {  	_ =	swait.ge [sflag:s8], $0x4000  }
0xc6: {  	[sflag:s8] =	ssyncset.done $0x0  }
0xc7: {  	s1 =	rddreg [dreg:$0x4];
	[sflag:s8] =	ssyncadd.s32 $0xFFFFC000  }
0xc8: {  	[hbm4b:s1+s2] =	stream.linear.scatter [tilespmem:s11], [sflag:$0x2], $0x4000, $0x38;
	[tilespmem:$0x18880] =	vst v63  }
0xc9: {  	_ =	swait.ge [sflag:s8], $0x4000  }
0xca: {  	[sflag:s8] =	ssyncset.done $0x0  }
0xcb: {  	[sflag:s8] =	ssyncadd.s32 $0xFFFFC000  }
0xcc: {  	[tilespmem:s10], [sflag:$0x1] =	stream.indirect.gather [hbm4b:s3+s9], $0x80, s19, s9, $0xb8;
	[tilespmem:$0x18880] =	vst v63  }
0xcd: {  	_ = 	snop  }
0xce: {  	[tilespmem:s11], [sflag:$0x1] =	stream.indirect.gather [hbm4b:s4+s9], $0x80, s19, s9, $0xb8;
	[tilespmem:$0x18880] =	vst v63  }
0xcf: {  	_ =	swait.ge [sflag:s18], $0x4000  }
0xd0: {  	[sflag:s18] =	ssyncset.done $0x0  }
0xd1: {  	[sflag:s18] =	ssyncadd.s32 $0xFFFFC000  }
0xd2: {  	_ =	swait.ge [sflag:s18], $0x4000  }
0xd3: {  	[sflag:s18] =	ssyncset.done $0x0  }
0xd4: {  	s1 =	rddreg [dreg:$0x5];
	[sflag:s18] =	ssyncadd.s32 $0xFFFFC000  }
0xd5: {  	[hbm4b:s1+s2] =	stream.linear.scatter [tilespmem:s13], [sflag:$0x2], $0x4000, $0x38;
	[tilespmem:$0x18880] =	vst v63  }
0xd6: {  	_ =	swait.ge [sflag:s8], $0x4000  }
0xd7: {  	[sflag:s8] =	ssyncset.done $0x0  }
0xd8: {  	s1 =	rddreg [dreg:$0x6];
	[sflag:s8] =	ssyncadd.s32 $0xFFFFC000  }
0xd9: {  	[hbm4b:s1+s2] =	stream.linear.scatter [tilespmem:s14], [sflag:$0x2], $0x4000, $0x38;
	[tilespmem:$0x18880] =	vst v63  }
0xda: {  	_ =	swait.ge [sflag:s8], $0x4000  }
0xdb: {  	[sflag:s8] =	ssyncset.done $0x0  }
0xdc: {  	[sflag:s8] =	ssyncadd.s32 $0xFFFFC000  }
0xdd: {  	[tilespmem:s13], [sflag:$0x1] =	stream.indirect.gather [hbm4b:s3+s9], $0x80, s20, s9, $0xb8;
	[tilespmem:$0x18880] =	vst v63  }
0xde: {  	_ = 	snop  }
0xdf: {  	[tilespmem:s14], [sflag:$0x1] =	stream.indirect.gather [hbm4b:s4+s9], $0x80, s20, s9, $0xb8;
	[tilespmem:$0x18880] =	vst v63  }
0xe0: {  	_ =	swait.ge [sflag:s18], $0x4000  }
0xe1: {  	[sflag:s18] =	ssyncset.done $0x0  }
0xe2: {  	[sflag:s18] =	ssyncadd.s32 $0xFFFFC000  }
0xe3: {  	_ =	swait.ge [sflag:s18], $0x4000  }
0xe4: {  	[sflag:s18] =	ssyncset.done $0x0  }
0xe5: {  	s1 =	rddreg [dreg:$0x7];
	[sflag:s18] =	ssyncadd.s32 $0xFFFFC000  }
0xe6: {  	[hbm4b:s1+s2] =	stream.linear.scatter [tilespmem:s16], [sflag:$0x2], $0x4000, $0x38;
	[tilespmem:$0x18880] =	vst v63  }
0xe7: {  	_ =	swait.ge [sflag:s8], $0x4000  }
0xe8: {  	[sflag:s8] =	ssyncset.done $0x0  }
0xe9: {  	s1 =	rddreg [dreg:$0x8];
	[sflag:s8] =	ssyncadd.s32 $0xFFFFC000  }
0xea: {  	[hbm4b:s1+s2] =	stream.linear.scatter [tilespmem:s17], [sflag:$0x2], $0x4000, $0x38;
	[tilespmem:$0x18880] =	vst v63  }
0xeb: {  	_ =	swait.ge [sflag:s8], $0x4000  }
0xec: {  	[sflag:s8] =	ssyncset.done $0x0  }
0xed: {  	[sflag:s8] =	ssyncadd.s32 $0xFFFFC000  }
0xee: {  	[tilespmem:s16], [sflag:$0x1] =	stream.indirect.gather [hbm4b:s3+s9], $0x80, s21, s9, $0xb8;
	[tilespmem:$0x18880] =	vst v63  }
0xef: {  	_ = 	snop  }
0xf0: {  	[tilespmem:s17], [sflag:$0x1] =	stream.indirect.gather [hbm4b:s4+s9], $0x80, s21, s9, $0xb8;
	[tilespmem:$0x18880] =	vst v63  }
0xf1: {  	_ =	swait.ge [sflag:s18], $0x4000  }
0xf2: {  	[sflag:s18] =	ssyncset.done $0x0  }
0xf3: {  	[sflag:s18] =	ssyncadd.s32 $0xFFFFC000  }
0xf4: {  	_ =	swait.ge [sflag:s18], $0x4000  }
0xf5: {  	[sflag:s18] =	ssyncset.done $0x0  }
0xf6: {  	s1 =	rddreg [dreg:$0x9];
	[sflag:s18] =	ssyncadd.s32 $0xFFFFC000  }
0xf7: {  	[hbm4b:s1+s2] =	stream.linear.scatter [tilespmem:s10], [sflag:$0x2], $0x4000, $0x38;
	[tilespmem:$0x18880] =	vst v63  }
0xf8: {  	_ =	swait.ge [sflag:s8], $0x4000  }
0xf9: {  	[sflag:s8] =	ssyncset.done $0x0  }
0xfa: {  	s1 =	rddreg [dreg:$0xa];
	[sflag:s8] =	ssyncadd.s32 $0xFFFFC000  }
0xfb: {  	[hbm4b:s1+s2] =	stream.linear.scatter [tilespmem:s11], [sflag:$0x2], $0x4000, $0x38;
	[tilespmem:$0x18880] =	vst v63  }
0xfc: {  	_ =	swait.ge [sflag:s8], $0x4000  }
0xfd: {  	[sflag:s8] =	ssyncset.done $0x0  }
0xfe: {  	[sflag:s8] =	ssyncadd.s32 $0xFFFFC000  }
0xff: {  	[tilespmem:s10], [sflag:$0x1] =	stream.indirect.gather [hbm4b:s3+s9], $0x80, s22, s9, $0xb8;
	[tilespmem:$0x18880] =	vst v63  }
0x100: {  	_ = 	snop  }
0x101: {  	[tilespmem:s11], [sflag:$0x1] =	stream.indirect.gather [hbm4b:s4+s9], $0x80, s22, s9, $0xb8;
	[tilespmem:$0x18880] =	vst v63  }
0x102: {  	_ =	swait.ge [sflag:s18], $0x4000  }
0x103: {  	[sflag:s18] =	ssyncset.done $0x0  }
0x104: {  	[sflag:s18] =	ssyncadd.s32 $0xFFFFC000  }
0x105: {  	_ =	swait.ge [sflag:s18], $0x4000  }
0x106: {  	[sflag:s18] =	ssyncset.done $0x0  }
0x107: {  	s1 =	rddreg [dreg:$0xb];
	[sflag:s18] =	ssyncadd.s32 $0xFFFFC000  }
0x108: {  	[hbm4b:s1+s2] =	stream.linear.scatter [tilespmem:s13], [sflag:$0x2], $0x4000, $0x38;
	[tilespmem:$0x18880] =	vst v63  }
0x109: {  	_ =	swait.ge [sflag:s8], $0x4000  }
0x10a: {  	[sflag:s8] =	ssyncset.done $0x0  }
0x10b: {  	s1 =	rddreg [dreg:$0xc];
	[sflag:s8] =	ssyncadd.s32 $0xFFFFC000  }
0x10c: {  	[hbm4b:s1+s2] =	stream.linear.scatter [tilespmem:s14], [sflag:$0x2], $0x4000, $0x38;
	[tilespmem:$0x18880] =	vst v63  }
0x10d: {  	_ =	swait.ge [sflag:s8], $0x4000  }
0x10e: {  	[sflag:s8] =	ssyncset.done $0x0  }
0x10f: {  	[sflag:s8] =	ssyncadd.s32 $0xFFFFC000  }
0x110: {  	[tilespmem:s13], [sflag:$0x1] =	stream.indirect.gather [hbm4b:s3+s9], $0x80, s23, s9, $0xb8;
	[tilespmem:$0x18880] =	vst v63  }
0x111: {  	_ = 	snop  }
0x112: {  	[tilespmem:s14], [sflag:$0x1] =	stream.indirect.gather [hbm4b:s4+s9], $0x80, s23, s9, $0xb8;
	[tilespmem:$0x18880] =	vst v63  }
0x113: {  	_ =	swait.ge [sflag:s18], $0x4000  }
0x114: {  	[sflag:s18] =	ssyncset.done $0x0  }
0x115: {  	[sflag:s18] =	ssyncadd.s32 $0xFFFFC000  }
0x116: {  	_ =	swait.ge [sflag:s18], $0x4000  }
0x117: {  	[sflag:s18] =	ssyncset.done $0x0  }
0x118: {  	s1 =	rddreg [dreg:$0xd];
	[sflag:s18] =	ssyncadd.s32 $0xFFFFC000  }
0x119: {  	[hbm4b:s1+s2] =	stream.linear.scatter [tilespmem:s16], [sflag:$0x2], $0x4000, $0x38;
	[tilespmem:$0x18880] =	vst v63  }
0x11a: {  	_ =	swait.ge [sflag:s8], $0x4000  }
0x11b: {  	[sflag:s8] =	ssyncset.done $0x0  }
0x11c: {  	s1 =	rddreg [dreg:$0xe];
	[sflag:s8] =	ssyncadd.s32 $0xFFFFC000  }
0x11d: {  	[hbm4b:s1+s2] =	stream.linear.scatter [tilespmem:s17], [sflag:$0x2], $0x4000, $0x38;
	[tilespmem:$0x18880] =	vst v63  }
0x11e: {  	_ =	swait.ge [sflag:s8], $0x4000  }
0x11f: {  	[sflag:s8] =	ssyncset.done $0x0  }
0x120: {  	[sflag:s8] =	ssyncadd.s32 $0xFFFFC000  }
0x121: {  	[tilespmem:s16], [sflag:$0x1] =	stream.indirect.gather [hbm4b:s3+s9], $0x80, s24, s9, $0xb8;
	[tilespmem:$0x18880] =	vst v63  }
0x122: {  	_ = 	snop  }
0x123: {  	[tilespmem:s17], [sflag:$0x1] =	stream.indirect.gather [hbm4b:s4+s9], $0x80, s24, s9, $0xb8;
	[tilespmem:$0x18880] =	vst v63  }
0x124: {  	_ =	swait.ge [sflag:s18], $0x4000  }
0x125: {  	[sflag:s18] =	ssyncset.done $0x0  }
0x126: {  	[sflag:s18] =	ssyncadd.s32 $0xFFFFC000  }
0x127: {  	_ =	swait.ge [sflag:s18], $0x4000  }
0x128: {  	[sflag:s18] =	ssyncset.done $0x0  }
0x129: {  	s1 =	rddreg [dreg:$0xf];
	[sflag:s18] =	ssyncadd.s32 $0xFFFFC000  }
0x12a: {  	[hbm4b:s1+s2] =	stream.linear.scatter [tilespmem:s10], [sflag:$0x2], $0x4000, $0x38;
	[tilespmem:$0x18880] =	vst v63  }
0x12b: {  	_ =	swait.ge [sflag:s8], $0x4000  }
0x12c: {  	[sflag:s8] =	ssyncset.done $0x0  }
0x12d: {  	s1 =	rddreg [dreg:$0x10];
	[sflag:s8] =	ssyncadd.s32 $0xFFFFC000  }
0x12e: {  	[hbm4b:s1+s2] =	stream.linear.scatter [tilespmem:s11], [sflag:$0x2], $0x4000, $0x38;
	[tilespmem:$0x18880] =	vst v63  }
0x12f: {  	_ =	swait.ge [sflag:s8], $0x4000  }
0x130: {  	[sflag:s8] =	ssyncset.done $0x0  }
0x131: {  	[sflag:s8] =	ssyncadd.s32 $0xFFFFC000  }
0x132: {  	[tilespmem:s10], [sflag:$0x1] =	stream.indirect.gather [hbm4b:s3+s9], $0x80, s25, s9, $0xb8;
	[tilespmem:$0x18880] =	vst v63  }
0x133: {  	_ = 	snop  }
0x134: {  	[tilespmem:s11], [sflag:$0x1] =	stream.indirect.gather [hbm4b:s4+s9], $0x80, s25, s9, $0xb8;
	[tilespmem:$0x18880] =	vst v63  }
0x135: {  	_ =	swait.ge [sflag:s18], $0x4000  }
0x136: {  	[sflag:s18] =	ssyncset.done $0x0  }
0x137: {  	[sflag:s18] =	ssyncadd.s32 $0xFFFFC000  }
0x138: {  	_ =	swait.ge [sflag:s18], $0x4000  }
0x139: {  	[sflag:s18] =	ssyncset.done $0x0  }
0x13a: {  	s1 =	rddreg [dreg:$0x11];
	[sflag:s18] =	ssyncadd.s32 $0xFFFFC000  }
0x13b: {  	[hbm4b:s1+s2] =	stream.linear.scatter [tilespmem:s13], [sflag:$0x2], $0x4000, $0x38;
	[tilespmem:$0x18880] =	vst v63  }
0x13c: {  	_ =	swait.ge [sflag:s8], $0x4000  }
0x13d: {  	[sflag:s8] =	ssyncset.done $0x0  }
0x13e: {  	s1 =	rddreg [dreg:$0x12];
	[sflag:s8] =	ssyncadd.s32 $0xFFFFC000  }
0x13f: {  	[hbm4b:s1+s2] =	stream.linear.scatter [tilespmem:s14], [sflag:$0x2], $0x4000, $0x38;
	[tilespmem:$0x18880] =	vst v63  }
0x140: {  	_ =	swait.ge [sflag:s8], $0x4000  }
0x141: {  	[sflag:s8] =	ssyncset.done $0x0  }
0x142: {  	[sflag:s8] =	ssyncadd.s32 $0xFFFFC000  }
0x143: {  	[tilespmem:s13], [sflag:$0x1] =	stream.indirect.gather [hbm4b:s3+s9], $0x80, s26, s9, $0xb8;
	[tilespmem:$0x18880] =	vst v63  }
0x144: {  	_ = 	snop  }
0x145: {  	[tilespmem:s14], [sflag:$0x1] =	stream.indirect.gather [hbm4b:s4+s9], $0x80, s26, s9, $0xb8;
	[tilespmem:$0x18880] =	vst v63  }
0x146: {  	_ =	swait.ge [sflag:s18], $0x4000  }
0x147: {  	[sflag:s18] =	ssyncset.done $0x0  }
0x148: {  	[sflag:s18] =	ssyncadd.s32 $0xFFFFC000  }
0x149: {  	_ =	swait.ge [sflag:s18], $0x4000  }
0x14a: {  	[sflag:s18] =	ssyncset.done $0x0  }
0x14b: {  	s1 =	rddreg [dreg:$0x13];
	[sflag:s18] =	ssyncadd.s32 $0xFFFFC000  }
0x14c: {  	[hbm4b:s1+s2] =	stream.linear.scatter [tilespmem:s16], [sflag:$0x2], $0x4000, $0x38;
	[tilespmem:$0x18880] =	vst v63  }
0x14d: {  	_ =	swait.ge [sflag:s8], $0x4000  }
0x14e: {  	[sflag:s8] =	ssyncset.done $0x0  }
0x14f: {  	s1 =	rddreg [dreg:$0x14];
	[sflag:s8] =	ssyncadd.s32 $0xFFFFC000  }
0x150: {  	[hbm4b:s1+s2] =	stream.linear.scatter [tilespmem:s17], [sflag:$0x2], $0x4000, $0x38;
	[tilespmem:$0x18880] =	vst v63  }
0x151: {  	_ =	swait.ge [sflag:s8], $0x4000  }
0x152: {  	[sflag:s8] =	ssyncset.done $0x0  }
0x153: {  	[sflag:s8] =	ssyncadd.s32 $0xFFFFC000  }
0x154: {  	[tilespmem:s16], [sflag:$0x1] =	stream.indirect.gather [hbm4b:s3+s9], $0x80, s28, s9, $0xb8;
	[tilespmem:$0x18880] =	vst v63  }
0x155: {  	_ = 	snop  }
0x156: {  	[tilespmem:s17], [sflag:$0x1] =	stream.indirect.gather [hbm4b:s4+s9], $0x80, s28, s9, $0xb8;
	[tilespmem:$0x18880] =	vst v63  }
0x157: {  	_ =	swait.ge [sflag:s18], $0x4000  }
0x158: {  	[sflag:s18] =	ssyncset.done $0x0  }
0x159: {  	[sflag:s18] =	ssyncadd.s32 $0xFFFFC000  }
0x15a: {  	_ =	swait.ge [sflag:s18], $0x4000  }
0x15b: {  	[sflag:s18] =	ssyncset.done $0x0  }
0x15c: {  	s1 =	rddreg [dreg:$0x15];
	[sflag:s18] =	ssyncadd.s32 $0xFFFFC000  }
0x15d: {  	[hbm4b:s1+s2] =	stream.linear.scatter [tilespmem:s10], [sflag:$0x2], $0x4000, $0x38;
	[tilespmem:$0x18880] =	vst v63  }
0x15e: {  	_ =	swait.ge [sflag:s8], $0x4000  }
0x15f: {  	[sflag:s8] =	ssyncset.done $0x0  }
0x160: {  	s1 =	rddreg [dreg:$0x16];
	[sflag:s8] =	ssyncadd.s32 $0xFFFFC000  }
0x161: {  	[hbm4b:s1+s2] =	stream.linear.scatter [tilespmem:s11], [sflag:$0x2], $0x4000, $0x38;
	[tilespmem:$0x18880] =	vst v63  }
0x162: {  	_ =	swait.ge [sflag:s8], $0x4000  }
0x163: {  	[sflag:s8] =	ssyncset.done $0x0  }
0x164: {  	[sflag:s8] =	ssyncadd.s32 $0xFFFFC000  }
0x165: {  	[tilespmem:s10], [sflag:$0x1] =	stream.indirect.gather [hbm4b:s3+s9], $0x80, s29, s9, $0xb8;
	[tilespmem:$0x18880] =	vst v63  }
0x166: {  	_ = 	snop  }
0x167: {  	[tilespmem:s11], [sflag:$0x1] =	stream.indirect.gather [hbm4b:s4+s9], $0x80, s29, s9, $0xb8;
	[tilespmem:$0x18880] =	vst v63  }
0x168: {  	_ =	swait.ge [sflag:s18], $0x4000  }
0x169: {  	[sflag:s18] =	ssyncset.done $0x0  }
0x16a: {  	[sflag:s18] =	ssyncadd.s32 $0xFFFFC000  }
0x16b: {  	_ =	swait.ge [sflag:s18], $0x4000  }
0x16c: {  	[sflag:s18] =	ssyncset.done $0x0  }
0x16d: {  	s1 =	rddreg [dreg:$0x17];
	[sflag:s18] =	ssyncadd.s32 $0xFFFFC000  }
0x16e: {  	[hbm4b:s1+s2] =	stream.linear.scatter [tilespmem:s13], [sflag:$0x2], $0x4000, $0x38;
	[tilespmem:$0x18880] =	vst v63  }
0x16f: {  	_ =	swait.ge [sflag:s8], $0x4000  }
0x170: {  	[sflag:s8] =	ssyncset.done $0x0  }
0x171: {  	s1 =	rddreg [dreg:$0x18];
	[sflag:s8] =	ssyncadd.s32 $0xFFFFC000  }
0x172: {  	[hbm4b:s1+s2] =	stream.linear.scatter [tilespmem:s14], [sflag:$0x2], $0x4000, $0x38;
	[tilespmem:$0x18880] =	vst v63  }
0x173: {  	_ =	swait.ge [sflag:s8], $0x4000  }
0x174: {  	[sflag:s8] =	ssyncset.done $0x0  }
0x175: {  	[sflag:s8] =	ssyncadd.s32 $0xFFFFC000  }
0x176: {  	[tilespmem:s13], [sflag:$0x1] =	stream.indirect.gather [hbm4b:s3+s9], $0x80, s30, s9, $0xb8;
	[tilespmem:$0x18880] =	vst v63  }
0x177: {  	_ = 	snop  }
0x178: {  	[tilespmem:s14], [sflag:$0x1] =	stream.indirect.gather [hbm4b:s4+s9], $0x80, s30, s9, $0xb8;
	[tilespmem:$0x18880] =	vst v63  }
0x179: {  	_ =	swait.ge [sflag:s18], $0x4000  }
0x17a: {  	[sflag:s18] =	ssyncset.done $0x0  }
0x17b: {  	[sflag:s18] =	ssyncadd.s32 $0xFFFFC000  }
0x17c: {  	_ =	swait.ge [sflag:s18], $0x4000  }
0x17d: {  	[sflag:s18] =	ssyncset.done $0x0  }
0x17e: {  	s1 =	rddreg [dreg:$0x19];
	[sflag:s18] =	ssyncadd.s32 $0xFFFFC000  }
0x17f: {  	[hbm4b:s1+s2] =	stream.linear.scatter [tilespmem:s16], [sflag:$0x2], $0x4000, $0x38;
	[tilespmem:$0x18880] =	vst v63  }
0x180: {  	_ =	swait.ge [sflag:s8], $0x4000  }
0x181: {  	[sflag:s8] =	ssyncset.done $0x0  }
0x182: {  	s1 =	rddreg [dreg:$0x1a];
	[sflag:s8] =	ssyncadd.s32 $0xFFFFC000  }
0x183: {  	[hbm4b:s1+s2] =	stream.linear.scatter [tilespmem:s17], [sflag:$0x2], $0x4000, $0x38;
	[tilespmem:$0x18880] =	vst v63  }
0x184: {  	_ =	swait.ge [sflag:s8], $0x4000  }
0x185: {  	[sflag:s8] =	ssyncset.done $0x0  }
0x186: {  	[sflag:s8] =	ssyncadd.s32 $0xFFFFC000  }
0x187: {  	[tilespmem:s16], [sflag:$0x1] =	stream.indirect.gather [hbm4b:s3+s9], $0x80, s31, s9, $0xb8;
	[tilespmem:$0x18880] =	vst v63  }
0x188: {  	_ = 	snop  }
0x189: {  	[tilespmem:s17], [sflag:$0x1] =	stream.indirect.gather [hbm4b:s4+s9], $0x80, s31, s9, $0xb8;
	[tilespmem:$0x18880] =	vst v63  }
0x18a: {  	_ =	swait.ge [sflag:s18], $0x4000  }
0x18b: {  	[sflag:s18] =	ssyncset.done $0x0  }
0x18c: {  	[sflag:s18] =	ssyncadd.s32 $0xFFFFC000  }
0x18d: {  	_ =	swait.ge [sflag:s18], $0x4000  }
0x18e: {  	[sflag:s18] =	ssyncset.done $0x0  }
0x18f: {  	s1 =	rddreg [dreg:$0x1b];
	[sflag:s18] =	ssyncadd.s32 $0xFFFFC000  }
0x190: {  	[hbm4b:s1+s2] =	stream.linear.scatter [tilespmem:s10], [sflag:$0x2], $0x4000, $0x38;
	[tilespmem:$0x18880] =	vst v63  }
0x191: {  	_ =	swait.ge [sflag:s8], $0x4000  }
0x192: {  	[sflag:s8] =	ssyncset.done $0x0  }
0x193: {  	s1 =	rddreg [dreg:$0x1c];
	[sflag:s8] =	ssyncadd.s32 $0xFFFFC000  }
0x194: {  	[hbm4b:s1+s2] =	stream.linear.scatter [tilespmem:s11], [sflag:$0x2], $0x4000, $0x38;
	[tilespmem:$0x18880] =	vst v63  }
0x195: {  	_ =	swait.ge [sflag:s8], $0x4000  }
0x196: {  	[sflag:s8] =	ssyncset.done $0x0  }
0x197: {  	[sflag:s8] =	ssyncadd.s32 $0xFFFFC000  }
0x198: {  	[tilespmem:s10], [sflag:$0x1] =	stream.indirect.gather [hbm4b:s3+s9], $0x80, s0, s9, $0xb8;
	[tilespmem:$0x18880] =	vst v63  }
0x199: {  	_ = 	snop  }
0x19a: {  	[tilespmem:s11], [sflag:$0x1] =	stream.indirect.gather [hbm4b:s4+s9], $0x80, s0, s9, $0xb8;
	[tilespmem:$0x18880] =	vst v63  }
0x19b: {  	_ =	swait.ge [sflag:s18], $0x4000  }
0x19c: {  	[sflag:s18] =	ssyncset.done $0x0  }
0x19d: {  	[sflag:s18] =	ssyncadd.s32 $0xFFFFC000  }
0x19e: {  	_ =	swait.ge [sflag:s18], $0x4000  }
0x19f: {  	[sflag:s18] =	ssyncset.done $0x0  }
0x1a0: {  	s1 =	rddreg [dreg:$0x1d];
	[sflag:s18] =	ssyncadd.s32 $0xFFFFC000  }
0x1a1: {  	[hbm4b:s1+s2] =	stream.linear.scatter [tilespmem:s13], [sflag:$0x2], $0x4000, $0x38;
	[tilespmem:$0x18880] =	vst v63  }
0x1a2: {  	_ =	swait.ge [sflag:s8], $0x4000  }
0x1a3: {  	[sflag:s8] =	ssyncset.done $0x0  }
0x1a4: {  	s1 =	rddreg [dreg:$0x1e];
	[sflag:s8] =	ssyncadd.s32 $0xFFFFC000  }
0x1a5: {  	[hbm4b:s1+s2] =	stream.linear.scatter [tilespmem:s14], [sflag:$0x2], $0x4000, $0x38;
	[tilespmem:$0x18880] =	vst v63  }
0x1a6: {  	_ =	swait.ge [sflag:s8], $0x4000  }
0x1a7: {  	[sflag:s8] =	ssyncset.done $0x0  }
0x1a8: {  	[sflag:s8] =	ssyncadd.s32 $0xFFFFC000  }
0x1a9: {  	_ =	swait.ge [sflag:s18], $0x4000  }
0x1aa: {  	[sflag:s18] =	ssyncset.done $0x0  }
0x1ab: {  	[sflag:s18] =	ssyncadd.s32 $0xFFFFC000  }
0x1ac: {  	_ =	swait.ge [sflag:s18], $0x4000  }
0x1ad: {  	[sflag:s18] =	ssyncset.done $0x0  }
0x1ae: {  	s1 =	rddreg [dreg:$0x1f];
	[sflag:s18] =	ssyncadd.s32 $0xFFFFC000  }
0x1af: {  	[hbm4b:s1+s2] =	stream.linear.scatter [tilespmem:s16], [sflag:$0x2], $0x4000, $0x38;
	[tilespmem:$0x18880] =	vst v63  }
0x1b0: {  	_ =	swait.ge [sflag:s8], $0x4000  }
0x1b1: {  	s1 =	sld [smem:$0x7FD]  }
0x1b2: {  	[sflag:s8] =	ssyncset.done $0x0  }
0x1b3: {  	[sflag:s8] =	ssyncadd.s32 $0xFFFFC000  }
0x1b4: {  	[hbm4b:s1+s2] =	stream.linear.scatter [tilespmem:s17], [sflag:$0x2], $0x4000, $0x38;
	[tilespmem:$0x18880] =	vst v63  }
0x1b5: {  	_ =	swait.ge [sflag:s8], $0x4000  }
0x1b6: {  	[sflag:s8] =	ssyncset.done $0x0  }
0x1b7: {  	[sflag:s8] =	ssyncadd.s32 $0xFFFFC000  }
0x1b8: {  	_ =	swait.ge [sflag:s18], $0x4000  }
0x1b9: {  	[sflag:s18] =	ssyncset.done $0x0  }
0x1ba: {  	[sflag:s18] =	ssyncadd.s32 $0xFFFFC000  }
0x1bb: {  	_ =	swait.ge [sflag:s18], $0x4000  }
0x1bc: {  	[sflag:s18] =	ssyncset.done $0x0  }
0x1bd: {  	[sflag:s18] =	ssyncadd.s32 $0xFFFFC000  }
0x1be: {  	[hbm4b:s5+s2] =	stream.linear.scatter [tilespmem:s10], [sflag:$0x2], $0x4000, $0x38;
	[tilespmem:$0x18880] =	vst v63  }
0x1bf: {  	_ =	swait.ge [sflag:s8], $0x4000  }
0x1c0: {  	p0 =	sne.s32 s7, $0x1;
	[sflag:s8] =	ssyncset.done $0x0  }
.Ltmp0:
0x1c1: {  	[sflag:s8] =	ssyncadd.s32 $0xFFFFC000;
	(pc) =	sbr.rel @p0 .LBB2_1-.Ltmp0, $4  }
0x1c2: {  	[hbm4b:s6+s2] =	stream.linear.scatter [tilespmem:s11], [sflag:$0x2], $0x4000, $0x38;
	[tilespmem:$0x18880] =	vst v63  }
0x1c3: {  	_ =	swait.ge [sflag:s8], $0x4000  }
0x1c4: {  	[sflag:s8] =	ssyncset.done $0x0  }
0x1c5: {  	s7 =	sadd.s32 $0xFFFFFFFF, s7;
	[sflag:s8] =	ssyncadd.s32 $0xFFFFC000  }
0x1c6: {  	_ =	sfence.sel $0x180000  }
0x1c7: {  	[bflag:$0x0] =	sbarrier.arrive $0xFFFF  }
0x1c8: {  	_ =	strace $0x9000004A  }
0x1c9: {  	s0 =	stileid.u32;
	[bflag:$0x2] =	sbarrier.arrive $0xFFFF  }
0x1ca: {  	p0 =	sne.s32 s0, $0x0;
	s0 =	rddreg [dreg:$0x1]  }
0x1cb: {  	s0 =	sadd.s32 @!p0 $0x100000, s0  }
0x1cc: {  	[sflag:s0] =	ssyncadd.tile.s32 @!p0 $0x1;
	_ =	shalt  }
.Lfunc_end2:
_tile_overlayer_lowered:
.L_overlay_start_2:
0x1cd: {  	(tag) =	ssettag $0x2  }
0x1ce: {  	s0 =	rddreg [dreg:$0x0];
	s2 =	stileid.u32  }
0x1cf: {  	s1 =	rddreg [dreg:$0x1];
	p0 =	sne.s32 s2, $0x0  }
0x1d0: {  	s3 =	rddreg [dreg:$0x2];
	[bflag:$0x3] =	sbarrier.arrive $0xFFFF;
	s2 =	simm.s32 @!p0 $0x1C02  }
0x1d1: {  	[timem:s3], [sflag:s2] =	dma.local @!p0 [hbm:s0], s1  }
0x1d2: {  	s0 =	simm.s32 @!p0 $0x2  }
0x1d3: {  	_ =	swait.ge @!p0 [sflag:s0], s1  }
0x1d4: {  	s1 =	ssub.s32 @!p0 $0x0, s1;
	[sflag:s0] =	ssyncset.done @!p0 $0x0  }
0x1d5: {  	[sflag:s0] =	ssyncadd.s32 @!p0 s1  }
0x1d6: {  	[bflag:$0x3] =	sbarrier.arrive $0xFFFF  }
0x1d7: {  	_ =	shalt  }

</sc_bundles>
